<compile_context>
chip_gen: v7x
topology: tpu7x:2x2x1
jax: 0.10.2.dev20260603
libtpu: 0.0.44.dev20260713+nightly
codegen_flags: <defaults>
</compile_context>

<pallas_src>
import functools

import jax
import jax.numpy as jnp
from jax import lax
from jax.experimental import pallas as pl
from jax.experimental.pallas import tpu as pltpu
from jax.experimental.pallas import tpu_sc as plsc

_B = 32
_N0 = 1024
_INV_BN = float((1.0 + 1e-5) ** -0.5)


def _elu(v):
    return jnp.where(v > 0, v, jnp.exp(v) - 1.0)


def _row(a):
    return a.reshape(1, -1)


def _bcast_spec(shape):
    return pl.BlockSpec(shape, lambda *_: (0,) * len(shape))


def _prep_xconv_params(p, K, dm):
    Cm_dm = p['wo'].shape[0]
    Cm = Cm_dm // dm
    eye = jnp.eye(K, dtype=jnp.float32)
    wbd1 = jnp.einsum('ge,gtj->gtej', eye, jnp.transpose(p['wc1'], (0, 2, 1))
                      ).reshape(K * K, K * K)
    wbd2 = jnp.einsum('ge,gtj->gtej', eye, jnp.transpose(p['wc2'], (0, 2, 1))
                      ).reshape(K * K, K * K)
    wdk = jnp.transpose(p['wd'], (1, 2, 0)).reshape(dm * K, Cm)
    wop = p['wo'].reshape(Cm, dm, -1).transpose(1, 0, 2).reshape(dm * Cm, -1)
    bdp = p['bd'].reshape(Cm, dm).T.reshape(1, dm * Cm)
    return (
        p['w1'], _row(p['b1']), _row(p['g1'] * _INV_BN), _row(p['be1']),
        p['w2'], _row(p['b2']), _row(p['g2'] * _INV_BN), _row(p['be2']),
        p['wl'], _row(p['bl']), _row(p['gl'] * _INV_BN), _row(p['bel']),
        wbd1, _row(p['bc1']), _row(p['gc1'] * _INV_BN), _row(p['bec1']),
        wbd2, _row(p['bc2']), _row(p['gc2'] * _INV_BN), _row(p['bec2']),
        wdk, bdp, wop, _row(p['bo']),
    )


def _knn_sels(pos_t, posb, Kd, dil, n, Tn):
    gram = lax.dot_general(pos_t, posb, (((1,), (1,)), ((), ())))
    sq = jnp.sum(posb * posb, axis=1, keepdims=True)
    sq_t = jnp.sum(pos_t * pos_t, axis=1, keepdims=True)
    d2 = sq_t + jnp.transpose(sq) - 2.0 * gram
    iota = lax.broadcasted_iota(jnp.int32, (Tn, n), 1).astype(jnp.float32)
    sels = []
    for k in range(Kd):
        vals = jnp.min(d2, axis=1, keepdims=True)
        cand = jnp.where(d2 == vals, iota, float(n))
        idx = jnp.min(cand, axis=1, keepdims=True)
        sel = iota == idx
        if k % dil == 0:
            sels.append(sel.astype(jnp.float32))
        if k < Kd - 1:
            d2 = jnp.where(sel, 1e30, d2)
    return sels


def _xconv_dense(pos_t, feat, sels, prm, Cin, Cd, K, dm, Tn):
    (w1, b1, g1, be1, w2, b2, g2, be2, wl, bl, gl, bel,
     wbd1, bc1, gc1, bec1, wbd2, bc2, gc2, bec2,
     wdk, bdp, wop, bop) = prm
    Cm = Cin + Cd
    rels = []
    xjs = []
    for s in sels:
        g = lax.dot_general(s, feat, (((1,), (0,)), ((), ())))
        rels.append(g[:, :3] - pos_t)
        if Cin:
            xjs.append(g[:, 3:])

    R = jnp.concatenate(rels, axis=0)
    h = _elu(R @ w1 + b1) * g1 + be1
    h = _elu(h @ w2 + b2) * g2 + be2

    RL = jnp.concatenate(rels, axis=1)
    t = _elu(RL @ wl + bl) * gl + bel
    t = _elu(t @ wbd1 + bc1) * gc1 + bec1
    t = (t @ wbd2 + bc2) * gc2 + bec2

    hk = []
    for k in range(K):
        hs = h[k * Tn:(k + 1) * Tn]
        hk.append(jnp.concatenate([hs, xjs[k]], axis=1) if Cin else hs)

    o_parts = []
    for d in range(dm):
        wdk_d = wdk[d * K:(d + 1) * K, :]
        acc = None
        for k in range(K):
            s = t[:, k * K:(k + 1) * K] @ wdk_d
            term = hk[k] * s
            acc = term if acc is None else acc + term
        o_parts.append(acc)
    o = o_parts[0] if dm == 1 else jnp.concatenate(o_parts, axis=1)
    o = o + bdp
    return jnp.maximum(o @ wop + bop, 0.0)


def _xconv1_body(n, Tn, Cd, K, dil, dm, pos_ref, *refs):
    prm = [r[...] for r in refs[:24]]
    out_ref = refs[24]
    posb = pos_ref[0]
    r0 = pl.program_id(1) * Tn
    pos_t = pos_ref[0, pl.ds(r0, Tn), :]
    sels = _knn_sels(pos_t, posb, K * dil, dil, n, Tn)
    out_ref[0] = _xconv_dense(pos_t, posb, sels, prm, 0, Cd, K, dm, Tn)


def _gather_feat(idxrow, pos_ref, x_ref, n, m):
    featb = jnp.concatenate([pos_ref[0], x_ref[0]], axis=1)
    iota_nm = lax.broadcasted_iota(jnp.int32, (n, m), 0)
    ohT = (iota_nm == idxrow).astype(jnp.float32)
    return lax.dot_general(ohT, featb, (((0,), (0,)), ((), ())))


def _xconv2_body(n, m, Cin, Cd, K, dil, dm, idx_ref, pos_ref, x_ref, *refs):
    prm = [r[...] for r in refs[:24]]
    out_ref = refs[24]
    g = _gather_feat(idx_ref[0], pos_ref, x_ref, n, m)
    pos2 = g[:, :3]
    sels = _knn_sels(pos2, pos2, K * dil, dil, m, m)
    out_ref[0] = _xconv_dense(pos2, g, sels, prm, Cin, Cd, K, dm, m)


def _xconv34_body(n, m, Cin3, Cd3, Cd4, K, dil, *refs):
    idx_ref, pos_ref, x_ref = refs[0], refs[1], refs[2]
    prm3 = [r[...] for r in refs[3:27]]
    prm4 = [r[...] for r in refs[27:51]]
    out_ref = refs[51]
    g = _gather_feat(idx_ref[0], pos_ref, x_ref, n, m)
    posb = g[:, :3]
    sels = _knn_sels(posb, posb, K * dil, dil, m, m)
    x3 = _xconv_dense(posb, g, sels, prm3, Cin3, Cd3, K, 1, m)
    feat4 = jnp.concatenate([posb, x3], axis=1)
    x4 = _xconv_dense(posb, feat4, sels, prm4, x3.shape[1], Cd4, K, 1, m)
    out_ref[0] = jnp.sum(x4, axis=0, keepdims=True) / float(m)


def _xconv1(pos3, prm, n, Cd, Cout, K, dil, dm, Tn):
    body = functools.partial(_xconv1_body, n, Tn, Cd, K, dil, dm)
    in_specs = [pl.BlockSpec((1, n, 3), lambda b, i: (b, 0, 0))]
    in_specs += [_bcast_spec(a.shape) for a in prm]
    return pl.pallas_call(
        body,
        grid=(_B, n // Tn),
        in_specs=in_specs,
        out_specs=pl.BlockSpec((1, Tn, Cout), lambda b, i: (b, i, 0)),
        out_shape=jax.ShapeDtypeStruct((_B, n, Cout), jnp.float32),
    )(pos3, *prm)


def _xconv2(idx3, pos3, x, prm, n, m, Cin, Cd, Cout, K, dil, dm):
    body = functools.partial(_xconv2_body, n, m, Cin, Cd, K, dil, dm)
    in_specs = [pl.BlockSpec((1, 1, m), lambda b: (b, 0, 0)),
                pl.BlockSpec((1, n, 3), lambda b: (b, 0, 0)),
                pl.BlockSpec((1, n, Cin), lambda b: (b, 0, 0))]
    in_specs += [_bcast_spec(a.shape) for a in prm]
    return pl.pallas_call(
        body,
        grid=(_B,),
        in_specs=in_specs,
        out_specs=pl.BlockSpec((1, m, Cout), lambda b: (b, 0, 0)),
        out_shape=jax.ShapeDtypeStruct((_B, m, Cout), jnp.float32),
    )(idx3, pos3, x, *prm)


def _fps_sc_body(n, m, pos_hbm, idx_hbm, posx, posy, posz, mindv, idxv):
    b = lax.axis_index("c") * 16 + lax.axis_index("s")
    pltpu.sync_copy(pos_hbm.at[b, 0], posx)
    pltpu.sync_copy(pos_hbm.at[b, 1], posy)
    pltpu.sync_copy(pos_hbm.at[b, 2], posz)
    nch = n // 16
    iota16 = lax.broadcasted_iota(jnp.int32, (16,), 0)
    NEG = jnp.float32(-3e38)

    def bfly_max(v):
        for sh in (1, 2, 4, 8):
            p = jnp.bitwise_xor(iota16, sh)
            v = jnp.maximum(v, v.at[p].get(mode="promise_in_bounds"))
        return v

    def bfly_min_i(v):
        for sh in (1, 2, 4, 8):
            p = jnp.bitwise_xor(iota16, sh)
            v = jnp.minimum(v, v.at[p].get(mode="promise_in_bounds"))
        return v

    def center(nxt_splat):
        def cpass(j, carry):
            ax, ay, az = carry
            sl = pl.ds(j * 16, 16)
            meq = (iota16 + j * 16) == nxt_splat
            ax = jnp.maximum(ax, jnp.where(meq, posx[sl], NEG))
            ay = jnp.maximum(ay, jnp.where(meq, posy[sl], NEG))
            az = jnp.maximum(az, jnp.where(meq, posz[sl], NEG))
            return ax, ay, az

        neg = jnp.full((16,), NEG, jnp.float32)
        ax, ay, az = lax.fori_loop(0, nch, cpass, (neg, neg, neg))
        return bfly_max(ax), bfly_max(ay), bfly_max(az)

    def put_idx(i, val_splat):
        c = (i // 16) * 16
        l = jnp.full((16,), i - c, jnp.int32)
        chunk = idxv[pl.ds(c, 16)]
        idxv[pl.ds(c, 16)] = jnp.where(iota16 == l, val_splat, chunk)

    cx, cy, cz = center(jnp.zeros((16,), jnp.int32))

    def init_chunk(j, _):
        sl = pl.ds(j * 16, 16)
        dx = posx[sl] - cx
        dy = posy[sl] - cy
        dz = posz[sl] - cz
        mindv[sl] = dx * dx + dy * dy + dz * dz
        return 0

    lax.fori_loop(0, nch, init_chunk, 0)
    put_idx(jnp.array(0, jnp.int32), jnp.zeros((16,), jnp.int32))

    def step(i, _):
        def maxc(j, vm):
            return jnp.maximum(vm, mindv[pl.ds(j * 16, 16)])

        vm = lax.fori_loop(0, nch, maxc, jnp.full((16,), NEG, jnp.float32))
        gmax = bfly_max(vm)

        def findc(j, best):
            sl = pl.ds(j * 16, 16)
            cand = jnp.where(mindv[sl] == gmax, iota16 + j * 16, n)
            return jnp.minimum(best, cand)

        best = lax.fori_loop(0, nch, findc, jnp.full((16,), n, jnp.int32))
        nxt_splat = bfly_min_i(best)
        put_idx(i, nxt_splat)
        px, py, pz = center(nxt_splat)

        def upd(j, _):
            sl = pl.ds(j * 16, 16)
            dx = posx[sl] - px
            dy = posy[sl] - py
            dz = posz[sl] - pz
            mindv[sl] = jnp.minimum(mindv[sl], dx * dx + dy * dy + dz * dz)
            return 0

        lax.fori_loop(0, nch, upd, 0)
        return 0

    lax.fori_loop(1, m, step, 0)
    pltpu.sync_copy(idxv, idx_hbm.at[b])


def _fps_idx_sc(posT, m):
    n = posT.shape[2]
    mp = -(-m // 8) * 8
    k = functools.partial(
        pl.kernel,
        out_type=jax.ShapeDtypeStruct((_B, mp), jnp.int32),
        scratch_types=[pltpu.VMEM((n,), jnp.float32),
                       pltpu.VMEM((n,), jnp.float32),
                       pltpu.VMEM((n,), jnp.float32),
                       pltpu.VMEM((n,), jnp.float32),
                       pltpu.VMEM((mp,), jnp.int32)],
        mesh=plsc.VectorSubcoreMesh(core_axis_name="c", subcore_axis_name="s"),
        compiler_params=pltpu.CompilerParams(use_tc_tiling_on_sc=False),
    )(functools.partial(_fps_sc_body, n, m))
    return k(posT)[:, :m].reshape(_B, 1, m)


def _pos_gather_body(n, m, idx_ref, pos_ref, pos2_ref, pos2t_ref):
    idxrow = idx_ref[0]
    iota_nm = lax.broadcasted_iota(jnp.int32, (n, m), 0)
    ohT = (iota_nm == idxrow).astype(jnp.float32)
    pos2 = lax.dot_general(ohT, pos_ref[0], (((0,), (0,)), ((), ())))
    pos2_ref[0] = pos2
    pos2t_ref[0] = jnp.transpose(pos2)


def _pos_gather(idx3, pos3, n, m):
    return pl.pallas_call(
        functools.partial(_pos_gather_body, n, m),
        grid=(_B,),
        in_specs=[pl.BlockSpec((1, 1, m), lambda b: (b, 0, 0)),
                  pl.BlockSpec((1, n, 3), lambda b: (b, 0, 0))],
        out_specs=(pl.BlockSpec((1, m, 3), lambda b: (b, 0, 0)),
                   pl.BlockSpec((1, 3, m), lambda b: (b, 0, 0))),
        out_shape=(jax.ShapeDtypeStruct((_B, m, 3), jnp.float32),
                   jax.ShapeDtypeStruct((_B, 3, m), jnp.float32)),
    )(idx3, pos3)


def _xconv34(idx3, pos3, x, prm3, prm4, n, m, Cin3, Cd3, Cd4, Cout4, K, dil):
    body = functools.partial(_xconv34_body, n, m, Cin3, Cd3, Cd4, K, dil)
    ins = [idx3, pos3, x] + list(prm3) + list(prm4)
    in_specs = [pl.BlockSpec((1, 1, m), lambda b: (b, 0, 0)),
                pl.BlockSpec((1, n, 3), lambda b: (b, 0, 0)),
                pl.BlockSpec((1, n, Cin3), lambda b: (b, 0, 0))]
    in_specs += [_bcast_spec(a.shape) for a in list(prm3) + list(prm4)]
    out = pl.pallas_call(
        body,
        grid=(_B,),
        in_specs=in_specs,
        out_specs=pl.BlockSpec((1, 1, Cout4), lambda b: (b, 0, 0)),
        out_shape=jax.ShapeDtypeStruct((_B, 1, Cout4), jnp.float32),
    )(*ins)
    return out.reshape(_B, Cout4)


def _head_body(x_ref, w1, b1, w2, b2, w3, b3, out_ref):
    x = x_ref[...]
    x = jnp.maximum(x @ w1[...] + b1[...], 0.0)
    x = jnp.maximum(x @ w2[...] + b2[...], 0.0)
    x = x @ w3[...] + b3[...]
    mx = jnp.max(x, axis=1, keepdims=True)
    sh = x - mx
    out_ref[...] = sh - jnp.log(jnp.sum(jnp.exp(sh), axis=1, keepdims=True))


def _head(xmean, lin1, lin2, lin3):
    nc = lin3['w'].shape[1]
    return pl.pallas_call(
        _head_body,
        out_shape=jax.ShapeDtypeStruct((_B, nc), jnp.float32),
    )(xmean, lin1['w'], _row(lin1['b']), lin2['w'], _row(lin2['b']),
      lin3['w'], _row(lin3['b']))


def kernel(pos, batch, params):
    del batch
    pos3 = pos.reshape(_B, _N0, 3)
    c1 = _prep_xconv_params(params['conv1'], 8, 2)
    c2 = _prep_xconv_params(params['conv2'], 12, 1)
    c3 = _prep_xconv_params(params['conv3'], 16, 1)
    c4 = _prep_xconv_params(params['conv4'], 16, 1)

    posT = jnp.transpose(pos3, (0, 2, 1))
    idx1 = _fps_idx_sc(posT, 384)
    x1 = _xconv1(pos3, c1, _N0, 32, 48, 8, 1, 2, Tn=256)
    pos2, pos2T = _pos_gather(idx1, pos3, _N0, 384)
    idx2 = _fps_idx_sc(pos2T, 129)
    x2 = _xconv2(idx1, pos3, x1, c2, _N0, 384, 48, 64, 96,
                 12, 2, 1)
    xmean = _xconv34(idx2, pos2, x2, c3, c4, 384, 129, 96, 128, 256, 384,
                     16, 2)
    return _head(xmean, params['lin1'], params['lin2'], params['lin3'])

# --- scband reference (transcript-rebuilt; emitter-appended) ---
"""Pipeline reference for scband-point-cnn-59949153517666 (READ-ONLY COPY).

The authoritative reference and input builder live on the scoring server;
editing this copy changes nothing except your own understanding.
"""

import jax, jax.numpy as jnp
import numpy as np

B, N0, NUM_CLASSES = 32, 1024, 10

def _bn(x, g, b):
    # eval-mode BatchNorm1d with default running stats (mean=0, var=1)
    return x / jnp.sqrt(1.0 + 1e-5) * g + b

def _xconv_params(key, Cin, Cd, Cout, K, dm):
    ks = jax.random.split(key, 7)
    Cm = Cin + Cd
    s = 0.05
    f32 = jnp.float32
    return {
        'w1': jax.random.normal(ks[0], (3, Cd), f32) * s, 'b1': jnp.zeros((Cd,), f32),
        'g1': jnp.ones((Cd,), f32), 'be1': jnp.zeros((Cd,), f32),
        'w2': jax.random.normal(ks[1], (Cd, Cd), f32) * s, 'b2': jnp.zeros((Cd,), f32),
        'g2': jnp.ones((Cd,), f32), 'be2': jnp.zeros((Cd,), f32),
        'wl': jax.random.normal(ks[2], (3 * K, K * K), f32) * s, 'bl': jnp.zeros((K * K,), f32),
        'gl': jnp.ones((K * K,), f32), 'bel': jnp.zeros((K * K,), f32),
        'wc1': jax.random.normal(ks[3], (K, K, K), f32) * s, 'bc1': jnp.zeros((K * K,), f32),
        'gc1': jnp.ones((K * K,), f32), 'bec1': jnp.zeros((K * K,), f32),
        'wc2': jax.random.normal(ks[4], (K, K, K), f32) * s, 'bc2': jnp.zeros((K * K,), f32),
        'gc2': jnp.ones((K * K,), f32), 'bec2': jnp.zeros((K * K,), f32),
        'wd': jax.random.normal(ks[5], (Cm, dm, K), f32) * s, 'bd': jnp.zeros((Cm * dm,), f32),
        'wo': jax.random.normal(ks[6], (Cm * dm, Cout), f32) * s, 'bo': jnp.zeros((Cout,), f32),
    }

def _xconv(x, pos, p, K, dil):
    # faithful port of torch_geometric.nn.XConv (eval mode)
    Bb, n, _ = pos.shape
    sq = jnp.sum(pos ** 2, axis=-1)
    d2 = sq[:, :, None] + sq[:, None, :] - 2.0 * jnp.einsum('bnd,bmd->bnm', pos, pos)
    _, nbr = jax.lax.top_k(-d2, K * dil)      # knn_graph(loop=True), ascending distance
    nbr = nbr[:, :, ::dil]                    # dilation: every dil-th nearest neighbor
    pos_j = jax.vmap(lambda pb, nb: pb[nb])(pos, nbr)   # (B, n, K, 3)
    rel = pos_j - pos[:, :, None, :]
    # mlp1: lift relative positions to C_delta features
    h = _bn(jax.nn.elu(rel @ p['w1'] + p['b1']), p['g1'], p['be1'])
    h = _bn(jax.nn.elu(h @ p['w2'] + p['b2']), p['g2'], p['be2'])        # (B,n,K,Cd)
    if x is not None:
        xj = jax.vmap(lambda xb, nb: xb[nb])(x, nbr)                      # (B,n,K,Cin)
        h = jnp.concatenate([h, xj], axis=-1)
    h = jnp.swapaxes(h, -1, -2)                                           # (B,n,Cm,K)
    # mlp2: learn KxK transform matrix from relative positions
    t = _bn(jax.nn.elu(rel.reshape(Bb, n, K * 3) @ p['wl'] + p['bl']), p['gl'], p['bel'])
    t = t.reshape(Bb, n, K, K)
    t = jnp.einsum('bngt,gjt->bngj', t, p['wc1']).reshape(Bb, n, K * K) + p['bc1']  # grouped Conv1d
    t = _bn(jax.nn.elu(t), p['gc1'], p['bec1']).reshape(Bb, n, K, K)
    t = jnp.einsum('bngt,gjt->bngj', t, p['wc2']).reshape(Bb, n, K * K) + p['bc2']
    t = _bn(t, p['gc2'], p['bec2']).reshape(Bb, n, K, K)
    ht = jnp.einsum('bnck,bnkj->bncj', h, t)                               # X-transform
    o = jnp.einsum('bnct,cdt->bncd', ht, p['wd']).reshape(Bb, n, -1) + p['bd']  # depthwise conv
    return o @ p['wo'] + p['bo']

def _fps(p, m):
    # farthest point sampling, deterministic start at index 0
    nn_ = p.shape[0]
    def body(i, carry):
        idx, mind = carry
        d = jnp.sum((p - p[idx[i - 1]]) ** 2, axis=-1)
        mind = jnp.minimum(mind, d)
        nxt = jnp.argmax(mind).astype(jnp.int32)
        return idx.at[i].set(nxt), mind
    idx0 = jnp.zeros((m,), jnp.int32)
    mind0 = jnp.full((nn_,), 1e30, jnp.float32)
    idx, _ = jax.lax.fori_loop(1, m, body, (idx0, mind0))
    return idx

def _subsample(arrs, pos, ratio):
    m = int(np.ceil(ratio * pos.shape[1]))
    idx = jax.vmap(lambda pb: _fps(pb, m))(jax.lax.stop_gradient(pos))
    return [jnp.take_along_axis(a, idx[:, :, None], axis=1) for a in arrs]

def _forward(pos, params):
    pos = pos.reshape(B, N0, 3)
    x = jax.nn.relu(_xconv(None, pos, params['conv1'], 8, 1))
    x, pos = _subsample([x, pos], pos, 0.375)
    x = jax.nn.relu(_xconv(x, pos, params['conv2'], 12, 2))
    x, pos = _subsample([x, pos], pos, 0.334)
    x = jax.nn.relu(_xconv(x, pos, params['conv3'], 16, 2))
    x = jax.nn.relu(_xconv(x, pos, params['conv4'], 16, 2))
    x = jnp.mean(x, axis=1)   # global_mean_pool (equal-sized clouds)
    x = jax.nn.relu(x @ params['lin1']['w'] + params['lin1']['b'])
    x = jax.nn.relu(x @ params['lin2']['w'] + params['lin2']['b'])
    # dropout: eval mode -> identity
    x = x @ params['lin3']['w'] + params['lin3']['b']
    return jax.nn.log_softmax(x, axis=-1)

def setup_inputs(seed: int = 0):
    key = jax.random.key(seed)
    ks = jax.random.split(key, 9)
    f32 = jnp.float32
    s = 0.05
    pos = jax.random.normal(ks[0], (B * N0, 3), f32)
    batch = jnp.repeat(jnp.arange(B, dtype=jnp.int32), N0)
    params = {
        'conv1': _xconv_params(ks[1], 0, 32, 48, 8, 2),
        'conv2': _xconv_params(ks[2], 48, 64, 96, 12, 1),
        'conv3': _xconv_params(ks[3], 96, 128, 192, 16, 1),
        'conv4': _xconv_params(ks[4], 192, 256, 384, 16, 1),
        'lin1': {'w': jax.random.normal(ks[5], (384, 256), f32) * s, 'b': jnp.zeros((256,), f32)},
        'lin2': {'w': jax.random.normal(ks[6], (256, 128), f32) * s, 'b': jnp.zeros((128,), f32)},
        'lin3': {'w': jax.random.normal(ks[7], (128, NUM_CLASSES), f32) * s, 'b': jnp.zeros((NUM_CLASSES,), f32)},
    }
    return {'pos': pos, 'batch': batch, 'params': params}

def reference(pos, batch, params):
    del batch  # equal-sized clouds; batching encoded by (B, N0)
    return _forward(pos, params)

if __name__ == "__main__":
    import jax
    _d = setup_inputs()
    print(jax.jit(kernel)(*tuple(_d.values())))

</pallas_src>

<mosaic_0001>
#map = affine_map<(d0, d1) -> (0, 0, 0)>
#map1 = affine_map<(d0, d1) -> (0, 0)>
module attributes {stable_mosaic.version = 14 : i64} {
  func.func @_fps_sc_body(%arg0: i32, %arg1: i32, %arg2: memref<32x3x1024xf32, #tpu.memory_space<hbm>>, %arg3: memref<32x384xi32, #tpu.memory_space<hbm>>, %arg4: memref<1024xf32, #tpu.memory_space<vmem>>, %arg5: memref<1024xf32, #tpu.memory_space<vmem>>, %arg6: memref<1024xf32, #tpu.memory_space<vmem>>, %arg7: memref<1024xf32, #tpu.memory_space<vmem>>, %arg8: memref<384xi32, #tpu.memory_space<vmem>>) attributes {dimension_semantics = [#tpu.dimension_semantics<core_parallel>, #tpu.dimension_semantics<subcore_parallel>], iteration_bounds = array<i64: 2, 16>, scalar_prefetch = 0 : i64, scratch_operands = 5 : i64, tpu.core_type = #tpu.core_type<sc_vector_subcore>, window_params = [{transform_indices = #map}, {transform_indices = #map1}]} {
    %mul3A = arith.constant 16 : i32
    %mul3A_0 = arith.muli %arg0, %mul3A : i32
    %add3A = arith.addi %mul3A_0, %arg1 : i32
    %run_scoped3A = arith.constant 0 : i32
    "tpu.region"() ({
      %run_scoped3A_221 = tpu.sem_alloc : memref<!tpu.dma_semaphore, #tpu.memory_space<semaphore_mem>>
      %dma_start3A = arith.constant 0 : i32
      %dma_start3A_222 = tpu.memref_slice %arg2[%add3A, %run_scoped3A, %dma_start3A] : memref<32x3x1024xf32, #tpu.memory_space<hbm>> -> memref<1x1x1024xf32, #tpu.memory_space<hbm>>
      %dma_start3A_223 = tpu.memref_squeeze %dma_start3A_222 : memref<1x1x1024xf32, #tpu.memory_space<hbm>> -> memref<1024xf32, #tpu.memory_space<hbm>>
      %dma_start3A_224 = arith.constant 0 : i32
      %dma_start3A_225 = tpu.memref_slice %arg2[%add3A, %run_scoped3A, %dma_start3A_224] : memref<32x3x1024xf32, #tpu.memory_space<hbm>> -> memref<1x1x1024xf32, #tpu.memory_space<hbm>>
      %dma_start3A_226 = tpu.memref_squeeze %dma_start3A_225 : memref<1x1x1024xf32, #tpu.memory_space<hbm>> -> memref<1024xf32, #tpu.memory_space<hbm>>
      tpu.enqueue_dma source(%dma_start3A_226 : memref<1024xf32, #tpu.memory_space<hbm>>) target(%arg4 : memref<1024xf32, #tpu.memory_space<vmem>>) target_semaphore(%run_scoped3A_221 : memref<!tpu.dma_semaphore, #tpu.memory_space<semaphore_mem>>)
      %dma_wait3A = arith.constant 0 : i32
      %dma_wait3A_227 = tpu.memref_slice %arg2[%add3A, %run_scoped3A, %dma_wait3A] : memref<32x3x1024xf32, #tpu.memory_space<hbm>> -> memref<1x1x1024xf32, #tpu.memory_space<hbm>>
      %dma_wait3A_228 = tpu.memref_squeeze %dma_wait3A_227 : memref<1x1x1024xf32, #tpu.memory_space<hbm>> -> memref<1024xf32, #tpu.memory_space<hbm>>
      %dma_wait3A_229 = arith.constant 0 : i32
      %dma_wait3A_230 = tpu.memref_slice %arg2[%add3A, %run_scoped3A, %dma_wait3A_229] : memref<32x3x1024xf32, #tpu.memory_space<hbm>> -> memref<1x1x1024xf32, #tpu.memory_space<hbm>>
      %dma_wait3A_231 = tpu.memref_squeeze %dma_wait3A_230 : memref<1x1x1024xf32, #tpu.memory_space<hbm>> -> memref<1024xf32, #tpu.memory_space<hbm>>
      tpu.wait_dma2 semaphore(%run_scoped3A_221 : memref<!tpu.dma_semaphore, #tpu.memory_space<semaphore_mem>>) src(%dma_wait3A_231 : memref<1024xf32, #tpu.memory_space<hbm>>) dst(%arg4 : memref<1024xf32, #tpu.memory_space<vmem>>)
      tpu.yield
    }) : () -> ()
    %run_scoped3A_1 = arith.constant 1 : i32
    "tpu.region"() ({
      %run_scoped3A_221 = tpu.sem_alloc : memref<!tpu.dma_semaphore, #tpu.memory_space<semaphore_mem>>
      %dma_start3A = arith.constant 0 : i32
      %dma_start3A_222 = tpu.memref_slice %arg2[%add3A, %run_scoped3A_1, %dma_start3A] : memref<32x3x1024xf32, #tpu.memory_space<hbm>> -> memref<1x1x1024xf32, #tpu.memory_space<hbm>>
      %dma_start3A_223 = tpu.memref_squeeze %dma_start3A_222 : memref<1x1x1024xf32, #tpu.memory_space<hbm>> -> memref<1024xf32, #tpu.memory_space<hbm>>
      %dma_start3A_224 = arith.constant 0 : i32
      %dma_start3A_225 = tpu.memref_slice %arg2[%add3A, %run_scoped3A_1, %dma_start3A_224] : memref<32x3x1024xf32, #tpu.memory_space<hbm>> -> memref<1x1x1024xf32, #tpu.memory_space<hbm>>
      %dma_start3A_226 = tpu.memref_squeeze %dma_start3A_225 : memref<1x1x1024xf32, #tpu.memory_space<hbm>> -> memref<1024xf32, #tpu.memory_space<hbm>>
      tpu.enqueue_dma source(%dma_start3A_226 : memref<1024xf32, #tpu.memory_space<hbm>>) target(%arg5 : memref<1024xf32, #tpu.memory_space<vmem>>) target_semaphore(%run_scoped3A_221 : memref<!tpu.dma_semaphore, #tpu.memory_space<semaphore_mem>>)
      %dma_wait3A = arith.constant 0 : i32
      %dma_wait3A_227 = tpu.memref_slice %arg2[%add3A, %run_scoped3A_1, %dma_wait3A] : memref<32x3x1024xf32, #tpu.memory_space<hbm>> -> memref<1x1x1024xf32, #tpu.memory_space<hbm>>
      %dma_wait3A_228 = tpu.memref_squeeze %dma_wait3A_227 : memref<1x1x1024xf32, #tpu.memory_space<hbm>> -> memref<1024xf32, #tpu.memory_space<hbm>>
      %dma_wait3A_229 = arith.constant 0 : i32
      %dma_wait3A_230 = tpu.memref_slice %arg2[%add3A, %run_scoped3A_1, %dma_wait3A_229] : memref<32x3x1024xf32, #tpu.memory_space<hbm>> -> memref<1x1x1024xf32, #tpu.memory_space<hbm>>
      %dma_wait3A_231 = tpu.memref_squeeze %dma_wait3A_230 : memref<1x1x1024xf32, #tpu.memory_space<hbm>> -> memref<1024xf32, #tpu.memory_space<hbm>>
      tpu.wait_dma2 semaphore(%run_scoped3A_221 : memref<!tpu.dma_semaphore, #tpu.memory_space<semaphore_mem>>) src(%dma_wait3A_231 : memref<1024xf32, #tpu.memory_space<hbm>>) dst(%arg5 : memref<1024xf32, #tpu.memory_space<vmem>>)
      tpu.yield
    }) : () -> ()
    %run_scoped3A_2 = arith.constant 2 : i32
    "tpu.region"() ({
      %run_scoped3A_221 = tpu.sem_alloc : memref<!tpu.dma_semaphore, #tpu.memory_space<semaphore_mem>>
      %dma_start3A = arith.constant 0 : i32
      %dma_start3A_222 = tpu.memref_slice %arg2[%add3A, %run_scoped3A_2, %dma_start3A] : memref<32x3x1024xf32, #tpu.memory_space<hbm>> -> memref<1x1x1024xf32, #tpu.memory_space<hbm>>
      %dma_start3A_223 = tpu.memref_squeeze %dma_start3A_222 : memref<1x1x1024xf32, #tpu.memory_space<hbm>> -> memref<1024xf32, #tpu.memory_space<hbm>>
      %dma_start3A_224 = arith.constant 0 : i32
      %dma_start3A_225 = tpu.memref_slice %arg2[%add3A, %run_scoped3A_2, %dma_start3A_224] : memref<32x3x1024xf32, #tpu.memory_space<hbm>> -> memref<1x1x1024xf32, #tpu.memory_space<hbm>>
      %dma_start3A_226 = tpu.memref_squeeze %dma_start3A_225 : memref<1x1x1024xf32, #tpu.memory_space<hbm>> -> memref<1024xf32, #tpu.memory_space<hbm>>
      tpu.enqueue_dma source(%dma_start3A_226 : memref<1024xf32, #tpu.memory_space<hbm>>) target(%arg6 : memref<1024xf32, #tpu.memory_space<vmem>>) target_semaphore(%run_scoped3A_221 : memref<!tpu.dma_semaphore, #tpu.memory_space<semaphore_mem>>)
      %dma_wait3A = arith.constant 0 : i32
      %dma_wait3A_227 = tpu.memref_slice %arg2[%add3A, %run_scoped3A_2, %dma_wait3A] : memref<32x3x1024xf32, #tpu.memory_space<hbm>> -> memref<1x1x1024xf32, #tpu.memory_space<hbm>>
      %dma_wait3A_228 = tpu.memref_squeeze %dma_wait3A_227 : memref<1x1x1024xf32, #tpu.memory_space<hbm>> -> memref<1024xf32, #tpu.memory_space<hbm>>
      %dma_wait3A_229 = arith.constant 0 : i32
      %dma_wait3A_230 = tpu.memref_slice %arg2[%add3A, %run_scoped3A_2, %dma_wait3A_229] : memref<32x3x1024xf32, #tpu.memory_space<hbm>> -> memref<1x1x1024xf32, #tpu.memory_space<hbm>>
      %dma_wait3A_231 = tpu.memref_squeeze %dma_wait3A_230 : memref<1x1x1024xf32, #tpu.memory_space<hbm>> -> memref<1024xf32, #tpu.memory_space<hbm>>
      tpu.wait_dma2 semaphore(%run_scoped3A_221 : memref<!tpu.dma_semaphore, #tpu.memory_space<semaphore_mem>>) src(%dma_wait3A_231 : memref<1024xf32, #tpu.memory_space<hbm>>) dst(%arg6 : memref<1024xf32, #tpu.memory_space<vmem>>)
      tpu.yield
    }) : () -> ()
    %iota3A = tpu.iota {dimensions = array<i32: 0>} : vector<16xi32>
    %broadcast_in_dim3A = arith.constant 0 : i32
    %broadcast_in_dim3A_3 = vector.broadcast %broadcast_in_dim3A : i32 to vector<16xi32>
    %broadcast_in_dim3A_4 = arith.constant -3.000000e+38 : f32
    %broadcast_in_dim3A_5 = vector.broadcast %broadcast_in_dim3A_4 : f32 to vector<16xf32>
    %scan3A = arith.constant -3.000000e+38 : f32
    %scan3A_6 = arith.constant 0 : i32
    %scan3A_7 = arith.constant 64 : i32
    %scan3A_8 = arith.addi %scan3A_6, %scan3A_7 : i32
    %scan3A_9 = arith.constant 1 : i32
    %scan3A_10:3 = scf.for %scan3A_221 = %scan3A_6 to %scan3A_8 step %scan3A_9 iter_args(%scan3A_222 = %broadcast_in_dim3A_5, %scan3A_223 = %broadcast_in_dim3A_5, %scan3A_224 = %broadcast_in_dim3A_5) -> (vector<16xf32>, vector<16xf32>, vector<16xf32>)  : i32 {
      %mul3A_225 = arith.constant 16 : i32
      %mul3A_226 = arith.muli %scan3A_221, %mul3A_225 : i32
      %mul3A_227 = arith.constant 16 : i32
      %mul3A_228 = arith.muli %scan3A_221, %mul3A_227 : i32
      %add3A_229 = vector.broadcast %mul3A_228 : i32 to vector<16xi32>
      %add3A_230 = arith.addi %iota3A, %add3A_229 : vector<16xi32>
      %eq3A_231 = arith.cmpi eq, %add3A_230, %broadcast_in_dim3A_3 : vector<16xi32>
      %get3A_232 = arith.index_cast %mul3A_226 : i32 to index
      %get3A_233 = tpu.vector_load %arg4[%get3A_232] {strides = array<i32>} : memref<1024xf32, #tpu.memory_space<vmem>>, vector<16xf32>,
      %get3A_234 = vector.shape_cast %get3A_233 : vector<16xf32> to vector<16xf32>
      %broadcast_in_dim3A_235 = vector.broadcast %scan3A : f32 to vector<16xf32>
      %select_n3A_236 = arith.select %eq3A_231, %get3A_234, %broadcast_in_dim3A_235 : vector<16xi1>, vector<16xf32>
      %max3A_237 = arith.maximumf %scan3A_222, %select_n3A_236 : vector<16xf32>
      %get3A_238 = arith.index_cast %mul3A_226 : i32 to index
      %get3A_239 = tpu.vector_load %arg5[%get3A_238] {strides = array<i32>} : memref<1024xf32, #tpu.memory_space<vmem>>, vector<16xf32>,
      %get3A_240 = vector.shape_cast %get3A_239 : vector<16xf32> to vector<16xf32>
      %broadcast_in_dim3A_241 = vector.broadcast %scan3A : f32 to vector<16xf32>
      %select_n3A_242 = arith.select %eq3A_231, %get3A_240, %broadcast_in_dim3A_241 : vector<16xi1>, vector<16xf32>
      %max3A_243 = arith.maximumf %scan3A_223, %select_n3A_242 : vector<16xf32>
      %get3A_244 = arith.index_cast %mul3A_226 : i32 to index
      %get3A_245 = tpu.vector_load %arg6[%get3A_244] {strides = array<i32>} : memref<1024xf32, #tpu.memory_space<vmem>>, vector<16xf32>,
      %get3A_246 = vector.shape_cast %get3A_245 : vector<16xf32> to vector<16xf32>
      %broadcast_in_dim3A_247 = vector.broadcast %scan3A : f32 to vector<16xf32>
      %select_n3A_248 = arith.select %eq3A_231, %get3A_246, %broadcast_in_dim3A_247 : vector<16xi1>, vector<16xf32>
      %max3A_249 = arith.maximumf %scan3A_224, %select_n3A_248 : vector<16xf32>
      scf.yield %max3A_237, %max3A_243, %max3A_249 : vector<16xf32>, vector<16xf32>, vector<16xf32>
    }
    %scan3A_11 = arith.constant 64 : i32
    %xor3A = arith.constant 1 : i32
    %xor3A_12 = vector.broadcast %xor3A : i32 to vector<16xi32>
    %xor3A_13 = arith.xori %iota3A, %xor3A_12 : vector<16xi32>
    %lt3A = arith.constant 0 : i32
    %lt3A_14 = vector.broadcast %lt3A : i32 to vector<16xi32>
    %lt3A_15 = arith.cmpi slt, %xor3A_13, %lt3A_14 : vector<16xi32>
    %add3A_16 = arith.constant 16 : i32
    %add3A_17 = vector.broadcast %add3A_16 : i32 to vector<16xi32>
    %add3A_18 = arith.addi %xor3A_13, %add3A_17 : vector<16xi32>
    %select_n3A = arith.select %lt3A_15, %add3A_18, %xor3A_13 : vector<16xi1>, vector<16xi32>
    %broadcast_in_dim3A_19 = vector.shape_cast %select_n3A : vector<16xi32> to vector<16x1xi32>
    %gather3A = vector.shape_cast %broadcast_in_dim3A_19 : vector<16x1xi32> to vector<16xi32>
    %gather3A_20 = tpu.dynamic_gather %scan3A_10#0[%gather3A] in [0] : vector<16xf32>, vector<16xi32> -> vector<16xf32>
    %max3A = arith.maximumf %scan3A_10#0, %gather3A_20 : vector<16xf32>
    %xor3A_21 = arith.constant 2 : i32
    %xor3A_22 = vector.broadcast %xor3A_21 : i32 to vector<16xi32>
    %xor3A_23 = arith.xori %iota3A, %xor3A_22 : vector<16xi32>
    %lt3A_24 = arith.constant 0 : i32
    %lt3A_25 = vector.broadcast %lt3A_24 : i32 to vector<16xi32>
    %lt3A_26 = arith.cmpi slt, %xor3A_23, %lt3A_25 : vector<16xi32>
    %add3A_27 = arith.constant 16 : i32
    %add3A_28 = vector.broadcast %add3A_27 : i32 to vector<16xi32>
    %add3A_29 = arith.addi %xor3A_23, %add3A_28 : vector<16xi32>
    %select_n3A_30 = arith.select %lt3A_26, %add3A_29, %xor3A_23 : vector<16xi1>, vector<16xi32>
    %broadcast_in_dim3A_31 = vector.shape_cast %select_n3A_30 : vector<16xi32> to vector<16x1xi32>
    %gather3A_32 = vector.shape_cast %broadcast_in_dim3A_31 : vector<16x1xi32> to vector<16xi32>
    %gather3A_33 = tpu.dynamic_gather %max3A[%gather3A_32] in [0] : vector<16xf32>, vector<16xi32> -> vector<16xf32>
    %max3A_34 = arith.maximumf %max3A, %gather3A_33 : vector<16xf32>
    %xor3A_35 = arith.constant 4 : i32
    %xor3A_36 = vector.broadcast %xor3A_35 : i32 to vector<16xi32>
    %xor3A_37 = arith.xori %iota3A, %xor3A_36 : vector<16xi32>
    %lt3A_38 = arith.constant 0 : i32
    %lt3A_39 = vector.broadcast %lt3A_38 : i32 to vector<16xi32>
    %lt3A_40 = arith.cmpi slt, %xor3A_37, %lt3A_39 : vector<16xi32>
    %add3A_41 = arith.constant 16 : i32
    %add3A_42 = vector.broadcast %add3A_41 : i32 to vector<16xi32>
    %add3A_43 = arith.addi %xor3A_37, %add3A_42 : vector<16xi32>
    %select_n3A_44 = arith.select %lt3A_40, %add3A_43, %xor3A_37 : vector<16xi1>, vector<16xi32>
    %broadcast_in_dim3A_45 = vector.shape_cast %select_n3A_44 : vector<16xi32> to vector<16x1xi32>
    %gather3A_46 = vector.shape_cast %broadcast_in_dim3A_45 : vector<16x1xi32> to vector<16xi32>
    %gather3A_47 = tpu.dynamic_gather %max3A_34[%gather3A_46] in [0] : vector<16xf32>, vector<16xi32> -> vector<16xf32>
    %max3A_48 = arith.maximumf %max3A_34, %gather3A_47 : vector<16xf32>
    %xor3A_49 = arith.constant 8 : i32
    %xor3A_50 = vector.broadcast %xor3A_49 : i32 to vector<16xi32>
    %xor3A_51 = arith.xori %iota3A, %xor3A_50 : vector<16xi32>
    %lt3A_52 = arith.constant 0 : i32
    %lt3A_53 = vector.broadcast %lt3A_52 : i32 to vector<16xi32>
    %lt3A_54 = arith.cmpi slt, %xor3A_51, %lt3A_53 : vector<16xi32>
    %add3A_55 = arith.constant 16 : i32
    %add3A_56 = vector.broadcast %add3A_55 : i32 to vector<16xi32>
    %add3A_57 = arith.addi %xor3A_51, %add3A_56 : vector<16xi32>
    %select_n3A_58 = arith.select %lt3A_54, %add3A_57, %xor3A_51 : vector<16xi1>, vector<16xi32>
    %broadcast_in_dim3A_59 = vector.shape_cast %select_n3A_58 : vector<16xi32> to vector<16x1xi32>
    %gather3A_60 = vector.shape_cast %broadcast_in_dim3A_59 : vector<16x1xi32> to vector<16xi32>
    %gather3A_61 = tpu.dynamic_gather %max3A_48[%gather3A_60] in [0] : vector<16xf32>, vector<16xi32> -> vector<16xf32>
    %max3A_62 = arith.maximumf %max3A_48, %gather3A_61 : vector<16xf32>
    %xor3A_63 = arith.constant 1 : i32
    %xor3A_64 = vector.broadcast %xor3A_63 : i32 to vector<16xi32>
    %xor3A_65 = arith.xori %iota3A, %xor3A_64 : vector<16xi32>
    %lt3A_66 = arith.constant 0 : i32
    %lt3A_67 = vector.broadcast %lt3A_66 : i32 to vector<16xi32>
    %lt3A_68 = arith.cmpi slt, %xor3A_65, %lt3A_67 : vector<16xi32>
    %add3A_69 = arith.constant 16 : i32
    %add3A_70 = vector.broadcast %add3A_69 : i32 to vector<16xi32>
    %add3A_71 = arith.addi %xor3A_65, %add3A_70 : vector<16xi32>
    %select_n3A_72 = arith.select %lt3A_68, %add3A_71, %xor3A_65 : vector<16xi1>, vector<16xi32>
    %broadcast_in_dim3A_73 = vector.shape_cast %select_n3A_72 : vector<16xi32> to vector<16x1xi32>
    %gather3A_74 = vector.shape_cast %broadcast_in_dim3A_73 : vector<16x1xi32> to vector<16xi32>
    %gather3A_75 = tpu.dynamic_gather %scan3A_10#1[%gather3A_74] in [0] : vector<16xf32>, vector<16xi32> -> vector<16xf32>
    %max3A_76 = arith.maximumf %scan3A_10#1, %gather3A_75 : vector<16xf32>
    %xor3A_77 = arith.constant 2 : i32
    %xor3A_78 = vector.broadcast %xor3A_77 : i32 to vector<16xi32>
    %xor3A_79 = arith.xori %iota3A, %xor3A_78 : vector<16xi32>
    %lt3A_80 = arith.constant 0 : i32
    %lt3A_81 = vector.broadcast %lt3A_80 : i32 to vector<16xi32>
    %lt3A_82 = arith.cmpi slt, %xor3A_79, %lt3A_81 : vector<16xi32>
    %add3A_83 = arith.constant 16 : i32
    %add3A_84 = vector.broadcast %add3A_83 : i32 to vector<16xi32>
    %add3A_85 = arith.addi %xor3A_79, %add3A_84 : vector<16xi32>
    %select_n3A_86 = arith.select %lt3A_82, %add3A_85, %xor3A_79 : vector<16xi1>, vector<16xi32>
    %broadcast_in_dim3A_87 = vector.shape_cast %select_n3A_86 : vector<16xi32> to vector<16x1xi32>
    %gather3A_88 = vector.shape_cast %broadcast_in_dim3A_87 : vector<16x1xi32> to vector<16xi32>
    %gather3A_89 = tpu.dynamic_gather %max3A_76[%gather3A_88] in [0] : vector<16xf32>, vector<16xi32> -> vector<16xf32>
    %max3A_90 = arith.maximumf %max3A_76, %gather3A_89 : vector<16xf32>
    %xor3A_91 = arith.constant 4 : i32
    %xor3A_92 = vector.broadcast %xor3A_91 : i32 to vector<16xi32>
    %xor3A_93 = arith.xori %iota3A, %xor3A_92 : vector<16xi32>
    %lt3A_94 = arith.constant 0 : i32
    %lt3A_95 = vector.broadcast %lt3A_94 : i32 to vector<16xi32>
    %lt3A_96 = arith.cmpi slt, %xor3A_93, %lt3A_95 : vector<16xi32>
    %add3A_97 = arith.constant 16 : i32
    %add3A_98 = vector.broadcast %add3A_97 : i32 to vector<16xi32>
    %add3A_99 = arith.addi %xor3A_93, %add3A_98 : vector<16xi32>
    %select_n3A_100 = arith.select %lt3A_96, %add3A_99, %xor3A_93 : vector<16xi1>, vector<16xi32>
    %broadcast_in_dim3A_101 = vector.shape_cast %select_n3A_100 : vector<16xi32> to vector<16x1xi32>
    %gather3A_102 = vector.shape_cast %broadcast_in_dim3A_101 : vector<16x1xi32> to vector<16xi32>
    %gather3A_103 = tpu.dynamic_gather %max3A_90[%gather3A_102] in [0] : vector<16xf32>, vector<16xi32> -> vector<16xf32>
    %max3A_104 = arith.maximumf %max3A_90, %gather3A_103 : vector<16xf32>
    %xor3A_105 = arith.constant 8 : i32
    %xor3A_106 = vector.broadcast %xor3A_105 : i32 to vector<16xi32>
    %xor3A_107 = arith.xori %iota3A, %xor3A_106 : vector<16xi32>
    %lt3A_108 = arith.constant 0 : i32
    %lt3A_109 = vector.broadcast %lt3A_108 : i32 to vector<16xi32>
    %lt3A_110 = arith.cmpi slt, %xor3A_107, %lt3A_109 : vector<16xi32>
    %add3A_111 = arith.constant 16 : i32
    %add3A_112 = vector.broadcast %add3A_111 : i32 to vector<16xi32>
    %add3A_113 = arith.addi %xor3A_107, %add3A_112 : vector<16xi32>
    %select_n3A_114 = arith.select %lt3A_110, %add3A_113, %xor3A_107 : vector<16xi1>, vector<16xi32>
    %broadcast_in_dim3A_115 = vector.shape_cast %select_n3A_114 : vector<16xi32> to vector<16x1xi32>
    %gather3A_116 = vector.shape_cast %broadcast_in_dim3A_115 : vector<16x1xi32> to vector<16xi32>
    %gather3A_117 = tpu.dynamic_gather %max3A_104[%gather3A_116] in [0] : vector<16xf32>, vector<16xi32> -> vector<16xf32>
    %max3A_118 = arith.maximumf %max3A_104, %gather3A_117 : vector<16xf32>
    %xor3A_119 = arith.constant 1 : i32
    %xor3A_120 = vector.broadcast %xor3A_119 : i32 to vector<16xi32>
    %xor3A_121 = arith.xori %iota3A, %xor3A_120 : vector<16xi32>
    %lt3A_122 = arith.constant 0 : i32
    %lt3A_123 = vector.broadcast %lt3A_122 : i32 to vector<16xi32>
    %lt3A_124 = arith.cmpi slt, %xor3A_121, %lt3A_123 : vector<16xi32>
    %add3A_125 = arith.constant 16 : i32
    %add3A_126 = vector.broadcast %add3A_125 : i32 to vector<16xi32>
    %add3A_127 = arith.addi %xor3A_121, %add3A_126 : vector<16xi32>
    %select_n3A_128 = arith.select %lt3A_124, %add3A_127, %xor3A_121 : vector<16xi1>, vector<16xi32>
    %broadcast_in_dim3A_129 = vector.shape_cast %select_n3A_128 : vector<16xi32> to vector<16x1xi32>
    %gather3A_130 = vector.shape_cast %broadcast_in_dim3A_129 : vector<16x1xi32> to vector<16xi32>
    %gather3A_131 = tpu.dynamic_gather %scan3A_10#2[%gather3A_130] in [0] : vector<16xf32>, vector<16xi32> -> vector<16xf32>
    %max3A_132 = arith.maximumf %scan3A_10#2, %gather3A_131 : vector<16xf32>
    %xor3A_133 = arith.constant 2 : i32
    %xor3A_134 = vector.broadcast %xor3A_133 : i32 to vector<16xi32>
    %xor3A_135 = arith.xori %iota3A, %xor3A_134 : vector<16xi32>
    %lt3A_136 = arith.constant 0 : i32
    %lt3A_137 = vector.broadcast %lt3A_136 : i32 to vector<16xi32>
    %lt3A_138 = arith.cmpi slt, %xor3A_135, %lt3A_137 : vector<16xi32>
    %add3A_139 = arith.constant 16 : i32
    %add3A_140 = vector.broadcast %add3A_139 : i32 to vector<16xi32>
    %add3A_141 = arith.addi %xor3A_135, %add3A_140 : vector<16xi32>
    %select_n3A_142 = arith.select %lt3A_138, %add3A_141, %xor3A_135 : vector<16xi1>, vector<16xi32>
    %broadcast_in_dim3A_143 = vector.shape_cast %select_n3A_142 : vector<16xi32> to vector<16x1xi32>
    %gather3A_144 = vector.shape_cast %broadcast_in_dim3A_143 : vector<16x1xi32> to vector<16xi32>
    %gather3A_145 = tpu.dynamic_gather %max3A_132[%gather3A_144] in [0] : vector<16xf32>, vector<16xi32> -> vector<16xf32>
    %max3A_146 = arith.maximumf %max3A_132, %gather3A_145 : vector<16xf32>
    %xor3A_147 = arith.constant 4 : i32
    %xor3A_148 = vector.broadcast %xor3A_147 : i32 to vector<16xi32>
    %xor3A_149 = arith.xori %iota3A, %xor3A_148 : vector<16xi32>
    %lt3A_150 = arith.constant 0 : i32
    %lt3A_151 = vector.broadcast %lt3A_150 : i32 to vector<16xi32>
    %lt3A_152 = arith.cmpi slt, %xor3A_149, %lt3A_151 : vector<16xi32>
    %add3A_153 = arith.constant 16 : i32
    %add3A_154 = vector.broadcast %add3A_153 : i32 to vector<16xi32>
    %add3A_155 = arith.addi %xor3A_149, %add3A_154 : vector<16xi32>
    %select_n3A_156 = arith.select %lt3A_152, %add3A_155, %xor3A_149 : vector<16xi1>, vector<16xi32>
    %broadcast_in_dim3A_157 = vector.shape_cast %select_n3A_156 : vector<16xi32> to vector<16x1xi32>
    %gather3A_158 = vector.shape_cast %broadcast_in_dim3A_157 : vector<16x1xi32> to vector<16xi32>
    %gather3A_159 = tpu.dynamic_gather %max3A_146[%gather3A_158] in [0] : vector<16xf32>, vector<16xi32> -> vector<16xf32>
    %max3A_160 = arith.maximumf %max3A_146, %gather3A_159 : vector<16xf32>
    %xor3A_161 = arith.constant 8 : i32
    %xor3A_162 = vector.broadcast %xor3A_161 : i32 to vector<16xi32>
    %xor3A_163 = arith.xori %iota3A, %xor3A_162 : vector<16xi32>
    %lt3A_164 = arith.constant 0 : i32
    %lt3A_165 = vector.broadcast %lt3A_164 : i32 to vector<16xi32>
    %lt3A_166 = arith.cmpi slt, %xor3A_163, %lt3A_165 : vector<16xi32>
    %add3A_167 = arith.constant 16 : i32
    %add3A_168 = vector.broadcast %add3A_167 : i32 to vector<16xi32>
    %add3A_169 = arith.addi %xor3A_163, %add3A_168 : vector<16xi32>
    %select_n3A_170 = arith.select %lt3A_166, %add3A_169, %xor3A_163 : vector<16xi1>, vector<16xi32>
    %broadcast_in_dim3A_171 = vector.shape_cast %select_n3A_170 : vector<16xi32> to vector<16x1xi32>
    %gather3A_172 = vector.shape_cast %broadcast_in_dim3A_171 : vector<16x1xi32> to vector<16xi32>
    %gather3A_173 = tpu.dynamic_gather %max3A_160[%gather3A_172] in [0] : vector<16xf32>, vector<16xi32> -> vector<16xf32>
    %max3A_174 = arith.maximumf %max3A_160, %gather3A_173 : vector<16xf32>
    %scan3A_175 = arith.constant 0 : i32
    %scan3A_176 = arith.constant 0 : i32
    %scan3A_177 = arith.constant 64 : i32
    %scan3A_178 = arith.addi %scan3A_176, %scan3A_177 : i32
    %scan3A_179 = arith.constant 1 : i32
    %scan3A_180 = scf.for %scan3A_221 = %scan3A_176 to %scan3A_178 step %scan3A_179 iter_args(%scan3A_222 = %scan3A_175) -> (i32)  : i32 {
      %mul3A_223 = arith.constant 16 : i32
      %mul3A_224 = arith.muli %scan3A_221, %mul3A_223 : i32
      %get3A_225 = arith.index_cast %mul3A_224 : i32 to index
      %get3A_226 = tpu.vector_load %arg4[%get3A_225] {strides = array<i32>} : memref<1024xf32, #tpu.memory_space<vmem>>, vector<16xf32>,
      %get3A_227 = vector.shape_cast %get3A_226 : vector<16xf32> to vector<16xf32>
      %sub3A_228 = arith.subf %get3A_227, %max3A_62 : vector<16xf32>
      %get3A_229 = arith.index_cast %mul3A_224 : i32 to index
      %get3A_230 = tpu.vector_load %arg5[%get3A_229] {strides = array<i32>} : memref<1024xf32, #tpu.memory_space<vmem>>, vector<16xf32>,
      %get3A_231 = vector.shape_cast %get3A_230 : vector<16xf32> to vector<16xf32>
      %sub3A_232 = arith.subf %get3A_231, %max3A_118 : vector<16xf32>
      %get3A_233 = arith.index_cast %mul3A_224 : i32 to index
      %get3A_234 = tpu.vector_load %arg6[%get3A_233] {strides = array<i32>} : memref<1024xf32, #tpu.memory_space<vmem>>, vector<16xf32>,
      %get3A_235 = vector.shape_cast %get3A_234 : vector<16xf32> to vector<16xf32>
      %sub3A_236 = arith.subf %get3A_235, %max3A_174 : vector<16xf32>
      %mul3A_237 = arith.mulf %sub3A_228, %sub3A_228 : vector<16xf32>
      %mul3A_238 = arith.mulf %sub3A_232, %sub3A_232 : vector<16xf32>
      %add3A_239 = arith.addf %mul3A_237, %mul3A_238 : vector<16xf32>
      %mul3A_240 = arith.mulf %sub3A_236, %sub3A_236 : vector<16xf32>
      %add3A_241 = arith.addf %add3A_239, %mul3A_240 : vector<16xf32>
      %swap3A_242 = arith.index_cast %mul3A_224 : i32 to index
      %swap3A_243 = tpu.vector_load %arg7[%swap3A_242] {strides = array<i32>} : memref<1024xf32, #tpu.memory_space<vmem>>, vector<16xf32>,
      %swap3A_244 = vector.shape_cast %swap3A_243 : vector<16xf32> to vector<16xf32>
      %swap3A_245 = vector.shape_cast %add3A_241 : vector<16xf32> to vector<16xf32>
      tpu.vector_store %arg7[%swap3A_242], %swap3A_245 {strides = array<i32>} : memref<1024xf32, #tpu.memory_space<vmem>>, vector<16xf32>,
      %scan3A_246 = arith.constant 0 : i32
      scf.yield %scan3A_246 : i32
    }
    %scan3A_181 = arith.constant 64 : i32
    %broadcast_in_dim3A_182 = arith.constant 0 : i32
    %broadcast_in_dim3A_183 = vector.broadcast %broadcast_in_dim3A_182 : i32 to vector<16xi32>
    %jit3A = arith.constant 0 : i32
    %jit3A_184 = arith.constant 16 : i32
    %div3A = arith.divsi %jit3A, %jit3A_184 : i32
    %sign3A = arith.constant 0 : i32
    %sign3A_185 = arith.cmpi sgt, %jit3A, %sign3A : i32
    %sign3A_186 = arith.extui %sign3A_185 : i1 to i32
    %sign3A_187 = arith.constant 0 : i32
    %sign3A_188 = arith.cmpi slt, %jit3A, %sign3A_187 : i32
    %sign3A_189 = arith.extui %sign3A_188 : i1 to i32
    %sign3A_190 = arith.subi %sign3A_186, %sign3A_189 : i32
    %sign3A_191 = arith.constant 0 : i32
    %sign3A_192 = arith.cmpi sgt, %jit3A_184, %sign3A_191 : i32
    %sign3A_193 = arith.extui %sign3A_192 : i1 to i32
    %sign3A_194 = arith.constant 0 : i32
    %sign3A_195 = arith.cmpi slt, %jit3A_184, %sign3A_194 : i32
    %sign3A_196 = arith.extui %sign3A_195 : i1 to i32
    %sign3A_197 = arith.subi %sign3A_193, %sign3A_196 : i32
    %ne3A = arith.cmpi ne, %sign3A_190, %sign3A_197 : i32
    %rem3A = arith.remsi %jit3A, %jit3A_184 : i32
    %ne3A_198 = arith.constant 0 : i32
    %ne3A_199 = arith.cmpi ne, %rem3A, %ne3A_198 : i32
    %and3A = arith.andi %ne3A, %ne3A_199 : i1
    %sub3A = arith.constant 1 : i32
    %sub3A_200 = arith.subi %div3A, %sub3A : i32
    %select_n3A_201 = arith.select %and3A, %sub3A_200, %div3A : i32
    %mul3A_202 = arith.constant 16 : i32
    %mul3A_203 = arith.muli %select_n3A_201, %mul3A_202 : i32
    %sub3A_204 = arith.constant 0 : i32
    %sub3A_205 = arith.subi %sub3A_204, %mul3A_203 : i32
    %broadcast_in_dim3A_206 = vector.broadcast %sub3A_205 : i32 to vector<16xi32>
    %get3A = arith.index_cast %mul3A_203 : i32 to index
    %get3A_207 = tpu.vector_load %arg8[%get3A] {strides = array<i32>} : memref<384xi32, #tpu.memory_space<vmem>>, vector<16xi32>,
    %get3A_208 = vector.shape_cast %get3A_207 : vector<16xi32> to vector<16xi32>
    %eq3A = arith.cmpi eq, %iota3A, %broadcast_in_dim3A_206 : vector<16xi32>
    %select_n3A_209 = arith.select %eq3A, %broadcast_in_dim3A_183, %get3A_208 : vector<16xi1>, vector<16xi32>
    %swap3A = arith.index_cast %mul3A_203 : i32 to index
    %swap3A_210 = tpu.vector_load %arg8[%swap3A] {strides = array<i32>} : memref<384xi32, #tpu.memory_space<vmem>>, vector<16xi32>,
    %swap3A_211 = vector.shape_cast %swap3A_210 : vector<16xi32> to vector<16xi32>
    %swap3A_212 = vector.shape_cast %select_n3A_209 : vector<16xi32> to vector<16xi32>
    tpu.vector_store %arg8[%swap3A], %swap3A_212 {strides = array<i32>} : memref<384xi32, #tpu.memory_space<vmem>>, vector<16xi32>,
    %scan3A_213 = arith.constant -3.000000e+38 : f32
    %scan3A_214 = arith.constant 0 : i32
    %scan3A_215 = arith.constant 1 : i32
    %scan3A_216 = arith.constant 383 : i32
    %scan3A_217 = arith.addi %scan3A_215, %scan3A_216 : i32
    %scan3A_218 = arith.constant 1 : i32
    %scan3A_219 = scf.for %scan3A_221 = %scan3A_215 to %scan3A_217 step %scan3A_218 iter_args(%scan3A_222 = %scan3A_214) -> (i32)  : i32 {
      %broadcast_in_dim3A_223 = vector.broadcast %scan3A_213 : f32 to vector<16xf32>
      %scan3A_224 = arith.constant 0 : i32
      %scan3A_225 = arith.constant 64 : i32
      %scan3A_226 = arith.addi %scan3A_224, %scan3A_225 : i32
      %scan3A_227 = arith.constant 1 : i32
      %scan3A_228 = scf.for %scan3A_569 = %scan3A_224 to %scan3A_226 step %scan3A_227 iter_args(%scan3A_570 = %broadcast_in_dim3A_223) -> (vector<16xf32>)  : i32 {
        %mul3A_571 = arith.constant 16 : i32
        %mul3A_572 = arith.muli %scan3A_569, %mul3A_571 : i32
        %get3A_573 = arith.index_cast %mul3A_572 : i32 to index
        %get3A_574 = tpu.vector_load %arg7[%get3A_573] {strides = array<i32>} : memref<1024xf32, #tpu.memory_space<vmem>>, vector<16xf32>,
        %get3A_575 = vector.shape_cast %get3A_574 : vector<16xf32> to vector<16xf32>
        %max3A_576 = arith.maximumf %scan3A_570, %get3A_575 : vector<16xf32>
        scf.yield %max3A_576 : vector<16xf32>
      }
      %scan3A_229 = arith.constant 64 : i32
      %xor3A_230 = arith.constant 1 : i32
      %xor3A_231 = vector.broadcast %xor3A_230 : i32 to vector<16xi32>
      %xor3A_232 = arith.xori %iota3A, %xor3A_231 : vector<16xi32>
      %lt3A_233 = arith.constant 0 : i32
      %lt3A_234 = vector.broadcast %lt3A_233 : i32 to vector<16xi32>
      %lt3A_235 = arith.cmpi slt, %xor3A_232, %lt3A_234 : vector<16xi32>
      %add3A_236 = arith.constant 16 : i32
      %add3A_237 = vector.broadcast %add3A_236 : i32 to vector<16xi32>
      %add3A_238 = arith.addi %xor3A_232, %add3A_237 : vector<16xi32>
      %select_n3A_239 = arith.select %lt3A_235, %add3A_238, %xor3A_232 : vector<16xi1>, vector<16xi32>
      %broadcast_in_dim3A_240 = vector.shape_cast %select_n3A_239 : vector<16xi32> to vector<16x1xi32>
      %gather3A_241 = vector.shape_cast %broadcast_in_dim3A_240 : vector<16x1xi32> to vector<16xi32>
      %gather3A_242 = tpu.dynamic_gather %scan3A_228[%gather3A_241] in [0] : vector<16xf32>, vector<16xi32> -> vector<16xf32>
      %max3A_243 = arith.maximumf %scan3A_228, %gather3A_242 : vector<16xf32>
      %xor3A_244 = arith.constant 2 : i32
      %xor3A_245 = vector.broadcast %xor3A_244 : i32 to vector<16xi32>
      %xor3A_246 = arith.xori %iota3A, %xor3A_245 : vector<16xi32>
      %lt3A_247 = arith.constant 0 : i32
      %lt3A_248 = vector.broadcast %lt3A_247 : i32 to vector<16xi32>
      %lt3A_249 = arith.cmpi slt, %xor3A_246, %lt3A_248 : vector<16xi32>
      %add3A_250 = arith.constant 16 : i32
      %add3A_251 = vector.broadcast %add3A_250 : i32 to vector<16xi32>
      %add3A_252 = arith.addi %xor3A_246, %add3A_251 : vector<16xi32>
      %select_n3A_253 = arith.select %lt3A_249, %add3A_252, %xor3A_246 : vector<16xi1>, vector<16xi32>
      %broadcast_in_dim3A_254 = vector.shape_cast %select_n3A_253 : vector<16xi32> to vector<16x1xi32>
      %gather3A_255 = vector.shape_cast %broadcast_in_dim3A_254 : vector<16x1xi32> to vector<16xi32>
      %gather3A_256 = tpu.dynamic_gather %max3A_243[%gather3A_255] in [0] : vector<16xf32>, vector<16xi32> -> vector<16xf32>
      %max3A_257 = arith.maximumf %max3A_243, %gather3A_256 : vector<16xf32>
      %xor3A_258 = arith.constant 4 : i32
      %xor3A_259 = vector.broadcast %xor3A_258 : i32 to vector<16xi32>
      %xor3A_260 = arith.xori %iota3A, %xor3A_259 : vector<16xi32>
      %lt3A_261 = arith.constant 0 : i32
      %lt3A_262 = vector.broadcast %lt3A_261 : i32 to vector<16xi32>
      %lt3A_263 = arith.cmpi slt, %xor3A_260, %lt3A_262 : vector<16xi32>
      %add3A_264 = arith.constant 16 : i32
      %add3A_265 = vector.broadcast %add3A_264 : i32 to vector<16xi32>
      %add3A_266 = arith.addi %xor3A_260, %add3A_265 : vector<16xi32>
      %select_n3A_267 = arith.select %lt3A_263, %add3A_266, %xor3A_260 : vector<16xi1>, vector<16xi32>
      %broadcast_in_dim3A_268 = vector.shape_cast %select_n3A_267 : vector<16xi32> to vector<16x1xi32>
      %gather3A_269 = vector.shape_cast %broadcast_in_dim3A_268 : vector<16x1xi32> to vector<16xi32>
      %gather3A_270 = tpu.dynamic_gather %max3A_257[%gather3A_269] in [0] : vector<16xf32>, vector<16xi32> -> vector<16xf32>
      %max3A_271 = arith.maximumf %max3A_257, %gather3A_270 : vector<16xf32>
      %xor3A_272 = arith.constant 8 : i32
      %xor3A_273 = vector.broadcast %xor3A_272 : i32 to vector<16xi32>
      %xor3A_274 = arith.xori %iota3A, %xor3A_273 : vector<16xi32>
      %lt3A_275 = arith.constant 0 : i32
      %lt3A_276 = vector.broadcast %lt3A_275 : i32 to vector<16xi32>
      %lt3A_277 = arith.cmpi slt, %xor3A_274, %lt3A_276 : vector<16xi32>
      %add3A_278 = arith.constant 16 : i32
      %add3A_279 = vector.broadcast %add3A_278 : i32 to vector<16xi32>
      %add3A_280 = arith.addi %xor3A_274, %add3A_279 : vector<16xi32>
      %select_n3A_281 = arith.select %lt3A_277, %add3A_280, %xor3A_274 : vector<16xi1>, vector<16xi32>
      %broadcast_in_dim3A_282 = vector.shape_cast %select_n3A_281 : vector<16xi32> to vector<16x1xi32>
      %gather3A_283 = vector.shape_cast %broadcast_in_dim3A_282 : vector<16x1xi32> to vector<16xi32>
      %gather3A_284 = tpu.dynamic_gather %max3A_271[%gather3A_283] in [0] : vector<16xf32>, vector<16xi32> -> vector<16xf32>
      %max3A_285 = arith.maximumf %max3A_271, %gather3A_284 : vector<16xf32>
      %broadcast_in_dim3A_286 = arith.constant 1024 : i32
      %broadcast_in_dim3A_287 = vector.broadcast %broadcast_in_dim3A_286 : i32 to vector<16xi32>
      %scan3A_288 = arith.constant 0 : i32
      %scan3A_289 = arith.constant 64 : i32
      %scan3A_290 = arith.addi %scan3A_288, %scan3A_289 : i32
      %scan3A_291 = arith.constant 1 : i32
      %scan3A_292 = scf.for %scan3A_569 = %scan3A_288 to %scan3A_290 step %scan3A_291 iter_args(%scan3A_570 = %broadcast_in_dim3A_287) -> (vector<16xi32>)  : i32 {
        %mul3A_571 = arith.constant 16 : i32
        %mul3A_572 = arith.muli %scan3A_569, %mul3A_571 : i32
        %get3A_573 = arith.index_cast %mul3A_572 : i32 to index
        %get3A_574 = tpu.vector_load %arg7[%get3A_573] {strides = array<i32>} : memref<1024xf32, #tpu.memory_space<vmem>>, vector<16xf32>,
        %get3A_575 = vector.shape_cast %get3A_574 : vector<16xf32> to vector<16xf32>
        %eq3A_576 = arith.cmpf oeq, %get3A_575, %max3A_285 : vector<16xf32>
        %mul3A_577 = arith.constant 16 : i32
        %mul3A_578 = arith.muli %scan3A_569, %mul3A_577 : i32
        %add3A_579 = vector.broadcast %mul3A_578 : i32 to vector<16xi32>
        %add3A_580 = arith.addi %iota3A, %add3A_579 : vector<16xi32>
        %jit3A_581 = arith.constant 1024 : i32
        %broadcast_in_dim3A_582 = vector.broadcast %jit3A_581 : i32 to vector<16xi32>
        %select_n3A_583 = arith.select %eq3A_576, %add3A_580, %broadcast_in_dim3A_582 : vector<16xi1>, vector<16xi32>
        %min3A_584 = arith.minsi %scan3A_570, %select_n3A_583 : vector<16xi32>
        scf.yield %min3A_584 : vector<16xi32>
      }
      %scan3A_293 = arith.constant 64 : i32
      %xor3A_294 = arith.constant 1 : i32
      %xor3A_295 = vector.broadcast %xor3A_294 : i32 to vector<16xi32>
      %xor3A_296 = arith.xori %iota3A, %xor3A_295 : vector<16xi32>
      %lt3A_297 = arith.constant 0 : i32
      %lt3A_298 = vector.broadcast %lt3A_297 : i32 to vector<16xi32>
      %lt3A_299 = arith.cmpi slt, %xor3A_296, %lt3A_298 : vector<16xi32>
      %add3A_300 = arith.constant 16 : i32
      %add3A_301 = vector.broadcast %add3A_300 : i32 to vector<16xi32>
      %add3A_302 = arith.addi %xor3A_296, %add3A_301 : vector<16xi32>
      %select_n3A_303 = arith.select %lt3A_299, %add3A_302, %xor3A_296 : vector<16xi1>, vector<16xi32>
      %broadcast_in_dim3A_304 = vector.shape_cast %select_n3A_303 : vector<16xi32> to vector<16x1xi32>
      %gather3A_305 = vector.shape_cast %broadcast_in_dim3A_304 : vector<16x1xi32> to vector<16xi32>
      %gather3A_306 = tpu.dynamic_gather %scan3A_292[%gather3A_305] in [0] : vector<16xi32>, vector<16xi32> -> vector<16xi32>
      %min3A = arith.minsi %scan3A_292, %gather3A_306 : vector<16xi32>
      %xor3A_307 = arith.constant 2 : i32
      %xor3A_308 = vector.broadcast %xor3A_307 : i32 to vector<16xi32>
      %xor3A_309 = arith.xori %iota3A, %xor3A_308 : vector<16xi32>
      %lt3A_310 = arith.constant 0 : i32
      %lt3A_311 = vector.broadcast %lt3A_310 : i32 to vector<16xi32>
      %lt3A_312 = arith.cmpi slt, %xor3A_309, %lt3A_311 : vector<16xi32>
      %add3A_313 = arith.constant 16 : i32
      %add3A_314 = vector.broadcast %add3A_313 : i32 to vector<16xi32>
      %add3A_315 = arith.addi %xor3A_309, %add3A_314 : vector<16xi32>
      %select_n3A_316 = arith.select %lt3A_312, %add3A_315, %xor3A_309 : vector<16xi1>, vector<16xi32>
      %broadcast_in_dim3A_317 = vector.shape_cast %select_n3A_316 : vector<16xi32> to vector<16x1xi32>
      %gather3A_318 = vector.shape_cast %broadcast_in_dim3A_317 : vector<16x1xi32> to vector<16xi32>
      %gather3A_319 = tpu.dynamic_gather %min3A[%gather3A_318] in [0] : vector<16xi32>, vector<16xi32> -> vector<16xi32>
      %min3A_320 = arith.minsi %min3A, %gather3A_319 : vector<16xi32>
      %xor3A_321 = arith.constant 4 : i32
      %xor3A_322 = vector.broadcast %xor3A_321 : i32 to vector<16xi32>
      %xor3A_323 = arith.xori %iota3A, %xor3A_322 : vector<16xi32>
      %lt3A_324 = arith.constant 0 : i32
      %lt3A_325 = vector.broadcast %lt3A_324 : i32 to vector<16xi32>
      %lt3A_326 = arith.cmpi slt, %xor3A_323, %lt3A_325 : vector<16xi32>
      %add3A_327 = arith.constant 16 : i32
      %add3A_328 = vector.broadcast %add3A_327 : i32 to vector<16xi32>
      %add3A_329 = arith.addi %xor3A_323, %add3A_328 : vector<16xi32>
      %select_n3A_330 = arith.select %lt3A_326, %add3A_329, %xor3A_323 : vector<16xi1>, vector<16xi32>
      %broadcast_in_dim3A_331 = vector.shape_cast %select_n3A_330 : vector<16xi32> to vector<16x1xi32>
      %gather3A_332 = vector.shape_cast %broadcast_in_dim3A_331 : vector<16x1xi32> to vector<16xi32>
      %gather3A_333 = tpu.dynamic_gather %min3A_320[%gather3A_332] in [0] : vector<16xi32>, vector<16xi32> -> vector<16xi32>
      %min3A_334 = arith.minsi %min3A_320, %gather3A_333 : vector<16xi32>
      %xor3A_335 = arith.constant 8 : i32
      %xor3A_336 = vector.broadcast %xor3A_335 : i32 to vector<16xi32>
      %xor3A_337 = arith.xori %iota3A, %xor3A_336 : vector<16xi32>
      %lt3A_338 = arith.constant 0 : i32
      %lt3A_339 = vector.broadcast %lt3A_338 : i32 to vector<16xi32>
      %lt3A_340 = arith.cmpi slt, %xor3A_337, %lt3A_339 : vector<16xi32>
      %add3A_341 = arith.constant 16 : i32
      %add3A_342 = vector.broadcast %add3A_341 : i32 to vector<16xi32>
      %add3A_343 = arith.addi %xor3A_337, %add3A_342 : vector<16xi32>
      %select_n3A_344 = arith.select %lt3A_340, %add3A_343, %xor3A_337 : vector<16xi1>, vector<16xi32>
      %broadcast_in_dim3A_345 = vector.shape_cast %select_n3A_344 : vector<16xi32> to vector<16x1xi32>
      %gather3A_346 = vector.shape_cast %broadcast_in_dim3A_345 : vector<16x1xi32> to vector<16xi32>
      %gather3A_347 = tpu.dynamic_gather %min3A_334[%gather3A_346] in [0] : vector<16xi32>, vector<16xi32> -> vector<16xi32>
      %min3A_348 = arith.minsi %min3A_334, %gather3A_347 : vector<16xi32>
      %jit3A_349 = arith.constant 16 : i32
      %div3A_350 = arith.divsi %scan3A_221, %jit3A_349 : i32
      %sign3A_351 = arith.constant 0 : i32
      %sign3A_352 = arith.cmpi sgt, %scan3A_221, %sign3A_351 : i32
      %sign3A_353 = arith.extui %sign3A_352 : i1 to i32
      %sign3A_354 = arith.constant 0 : i32
      %sign3A_355 = arith.cmpi slt, %scan3A_221, %sign3A_354 : i32
      %sign3A_356 = arith.extui %sign3A_355 : i1 to i32
      %sign3A_357 = arith.subi %sign3A_353, %sign3A_356 : i32
      %sign3A_358 = arith.constant 0 : i32
      %sign3A_359 = arith.cmpi sgt, %jit3A_349, %sign3A_358 : i32
      %sign3A_360 = arith.extui %sign3A_359 : i1 to i32
      %sign3A_361 = arith.constant 0 : i32
      %sign3A_362 = arith.cmpi slt, %jit3A_349, %sign3A_361 : i32
      %sign3A_363 = arith.extui %sign3A_362 : i1 to i32
      %sign3A_364 = arith.subi %sign3A_360, %sign3A_363 : i32
      %ne3A_365 = arith.cmpi ne, %sign3A_357, %sign3A_364 : i32
      %rem3A_366 = arith.remsi %scan3A_221, %jit3A_349 : i32
      %ne3A_367 = arith.constant 0 : i32
      %ne3A_368 = arith.cmpi ne, %rem3A_366, %ne3A_367 : i32
      %and3A_369 = arith.andi %ne3A_365, %ne3A_368 : i1
      %sub3A_370 = arith.constant 1 : i32
      %sub3A_371 = arith.subi %div3A_350, %sub3A_370 : i32
      %select_n3A_372 = arith.select %and3A_369, %sub3A_371, %div3A_350 : i32
      %mul3A_373 = arith.constant 16 : i32
      %mul3A_374 = arith.muli %select_n3A_372, %mul3A_373 : i32
      %sub3A_375 = arith.subi %scan3A_221, %mul3A_374 : i32
      %broadcast_in_dim3A_376 = vector.broadcast %sub3A_375 : i32 to vector<16xi32>
      %get3A_377 = arith.index_cast %mul3A_374 : i32 to index
      %get3A_378 = tpu.vector_load %arg8[%get3A_377] {strides = array<i32>} : memref<384xi32, #tpu.memory_space<vmem>>, vector<16xi32>,
      %get3A_379 = vector.shape_cast %get3A_378 : vector<16xi32> to vector<16xi32>
      %eq3A_380 = arith.cmpi eq, %iota3A, %broadcast_in_dim3A_376 : vector<16xi32>
      %select_n3A_381 = arith.select %eq3A_380, %min3A_348, %get3A_379 : vector<16xi1>, vector<16xi32>
      %swap3A_382 = arith.index_cast %mul3A_374 : i32 to index
      %swap3A_383 = tpu.vector_load %arg8[%swap3A_382] {strides = array<i32>} : memref<384xi32, #tpu.memory_space<vmem>>, vector<16xi32>,
      %swap3A_384 = vector.shape_cast %swap3A_383 : vector<16xi32> to vector<16xi32>
      %swap3A_385 = vector.shape_cast %select_n3A_381 : vector<16xi32> to vector<16xi32>
      tpu.vector_store %arg8[%swap3A_382], %swap3A_385 {strides = array<i32>} : memref<384xi32, #tpu.memory_space<vmem>>, vector<16xi32>,
      %broadcast_in_dim3A_386 = vector.broadcast %scan3A_213 : f32 to vector<16xf32>
      %scan3A_387 = arith.constant 0 : i32
      %scan3A_388 = arith.constant 64 : i32
      %scan3A_389 = arith.addi %scan3A_387, %scan3A_388 : i32
      %scan3A_390 = arith.constant 1 : i32
      %scan3A_391:3 = scf.for %scan3A_569 = %scan3A_387 to %scan3A_389 step %scan3A_390 iter_args(%scan3A_570 = %broadcast_in_dim3A_386, %scan3A_571 = %broadcast_in_dim3A_386, %scan3A_572 = %broadcast_in_dim3A_386) -> (vector<16xf32>, vector<16xf32>, vector<16xf32>)  : i32 {
        %mul3A_573 = arith.constant 16 : i32
        %mul3A_574 = arith.muli %scan3A_569, %mul3A_573 : i32
        %mul3A_575 = arith.constant 16 : i32
        %mul3A_576 = arith.muli %scan3A_569, %mul3A_575 : i32
        %add3A_577 = vector.broadcast %mul3A_576 : i32 to vector<16xi32>
        %add3A_578 = arith.addi %iota3A, %add3A_577 : vector<16xi32>
        %eq3A_579 = arith.cmpi eq, %add3A_578, %min3A_348 : vector<16xi32>
        %get3A_580 = arith.index_cast %mul3A_574 : i32 to index
        %get3A_581 = tpu.vector_load %arg4[%get3A_580] {strides = array<i32>} : memref<1024xf32, #tpu.memory_space<vmem>>, vector<16xf32>,
        %get3A_582 = vector.shape_cast %get3A_581 : vector<16xf32> to vector<16xf32>
        %broadcast_in_dim3A_583 = vector.broadcast %scan3A_213 : f32 to vector<16xf32>
        %select_n3A_584 = arith.select %eq3A_579, %get3A_582, %broadcast_in_dim3A_583 : vector<16xi1>, vector<16xf32>
        %max3A_585 = arith.maximumf %scan3A_570, %select_n3A_584 : vector<16xf32>
        %get3A_586 = arith.index_cast %mul3A_574 : i32 to index
        %get3A_587 = tpu.vector_load %arg5[%get3A_586] {strides = array<i32>} : memref<1024xf32, #tpu.memory_space<vmem>>, vector<16xf32>,
        %get3A_588 = vector.shape_cast %get3A_587 : vector<16xf32> to vector<16xf32>
        %broadcast_in_dim3A_589 = vector.broadcast %scan3A_213 : f32 to vector<16xf32>
        %select_n3A_590 = arith.select %eq3A_579, %get3A_588, %broadcast_in_dim3A_589 : vector<16xi1>, vector<16xf32>
        %max3A_591 = arith.maximumf %scan3A_571, %select_n3A_590 : vector<16xf32>
        %get3A_592 = arith.index_cast %mul3A_574 : i32 to index
        %get3A_593 = tpu.vector_load %arg6[%get3A_592] {strides = array<i32>} : memref<1024xf32, #tpu.memory_space<vmem>>, vector<16xf32>,
        %get3A_594 = vector.shape_cast %get3A_593 : vector<16xf32> to vector<16xf32>
        %broadcast_in_dim3A_595 = vector.broadcast %scan3A_213 : f32 to vector<16xf32>
        %select_n3A_596 = arith.select %eq3A_579, %get3A_594, %broadcast_in_dim3A_595 : vector<16xi1>, vector<16xf32>
        %max3A_597 = arith.maximumf %scan3A_572, %select_n3A_596 : vector<16xf32>
        scf.yield %max3A_585, %max3A_591, %max3A_597 : vector<16xf32>, vector<16xf32>, vector<16xf32>
      }
      %scan3A_392 = arith.constant 64 : i32
      %xor3A_393 = arith.constant 1 : i32
      %xor3A_394 = vector.broadcast %xor3A_393 : i32 to vector<16xi32>
      %xor3A_395 = arith.xori %iota3A, %xor3A_394 : vector<16xi32>
      %lt3A_396 = arith.constant 0 : i32
      %lt3A_397 = vector.broadcast %lt3A_396 : i32 to vector<16xi32>
      %lt3A_398 = arith.cmpi slt, %xor3A_395, %lt3A_397 : vector<16xi32>
      %add3A_399 = arith.constant 16 : i32
      %add3A_400 = vector.broadcast %add3A_399 : i32 to vector<16xi32>
      %add3A_401 = arith.addi %xor3A_395, %add3A_400 : vector<16xi32>
      %select_n3A_402 = arith.select %lt3A_398, %add3A_401, %xor3A_395 : vector<16xi1>, vector<16xi32>
      %broadcast_in_dim3A_403 = vector.shape_cast %select_n3A_402 : vector<16xi32> to vector<16x1xi32>
      %gather3A_404 = vector.shape_cast %broadcast_in_dim3A_403 : vector<16x1xi32> to vector<16xi32>
      %gather3A_405 = tpu.dynamic_gather %scan3A_391#0[%gather3A_404] in [0] : vector<16xf32>, vector<16xi32> -> vector<16xf32>
      %max3A_406 = arith.maximumf %scan3A_391#0, %gather3A_405 : vector<16xf32>
      %xor3A_407 = arith.constant 2 : i32
      %xor3A_408 = vector.broadcast %xor3A_407 : i32 to vector<16xi32>
      %xor3A_409 = arith.xori %iota3A, %xor3A_408 : vector<16xi32>
      %lt3A_410 = arith.constant 0 : i32
      %lt3A_411 = vector.broadcast %lt3A_410 : i32 to vector<16xi32>
      %lt3A_412 = arith.cmpi slt, %xor3A_409, %lt3A_411 : vector<16xi32>
      %add3A_413 = arith.constant 16 : i32
      %add3A_414 = vector.broadcast %add3A_413 : i32 to vector<16xi32>
      %add3A_415 = arith.addi %xor3A_409, %add3A_414 : vector<16xi32>
      %select_n3A_416 = arith.select %lt3A_412, %add3A_415, %xor3A_409 : vector<16xi1>, vector<16xi32>
      %broadcast_in_dim3A_417 = vector.shape_cast %select_n3A_416 : vector<16xi32> to vector<16x1xi32>
      %gather3A_418 = vector.shape_cast %broadcast_in_dim3A_417 : vector<16x1xi32> to vector<16xi32>
      %gather3A_419 = tpu.dynamic_gather %max3A_406[%gather3A_418] in [0] : vector<16xf32>, vector<16xi32> -> vector<16xf32>
      %max3A_420 = arith.maximumf %max3A_406, %gather3A_419 : vector<16xf32>
      %xor3A_421 = arith.constant 4 : i32
      %xor3A_422 = vector.broadcast %xor3A_421 : i32 to vector<16xi32>
      %xor3A_423 = arith.xori %iota3A, %xor3A_422 : vector<16xi32>
      %lt3A_424 = arith.constant 0 : i32
      %lt3A_425 = vector.broadcast %lt3A_424 : i32 to vector<16xi32>
      %lt3A_426 = arith.cmpi slt, %xor3A_423, %lt3A_425 : vector<16xi32>
      %add3A_427 = arith.constant 16 : i32
      %add3A_428 = vector.broadcast %add3A_427 : i32 to vector<16xi32>
      %add3A_429 = arith.addi %xor3A_423, %add3A_428 : vector<16xi32>
      %select_n3A_430 = arith.select %lt3A_426, %add3A_429, %xor3A_423 : vector<16xi1>, vector<16xi32>
      %broadcast_in_dim3A_431 = vector.shape_cast %select_n3A_430 : vector<16xi32> to vector<16x1xi32>
      %gather3A_432 = vector.shape_cast %broadcast_in_dim3A_431 : vector<16x1xi32> to vector<16xi32>
      %gather3A_433 = tpu.dynamic_gather %max3A_420[%gather3A_432] in [0] : vector<16xf32>, vector<16xi32> -> vector<16xf32>
      %max3A_434 = arith.maximumf %max3A_420, %gather3A_433 : vector<16xf32>
      %xor3A_435 = arith.constant 8 : i32
      %xor3A_436 = vector.broadcast %xor3A_435 : i32 to vector<16xi32>
      %xor3A_437 = arith.xori %iota3A, %xor3A_436 : vector<16xi32>
      %lt3A_438 = arith.constant 0 : i32
      %lt3A_439 = vector.broadcast %lt3A_438 : i32 to vector<16xi32>
      %lt3A_440 = arith.cmpi slt, %xor3A_437, %lt3A_439 : vector<16xi32>
      %add3A_441 = arith.constant 16 : i32
      %add3A_442 = vector.broadcast %add3A_441 : i32 to vector<16xi32>
      %add3A_443 = arith.addi %xor3A_437, %add3A_442 : vector<16xi32>
      %select_n3A_444 = arith.select %lt3A_440, %add3A_443, %xor3A_437 : vector<16xi1>, vector<16xi32>
      %broadcast_in_dim3A_445 = vector.shape_cast %select_n3A_444 : vector<16xi32> to vector<16x1xi32>
      %gather3A_446 = vector.shape_cast %broadcast_in_dim3A_445 : vector<16x1xi32> to vector<16xi32>
      %gather3A_447 = tpu.dynamic_gather %max3A_434[%gather3A_446] in [0] : vector<16xf32>, vector<16xi32> -> vector<16xf32>
      %max3A_448 = arith.maximumf %max3A_434, %gather3A_447 : vector<16xf32>
      %xor3A_449 = arith.constant 1 : i32
      %xor3A_450 = vector.broadcast %xor3A_449 : i32 to vector<16xi32>
      %xor3A_451 = arith.xori %iota3A, %xor3A_450 : vector<16xi32>
      %lt3A_452 = arith.constant 0 : i32
      %lt3A_453 = vector.broadcast %lt3A_452 : i32 to vector<16xi32>
      %lt3A_454 = arith.cmpi slt, %xor3A_451, %lt3A_453 : vector<16xi32>
      %add3A_455 = arith.constant 16 : i32
      %add3A_456 = vector.broadcast %add3A_455 : i32 to vector<16xi32>
      %add3A_457 = arith.addi %xor3A_451, %add3A_456 : vector<16xi32>
      %select_n3A_458 = arith.select %lt3A_454, %add3A_457, %xor3A_451 : vector<16xi1>, vector<16xi32>
      %broadcast_in_dim3A_459 = vector.shape_cast %select_n3A_458 : vector<16xi32> to vector<16x1xi32>
      %gather3A_460 = vector.shape_cast %broadcast_in_dim3A_459 : vector<16x1xi32> to vector<16xi32>
      %gather3A_461 = tpu.dynamic_gather %scan3A_391#1[%gather3A_460] in [0] : vector<16xf32>, vector<16xi32> -> vector<16xf32>
      %max3A_462 = arith.maximumf %scan3A_391#1, %gather3A_461 : vector<16xf32>
      %xor3A_463 = arith.constant 2 : i32
      %xor3A_464 = vector.broadcast %xor3A_463 : i32 to vector<16xi32>
      %xor3A_465 = arith.xori %iota3A, %xor3A_464 : vector<16xi32>
      %lt3A_466 = arith.constant 0 : i32
      %lt3A_467 = vector.broadcast %lt3A_466 : i32 to vector<16xi32>
      %lt3A_468 = arith.cmpi slt, %xor3A_465, %lt3A_467 : vector<16xi32>
      %add3A_469 = arith.constant 16 : i32
      %add3A_470 = vector.broadcast %add3A_469 : i32 to vector<16xi32>
      %add3A_471 = arith.addi %xor3A_465, %add3A_470 : vector<16xi32>
      %select_n3A_472 = arith.select %lt3A_468, %add3A_471, %xor3A_465 : vector<16xi1>, vector<16xi32>
      %broadcast_in_dim3A_473 = vector.shape_cast %select_n3A_472 : vector<16xi32> to vector<16x1xi32>
      %gather3A_474 = vector.shape_cast %broadcast_in_dim3A_473 : vector<16x1xi32> to vector<16xi32>
      %gather3A_475 = tpu.dynamic_gather %max3A_462[%gather3A_474] in [0] : vector<16xf32>, vector<16xi32> -> vector<16xf32>
      %max3A_476 = arith.maximumf %max3A_462, %gather3A_475 : vector<16xf32>
      %xor3A_477 = arith.constant 4 : i32
      %xor3A_478 = vector.broadcast %xor3A_477 : i32 to vector<16xi32>
      %xor3A_479 = arith.xori %iota3A, %xor3A_478 : vector<16xi32>
      %lt3A_480 = arith.constant 0 : i32
      %lt3A_481 = vector.broadcast %lt3A_480 : i32 to vector<16xi32>
      %lt3A_482 = arith.cmpi slt, %xor3A_479, %lt3A_481 : vector<16xi32>
      %add3A_483 = arith.constant 16 : i32
      %add3A_484 = vector.broadcast %add3A_483 : i32 to vector<16xi32>
      %add3A_485 = arith.addi %xor3A_479, %add3A_484 : vector<16xi32>
      %select_n3A_486 = arith.select %lt3A_482, %add3A_485, %xor3A_479 : vector<16xi1>, vector<16xi32>
      %broadcast_in_dim3A_487 = vector.shape_cast %select_n3A_486 : vector<16xi32> to vector<16x1xi32>
      %gather3A_488 = vector.shape_cast %broadcast_in_dim3A_487 : vector<16x1xi32> to vector<16xi32>
      %gather3A_489 = tpu.dynamic_gather %max3A_476[%gather3A_488] in [0] : vector<16xf32>, vector<16xi32> -> vector<16xf32>
      %max3A_490 = arith.maximumf %max3A_476, %gather3A_489 : vector<16xf32>
      %xor3A_491 = arith.constant 8 : i32
      %xor3A_492 = vector.broadcast %xor3A_491 : i32 to vector<16xi32>
      %xor3A_493 = arith.xori %iota3A, %xor3A_492 : vector<16xi32>
      %lt3A_494 = arith.constant 0 : i32
      %lt3A_495 = vector.broadcast %lt3A_494 : i32 to vector<16xi32>
      %lt3A_496 = arith.cmpi slt, %xor3A_493, %lt3A_495 : vector<16xi32>
      %add3A_497 = arith.constant 16 : i32
      %add3A_498 = vector.broadcast %add3A_497 : i32 to vector<16xi32>
      %add3A_499 = arith.addi %xor3A_493, %add3A_498 : vector<16xi32>
      %select_n3A_500 = arith.select %lt3A_496, %add3A_499, %xor3A_493 : vector<16xi1>, vector<16xi32>
      %broadcast_in_dim3A_501 = vector.shape_cast %select_n3A_500 : vector<16xi32> to vector<16x1xi32>
      %gather3A_502 = vector.shape_cast %broadcast_in_dim3A_501 : vector<16x1xi32> to vector<16xi32>
      %gather3A_503 = tpu.dynamic_gather %max3A_490[%gather3A_502] in [0] : vector<16xf32>, vector<16xi32> -> vector<16xf32>
      %max3A_504 = arith.maximumf %max3A_490, %gather3A_503 : vector<16xf32>
      %xor3A_505 = arith.constant 1 : i32
      %xor3A_506 = vector.broadcast %xor3A_505 : i32 to vector<16xi32>
      %xor3A_507 = arith.xori %iota3A, %xor3A_506 : vector<16xi32>
      %lt3A_508 = arith.constant 0 : i32
      %lt3A_509 = vector.broadcast %lt3A_508 : i32 to vector<16xi32>
      %lt3A_510 = arith.cmpi slt, %xor3A_507, %lt3A_509 : vector<16xi32>
      %add3A_511 = arith.constant 16 : i32
      %add3A_512 = vector.broadcast %add3A_511 : i32 to vector<16xi32>
      %add3A_513 = arith.addi %xor3A_507, %add3A_512 : vector<16xi32>
      %select_n3A_514 = arith.select %lt3A_510, %add3A_513, %xor3A_507 : vector<16xi1>, vector<16xi32>
      %broadcast_in_dim3A_515 = vector.shape_cast %select_n3A_514 : vector<16xi32> to vector<16x1xi32>
      %gather3A_516 = vector.shape_cast %broadcast_in_dim3A_515 : vector<16x1xi32> to vector<16xi32>
      %gather3A_517 = tpu.dynamic_gather %scan3A_391#2[%gather3A_516] in [0] : vector<16xf32>, vector<16xi32> -> vector<16xf32>
      %max3A_518 = arith.maximumf %scan3A_391#2, %gather3A_517 : vector<16xf32>
      %xor3A_519 = arith.constant 2 : i32
      %xor3A_520 = vector.broadcast %xor3A_519 : i32 to vector<16xi32>
      %xor3A_521 = arith.xori %iota3A, %xor3A_520 : vector<16xi32>
      %lt3A_522 = arith.constant 0 : i32
      %lt3A_523 = vector.broadcast %lt3A_522 : i32 to vector<16xi32>
      %lt3A_524 = arith.cmpi slt, %xor3A_521, %lt3A_523 : vector<16xi32>
      %add3A_525 = arith.constant 16 : i32
      %add3A_526 = vector.broadcast %add3A_525 : i32 to vector<16xi32>
      %add3A_527 = arith.addi %xor3A_521, %add3A_526 : vector<16xi32>
      %select_n3A_528 = arith.select %lt3A_524, %add3A_527, %xor3A_521 : vector<16xi1>, vector<16xi32>
      %broadcast_in_dim3A_529 = vector.shape_cast %select_n3A_528 : vector<16xi32> to vector<16x1xi32>
      %gather3A_530 = vector.shape_cast %broadcast_in_dim3A_529 : vector<16x1xi32> to vector<16xi32>
      %gather3A_531 = tpu.dynamic_gather %max3A_518[%gather3A_530] in [0] : vector<16xf32>, vector<16xi32> -> vector<16xf32>
      %max3A_532 = arith.maximumf %max3A_518, %gather3A_531 : vector<16xf32>
      %xor3A_533 = arith.constant 4 : i32
      %xor3A_534 = vector.broadcast %xor3A_533 : i32 to vector<16xi32>
      %xor3A_535 = arith.xori %iota3A, %xor3A_534 : vector<16xi32>
      %lt3A_536 = arith.constant 0 : i32
      %lt3A_537 = vector.broadcast %lt3A_536 : i32 to vector<16xi32>
      %lt3A_538 = arith.cmpi slt, %xor3A_535, %lt3A_537 : vector<16xi32>
      %add3A_539 = arith.constant 16 : i32
      %add3A_540 = vector.broadcast %add3A_539 : i32 to vector<16xi32>
      %add3A_541 = arith.addi %xor3A_535, %add3A_540 : vector<16xi32>
      %select_n3A_542 = arith.select %lt3A_538, %add3A_541, %xor3A_535 : vector<16xi1>, vector<16xi32>
      %broadcast_in_dim3A_543 = vector.shape_cast %select_n3A_542 : vector<16xi32> to vector<16x1xi32>
      %gather3A_544 = vector.shape_cast %broadcast_in_dim3A_543 : vector<16x1xi32> to vector<16xi32>
      %gather3A_545 = tpu.dynamic_gather %max3A_532[%gather3A_544] in [0] : vector<16xf32>, vector<16xi32> -> vector<16xf32>
      %max3A_546 = arith.maximumf %max3A_532, %gather3A_545 : vector<16xf32>
      %xor3A_547 = arith.constant 8 : i32
      %xor3A_548 = vector.broadcast %xor3A_547 : i32 to vector<16xi32>
      %xor3A_549 = arith.xori %iota3A, %xor3A_548 : vector<16xi32>
      %lt3A_550 = arith.constant 0 : i32
      %lt3A_551 = vector.broadcast %lt3A_550 : i32 to vector<16xi32>
      %lt3A_552 = arith.cmpi slt, %xor3A_549, %lt3A_551 : vector<16xi32>
      %add3A_553 = arith.constant 16 : i32
      %add3A_554 = vector.broadcast %add3A_553 : i32 to vector<16xi32>
      %add3A_555 = arith.addi %xor3A_549, %add3A_554 : vector<16xi32>
      %select_n3A_556 = arith.select %lt3A_552, %add3A_555, %xor3A_549 : vector<16xi1>, vector<16xi32>
      %broadcast_in_dim3A_557 = vector.shape_cast %select_n3A_556 : vector<16xi32> to vector<16x1xi32>
      %gather3A_558 = vector.shape_cast %broadcast_in_dim3A_557 : vector<16x1xi32> to vector<16xi32>
      %gather3A_559 = tpu.dynamic_gather %max3A_546[%gather3A_558] in [0] : vector<16xf32>, vector<16xi32> -> vector<16xf32>
      %max3A_560 = arith.maximumf %max3A_546, %gather3A_559 : vector<16xf32>
      %scan3A_561 = arith.constant 0 : i32
      %scan3A_562 = arith.constant 0 : i32
      %scan3A_563 = arith.constant 64 : i32
      %scan3A_564 = arith.addi %scan3A_562, %scan3A_563 : i32
      %scan3A_565 = arith.constant 1 : i32
      %scan3A_566 = scf.for %scan3A_569 = %scan3A_562 to %scan3A_564 step %scan3A_565 iter_args(%scan3A_570 = %scan3A_561) -> (i32)  : i32 {
        %mul3A_571 = arith.constant 16 : i32
        %mul3A_572 = arith.muli %scan3A_569, %mul3A_571 : i32
        %get3A_573 = arith.index_cast %mul3A_572 : i32 to index
        %get3A_574 = tpu.vector_load %arg4[%get3A_573] {strides = array<i32>} : memref<1024xf32, #tpu.memory_space<vmem>>, vector<16xf32>,
        %get3A_575 = vector.shape_cast %get3A_574 : vector<16xf32> to vector<16xf32>
        %sub3A_576 = arith.subf %get3A_575, %max3A_448 : vector<16xf32>
        %get3A_577 = arith.index_cast %mul3A_572 : i32 to index
        %get3A_578 = tpu.vector_load %arg5[%get3A_577] {strides = array<i32>} : memref<1024xf32, #tpu.memory_space<vmem>>, vector<16xf32>,
        %get3A_579 = vector.shape_cast %get3A_578 : vector<16xf32> to vector<16xf32>
        %sub3A_580 = arith.subf %get3A_579, %max3A_504 : vector<16xf32>
        %get3A_581 = arith.index_cast %mul3A_572 : i32 to index
        %get3A_582 = tpu.vector_load %arg6[%get3A_581] {strides = array<i32>} : memref<1024xf32, #tpu.memory_space<vmem>>, vector<16xf32>,
        %get3A_583 = vector.shape_cast %get3A_582 : vector<16xf32> to vector<16xf32>
        %sub3A_584 = arith.subf %get3A_583, %max3A_560 : vector<16xf32>
        %get3A_585 = arith.index_cast %mul3A_572 : i32 to index
        %get3A_586 = tpu.vector_load %arg7[%get3A_585] {strides = array<i32>} : memref<1024xf32, #tpu.memory_space<vmem>>, vector<16xf32>,
        %get3A_587 = vector.shape_cast %get3A_586 : vector<16xf32> to vector<16xf32>
        %mul3A_588 = arith.mulf %sub3A_576, %sub3A_576 : vector<16xf32>
        %mul3A_589 = arith.mulf %sub3A_580, %sub3A_580 : vector<16xf32>
        %add3A_590 = arith.addf %mul3A_588, %mul3A_589 : vector<16xf32>
        %mul3A_591 = arith.mulf %sub3A_584, %sub3A_584 : vector<16xf32>
        %add3A_592 = arith.addf %add3A_590, %mul3A_591 : vector<16xf32>
        %min3A_593 = arith.minimumf %get3A_587, %add3A_592 : vector<16xf32>
        %swap3A_594 = arith.index_cast %mul3A_572 : i32 to index
        %swap3A_595 = tpu.vector_load %arg7[%swap3A_594] {strides = array<i32>} : memref<1024xf32, #tpu.memory_space<vmem>>, vector<16xf32>,
        %swap3A_596 = vector.shape_cast %swap3A_595 : vector<16xf32> to vector<16xf32>
        %swap3A_597 = vector.shape_cast %min3A_593 : vector<16xf32> to vector<16xf32>
        tpu.vector_store %arg7[%swap3A_594], %swap3A_597 {strides = array<i32>} : memref<1024xf32, #tpu.memory_space<vmem>>, vector<16xf32>,
        %scan3A_598 = arith.constant 0 : i32
        scf.yield %scan3A_598 : i32
      }
      %scan3A_567 = arith.constant 64 : i32
      %scan3A_568 = arith.constant 0 : i32
      scf.yield %scan3A_568 : i32
    }
    %scan3A_220 = arith.constant 383 : i32
    "tpu.region"() ({
      %run_scoped3A_221 = tpu.sem_alloc : memref<!tpu.dma_semaphore, #tpu.memory_space<semaphore_mem>>
      %dma_start3A = arith.constant 0 : i32
      %dma_start3A_222 = tpu.memref_slice %arg3[%add3A, %dma_start3A] : memref<32x384xi32, #tpu.memory_space<hbm>> -> memref<1x384xi32, #tpu.memory_space<hbm>>
      %dma_start3A_223 = tpu.memref_squeeze %dma_start3A_222 : memref<1x384xi32, #tpu.memory_space<hbm>> -> memref<384xi32, #tpu.memory_space<hbm>>
      %dma_start3A_224 = arith.constant 0 : i32
      %dma_start3A_225 = tpu.memref_slice %arg3[%add3A, %dma_start3A_224] : memref<32x384xi32, #tpu.memory_space<hbm>> -> memref<1x384xi32, #tpu.memory_space<hbm>>
      %dma_start3A_226 = tpu.memref_squeeze %dma_start3A_225 : memref<1x384xi32, #tpu.memory_space<hbm>> -> memref<384xi32, #tpu.memory_space<hbm>>
      tpu.enqueue_dma source(%arg8 : memref<384xi32, #tpu.memory_space<vmem>>) target(%dma_start3A_226 : memref<384xi32, #tpu.memory_space<hbm>>) target_semaphore(%run_scoped3A_221 : memref<!tpu.dma_semaphore, #tpu.memory_space<semaphore_mem>>)
      %dma_wait3A = arith.constant 0 : i32
      %dma_wait3A_227 = tpu.memref_slice %arg3[%add3A, %dma_wait3A] : memref<32x384xi32, #tpu.memory_space<hbm>> -> memref<1x384xi32, #tpu.memory_space<hbm>>
      %dma_wait3A_228 = tpu.memref_squeeze %dma_wait3A_227 : memref<1x384xi32, #tpu.memory_space<hbm>> -> memref<384xi32, #tpu.memory_space<hbm>>
      %dma_wait3A_229 = arith.constant 0 : i32
      %dma_wait3A_230 = tpu.memref_slice %arg3[%add3A, %dma_wait3A_229] : memref<32x384xi32, #tpu.memory_space<hbm>> -> memref<1x384xi32, #tpu.memory_space<hbm>>
      %dma_wait3A_231 = tpu.memref_squeeze %dma_wait3A_230 : memref<1x384xi32, #tpu.memory_space<hbm>> -> memref<384xi32, #tpu.memory_space<hbm>>
      tpu.wait_dma2 semaphore(%run_scoped3A_221 : memref<!tpu.dma_semaphore, #tpu.memory_space<semaphore_mem>>) src(%arg8 : memref<384xi32, #tpu.memory_space<vmem>>) dst(%dma_wait3A_231 : memref<384xi32, #tpu.memory_space<hbm>>)
      tpu.yield
    }) : () -> ()
    return
  }
}

#map = affine_map<(d0, d1) -> (0, 0, 0)>
#map1 = affine_map<(d0, d1) -> (0, 0)>
module attributes {stable_mosaic.version = 14 : i64} {
  func.func @_fps_sc_body(%arg0: i32, %arg1: i32, %arg2: memref<32x3x384xf32, #tpu.memory_space<hbm>>, %arg3: memref<32x136xi32, #tpu.memory_space<hbm>>, %arg4: memref<384xf32, #tpu.memory_space<vmem>>, %arg5: memref<384xf32, #tpu.memory_space<vmem>>, %arg6: memref<384xf32, #tpu.memory_space<vmem>>, %arg7: memref<384xf32, #tpu.memory_space<vmem>>, %arg8: memref<136xi32, #tpu.memory_space<vmem>>) attributes {dimension_semantics = [#tpu.dimension_semantics<core_parallel>, #tpu.dimension_semantics<subcore_parallel>], iteration_bounds = array<i64: 2, 16>, scalar_prefetch = 0 : i64, scratch_operands = 5 : i64, tpu.core_type = #tpu.core_type<sc_vector_subcore>, window_params = [{transform_indices = #map}, {transform_indices = #map1}]} {
    %mul3A = arith.constant 16 : i32
    %mul3A_0 = arith.muli %arg0, %mul3A : i32
    %add3A = arith.addi %mul3A_0, %arg1 : i32
    %run_scoped3A = arith.constant 0 : i32
    "tpu.region"() ({
      %run_scoped3A_221 = tpu.sem_alloc : memref<!tpu.dma_semaphore, #tpu.memory_space<semaphore_mem>>
      %dma_start3A = arith.constant 0 : i32
      %dma_start3A_222 = tpu.memref_slice %arg2[%add3A, %run_scoped3A, %dma_start3A] : memref<32x3x384xf32, #tpu.memory_space<hbm>> -> memref<1x1x384xf32, #tpu.memory_space<hbm>>
      %dma_start3A_223 = tpu.memref_squeeze %dma_start3A_222 : memref<1x1x384xf32, #tpu.memory_space<hbm>> -> memref<384xf32, #tpu.memory_space<hbm>>
      %dma_start3A_224 = arith.constant 0 : i32
      %dma_start3A_225 = tpu.memref_slice %arg2[%add3A, %run_scoped3A, %dma_start3A_224] : memref<32x3x384xf32, #tpu.memory_space<hbm>> -> memref<1x1x384xf32, #tpu.memory_space<hbm>>
      %dma_start3A_226 = tpu.memref_squeeze %dma_start3A_225 : memref<1x1x384xf32, #tpu.memory_space<hbm>> -> memref<384xf32, #tpu.memory_space<hbm>>
      tpu.enqueue_dma source(%dma_start3A_226 : memref<384xf32, #tpu.memory_space<hbm>>) target(%arg4 : memref<384xf32, #tpu.memory_space<vmem>>) target_semaphore(%run_scoped3A_221 : memref<!tpu.dma_semaphore, #tpu.memory_space<semaphore_mem>>)
      %dma_wait3A = arith.constant 0 : i32
      %dma_wait3A_227 = tpu.memref_slice %arg2[%add3A, %run_scoped3A, %dma_wait3A] : memref<32x3x384xf32, #tpu.memory_space<hbm>> -> memref<1x1x384xf32, #tpu.memory_space<hbm>>
      %dma_wait3A_228 = tpu.memref_squeeze %dma_wait3A_227 : memref<1x1x384xf32, #tpu.memory_space<hbm>> -> memref<384xf32, #tpu.memory_space<hbm>>
      %dma_wait3A_229 = arith.constant 0 : i32
      %dma_wait3A_230 = tpu.memref_slice %arg2[%add3A, %run_scoped3A, %dma_wait3A_229] : memref<32x3x384xf32, #tpu.memory_space<hbm>> -> memref<1x1x384xf32, #tpu.memory_space<hbm>>
      %dma_wait3A_231 = tpu.memref_squeeze %dma_wait3A_230 : memref<1x1x384xf32, #tpu.memory_space<hbm>> -> memref<384xf32, #tpu.memory_space<hbm>>
      tpu.wait_dma2 semaphore(%run_scoped3A_221 : memref<!tpu.dma_semaphore, #tpu.memory_space<semaphore_mem>>) src(%dma_wait3A_231 : memref<384xf32, #tpu.memory_space<hbm>>) dst(%arg4 : memref<384xf32, #tpu.memory_space<vmem>>)
      tpu.yield
    }) : () -> ()
    %run_scoped3A_1 = arith.constant 1 : i32
    "tpu.region"() ({
      %run_scoped3A_221 = tpu.sem_alloc : memref<!tpu.dma_semaphore, #tpu.memory_space<semaphore_mem>>
      %dma_start3A = arith.constant 0 : i32
      %dma_start3A_222 = tpu.memref_slice %arg2[%add3A, %run_scoped3A_1, %dma_start3A] : memref<32x3x384xf32, #tpu.memory_space<hbm>> -> memref<1x1x384xf32, #tpu.memory_space<hbm>>
      %dma_start3A_223 = tpu.memref_squeeze %dma_start3A_222 : memref<1x1x384xf32, #tpu.memory_space<hbm>> -> memref<384xf32, #tpu.memory_space<hbm>>
      %dma_start3A_224 = arith.constant 0 : i32
      %dma_start3A_225 = tpu.memref_slice %arg2[%add3A, %run_scoped3A_1, %dma_start3A_224] : memref<32x3x384xf32, #tpu.memory_space<hbm>> -> memref<1x1x384xf32, #tpu.memory_space<hbm>>
      %dma_start3A_226 = tpu.memref_squeeze %dma_start3A_225 : memref<1x1x384xf32, #tpu.memory_space<hbm>> -> memref<384xf32, #tpu.memory_space<hbm>>
      tpu.enqueue_dma source(%dma_start3A_226 : memref<384xf32, #tpu.memory_space<hbm>>) target(%arg5 : memref<384xf32, #tpu.memory_space<vmem>>) target_semaphore(%run_scoped3A_221 : memref<!tpu.dma_semaphore, #tpu.memory_space<semaphore_mem>>)
      %dma_wait3A = arith.constant 0 : i32
      %dma_wait3A_227 = tpu.memref_slice %arg2[%add3A, %run_scoped3A_1, %dma_wait3A] : memref<32x3x384xf32, #tpu.memory_space<hbm>> -> memref<1x1x384xf32, #tpu.memory_space<hbm>>
      %dma_wait3A_228 = tpu.memref_squeeze %dma_wait3A_227 : memref<1x1x384xf32, #tpu.memory_space<hbm>> -> memref<384xf32, #tpu.memory_space<hbm>>
      %dma_wait3A_229 = arith.constant 0 : i32
      %dma_wait3A_230 = tpu.memref_slice %arg2[%add3A, %run_scoped3A_1, %dma_wait3A_229] : memref<32x3x384xf32, #tpu.memory_space<hbm>> -> memref<1x1x384xf32, #tpu.memory_space<hbm>>
      %dma_wait3A_231 = tpu.memref_squeeze %dma_wait3A_230 : memref<1x1x384xf32, #tpu.memory_space<hbm>> -> memref<384xf32, #tpu.memory_space<hbm>>
      tpu.wait_dma2 semaphore(%run_scoped3A_221 : memref<!tpu.dma_semaphore, #tpu.memory_space<semaphore_mem>>) src(%dma_wait3A_231 : memref<384xf32, #tpu.memory_space<hbm>>) dst(%arg5 : memref<384xf32, #tpu.memory_space<vmem>>)
      tpu.yield
    }) : () -> ()
    %run_scoped3A_2 = arith.constant 2 : i32
    "tpu.region"() ({
      %run_scoped3A_221 = tpu.sem_alloc : memref<!tpu.dma_semaphore, #tpu.memory_space<semaphore_mem>>
      %dma_start3A = arith.constant 0 : i32
      %dma_start3A_222 = tpu.memref_slice %arg2[%add3A, %run_scoped3A_2, %dma_start3A] : memref<32x3x384xf32, #tpu.memory_space<hbm>> -> memref<1x1x384xf32, #tpu.memory_space<hbm>>
      %dma_start3A_223 = tpu.memref_squeeze %dma_start3A_222 : memref<1x1x384xf32, #tpu.memory_space<hbm>> -> memref<384xf32, #tpu.memory_space<hbm>>
      %dma_start3A_224 = arith.constant 0 : i32
      %dma_start3A_225 = tpu.memref_slice %arg2[%add3A, %run_scoped3A_2, %dma_start3A_224] : memref<32x3x384xf32, #tpu.memory_space<hbm>> -> memref<1x1x384xf32, #tpu.memory_space<hbm>>
      %dma_start3A_226 = tpu.memref_squeeze %dma_start3A_225 : memref<1x1x384xf32, #tpu.memory_space<hbm>> -> memref<384xf32, #tpu.memory_space<hbm>>
      tpu.enqueue_dma source(%dma_start3A_226 : memref<384xf32, #tpu.memory_space<hbm>>) target(%arg6 : memref<384xf32, #tpu.memory_space<vmem>>) target_semaphore(%run_scoped3A_221 : memref<!tpu.dma_semaphore, #tpu.memory_space<semaphore_mem>>)
      %dma_wait3A = arith.constant 0 : i32
      %dma_wait3A_227 = tpu.memref_slice %arg2[%add3A, %run_scoped3A_2, %dma_wait3A] : memref<32x3x384xf32, #tpu.memory_space<hbm>> -> memref<1x1x384xf32, #tpu.memory_space<hbm>>
      %dma_wait3A_228 = tpu.memref_squeeze %dma_wait3A_227 : memref<1x1x384xf32, #tpu.memory_space<hbm>> -> memref<384xf32, #tpu.memory_space<hbm>>
      %dma_wait3A_229 = arith.constant 0 : i32
      %dma_wait3A_230 = tpu.memref_slice %arg2[%add3A, %run_scoped3A_2, %dma_wait3A_229] : memref<32x3x384xf32, #tpu.memory_space<hbm>> -> memref<1x1x384xf32, #tpu.memory_space<hbm>>
      %dma_wait3A_231 = tpu.memref_squeeze %dma_wait3A_230 : memref<1x1x384xf32, #tpu.memory_space<hbm>> -> memref<384xf32, #tpu.memory_space<hbm>>
      tpu.wait_dma2 semaphore(%run_scoped3A_221 : memref<!tpu.dma_semaphore, #tpu.memory_space<semaphore_mem>>) src(%dma_wait3A_231 : memref<384xf32, #tpu.memory_space<hbm>>) dst(%arg6 : memref<384xf32, #tpu.memory_space<vmem>>)
      tpu.yield
    }) : () -> ()
    %iota3A = tpu.iota {dimensions = array<i32: 0>} : vector<16xi32>
    %broadcast_in_dim3A = arith.constant 0 : i32
    %broadcast_in_dim3A_3 = vector.broadcast %broadcast_in_dim3A : i32 to vector<16xi32>
    %broadcast_in_dim3A_4 = arith.constant -3.000000e+38 : f32
    %broadcast_in_dim3A_5 = vector.broadcast %broadcast_in_dim3A_4 : f32 to vector<16xf32>
    %scan3A = arith.constant -3.000000e+38 : f32
    %scan3A_6 = arith.constant 0 : i32
    %scan3A_7 = arith.constant 24 : i32
    %scan3A_8 = arith.addi %scan3A_6, %scan3A_7 : i32
    %scan3A_9 = arith.constant 1 : i32
    %scan3A_10:3 = scf.for %scan3A_221 = %scan3A_6 to %scan3A_8 step %scan3A_9 iter_args(%scan3A_222 = %broadcast_in_dim3A_5, %scan3A_223 = %broadcast_in_dim3A_5, %scan3A_224 = %broadcast_in_dim3A_5) -> (vector<16xf32>, vector<16xf32>, vector<16xf32>)  : i32 {
      %mul3A_225 = arith.constant 16 : i32
      %mul3A_226 = arith.muli %scan3A_221, %mul3A_225 : i32
      %mul3A_227 = arith.constant 16 : i32
      %mul3A_228 = arith.muli %scan3A_221, %mul3A_227 : i32
      %add3A_229 = vector.broadcast %mul3A_228 : i32 to vector<16xi32>
      %add3A_230 = arith.addi %iota3A, %add3A_229 : vector<16xi32>
      %eq3A_231 = arith.cmpi eq, %add3A_230, %broadcast_in_dim3A_3 : vector<16xi32>
      %get3A_232 = arith.index_cast %mul3A_226 : i32 to index
      %get3A_233 = tpu.vector_load %arg4[%get3A_232] {strides = array<i32>} : memref<384xf32, #tpu.memory_space<vmem>>, vector<16xf32>,
      %get3A_234 = vector.shape_cast %get3A_233 : vector<16xf32> to vector<16xf32>
      %broadcast_in_dim3A_235 = vector.broadcast %scan3A : f32 to vector<16xf32>
      %select_n3A_236 = arith.select %eq3A_231, %get3A_234, %broadcast_in_dim3A_235 : vector<16xi1>, vector<16xf32>
      %max3A_237 = arith.maximumf %scan3A_222, %select_n3A_236 : vector<16xf32>
      %get3A_238 = arith.index_cast %mul3A_226 : i32 to index
      %get3A_239 = tpu.vector_load %arg5[%get3A_238] {strides = array<i32>} : memref<384xf32, #tpu.memory_space<vmem>>, vector<16xf32>,
      %get3A_240 = vector.shape_cast %get3A_239 : vector<16xf32> to vector<16xf32>
      %broadcast_in_dim3A_241 = vector.broadcast %scan3A : f32 to vector<16xf32>
      %select_n3A_242 = arith.select %eq3A_231, %get3A_240, %broadcast_in_dim3A_241 : vector<16xi1>, vector<16xf32>
      %max3A_243 = arith.maximumf %scan3A_223, %select_n3A_242 : vector<16xf32>
      %get3A_244 = arith.index_cast %mul3A_226 : i32 to index
      %get3A_245 = tpu.vector_load %arg6[%get3A_244] {strides = array<i32>} : memref<384xf32, #tpu.memory_space<vmem>>, vector<16xf32>,
      %get3A_246 = vector.shape_cast %get3A_245 : vector<16xf32> to vector<16xf32>
      %broadcast_in_dim3A_247 = vector.broadcast %scan3A : f32 to vector<16xf32>
      %select_n3A_248 = arith.select %eq3A_231, %get3A_246, %broadcast_in_dim3A_247 : vector<16xi1>, vector<16xf32>
      %max3A_249 = arith.maximumf %scan3A_224, %select_n3A_248 : vector<16xf32>
      scf.yield %max3A_237, %max3A_243, %max3A_249 : vector<16xf32>, vector<16xf32>, vector<16xf32>
    }
    %scan3A_11 = arith.constant 24 : i32
    %xor3A = arith.constant 1 : i32
    %xor3A_12 = vector.broadcast %xor3A : i32 to vector<16xi32>
    %xor3A_13 = arith.xori %iota3A, %xor3A_12 : vector<16xi32>
    %lt3A = arith.constant 0 : i32
    %lt3A_14 = vector.broadcast %lt3A : i32 to vector<16xi32>
    %lt3A_15 = arith.cmpi slt, %xor3A_13, %lt3A_14 : vector<16xi32>
    %add3A_16 = arith.constant 16 : i32
    %add3A_17 = vector.broadcast %add3A_16 : i32 to vector<16xi32>
    %add3A_18 = arith.addi %xor3A_13, %add3A_17 : vector<16xi32>
    %select_n3A = arith.select %lt3A_15, %add3A_18, %xor3A_13 : vector<16xi1>, vector<16xi32>
    %broadcast_in_dim3A_19 = vector.shape_cast %select_n3A : vector<16xi32> to vector<16x1xi32>
    %gather3A = vector.shape_cast %broadcast_in_dim3A_19 : vector<16x1xi32> to vector<16xi32>
    %gather3A_20 = tpu.dynamic_gather %scan3A_10#0[%gather3A] in [0] : vector<16xf32>, vector<16xi32> -> vector<16xf32>
    %max3A = arith.maximumf %scan3A_10#0, %gather3A_20 : vector<16xf32>
    %xor3A_21 = arith.constant 2 : i32
    %xor3A_22 = vector.broadcast %xor3A_21 : i32 to vector<16xi32>
    %xor3A_23 = arith.xori %iota3A, %xor3A_22 : vector<16xi32>
    %lt3A_24 = arith.constant 0 : i32
    %lt3A_25 = vector.broadcast %lt3A_24 : i32 to vector<16xi32>
    %lt3A_26 = arith.cmpi slt, %xor3A_23, %lt3A_25 : vector<16xi32>
    %add3A_27 = arith.constant 16 : i32
    %add3A_28 = vector.broadcast %add3A_27 : i32 to vector<16xi32>
    %add3A_29 = arith.addi %xor3A_23, %add3A_28 : vector<16xi32>
    %select_n3A_30 = arith.select %lt3A_26, %add3A_29, %xor3A_23 : vector<16xi1>, vector<16xi32>
    %broadcast_in_dim3A_31 = vector.shape_cast %select_n3A_30 : vector<16xi32> to vector<16x1xi32>
    %gather3A_32 = vector.shape_cast %broadcast_in_dim3A_31 : vector<16x1xi32> to vector<16xi32>
    %gather3A_33 = tpu.dynamic_gather %max3A[%gather3A_32] in [0] : vector<16xf32>, vector<16xi32> -> vector<16xf32>
    %max3A_34 = arith.maximumf %max3A, %gather3A_33 : vector<16xf32>
    %xor3A_35 = arith.constant 4 : i32
    %xor3A_36 = vector.broadcast %xor3A_35 : i32 to vector<16xi32>
    %xor3A_37 = arith.xori %iota3A, %xor3A_36 : vector<16xi32>
    %lt3A_38 = arith.constant 0 : i32
    %lt3A_39 = vector.broadcast %lt3A_38 : i32 to vector<16xi32>
    %lt3A_40 = arith.cmpi slt, %xor3A_37, %lt3A_39 : vector<16xi32>
    %add3A_41 = arith.constant 16 : i32
    %add3A_42 = vector.broadcast %add3A_41 : i32 to vector<16xi32>
    %add3A_43 = arith.addi %xor3A_37, %add3A_42 : vector<16xi32>
    %select_n3A_44 = arith.select %lt3A_40, %add3A_43, %xor3A_37 : vector<16xi1>, vector<16xi32>
    %broadcast_in_dim3A_45 = vector.shape_cast %select_n3A_44 : vector<16xi32> to vector<16x1xi32>
    %gather3A_46 = vector.shape_cast %broadcast_in_dim3A_45 : vector<16x1xi32> to vector<16xi32>
    %gather3A_47 = tpu.dynamic_gather %max3A_34[%gather3A_46] in [0] : vector<16xf32>, vector<16xi32> -> vector<16xf32>
    %max3A_48 = arith.maximumf %max3A_34, %gather3A_47 : vector<16xf32>
    %xor3A_49 = arith.constant 8 : i32
    %xor3A_50 = vector.broadcast %xor3A_49 : i32 to vector<16xi32>
    %xor3A_51 = arith.xori %iota3A, %xor3A_50 : vector<16xi32>
    %lt3A_52 = arith.constant 0 : i32
    %lt3A_53 = vector.broadcast %lt3A_52 : i32 to vector<16xi32>
    %lt3A_54 = arith.cmpi slt, %xor3A_51, %lt3A_53 : vector<16xi32>
    %add3A_55 = arith.constant 16 : i32
    %add3A_56 = vector.broadcast %add3A_55 : i32 to vector<16xi32>
    %add3A_57 = arith.addi %xor3A_51, %add3A_56 : vector<16xi32>
    %select_n3A_58 = arith.select %lt3A_54, %add3A_57, %xor3A_51 : vector<16xi1>, vector<16xi32>
    %broadcast_in_dim3A_59 = vector.shape_cast %select_n3A_58 : vector<16xi32> to vector<16x1xi32>
    %gather3A_60 = vector.shape_cast %broadcast_in_dim3A_59 : vector<16x1xi32> to vector<16xi32>
    %gather3A_61 = tpu.dynamic_gather %max3A_48[%gather3A_60] in [0] : vector<16xf32>, vector<16xi32> -> vector<16xf32>
    %max3A_62 = arith.maximumf %max3A_48, %gather3A_61 : vector<16xf32>
    %xor3A_63 = arith.constant 1 : i32
    %xor3A_64 = vector.broadcast %xor3A_63 : i32 to vector<16xi32>
    %xor3A_65 = arith.xori %iota3A, %xor3A_64 : vector<16xi32>
    %lt3A_66 = arith.constant 0 : i32
    %lt3A_67 = vector.broadcast %lt3A_66 : i32 to vector<16xi32>
    %lt3A_68 = arith.cmpi slt, %xor3A_65, %lt3A_67 : vector<16xi32>
    %add3A_69 = arith.constant 16 : i32
    %add3A_70 = vector.broadcast %add3A_69 : i32 to vector<16xi32>
    %add3A_71 = arith.addi %xor3A_65, %add3A_70 : vector<16xi32>
    %select_n3A_72 = arith.select %lt3A_68, %add3A_71, %xor3A_65 : vector<16xi1>, vector<16xi32>
    %broadcast_in_dim3A_73 = vector.shape_cast %select_n3A_72 : vector<16xi32> to vector<16x1xi32>
    %gather3A_74 = vector.shape_cast %broadcast_in_dim3A_73 : vector<16x1xi32> to vector<16xi32>
    %gather3A_75 = tpu.dynamic_gather %scan3A_10#1[%gather3A_74] in [0] : vector<16xf32>, vector<16xi32> -> vector<16xf32>
    %max3A_76 = arith.maximumf %scan3A_10#1, %gather3A_75 : vector<16xf32>
    %xor3A_77 = arith.constant 2 : i32
    %xor3A_78 = vector.broadcast %xor3A_77 : i32 to vector<16xi32>
    %xor3A_79 = arith.xori %iota3A, %xor3A_78 : vector<16xi32>
    %lt3A_80 = arith.constant 0 : i32
    %lt3A_81 = vector.broadcast %lt3A_80 : i32 to vector<16xi32>
    %lt3A_82 = arith.cmpi slt, %xor3A_79, %lt3A_81 : vector<16xi32>
    %add3A_83 = arith.constant 16 : i32
    %add3A_84 = vector.broadcast %add3A_83 : i32 to vector<16xi32>
    %add3A_85 = arith.addi %xor3A_79, %add3A_84 : vector<16xi32>
    %select_n3A_86 = arith.select %lt3A_82, %add3A_85, %xor3A_79 : vector<16xi1>, vector<16xi32>
    %broadcast_in_dim3A_87 = vector.shape_cast %select_n3A_86 : vector<16xi32> to vector<16x1xi32>
    %gather3A_88 = vector.shape_cast %broadcast_in_dim3A_87 : vector<16x1xi32> to vector<16xi32>
    %gather3A_89 = tpu.dynamic_gather %max3A_76[%gather3A_88] in [0] : vector<16xf32>, vector<16xi32> -> vector<16xf32>
    %max3A_90 = arith.maximumf %max3A_76, %gather3A_89 : vector<16xf32>
    %xor3A_91 = arith.constant 4 : i32
    %xor3A_92 = vector.broadcast %xor3A_91 : i32 to vector<16xi32>
    %xor3A_93 = arith.xori %iota3A, %xor3A_92 : vector<16xi32>
    %lt3A_94 = arith.constant 0 : i32
    %lt3A_95 = vector.broadcast %lt3A_94 : i32 to vector<16xi32>
    %lt3A_96 = arith.cmpi slt, %xor3A_93, %lt3A_95 : vector<16xi32>
    %add3A_97 = arith.constant 16 : i32
    %add3A_98 = vector.broadcast %add3A_97 : i32 to vector<16xi32>
    %add3A_99 = arith.addi %xor3A_93, %add3A_98 : vector<16xi32>
    %select_n3A_100 = arith.select %lt3A_96, %add3A_99, %xor3A_93 : vector<16xi1>, vector<16xi32>
    %broadcast_in_dim3A_101 = vector.shape_cast %select_n3A_100 : vector<16xi32> to vector<16x1xi32>
    %gather3A_102 = vector.shape_cast %broadcast_in_dim3A_101 : vector<16x1xi32> to vector<16xi32>
    %gather3A_103 = tpu.dynamic_gather %max3A_90[%gather3A_102] in [0] : vector<16xf32>, vector<16xi32> -> vector<16xf32>
    %max3A_104 = arith.maximumf %max3A_90, %gather3A_103 : vector<16xf32>
    %xor3A_105 = arith.constant 8 : i32
    %xor3A_106 = vector.broadcast %xor3A_105 : i32 to vector<16xi32>
    %xor3A_107 = arith.xori %iota3A, %xor3A_106 : vector<16xi32>
    %lt3A_108 = arith.constant 0 : i32
    %lt3A_109 = vector.broadcast %lt3A_108 : i32 to vector<16xi32>
    %lt3A_110 = arith.cmpi slt, %xor3A_107, %lt3A_109 : vector<16xi32>
    %add3A_111 = arith.constant 16 : i32
    %add3A_112 = vector.broadcast %add3A_111 : i32 to vector<16xi32>
    %add3A_113 = arith.addi %xor3A_107, %add3A_112 : vector<16xi32>
    %select_n3A_114 = arith.select %lt3A_110, %add3A_113, %xor3A_107 : vector<16xi1>, vector<16xi32>
    %broadcast_in_dim3A_115 = vector.shape_cast %select_n3A_114 : vector<16xi32> to vector<16x1xi32>
    %gather3A_116 = vector.shape_cast %broadcast_in_dim3A_115 : vector<16x1xi32> to vector<16xi32>
    %gather3A_117 = tpu.dynamic_gather %max3A_104[%gather3A_116] in [0] : vector<16xf32>, vector<16xi32> -> vector<16xf32>
    %max3A_118 = arith.maximumf %max3A_104, %gather3A_117 : vector<16xf32>
    %xor3A_119 = arith.constant 1 : i32
    %xor3A_120 = vector.broadcast %xor3A_119 : i32 to vector<16xi32>
    %xor3A_121 = arith.xori %iota3A, %xor3A_120 : vector<16xi32>
    %lt3A_122 = arith.constant 0 : i32
    %lt3A_123 = vector.broadcast %lt3A_122 : i32 to vector<16xi32>
    %lt3A_124 = arith.cmpi slt, %xor3A_121, %lt3A_123 : vector<16xi32>
    %add3A_125 = arith.constant 16 : i32
    %add3A_126 = vector.broadcast %add3A_125 : i32 to vector<16xi32>
    %add3A_127 = arith.addi %xor3A_121, %add3A_126 : vector<16xi32>
    %select_n3A_128 = arith.select %lt3A_124, %add3A_127, %xor3A_121 : vector<16xi1>, vector<16xi32>
    %broadcast_in_dim3A_129 = vector.shape_cast %select_n3A_128 : vector<16xi32> to vector<16x1xi32>
    %gather3A_130 = vector.shape_cast %broadcast_in_dim3A_129 : vector<16x1xi32> to vector<16xi32>
    %gather3A_131 = tpu.dynamic_gather %scan3A_10#2[%gather3A_130] in [0] : vector<16xf32>, vector<16xi32> -> vector<16xf32>
    %max3A_132 = arith.maximumf %scan3A_10#2, %gather3A_131 : vector<16xf32>
    %xor3A_133 = arith.constant 2 : i32
    %xor3A_134 = vector.broadcast %xor3A_133 : i32 to vector<16xi32>
    %xor3A_135 = arith.xori %iota3A, %xor3A_134 : vector<16xi32>
    %lt3A_136 = arith.constant 0 : i32
    %lt3A_137 = vector.broadcast %lt3A_136 : i32 to vector<16xi32>
    %lt3A_138 = arith.cmpi slt, %xor3A_135, %lt3A_137 : vector<16xi32>
    %add3A_139 = arith.constant 16 : i32
    %add3A_140 = vector.broadcast %add3A_139 : i32 to vector<16xi32>
    %add3A_141 = arith.addi %xor3A_135, %add3A_140 : vector<16xi32>
    %select_n3A_142 = arith.select %lt3A_138, %add3A_141, %xor3A_135 : vector<16xi1>, vector<16xi32>
    %broadcast_in_dim3A_143 = vector.shape_cast %select_n3A_142 : vector<16xi32> to vector<16x1xi32>
    %gather3A_144 = vector.shape_cast %broadcast_in_dim3A_143 : vector<16x1xi32> to vector<16xi32>
    %gather3A_145 = tpu.dynamic_gather %max3A_132[%gather3A_144] in [0] : vector<16xf32>, vector<16xi32> -> vector<16xf32>
    %max3A_146 = arith.maximumf %max3A_132, %gather3A_145 : vector<16xf32>
    %xor3A_147 = arith.constant 4 : i32
    %xor3A_148 = vector.broadcast %xor3A_147 : i32 to vector<16xi32>
    %xor3A_149 = arith.xori %iota3A, %xor3A_148 : vector<16xi32>
    %lt3A_150 = arith.constant 0 : i32
    %lt3A_151 = vector.broadcast %lt3A_150 : i32 to vector<16xi32>
    %lt3A_152 = arith.cmpi slt, %xor3A_149, %lt3A_151 : vector<16xi32>
    %add3A_153 = arith.constant 16 : i32
    %add3A_154 = vector.broadcast %add3A_153 : i32 to vector<16xi32>
    %add3A_155 = arith.addi %xor3A_149, %add3A_154 : vector<16xi32>
    %select_n3A_156 = arith.select %lt3A_152, %add3A_155, %xor3A_149 : vector<16xi1>, vector<16xi32>
    %broadcast_in_dim3A_157 = vector.shape_cast %select_n3A_156 : vector<16xi32> to vector<16x1xi32>
    %gather3A_158 = vector.shape_cast %broadcast_in_dim3A_157 : vector<16x1xi32> to vector<16xi32>
    %gather3A_159 = tpu.dynamic_gather %max3A_146[%gather3A_158] in [0] : vector<16xf32>, vector<16xi32> -> vector<16xf32>
    %max3A_160 = arith.maximumf %max3A_146, %gather3A_159 : vector<16xf32>
    %xor3A_161 = arith.constant 8 : i32
    %xor3A_162 = vector.broadcast %xor3A_161 : i32 to vector<16xi32>
    %xor3A_163 = arith.xori %iota3A, %xor3A_162 : vector<16xi32>
    %lt3A_164 = arith.constant 0 : i32
    %lt3A_165 = vector.broadcast %lt3A_164 : i32 to vector<16xi32>
    %lt3A_166 = arith.cmpi slt, %xor3A_163, %lt3A_165 : vector<16xi32>
    %add3A_167 = arith.constant 16 : i32
    %add3A_168 = vector.broadcast %add3A_167 : i32 to vector<16xi32>
    %add3A_169 = arith.addi %xor3A_163, %add3A_168 : vector<16xi32>
    %select_n3A_170 = arith.select %lt3A_166, %add3A_169, %xor3A_163 : vector<16xi1>, vector<16xi32>
    %broadcast_in_dim3A_171 = vector.shape_cast %select_n3A_170 : vector<16xi32> to vector<16x1xi32>
    %gather3A_172 = vector.shape_cast %broadcast_in_dim3A_171 : vector<16x1xi32> to vector<16xi32>
    %gather3A_173 = tpu.dynamic_gather %max3A_160[%gather3A_172] in [0] : vector<16xf32>, vector<16xi32> -> vector<16xf32>
    %max3A_174 = arith.maximumf %max3A_160, %gather3A_173 : vector<16xf32>
    %scan3A_175 = arith.constant 0 : i32
    %scan3A_176 = arith.constant 0 : i32
    %scan3A_177 = arith.constant 24 : i32
    %scan3A_178 = arith.addi %scan3A_176, %scan3A_177 : i32
    %scan3A_179 = arith.constant 1 : i32
    %scan3A_180 = scf.for %scan3A_221 = %scan3A_176 to %scan3A_178 step %scan3A_179 iter_args(%scan3A_222 = %scan3A_175) -> (i32)  : i32 {
      %mul3A_223 = arith.constant 16 : i32
      %mul3A_224 = arith.muli %scan3A_221, %mul3A_223 : i32
      %get3A_225 = arith.index_cast %mul3A_224 : i32 to index
      %get3A_226 = tpu.vector_load %arg4[%get3A_225] {strides = array<i32>} : memref<384xf32, #tpu.memory_space<vmem>>, vector<16xf32>,
      %get3A_227 = vector.shape_cast %get3A_226 : vector<16xf32> to vector<16xf32>
      %sub3A_228 = arith.subf %get3A_227, %max3A_62 : vector<16xf32>
      %get3A_229 = arith.index_cast %mul3A_224 : i32 to index
      %get3A_230 = tpu.vector_load %arg5[%get3A_229] {strides = array<i32>} : memref<384xf32, #tpu.memory_space<vmem>>, vector<16xf32>,
      %get3A_231 = vector.shape_cast %get3A_230 : vector<16xf32> to vector<16xf32>
      %sub3A_232 = arith.subf %get3A_231, %max3A_118 : vector<16xf32>
      %get3A_233 = arith.index_cast %mul3A_224 : i32 to index
      %get3A_234 = tpu.vector_load %arg6[%get3A_233] {strides = array<i32>} : memref<384xf32, #tpu.memory_space<vmem>>, vector<16xf32>,
      %get3A_235 = vector.shape_cast %get3A_234 : vector<16xf32> to vector<16xf32>
      %sub3A_236 = arith.subf %get3A_235, %max3A_174 : vector<16xf32>
      %mul3A_237 = arith.mulf %sub3A_228, %sub3A_228 : vector<16xf32>
      %mul3A_238 = arith.mulf %sub3A_232, %sub3A_232 : vector<16xf32>
      %add3A_239 = arith.addf %mul3A_237, %mul3A_238 : vector<16xf32>
      %mul3A_240 = arith.mulf %sub3A_236, %sub3A_236 : vector<16xf32>
      %add3A_241 = arith.addf %add3A_239, %mul3A_240 : vector<16xf32>
      %swap3A_242 = arith.index_cast %mul3A_224 : i32 to index
      %swap3A_243 = tpu.vector_load %arg7[%swap3A_242] {strides = array<i32>} : memref<384xf32, #tpu.memory_space<vmem>>, vector<16xf32>,
      %swap3A_244 = vector.shape_cast %swap3A_243 : vector<16xf32> to vector<16xf32>
      %swap3A_245 = vector.shape_cast %add3A_241 : vector<16xf32> to vector<16xf32>
      tpu.vector_store %arg7[%swap3A_242], %swap3A_245 {strides = array<i32>} : memref<384xf32, #tpu.memory_space<vmem>>, vector<16xf32>,
      %scan3A_246 = arith.constant 0 : i32
      scf.yield %scan3A_246 : i32
    }
    %scan3A_181 = arith.constant 24 : i32
    %broadcast_in_dim3A_182 = arith.constant 0 : i32
    %broadcast_in_dim3A_183 = vector.broadcast %broadcast_in_dim3A_182 : i32 to vector<16xi32>
    %jit3A = arith.constant 0 : i32
    %jit3A_184 = arith.constant 16 : i32
    %div3A = arith.divsi %jit3A, %jit3A_184 : i32
    %sign3A = arith.constant 0 : i32
    %sign3A_185 = arith.cmpi sgt, %jit3A, %sign3A : i32
    %sign3A_186 = arith.extui %sign3A_185 : i1 to i32
    %sign3A_187 = arith.constant 0 : i32
    %sign3A_188 = arith.cmpi slt, %jit3A, %sign3A_187 : i32
    %sign3A_189 = arith.extui %sign3A_188 : i1 to i32
    %sign3A_190 = arith.subi %sign3A_186, %sign3A_189 : i32
    %sign3A_191 = arith.constant 0 : i32
    %sign3A_192 = arith.cmpi sgt, %jit3A_184, %sign3A_191 : i32
    %sign3A_193 = arith.extui %sign3A_192 : i1 to i32
    %sign3A_194 = arith.constant 0 : i32
    %sign3A_195 = arith.cmpi slt, %jit3A_184, %sign3A_194 : i32
    %sign3A_196 = arith.extui %sign3A_195 : i1 to i32
    %sign3A_197 = arith.subi %sign3A_193, %sign3A_196 : i32
    %ne3A = arith.cmpi ne, %sign3A_190, %sign3A_197 : i32
    %rem3A = arith.remsi %jit3A, %jit3A_184 : i32
    %ne3A_198 = arith.constant 0 : i32
    %ne3A_199 = arith.cmpi ne, %rem3A, %ne3A_198 : i32
    %and3A = arith.andi %ne3A, %ne3A_199 : i1
    %sub3A = arith.constant 1 : i32
    %sub3A_200 = arith.subi %div3A, %sub3A : i32
    %select_n3A_201 = arith.select %and3A, %sub3A_200, %div3A : i32
    %mul3A_202 = arith.constant 16 : i32
    %mul3A_203 = arith.muli %select_n3A_201, %mul3A_202 : i32
    %sub3A_204 = arith.constant 0 : i32
    %sub3A_205 = arith.subi %sub3A_204, %mul3A_203 : i32
    %broadcast_in_dim3A_206 = vector.broadcast %sub3A_205 : i32 to vector<16xi32>
    %get3A = arith.index_cast %mul3A_203 : i32 to index
    %get3A_207 = tpu.vector_load %arg8[%get3A] {strides = array<i32>} : memref<136xi32, #tpu.memory_space<vmem>>, vector<16xi32>,
    %get3A_208 = vector.shape_cast %get3A_207 : vector<16xi32> to vector<16xi32>
    %eq3A = arith.cmpi eq, %iota3A, %broadcast_in_dim3A_206 : vector<16xi32>
    %select_n3A_209 = arith.select %eq3A, %broadcast_in_dim3A_183, %get3A_208 : vector<16xi1>, vector<16xi32>
    %swap3A = arith.index_cast %mul3A_203 : i32 to index
    %swap3A_210 = tpu.vector_load %arg8[%swap3A] {strides = array<i32>} : memref<136xi32, #tpu.memory_space<vmem>>, vector<16xi32>,
    %swap3A_211 = vector.shape_cast %swap3A_210 : vector<16xi32> to vector<16xi32>
    %swap3A_212 = vector.shape_cast %select_n3A_209 : vector<16xi32> to vector<16xi32>
    tpu.vector_store %arg8[%swap3A], %swap3A_212 {strides = array<i32>} : memref<136xi32, #tpu.memory_space<vmem>>, vector<16xi32>,
    %scan3A_213 = arith.constant -3.000000e+38 : f32
    %scan3A_214 = arith.constant 0 : i32
    %scan3A_215 = arith.constant 1 : i32
    %scan3A_216 = arith.constant 128 : i32
    %scan3A_217 = arith.addi %scan3A_215, %scan3A_216 : i32
    %scan3A_218 = arith.constant 1 : i32
    %scan3A_219 = scf.for %scan3A_221 = %scan3A_215 to %scan3A_217 step %scan3A_218 iter_args(%scan3A_222 = %scan3A_214) -> (i32)  : i32 {
      %broadcast_in_dim3A_223 = vector.broadcast %scan3A_213 : f32 to vector<16xf32>
      %scan3A_224 = arith.constant 0 : i32
      %scan3A_225 = arith.constant 24 : i32
      %scan3A_226 = arith.addi %scan3A_224, %scan3A_225 : i32
      %scan3A_227 = arith.constant 1 : i32
      %scan3A_228 = scf.for %scan3A_569 = %scan3A_224 to %scan3A_226 step %scan3A_227 iter_args(%scan3A_570 = %broadcast_in_dim3A_223) -> (vector<16xf32>)  : i32 {
        %mul3A_571 = arith.constant 16 : i32
        %mul3A_572 = arith.muli %scan3A_569, %mul3A_571 : i32
        %get3A_573 = arith.index_cast %mul3A_572 : i32 to index
        %get3A_574 = tpu.vector_load %arg7[%get3A_573] {strides = array<i32>} : memref<384xf32, #tpu.memory_space<vmem>>, vector<16xf32>,
        %get3A_575 = vector.shape_cast %get3A_574 : vector<16xf32> to vector<16xf32>
        %max3A_576 = arith.maximumf %scan3A_570, %get3A_575 : vector<16xf32>
        scf.yield %max3A_576 : vector<16xf32>
      }
      %scan3A_229 = arith.constant 24 : i32
      %xor3A_230 = arith.constant 1 : i32
      %xor3A_231 = vector.broadcast %xor3A_230 : i32 to vector<16xi32>
      %xor3A_232 = arith.xori %iota3A, %xor3A_231 : vector<16xi32>
      %lt3A_233 = arith.constant 0 : i32
      %lt3A_234 = vector.broadcast %lt3A_233 : i32 to vector<16xi32>
      %lt3A_235 = arith.cmpi slt, %xor3A_232, %lt3A_234 : vector<16xi32>
      %add3A_236 = arith.constant 16 : i32
      %add3A_237 = vector.broadcast %add3A_236 : i32 to vector<16xi32>
      %add3A_238 = arith.addi %xor3A_232, %add3A_237 : vector<16xi32>
      %select_n3A_239 = arith.select %lt3A_235, %add3A_238, %xor3A_232 : vector<16xi1>, vector<16xi32>
      %broadcast_in_dim3A_240 = vector.shape_cast %select_n3A_239 : vector<16xi32> to vector<16x1xi32>
      %gather3A_241 = vector.shape_cast %broadcast_in_dim3A_240 : vector<16x1xi32> to vector<16xi32>
      %gather3A_242 = tpu.dynamic_gather %scan3A_228[%gather3A_241] in [0] : vector<16xf32>, vector<16xi32> -> vector<16xf32>
      %max3A_243 = arith.maximumf %scan3A_228, %gather3A_242 : vector<16xf32>
      %xor3A_244 = arith.constant 2 : i32
      %xor3A_245 = vector.broadcast %xor3A_244 : i32 to vector<16xi32>
      %xor3A_246 = arith.xori %iota3A, %xor3A_245 : vector<16xi32>
      %lt3A_247 = arith.constant 0 : i32
      %lt3A_248 = vector.broadcast %lt3A_247 : i32 to vector<16xi32>
      %lt3A_249 = arith.cmpi slt, %xor3A_246, %lt3A_248 : vector<16xi32>
      %add3A_250 = arith.constant 16 : i32
      %add3A_251 = vector.broadcast %add3A_250 : i32 to vector<16xi32>
      %add3A_252 = arith.addi %xor3A_246, %add3A_251 : vector<16xi32>
      %select_n3A_253 = arith.select %lt3A_249, %add3A_252, %xor3A_246 : vector<16xi1>, vector<16xi32>
      %broadcast_in_dim3A_254 = vector.shape_cast %select_n3A_253 : vector<16xi32> to vector<16x1xi32>
      %gather3A_255 = vector.shape_cast %broadcast_in_dim3A_254 : vector<16x1xi32> to vector<16xi32>
      %gather3A_256 = tpu.dynamic_gather %max3A_243[%gather3A_255] in [0] : vector<16xf32>, vector<16xi32> -> vector<16xf32>
      %max3A_257 = arith.maximumf %max3A_243, %gather3A_256 : vector<16xf32>
      %xor3A_258 = arith.constant 4 : i32
      %xor3A_259 = vector.broadcast %xor3A_258 : i32 to vector<16xi32>
      %xor3A_260 = arith.xori %iota3A, %xor3A_259 : vector<16xi32>
      %lt3A_261 = arith.constant 0 : i32
      %lt3A_262 = vector.broadcast %lt3A_261 : i32 to vector<16xi32>
      %lt3A_263 = arith.cmpi slt, %xor3A_260, %lt3A_262 : vector<16xi32>
      %add3A_264 = arith.constant 16 : i32
      %add3A_265 = vector.broadcast %add3A_264 : i32 to vector<16xi32>
      %add3A_266 = arith.addi %xor3A_260, %add3A_265 : vector<16xi32>
      %select_n3A_267 = arith.select %lt3A_263, %add3A_266, %xor3A_260 : vector<16xi1>, vector<16xi32>
      %broadcast_in_dim3A_268 = vector.shape_cast %select_n3A_267 : vector<16xi32> to vector<16x1xi32>
      %gather3A_269 = vector.shape_cast %broadcast_in_dim3A_268 : vector<16x1xi32> to vector<16xi32>
      %gather3A_270 = tpu.dynamic_gather %max3A_257[%gather3A_269] in [0] : vector<16xf32>, vector<16xi32> -> vector<16xf32>
      %max3A_271 = arith.maximumf %max3A_257, %gather3A_270 : vector<16xf32>
      %xor3A_272 = arith.constant 8 : i32
      %xor3A_273 = vector.broadcast %xor3A_272 : i32 to vector<16xi32>
      %xor3A_274 = arith.xori %iota3A, %xor3A_273 : vector<16xi32>
      %lt3A_275 = arith.constant 0 : i32
      %lt3A_276 = vector.broadcast %lt3A_275 : i32 to vector<16xi32>
      %lt3A_277 = arith.cmpi slt, %xor3A_274, %lt3A_276 : vector<16xi32>
      %add3A_278 = arith.constant 16 : i32
      %add3A_279 = vector.broadcast %add3A_278 : i32 to vector<16xi32>
      %add3A_280 = arith.addi %xor3A_274, %add3A_279 : vector<16xi32>
      %select_n3A_281 = arith.select %lt3A_277, %add3A_280, %xor3A_274 : vector<16xi1>, vector<16xi32>
      %broadcast_in_dim3A_282 = vector.shape_cast %select_n3A_281 : vector<16xi32> to vector<16x1xi32>
      %gather3A_283 = vector.shape_cast %broadcast_in_dim3A_282 : vector<16x1xi32> to vector<16xi32>
      %gather3A_284 = tpu.dynamic_gather %max3A_271[%gather3A_283] in [0] : vector<16xf32>, vector<16xi32> -> vector<16xf32>
      %max3A_285 = arith.maximumf %max3A_271, %gather3A_284 : vector<16xf32>
      %broadcast_in_dim3A_286 = arith.constant 384 : i32
      %broadcast_in_dim3A_287 = vector.broadcast %broadcast_in_dim3A_286 : i32 to vector<16xi32>
      %scan3A_288 = arith.constant 0 : i32
      %scan3A_289 = arith.constant 24 : i32
      %scan3A_290 = arith.addi %scan3A_288, %scan3A_289 : i32
      %scan3A_291 = arith.constant 1 : i32
      %scan3A_292 = scf.for %scan3A_569 = %scan3A_288 to %scan3A_290 step %scan3A_291 iter_args(%scan3A_570 = %broadcast_in_dim3A_287) -> (vector<16xi32>)  : i32 {
        %mul3A_571 = arith.constant 16 : i32
        %mul3A_572 = arith.muli %scan3A_569, %mul3A_571 : i32
        %get3A_573 = arith.index_cast %mul3A_572 : i32 to index
        %get3A_574 = tpu.vector_load %arg7[%get3A_573] {strides = array<i32>} : memref<384xf32, #tpu.memory_space<vmem>>, vector<16xf32>,
        %get3A_575 = vector.shape_cast %get3A_574 : vector<16xf32> to vector<16xf32>
        %eq3A_576 = arith.cmpf oeq, %get3A_575, %max3A_285 : vector<16xf32>
        %mul3A_577 = arith.constant 16 : i32
        %mul3A_578 = arith.muli %scan3A_569, %mul3A_577 : i32
        %add3A_579 = vector.broadcast %mul3A_578 : i32 to vector<16xi32>
        %add3A_580 = arith.addi %iota3A, %add3A_579 : vector<16xi32>
        %jit3A_581 = arith.constant 384 : i32
        %broadcast_in_dim3A_582 = vector.broadcast %jit3A_581 : i32 to vector<16xi32>
        %select_n3A_583 = arith.select %eq3A_576, %add3A_580, %broadcast_in_dim3A_582 : vector<16xi1>, vector<16xi32>
        %min3A_584 = arith.minsi %scan3A_570, %select_n3A_583 : vector<16xi32>
        scf.yield %min3A_584 : vector<16xi32>
      }
      %scan3A_293 = arith.constant 24 : i32
      %xor3A_294 = arith.constant 1 : i32
      %xor3A_295 = vector.broadcast %xor3A_294 : i32 to vector<16xi32>
      %xor3A_296 = arith.xori %iota3A, %xor3A_295 : vector<16xi32>
      %lt3A_297 = arith.constant 0 : i32
      %lt3A_298 = vector.broadcast %lt3A_297 : i32 to vector<16xi32>
      %lt3A_299 = arith.cmpi slt, %xor3A_296, %lt3A_298 : vector<16xi32>
      %add3A_300 = arith.constant 16 : i32
      %add3A_301 = vector.broadcast %add3A_300 : i32 to vector<16xi32>
      %add3A_302 = arith.addi %xor3A_296, %add3A_301 : vector<16xi32>
      %select_n3A_303 = arith.select %lt3A_299, %add3A_302, %xor3A_296 : vector<16xi1>, vector<16xi32>
      %broadcast_in_dim3A_304 = vector.shape_cast %select_n3A_303 : vector<16xi32> to vector<16x1xi32>
      %gather3A_305 = vector.shape_cast %broadcast_in_dim3A_304 : vector<16x1xi32> to vector<16xi32>
      %gather3A_306 = tpu.dynamic_gather %scan3A_292[%gather3A_305] in [0] : vector<16xi32>, vector<16xi32> -> vector<16xi32>
      %min3A = arith.minsi %scan3A_292, %gather3A_306 : vector<16xi32>
      %xor3A_307 = arith.constant 2 : i32
      %xor3A_308 = vector.broadcast %xor3A_307 : i32 to vector<16xi32>
      %xor3A_309 = arith.xori %iota3A, %xor3A_308 : vector<16xi32>
      %lt3A_310 = arith.constant 0 : i32
      %lt3A_311 = vector.broadcast %lt3A_310 : i32 to vector<16xi32>
      %lt3A_312 = arith.cmpi slt, %xor3A_309, %lt3A_311 : vector<16xi32>
      %add3A_313 = arith.constant 16 : i32
      %add3A_314 = vector.broadcast %add3A_313 : i32 to vector<16xi32>
      %add3A_315 = arith.addi %xor3A_309, %add3A_314 : vector<16xi32>
      %select_n3A_316 = arith.select %lt3A_312, %add3A_315, %xor3A_309 : vector<16xi1>, vector<16xi32>
      %broadcast_in_dim3A_317 = vector.shape_cast %select_n3A_316 : vector<16xi32> to vector<16x1xi32>
      %gather3A_318 = vector.shape_cast %broadcast_in_dim3A_317 : vector<16x1xi32> to vector<16xi32>
      %gather3A_319 = tpu.dynamic_gather %min3A[%gather3A_318] in [0] : vector<16xi32>, vector<16xi32> -> vector<16xi32>
      %min3A_320 = arith.minsi %min3A, %gather3A_319 : vector<16xi32>
      %xor3A_321 = arith.constant 4 : i32
      %xor3A_322 = vector.broadcast %xor3A_321 : i32 to vector<16xi32>
      %xor3A_323 = arith.xori %iota3A, %xor3A_322 : vector<16xi32>
      %lt3A_324 = arith.constant 0 : i32
      %lt3A_325 = vector.broadcast %lt3A_324 : i32 to vector<16xi32>
      %lt3A_326 = arith.cmpi slt, %xor3A_323, %lt3A_325 : vector<16xi32>
      %add3A_327 = arith.constant 16 : i32
      %add3A_328 = vector.broadcast %add3A_327 : i32 to vector<16xi32>
      %add3A_329 = arith.addi %xor3A_323, %add3A_328 : vector<16xi32>
      %select_n3A_330 = arith.select %lt3A_326, %add3A_329, %xor3A_323 : vector<16xi1>, vector<16xi32>
      %broadcast_in_dim3A_331 = vector.shape_cast %select_n3A_330 : vector<16xi32> to vector<16x1xi32>
      %gather3A_332 = vector.shape_cast %broadcast_in_dim3A_331 : vector<16x1xi32> to vector<16xi32>
      %gather3A_333 = tpu.dynamic_gather %min3A_320[%gather3A_332] in [0] : vector<16xi32>, vector<16xi32> -> vector<16xi32>
      %min3A_334 = arith.minsi %min3A_320, %gather3A_333 : vector<16xi32>
      %xor3A_335 = arith.constant 8 : i32
      %xor3A_336 = vector.broadcast %xor3A_335 : i32 to vector<16xi32>
      %xor3A_337 = arith.xori %iota3A, %xor3A_336 : vector<16xi32>
      %lt3A_338 = arith.constant 0 : i32
      %lt3A_339 = vector.broadcast %lt3A_338 : i32 to vector<16xi32>
      %lt3A_340 = arith.cmpi slt, %xor3A_337, %lt3A_339 : vector<16xi32>
      %add3A_341 = arith.constant 16 : i32
      %add3A_342 = vector.broadcast %add3A_341 : i32 to vector<16xi32>
      %add3A_343 = arith.addi %xor3A_337, %add3A_342 : vector<16xi32>
      %select_n3A_344 = arith.select %lt3A_340, %add3A_343, %xor3A_337 : vector<16xi1>, vector<16xi32>
      %broadcast_in_dim3A_345 = vector.shape_cast %select_n3A_344 : vector<16xi32> to vector<16x1xi32>
      %gather3A_346 = vector.shape_cast %broadcast_in_dim3A_345 : vector<16x1xi32> to vector<16xi32>
      %gather3A_347 = tpu.dynamic_gather %min3A_334[%gather3A_346] in [0] : vector<16xi32>, vector<16xi32> -> vector<16xi32>
      %min3A_348 = arith.minsi %min3A_334, %gather3A_347 : vector<16xi32>
      %jit3A_349 = arith.constant 16 : i32
      %div3A_350 = arith.divsi %scan3A_221, %jit3A_349 : i32
      %sign3A_351 = arith.constant 0 : i32
      %sign3A_352 = arith.cmpi sgt, %scan3A_221, %sign3A_351 : i32
      %sign3A_353 = arith.extui %sign3A_352 : i1 to i32
      %sign3A_354 = arith.constant 0 : i32
      %sign3A_355 = arith.cmpi slt, %scan3A_221, %sign3A_354 : i32
      %sign3A_356 = arith.extui %sign3A_355 : i1 to i32
      %sign3A_357 = arith.subi %sign3A_353, %sign3A_356 : i32
      %sign3A_358 = arith.constant 0 : i32
      %sign3A_359 = arith.cmpi sgt, %jit3A_349, %sign3A_358 : i32
      %sign3A_360 = arith.extui %sign3A_359 : i1 to i32
      %sign3A_361 = arith.constant 0 : i32
      %sign3A_362 = arith.cmpi slt, %jit3A_349, %sign3A_361 : i32
      %sign3A_363 = arith.extui %sign3A_362 : i1 to i32
      %sign3A_364 = arith.subi %sign3A_360, %sign3A_363 : i32
      %ne3A_365 = arith.cmpi ne, %sign3A_357, %sign3A_364 : i32
      %rem3A_366 = arith.remsi %scan3A_221, %jit3A_349 : i32
      %ne3A_367 = arith.constant 0 : i32
      %ne3A_368 = arith.cmpi ne, %rem3A_366, %ne3A_367 : i32
      %and3A_369 = arith.andi %ne3A_365, %ne3A_368 : i1
      %sub3A_370 = arith.constant 1 : i32
      %sub3A_371 = arith.subi %div3A_350, %sub3A_370 : i32
      %select_n3A_372 = arith.select %and3A_369, %sub3A_371, %div3A_350 : i32
      %mul3A_373 = arith.constant 16 : i32
      %mul3A_374 = arith.muli %select_n3A_372, %mul3A_373 : i32
      %sub3A_375 = arith.subi %scan3A_221, %mul3A_374 : i32
      %broadcast_in_dim3A_376 = vector.broadcast %sub3A_375 : i32 to vector<16xi32>
      %get3A_377 = arith.index_cast %mul3A_374 : i32 to index
      %get3A_378 = tpu.vector_load %arg8[%get3A_377] {strides = array<i32>} : memref<136xi32, #tpu.memory_space<vmem>>, vector<16xi32>,
      %get3A_379 = vector.shape_cast %get3A_378 : vector<16xi32> to vector<16xi32>
      %eq3A_380 = arith.cmpi eq, %iota3A, %broadcast_in_dim3A_376 : vector<16xi32>
      %select_n3A_381 = arith.select %eq3A_380, %min3A_348, %get3A_379 : vector<16xi1>, vector<16xi32>
      %swap3A_382 = arith.index_cast %mul3A_374 : i32 to index
      %swap3A_383 = tpu.vector_load %arg8[%swap3A_382] {strides = array<i32>} : memref<136xi32, #tpu.memory_space<vmem>>, vector<16xi32>,
      %swap3A_384 = vector.shape_cast %swap3A_383 : vector<16xi32> to vector<16xi32>
      %swap3A_385 = vector.shape_cast %select_n3A_381 : vector<16xi32> to vector<16xi32>
      tpu.vector_store %arg8[%swap3A_382], %swap3A_385 {strides = array<i32>} : memref<136xi32, #tpu.memory_space<vmem>>, vector<16xi32>,
      %broadcast_in_dim3A_386 = vector.broadcast %scan3A_213 : f32 to vector<16xf32>
      %scan3A_387 = arith.constant 0 : i32
      %scan3A_388 = arith.constant 24 : i32
      %scan3A_389 = arith.addi %scan3A_387, %scan3A_388 : i32
      %scan3A_390 = arith.constant 1 : i32
      %scan3A_391:3 = scf.for %scan3A_569 = %scan3A_387 to %scan3A_389 step %scan3A_390 iter_args(%scan3A_570 = %broadcast_in_dim3A_386, %scan3A_571 = %broadcast_in_dim3A_386, %scan3A_572 = %broadcast_in_dim3A_386) -> (vector<16xf32>, vector<16xf32>, vector<16xf32>)  : i32 {
        %mul3A_573 = arith.constant 16 : i32
        %mul3A_574 = arith.muli %scan3A_569, %mul3A_573 : i32
        %mul3A_575 = arith.constant 16 : i32
        %mul3A_576 = arith.muli %scan3A_569, %mul3A_575 : i32
        %add3A_577 = vector.broadcast %mul3A_576 : i32 to vector<16xi32>
        %add3A_578 = arith.addi %iota3A, %add3A_577 : vector<16xi32>
        %eq3A_579 = arith.cmpi eq, %add3A_578, %min3A_348 : vector<16xi32>
        %get3A_580 = arith.index_cast %mul3A_574 : i32 to index
        %get3A_581 = tpu.vector_load %arg4[%get3A_580] {strides = array<i32>} : memref<384xf32, #tpu.memory_space<vmem>>, vector<16xf32>,
        %get3A_582 = vector.shape_cast %get3A_581 : vector<16xf32> to vector<16xf32>
        %broadcast_in_dim3A_583 = vector.broadcast %scan3A_213 : f32 to vector<16xf32>
        %select_n3A_584 = arith.select %eq3A_579, %get3A_582, %broadcast_in_dim3A_583 : vector<16xi1>, vector<16xf32>
        %max3A_585 = arith.maximumf %scan3A_570, %select_n3A_584 : vector<16xf32>
        %get3A_586 = arith.index_cast %mul3A_574 : i32 to index
        %get3A_587 = tpu.vector_load %arg5[%get3A_586] {strides = array<i32>} : memref<384xf32, #tpu.memory_space<vmem>>, vector<16xf32>,
        %get3A_588 = vector.shape_cast %get3A_587 : vector<16xf32> to vector<16xf32>
        %broadcast_in_dim3A_589 = vector.broadcast %scan3A_213 : f32 to vector<16xf32>
        %select_n3A_590 = arith.select %eq3A_579, %get3A_588, %broadcast_in_dim3A_589 : vector<16xi1>, vector<16xf32>
        %max3A_591 = arith.maximumf %scan3A_571, %select_n3A_590 : vector<16xf32>
        %get3A_592 = arith.index_cast %mul3A_574 : i32 to index
        %get3A_593 = tpu.vector_load %arg6[%get3A_592] {strides = array<i32>} : memref<384xf32, #tpu.memory_space<vmem>>, vector<16xf32>,
        %get3A_594 = vector.shape_cast %get3A_593 : vector<16xf32> to vector<16xf32>
        %broadcast_in_dim3A_595 = vector.broadcast %scan3A_213 : f32 to vector<16xf32>
        %select_n3A_596 = arith.select %eq3A_579, %get3A_594, %broadcast_in_dim3A_595 : vector<16xi1>, vector<16xf32>
        %max3A_597 = arith.maximumf %scan3A_572, %select_n3A_596 : vector<16xf32>
        scf.yield %max3A_585, %max3A_591, %max3A_597 : vector<16xf32>, vector<16xf32>, vector<16xf32>
      }
      %scan3A_392 = arith.constant 24 : i32
      %xor3A_393 = arith.constant 1 : i32
      %xor3A_394 = vector.broadcast %xor3A_393 : i32 to vector<16xi32>
      %xor3A_395 = arith.xori %iota3A, %xor3A_394 : vector<16xi32>
      %lt3A_396 = arith.constant 0 : i32
      %lt3A_397 = vector.broadcast %lt3A_396 : i32 to vector<16xi32>
      %lt3A_398 = arith.cmpi slt, %xor3A_395, %lt3A_397 : vector<16xi32>
      %add3A_399 = arith.constant 16 : i32
      %add3A_400 = vector.broadcast %add3A_399 : i32 to vector<16xi32>
      %add3A_401 = arith.addi %xor3A_395, %add3A_400 : vector<16xi32>
      %select_n3A_402 = arith.select %lt3A_398, %add3A_401, %xor3A_395 : vector<16xi1>, vector<16xi32>
      %broadcast_in_dim3A_403 = vector.shape_cast %select_n3A_402 : vector<16xi32> to vector<16x1xi32>
      %gather3A_404 = vector.shape_cast %broadcast_in_dim3A_403 : vector<16x1xi32> to vector<16xi32>
      %gather3A_405 = tpu.dynamic_gather %scan3A_391#0[%gather3A_404] in [0] : vector<16xf32>, vector<16xi32> -> vector<16xf32>
      %max3A_406 = arith.maximumf %scan3A_391#0, %gather3A_405 : vector<16xf32>
      %xor3A_407 = arith.constant 2 : i32
      %xor3A_408 = vector.broadcast %xor3A_407 : i32 to vector<16xi32>
      %xor3A_409 = arith.xori %iota3A, %xor3A_408 : vector<16xi32>
      %lt3A_410 = arith.constant 0 : i32
      %lt3A_411 = vector.broadcast %lt3A_410 : i32 to vector<16xi32>
      %lt3A_412 = arith.cmpi slt, %xor3A_409, %lt3A_411 : vector<16xi32>
      %add3A_413 = arith.constant 16 : i32
      %add3A_414 = vector.broadcast %add3A_413 : i32 to vector<16xi32>
      %add3A_415 = arith.addi %xor3A_409, %add3A_414 : vector<16xi32>
      %select_n3A_416 = arith.select %lt3A_412, %add3A_415, %xor3A_409 : vector<16xi1>, vector<16xi32>
      %broadcast_in_dim3A_417 = vector.shape_cast %select_n3A_416 : vector<16xi32> to vector<16x1xi32>
      %gather3A_418 = vector.shape_cast %broadcast_in_dim3A_417 : vector<16x1xi32> to vector<16xi32>
      %gather3A_419 = tpu.dynamic_gather %max3A_406[%gather3A_418] in [0] : vector<16xf32>, vector<16xi32> -> vector<16xf32>
      %max3A_420 = arith.maximumf %max3A_406, %gather3A_419 : vector<16xf32>
      %xor3A_421 = arith.constant 4 : i32
      %xor3A_422 = vector.broadcast %xor3A_421 : i32 to vector<16xi32>
      %xor3A_423 = arith.xori %iota3A, %xor3A_422 : vector<16xi32>
      %lt3A_424 = arith.constant 0 : i32
      %lt3A_425 = vector.broadcast %lt3A_424 : i32 to vector<16xi32>
      %lt3A_426 = arith.cmpi slt, %xor3A_423, %lt3A_425 : vector<16xi32>
      %add3A_427 = arith.constant 16 : i32
      %add3A_428 = vector.broadcast %add3A_427 : i32 to vector<16xi32>
      %add3A_429 = arith.addi %xor3A_423, %add3A_428 : vector<16xi32>
      %select_n3A_430 = arith.select %lt3A_426, %add3A_429, %xor3A_423 : vector<16xi1>, vector<16xi32>
      %broadcast_in_dim3A_431 = vector.shape_cast %select_n3A_430 : vector<16xi32> to vector<16x1xi32>
      %gather3A_432 = vector.shape_cast %broadcast_in_dim3A_431 : vector<16x1xi32> to vector<16xi32>
      %gather3A_433 = tpu.dynamic_gather %max3A_420[%gather3A_432] in [0] : vector<16xf32>, vector<16xi32> -> vector<16xf32>
      %max3A_434 = arith.maximumf %max3A_420, %gather3A_433 : vector<16xf32>
      %xor3A_435 = arith.constant 8 : i32
      %xor3A_436 = vector.broadcast %xor3A_435 : i32 to vector<16xi32>
      %xor3A_437 = arith.xori %iota3A, %xor3A_436 : vector<16xi32>
      %lt3A_438 = arith.constant 0 : i32
      %lt3A_439 = vector.broadcast %lt3A_438 : i32 to vector<16xi32>
      %lt3A_440 = arith.cmpi slt, %xor3A_437, %lt3A_439 : vector<16xi32>
      %add3A_441 = arith.constant 16 : i32
      %add3A_442 = vector.broadcast %add3A_441 : i32 to vector<16xi32>
      %add3A_443 = arith.addi %xor3A_437, %add3A_442 : vector<16xi32>
      %select_n3A_444 = arith.select %lt3A_440, %add3A_443, %xor3A_437 : vector<16xi1>, vector<16xi32>
      %broadcast_in_dim3A_445 = vector.shape_cast %select_n3A_444 : vector<16xi32> to vector<16x1xi32>
      %gather3A_446 = vector.shape_cast %broadcast_in_dim3A_445 : vector<16x1xi32> to vector<16xi32>
      %gather3A_447 = tpu.dynamic_gather %max3A_434[%gather3A_446] in [0] : vector<16xf32>, vector<16xi32> -> vector<16xf32>
      %max3A_448 = arith.maximumf %max3A_434, %gather3A_447 : vector<16xf32>
      %xor3A_449 = arith.constant 1 : i32
      %xor3A_450 = vector.broadcast %xor3A_449 : i32 to vector<16xi32>
      %xor3A_451 = arith.xori %iota3A, %xor3A_450 : vector<16xi32>
      %lt3A_452 = arith.constant 0 : i32
      %lt3A_453 = vector.broadcast %lt3A_452 : i32 to vector<16xi32>
      %lt3A_454 = arith.cmpi slt, %xor3A_451, %lt3A_453 : vector<16xi32>
      %add3A_455 = arith.constant 16 : i32
      %add3A_456 = vector.broadcast %add3A_455 : i32 to vector<16xi32>
      %add3A_457 = arith.addi %xor3A_451, %add3A_456 : vector<16xi32>
      %select_n3A_458 = arith.select %lt3A_454, %add3A_457, %xor3A_451 : vector<16xi1>, vector<16xi32>
      %broadcast_in_dim3A_459 = vector.shape_cast %select_n3A_458 : vector<16xi32> to vector<16x1xi32>
      %gather3A_460 = vector.shape_cast %broadcast_in_dim3A_459 : vector<16x1xi32> to vector<16xi32>
      %gather3A_461 = tpu.dynamic_gather %scan3A_391#1[%gather3A_460] in [0] : vector<16xf32>, vector<16xi32> -> vector<16xf32>
      %max3A_462 = arith.maximumf %scan3A_391#1, %gather3A_461 : vector<16xf32>
      %xor3A_463 = arith.constant 2 : i32
      %xor3A_464 = vector.broadcast %xor3A_463 : i32 to vector<16xi32>
      %xor3A_465 = arith.xori %iota3A, %xor3A_464 : vector<16xi32>
      %lt3A_466 = arith.constant 0 : i32
      %lt3A_467 = vector.broadcast %lt3A_466 : i32 to vector<16xi32>
      %lt3A_468 = arith.cmpi slt, %xor3A_465, %lt3A_467 : vector<16xi32>
      %add3A_469 = arith.constant 16 : i32
      %add3A_470 = vector.broadcast %add3A_469 : i32 to vector<16xi32>
      %add3A_471 = arith.addi %xor3A_465, %add3A_470 : vector<16xi32>
      %select_n3A_472 = arith.select %lt3A_468, %add3A_471, %xor3A_465 : vector<16xi1>, vector<16xi32>
      %broadcast_in_dim3A_473 = vector.shape_cast %select_n3A_472 : vector<16xi32> to vector<16x1xi32>
      %gather3A_474 = vector.shape_cast %broadcast_in_dim3A_473 : vector<16x1xi32> to vector<16xi32>
      %gather3A_475 = tpu.dynamic_gather %max3A_462[%gather3A_474] in [0] : vector<16xf32>, vector<16xi32> -> vector<16xf32>
      %max3A_476 = arith.maximumf %max3A_462, %gather3A_475 : vector<16xf32>
      %xor3A_477 = arith.constant 4 : i32
      %xor3A_478 = vector.broadcast %xor3A_477 : i32 to vector<16xi32>
      %xor3A_479 = arith.xori %iota3A, %xor3A_478 : vector<16xi32>
      %lt3A_480 = arith.constant 0 : i32
      %lt3A_481 = vector.broadcast %lt3A_480 : i32 to vector<16xi32>
      %lt3A_482 = arith.cmpi slt, %xor3A_479, %lt3A_481 : vector<16xi32>
      %add3A_483 = arith.constant 16 : i32
      %add3A_484 = vector.broadcast %add3A_483 : i32 to vector<16xi32>
      %add3A_485 = arith.addi %xor3A_479, %add3A_484 : vector<16xi32>
      %select_n3A_486 = arith.select %lt3A_482, %add3A_485, %xor3A_479 : vector<16xi1>, vector<16xi32>
      %broadcast_in_dim3A_487 = vector.shape_cast %select_n3A_486 : vector<16xi32> to vector<16x1xi32>
      %gather3A_488 = vector.shape_cast %broadcast_in_dim3A_487 : vector<16x1xi32> to vector<16xi32>
      %gather3A_489 = tpu.dynamic_gather %max3A_476[%gather3A_488] in [0] : vector<16xf32>, vector<16xi32> -> vector<16xf32>
      %max3A_490 = arith.maximumf %max3A_476, %gather3A_489 : vector<16xf32>
      %xor3A_491 = arith.constant 8 : i32
      %xor3A_492 = vector.broadcast %xor3A_491 : i32 to vector<16xi32>
      %xor3A_493 = arith.xori %iota3A, %xor3A_492 : vector<16xi32>
      %lt3A_494 = arith.constant 0 : i32
      %lt3A_495 = vector.broadcast %lt3A_494 : i32 to vector<16xi32>
      %lt3A_496 = arith.cmpi slt, %xor3A_493, %lt3A_495 : vector<16xi32>
      %add3A_497 = arith.constant 16 : i32
      %add3A_498 = vector.broadcast %add3A_497 : i32 to vector<16xi32>
      %add3A_499 = arith.addi %xor3A_493, %add3A_498 : vector<16xi32>
      %select_n3A_500 = arith.select %lt3A_496, %add3A_499, %xor3A_493 : vector<16xi1>, vector<16xi32>
      %broadcast_in_dim3A_501 = vector.shape_cast %select_n3A_500 : vector<16xi32> to vector<16x1xi32>
      %gather3A_502 = vector.shape_cast %broadcast_in_dim3A_501 : vector<16x1xi32> to vector<16xi32>
      %gather3A_503 = tpu.dynamic_gather %max3A_490[%gather3A_502] in [0] : vector<16xf32>, vector<16xi32> -> vector<16xf32>
      %max3A_504 = arith.maximumf %max3A_490, %gather3A_503 : vector<16xf32>
      %xor3A_505 = arith.constant 1 : i32
      %xor3A_506 = vector.broadcast %xor3A_505 : i32 to vector<16xi32>
      %xor3A_507 = arith.xori %iota3A, %xor3A_506 : vector<16xi32>
      %lt3A_508 = arith.constant 0 : i32
      %lt3A_509 = vector.broadcast %lt3A_508 : i32 to vector<16xi32>
      %lt3A_510 = arith.cmpi slt, %xor3A_507, %lt3A_509 : vector<16xi32>
      %add3A_511 = arith.constant 16 : i32
      %add3A_512 = vector.broadcast %add3A_511 : i32 to vector<16xi32>
      %add3A_513 = arith.addi %xor3A_507, %add3A_512 : vector<16xi32>
      %select_n3A_514 = arith.select %lt3A_510, %add3A_513, %xor3A_507 : vector<16xi1>, vector<16xi32>
      %broadcast_in_dim3A_515 = vector.shape_cast %select_n3A_514 : vector<16xi32> to vector<16x1xi32>
      %gather3A_516 = vector.shape_cast %broadcast_in_dim3A_515 : vector<16x1xi32> to vector<16xi32>
      %gather3A_517 = tpu.dynamic_gather %scan3A_391#2[%gather3A_516] in [0] : vector<16xf32>, vector<16xi32> -> vector<16xf32>
      %max3A_518 = arith.maximumf %scan3A_391#2, %gather3A_517 : vector<16xf32>
      %xor3A_519 = arith.constant 2 : i32
      %xor3A_520 = vector.broadcast %xor3A_519 : i32 to vector<16xi32>
      %xor3A_521 = arith.xori %iota3A, %xor3A_520 : vector<16xi32>
      %lt3A_522 = arith.constant 0 : i32
      %lt3A_523 = vector.broadcast %lt3A_522 : i32 to vector<16xi32>
      %lt3A_524 = arith.cmpi slt, %xor3A_521, %lt3A_523 : vector<16xi32>
      %add3A_525 = arith.constant 16 : i32
      %add3A_526 = vector.broadcast %add3A_525 : i32 to vector<16xi32>
      %add3A_527 = arith.addi %xor3A_521, %add3A_526 : vector<16xi32>
      %select_n3A_528 = arith.select %lt3A_524, %add3A_527, %xor3A_521 : vector<16xi1>, vector<16xi32>
      %broadcast_in_dim3A_529 = vector.shape_cast %select_n3A_528 : vector<16xi32> to vector<16x1xi32>
      %gather3A_530 = vector.shape_cast %broadcast_in_dim3A_529 : vector<16x1xi32> to vector<16xi32>
      %gather3A_531 = tpu.dynamic_gather %max3A_518[%gather3A_530] in [0] : vector<16xf32>, vector<16xi32> -> vector<16xf32>
      %max3A_532 = arith.maximumf %max3A_518, %gather3A_531 : vector<16xf32>
      %xor3A_533 = arith.constant 4 : i32
      %xor3A_534 = vector.broadcast %xor3A_533 : i32 to vector<16xi32>
      %xor3A_535 = arith.xori %iota3A, %xor3A_534 : vector<16xi32>
      %lt3A_536 = arith.constant 0 : i32
      %lt3A_537 = vector.broadcast %lt3A_536 : i32 to vector<16xi32>
      %lt3A_538 = arith.cmpi slt, %xor3A_535, %lt3A_537 : vector<16xi32>
      %add3A_539 = arith.constant 16 : i32
      %add3A_540 = vector.broadcast %add3A_539 : i32 to vector<16xi32>
      %add3A_541 = arith.addi %xor3A_535, %add3A_540 : vector<16xi32>
      %select_n3A_542 = arith.select %lt3A_538, %add3A_541, %xor3A_535 : vector<16xi1>, vector<16xi32>
      %broadcast_in_dim3A_543 = vector.shape_cast %select_n3A_542 : vector<16xi32> to vector<16x1xi32>
      %gather3A_544 = vector.shape_cast %broadcast_in_dim3A_543 : vector<16x1xi32> to vector<16xi32>
      %gather3A_545 = tpu.dynamic_gather %max3A_532[%gather3A_544] in [0] : vector<16xf32>, vector<16xi32> -> vector<16xf32>
      %max3A_546 = arith.maximumf %max3A_532, %gather3A_545 : vector<16xf32>
      %xor3A_547 = arith.constant 8 : i32
      %xor3A_548 = vector.broadcast %xor3A_547 : i32 to vector<16xi32>
      %xor3A_549 = arith.xori %iota3A, %xor3A_548 : vector<16xi32>
      %lt3A_550 = arith.constant 0 : i32
      %lt3A_551 = vector.broadcast %lt3A_550 : i32 to vector<16xi32>
      %lt3A_552 = arith.cmpi slt, %xor3A_549, %lt3A_551 : vector<16xi32>
      %add3A_553 = arith.constant 16 : i32
      %add3A_554 = vector.broadcast %add3A_553 : i32 to vector<16xi32>
      %add3A_555 = arith.addi %xor3A_549, %add3A_554 : vector<16xi32>
      %select_n3A_556 = arith.select %lt3A_552, %add3A_555, %xor3A_549 : vector<16xi1>, vector<16xi32>
      %broadcast_in_dim3A_557 = vector.shape_cast %select_n3A_556 : vector<16xi32> to vector<16x1xi32>
      %gather3A_558 = vector.shape_cast %broadcast_in_dim3A_557 : vector<16x1xi32> to vector<16xi32>
      %gather3A_559 = tpu.dynamic_gather %max3A_546[%gather3A_558] in [0] : vector<16xf32>, vector<16xi32> -> vector<16xf32>
      %max3A_560 = arith.maximumf %max3A_546, %gather3A_559 : vector<16xf32>
      %scan3A_561 = arith.constant 0 : i32
      %scan3A_562 = arith.constant 0 : i32
      %scan3A_563 = arith.constant 24 : i32
      %scan3A_564 = arith.addi %scan3A_562, %scan3A_563 : i32
      %scan3A_565 = arith.constant 1 : i32
      %scan3A_566 = scf.for %scan3A_569 = %scan3A_562 to %scan3A_564 step %scan3A_565 iter_args(%scan3A_570 = %scan3A_561) -> (i32)  : i32 {
        %mul3A_571 = arith.constant 16 : i32
        %mul3A_572 = arith.muli %scan3A_569, %mul3A_571 : i32
        %get3A_573 = arith.index_cast %mul3A_572 : i32 to index
        %get3A_574 = tpu.vector_load %arg4[%get3A_573] {strides = array<i32>} : memref<384xf32, #tpu.memory_space<vmem>>, vector<16xf32>,
        %get3A_575 = vector.shape_cast %get3A_574 : vector<16xf32> to vector<16xf32>
        %sub3A_576 = arith.subf %get3A_575, %max3A_448 : vector<16xf32>
        %get3A_577 = arith.index_cast %mul3A_572 : i32 to index
        %get3A_578 = tpu.vector_load %arg5[%get3A_577] {strides = array<i32>} : memref<384xf32, #tpu.memory_space<vmem>>, vector<16xf32>,
        %get3A_579 = vector.shape_cast %get3A_578 : vector<16xf32> to vector<16xf32>
        %sub3A_580 = arith.subf %get3A_579, %max3A_504 : vector<16xf32>
        %get3A_581 = arith.index_cast %mul3A_572 : i32 to index
        %get3A_582 = tpu.vector_load %arg6[%get3A_581] {strides = array<i32>} : memref<384xf32, #tpu.memory_space<vmem>>, vector<16xf32>,
        %get3A_583 = vector.shape_cast %get3A_582 : vector<16xf32> to vector<16xf32>
        %sub3A_584 = arith.subf %get3A_583, %max3A_560 : vector<16xf32>
        %get3A_585 = arith.index_cast %mul3A_572 : i32 to index
        %get3A_586 = tpu.vector_load %arg7[%get3A_585] {strides = array<i32>} : memref<384xf32, #tpu.memory_space<vmem>>, vector<16xf32>,
        %get3A_587 = vector.shape_cast %get3A_586 : vector<16xf32> to vector<16xf32>
        %mul3A_588 = arith.mulf %sub3A_576, %sub3A_576 : vector<16xf32>
        %mul3A_589 = arith.mulf %sub3A_580, %sub3A_580 : vector<16xf32>
        %add3A_590 = arith.addf %mul3A_588, %mul3A_589 : vector<16xf32>
        %mul3A_591 = arith.mulf %sub3A_584, %sub3A_584 : vector<16xf32>
        %add3A_592 = arith.addf %add3A_590, %mul3A_591 : vector<16xf32>
        %min3A_593 = arith.minimumf %get3A_587, %add3A_592 : vector<16xf32>
        %swap3A_594 = arith.index_cast %mul3A_572 : i32 to index
        %swap3A_595 = tpu.vector_load %arg7[%swap3A_594] {strides = array<i32>} : memref<384xf32, #tpu.memory_space<vmem>>, vector<16xf32>,
        %swap3A_596 = vector.shape_cast %swap3A_595 : vector<16xf32> to vector<16xf32>
        %swap3A_597 = vector.shape_cast %min3A_593 : vector<16xf32> to vector<16xf32>
        tpu.vector_store %arg7[%swap3A_594], %swap3A_597 {strides = array<i32>} : memref<384xf32, #tpu.memory_space<vmem>>, vector<16xf32>,
        %scan3A_598 = arith.constant 0 : i32
        scf.yield %scan3A_598 : i32
      }
      %scan3A_567 = arith.constant 24 : i32
      %scan3A_568 = arith.constant 0 : i32
      scf.yield %scan3A_568 : i32
    }
    %scan3A_220 = arith.constant 128 : i32
    "tpu.region"() ({
      %run_scoped3A_221 = tpu.sem_alloc : memref<!tpu.dma_semaphore, #tpu.memory_space<semaphore_mem>>
      %dma_start3A = arith.constant 0 : i32
      %dma_start3A_222 = tpu.memref_slice %arg3[%add3A, %dma_start3A] : memref<32x136xi32, #tpu.memory_space<hbm>> -> memref<1x136xi32, #tpu.memory_space<hbm>>
      %dma_start3A_223 = tpu.memref_squeeze %dma_start3A_222 : memref<1x136xi32, #tpu.memory_space<hbm>> -> memref<136xi32, #tpu.memory_space<hbm>>
      %dma_start3A_224 = arith.constant 0 : i32
      %dma_start3A_225 = tpu.memref_slice %arg3[%add3A, %dma_start3A_224] : memref<32x136xi32, #tpu.memory_space<hbm>> -> memref<1x136xi32, #tpu.memory_space<hbm>>
      %dma_start3A_226 = tpu.memref_squeeze %dma_start3A_225 : memref<1x136xi32, #tpu.memory_space<hbm>> -> memref<136xi32, #tpu.memory_space<hbm>>
      tpu.enqueue_dma source(%arg8 : memref<136xi32, #tpu.memory_space<vmem>>) target(%dma_start3A_226 : memref<136xi32, #tpu.memory_space<hbm>>) target_semaphore(%run_scoped3A_221 : memref<!tpu.dma_semaphore, #tpu.memory_space<semaphore_mem>>)
      %dma_wait3A = arith.constant 0 : i32
      %dma_wait3A_227 = tpu.memref_slice %arg3[%add3A, %dma_wait3A] : memref<32x136xi32, #tpu.memory_space<hbm>> -> memref<1x136xi32, #tpu.memory_space<hbm>>
      %dma_wait3A_228 = tpu.memref_squeeze %dma_wait3A_227 : memref<1x136xi32, #tpu.memory_space<hbm>> -> memref<136xi32, #tpu.memory_space<hbm>>
      %dma_wait3A_229 = arith.constant 0 : i32
      %dma_wait3A_230 = tpu.memref_slice %arg3[%add3A, %dma_wait3A_229] : memref<32x136xi32, #tpu.memory_space<hbm>> -> memref<1x136xi32, #tpu.memory_space<hbm>>
      %dma_wait3A_231 = tpu.memref_squeeze %dma_wait3A_230 : memref<1x136xi32, #tpu.memory_space<hbm>> -> memref<136xi32, #tpu.memory_space<hbm>>
      tpu.wait_dma2 semaphore(%run_scoped3A_221 : memref<!tpu.dma_semaphore, #tpu.memory_space<semaphore_mem>>) src(%arg8 : memref<136xi32, #tpu.memory_space<vmem>>) dst(%dma_wait3A_231 : memref<136xi32, #tpu.memory_space<hbm>>)
      tpu.yield
    }) : () -> ()
    return
  }
}

module attributes {stable_mosaic.version = 14 : i64} {
  func.func @_pos_gather_body(%arg0: i32, %arg1: memref<1x1x384xi32, #tpu.memory_space<vmem>>, %arg2: memref<1x1024x3xf32, #tpu.memory_space<vmem>>, %arg3: memref<1x384x3xf32, #tpu.memory_space<vmem>>, %arg4: memref<1x3x384xf32, #tpu.memory_space<vmem>>) attributes {dimension_semantics = [#tpu.dimension_semantics<arbitrary>], iteration_bounds = array<i64: 32>, scalar_prefetch = 0 : i64, scratch_operands = 0 : i64, tpu.core_type = #tpu.core_type<tc>, window_params = [{transform_indices = @transform_0, window_bounds = array<i64: 1, 1, 384>}, {transform_indices = @transform_1, window_bounds = array<i64: 1, 1024, 3>}, {transform_indices = @transform_2, window_bounds = array<i64: 1, 384, 3>}, {transform_indices = @transform_3, window_bounds = array<i64: 1, 3, 384>}]} {
    %get3A = arith.constant 0 : index
    %get3A_0 = arith.constant 0 : index
    %get3A_1 = arith.constant 0 : index
    %get3A_2 = vector.load %arg1[%get3A, %get3A_0, %get3A_1] : memref<1x1x384xi32, #tpu.memory_space<vmem>>, vector<1x1x384xi32>
    %get3A_3 = vector.shape_cast %get3A_2 : vector<1x1x384xi32> to vector<1x384xi32>
    %iota3A = tpu.iota {dimensions = array<i32: 0>} : vector<1024x384xi32>
    %eq3A = vector.broadcast %get3A_3 : vector<1x384xi32> to vector<1024x384xi32>
    %eq3A_4 = arith.cmpi eq, %iota3A, %eq3A : vector<1024x384xi32>
    %convert_element_type3A = arith.extui %eq3A_4 : vector<1024x384xi1> to vector<1024x384xi32>
    %convert_element_type3A_5 = arith.sitofp %convert_element_type3A : vector<1024x384xi32> to vector<1024x384xf32>
    %get3A_6 = arith.constant 0 : index
    %get3A_7 = arith.constant 0 : index
    %get3A_8 = arith.constant 0 : index
    %get3A_9 = vector.load %arg2[%get3A_6, %get3A_7, %get3A_8] : memref<1x1024x3xf32, #tpu.memory_space<vmem>>, vector<1x1024x3xf32>
    %get3A_10 = vector.shape_cast %get3A_9 : vector<1x1024x3xf32> to vector<1024x3xf32>
    %dot_general3A = arith.constant dense<0.000000e+00> : vector<384x3xf32>
    %dot_general3A_11 = tpu.matmul %convert_element_type3A_5, %get3A_10, %dot_general3A {dimension_numbers = #tpu.dot_dimension_numbers<[0], [0], [1], [1], [0, 1, 1, 1], [], []>, transpose_lhs_hint = false} : vector<1024x384xf32>, vector<1024x3xf32>, vector<384x3xf32> -> vector<384x3xf32>
    %swap3A = arith.constant 0 : index
    %swap3A_12 = arith.constant 0 : index
    %swap3A_13 = arith.constant 0 : index
    %swap3A_14 = vector.load %arg3[%swap3A, %swap3A_12, %swap3A_13] : memref<1x384x3xf32, #tpu.memory_space<vmem>>, vector<1x384x3xf32>
    %swap3A_15 = vector.shape_cast %swap3A_14 : vector<1x384x3xf32> to vector<384x3xf32>
    %swap3A_16 = vector.shape_cast %dot_general3A_11 : vector<384x3xf32> to vector<1x384x3xf32>
    tpu.vector_store %arg3[%swap3A, %swap3A_12, %swap3A_13], %swap3A_16 {strides = array<i32>} : memref<1x384x3xf32, #tpu.memory_space<vmem>>, vector<1x384x3xf32>,
    %transpose3A = tpu.transpose %dot_general3A_11, [1, 0] : vector<384x3xf32> -> vector<3x384xf32>
    %swap3A_17 = arith.constant 0 : index
    %swap3A_18 = arith.constant 0 : index
    %swap3A_19 = arith.constant 0 : index
    %swap3A_20 = vector.load %arg4[%swap3A_17, %swap3A_18, %swap3A_19] : memref<1x3x384xf32, #tpu.memory_space<vmem>>, vector<1x3x384xf32>
    %swap3A_21 = vector.shape_cast %swap3A_20 : vector<1x3x384xf32> to vector<3x384xf32>
    %swap3A_22 = vector.shape_cast %transpose3A : vector<3x384xf32> to vector<1x3x384xf32>
    tpu.vector_store %arg4[%swap3A_17, %swap3A_18, %swap3A_19], %swap3A_22 {strides = array<i32>} : memref<1x3x384xf32, #tpu.memory_space<vmem>>, vector<1x3x384xf32>,
    return
  }
  func.func @transform_0(%arg0: i32) -> (i32, i32, i32) {
    %c0_i32 = arith.constant 0 : i32
    %c0_i32_0 = arith.constant 0 : i32
    %c0_i32_1 = arith.constant 0 : i32
    return %arg0, %c0_i32, %c0_i32_0 : i32, i32, i32
  }
  func.func @transform_1(%arg0: i32) -> (i32, i32, i32) {
    %c0_i32 = arith.constant 0 : i32
    %c0_i32_0 = arith.constant 0 : i32
    %c0_i32_1 = arith.constant 0 : i32
    return %arg0, %c0_i32, %c0_i32_0 : i32, i32, i32
  }
  func.func @transform_2(%arg0: i32) -> (i32, i32, i32) {
    %c0_i32 = arith.constant 0 : i32
    %c0_i32_0 = arith.constant 0 : i32
    %c0_i32_1 = arith.constant 0 : i32
    return %arg0, %c0_i32, %c0_i32_0 : i32, i32, i32
  }
  func.func @transform_3(%arg0: i32) -> (i32, i32, i32) {
    %c0_i32 = arith.constant 0 : i32
    %c0_i32_0 = arith.constant 0 : i32
    %c0_i32_1 = arith.constant 0 : i32
    return %arg0, %c0_i32, %c0_i32_0 : i32, i32, i32
  }
}

module attributes {stable_mosaic.version = 14 : i64} {
  func.func @_xconv1_body(%arg0: i32, %arg1: i32, %arg2: memref<1x1024x3xf32, #tpu.memory_space<vmem>>, %arg3: memref<3x32xf32, #tpu.memory_space<vmem>>, %arg4: memref<1x32xf32, #tpu.memory_space<vmem>>, %arg5: memref<1x32xf32, #tpu.memory_space<vmem>>, %arg6: memref<1x32xf32, #tpu.memory_space<vmem>>, %arg7: memref<32x32xf32, #tpu.memory_space<vmem>>, %arg8: memref<1x32xf32, #tpu.memory_space<vmem>>, %arg9: memref<1x32xf32, #tpu.memory_space<vmem>>, %arg10: memref<1x32xf32, #tpu.memory_space<vmem>>, %arg11: memref<24x64xf32, #tpu.memory_space<vmem>>, %arg12: memref<1x64xf32, #tpu.memory_space<vmem>>, %arg13: memref<1x64xf32, #tpu.memory_space<vmem>>, %arg14: memref<1x64xf32, #tpu.memory_space<vmem>>, %arg15: memref<64x64xf32, #tpu.memory_space<vmem>>, %arg16: memref<1x64xf32, #tpu.memory_space<vmem>>, %arg17: memref<1x64xf32, #tpu.memory_space<vmem>>, %arg18: memref<1x64xf32, #tpu.memory_space<vmem>>, %arg19: memref<64x64xf32, #tpu.memory_space<vmem>>, %arg20: memref<1x64xf32, #tpu.memory_space<vmem>>, %arg21: memref<1x64xf32, #tpu.memory_space<vmem>>, %arg22: memref<1x64xf32, #tpu.memory_space<vmem>>, %arg23: memref<16x32xf32, #tpu.memory_space<vmem>>, %arg24: memref<1x64xf32, #tpu.memory_space<vmem>>, %arg25: memref<64x48xf32, #tpu.memory_space<vmem>>, %arg26: memref<1x48xf32, #tpu.memory_space<vmem>>, %arg27: memref<1x256x48xf32, #tpu.memory_space<vmem>>) attributes {dimension_semantics = [#tpu.dimension_semantics<arbitrary>, #tpu.dimension_semantics<arbitrary>], iteration_bounds = array<i64: 32, 4>, scalar_prefetch = 0 : i64, scratch_operands = 0 : i64, tpu.core_type = #tpu.core_type<tc>, window_params = [{transform_indices = @transform_0, window_bounds = array<i64: 1, 1024, 3>}, {pipeline_mode = #tpu.pipeline_mode<synchronous>, transform_indices = @transform_1, window_bounds = array<i64: 3, 32>}, {pipeline_mode = #tpu.pipeline_mode<synchronous>, transform_indices = @transform_2, window_bounds = array<i64: 1, 32>}, {pipeline_mode = #tpu.pipeline_mode<synchronous>, transform_indices = @transform_3, window_bounds = array<i64: 1, 32>}, {pipeline_mode = #tpu.pipeline_mode<synchronous>, transform_indices = @transform_4, window_bounds = array<i64: 1, 32>}, {pipeline_mode = #tpu.pipeline_mode<synchronous>, transform_indices = @transform_5, window_bounds = array<i64: 32, 32>}, {pipeline_mode = #tpu.pipeline_mode<synchronous>, transform_indices = @transform_6, window_bounds = array<i64: 1, 32>}, {pipeline_mode = #tpu.pipeline_mode<synchronous>, transform_indices = @transform_7, window_bounds = array<i64: 1, 32>}, {pipeline_mode = #tpu.pipeline_mode<synchronous>, transform_indices = @transform_8, window_bounds = array<i64: 1, 32>}, {pipeline_mode = #tpu.pipeline_mode<synchronous>, transform_indices = @transform_9, window_bounds = array<i64: 24, 64>}, {pipeline_mode = #tpu.pipeline_mode<synchronous>, transform_indices = @transform_10, window_bounds = array<i64: 1, 64>}, {pipeline_mode = #tpu.pipeline_mode<synchronous>, transform_indices = @transform_11, window_bounds = array<i64: 1, 64>}, {pipeline_mode = #tpu.pipeline_mode<synchronous>, transform_indices = @transform_12, window_bounds = array<i64: 1, 64>}, {pipeline_mode = #tpu.pipeline_mode<synchronous>, transform_indices = @transform_13, window_bounds = array<i64: 64, 64>}, {pipeline_mode = #tpu.pipeline_mode<synchronous>, transform_indices = @transform_14, window_bounds = array<i64: 1, 64>}, {pipeline_mode = #tpu.pipeline_mode<synchronous>, transform_indices = @transform_15, window_bounds = array<i64: 1, 64>}, {pipeline_mode = #tpu.pipeline_mode<synchronous>, transform_indices = @transform_16, window_bounds = array<i64: 1, 64>}, {pipeline_mode = #tpu.pipeline_mode<synchronous>, transform_indices = @transform_17, window_bounds = array<i64: 64, 64>}, {pipeline_mode = #tpu.pipeline_mode<synchronous>, transform_indices = @transform_18, window_bounds = array<i64: 1, 64>}, {pipeline_mode = #tpu.pipeline_mode<synchronous>, transform_indices = @transform_19, window_bounds = array<i64: 1, 64>}, {pipeline_mode = #tpu.pipeline_mode<synchronous>, transform_indices = @transform_20, window_bounds = array<i64: 1, 64>}, {pipeline_mode = #tpu.pipeline_mode<synchronous>, transform_indices = @transform_21, window_bounds = array<i64: 16, 32>}, {pipeline_mode = #tpu.pipeline_mode<synchronous>, transform_indices = @transform_22, window_bounds = array<i64: 1, 64>}, {pipeline_mode = #tpu.pipeline_mode<synchronous>, transform_indices = @transform_23, window_bounds = array<i64: 64, 48>}, {pipeline_mode = #tpu.pipeline_mode<synchronous>, transform_indices = @transform_24, window_bounds = array<i64: 1, 48>}, {transform_indices = @transform_25, window_bounds = array<i64: 1, 256, 48>}]} {
    %get3A = arith.constant 0 : index
    %get3A_0 = arith.constant 0 : index
    %get3A_1 = vector.load %arg3[%get3A, %get3A_0] : memref<3x32xf32, #tpu.memory_space<vmem>>, vector<3x32xf32>
    %get3A_2 = arith.constant 0 : index
    %get3A_3 = arith.constant 0 : index
    %get3A_4 = vector.load %arg4[%get3A_2, %get3A_3] : memref<1x32xf32, #tpu.memory_space<vmem>>, vector<1x32xf32>
    %get3A_5 = arith.constant 0 : index
    %get3A_6 = arith.constant 0 : index
    %get3A_7 = vector.load %arg5[%get3A_5, %get3A_6] : memref<1x32xf32, #tpu.memory_space<vmem>>, vector<1x32xf32>
    %get3A_8 = arith.constant 0 : index
    %get3A_9 = arith.constant 0 : index
    %get3A_10 = vector.load %arg6[%get3A_8, %get3A_9] : memref<1x32xf32, #tpu.memory_space<vmem>>, vector<1x32xf32>
    %get3A_11 = arith.constant 0 : index
    %get3A_12 = arith.constant 0 : index
    %get3A_13 = vector.load %arg7[%get3A_11, %get3A_12] : memref<32x32xf32, #tpu.memory_space<vmem>>, vector<32x32xf32>
    %get3A_14 = arith.constant 0 : index
    %get3A_15 = arith.constant 0 : index
    %get3A_16 = vector.load %arg8[%get3A_14, %get3A_15] : memref<1x32xf32, #tpu.memory_space<vmem>>, vector<1x32xf32>
    %get3A_17 = arith.constant 0 : index
    %get3A_18 = arith.constant 0 : index
    %get3A_19 = vector.load %arg9[%get3A_17, %get3A_18] : memref<1x32xf32, #tpu.memory_space<vmem>>, vector<1x32xf32>
    %get3A_20 = arith.constant 0 : index
    %get3A_21 = arith.constant 0 : index
    %get3A_22 = vector.load %arg10[%get3A_20, %get3A_21] : memref<1x32xf32, #tpu.memory_space<vmem>>, vector<1x32xf32>
    %get3A_23 = arith.constant 0 : index
    %get3A_24 = arith.constant 0 : index
    %get3A_25 = vector.load %arg11[%get3A_23, %get3A_24] : memref<24x64xf32, #tpu.memory_space<vmem>>, vector<24x64xf32>
    %get3A_26 = arith.constant 0 : index
    %get3A_27 = arith.constant 0 : index
    %get3A_28 = vector.load %arg12[%get3A_26, %get3A_27] : memref<1x64xf32, #tpu.memory_space<vmem>>, vector<1x64xf32>
    %get3A_29 = arith.constant 0 : index
    %get3A_30 = arith.constant 0 : index
    %get3A_31 = vector.load %arg13[%get3A_29, %get3A_30] : memref<1x64xf32, #tpu.memory_space<vmem>>, vector<1x64xf32>
    %get3A_32 = arith.constant 0 : index
    %get3A_33 = arith.constant 0 : index
    %get3A_34 = vector.load %arg14[%get3A_32, %get3A_33] : memref<1x64xf32, #tpu.memory_space<vmem>>, vector<1x64xf32>
    %get3A_35 = arith.constant 0 : index
    %get3A_36 = arith.constant 0 : index
    %get3A_37 = vector.load %arg15[%get3A_35, %get3A_36] : memref<64x64xf32, #tpu.memory_space<vmem>>, vector<64x64xf32>
    %get3A_38 = arith.constant 0 : index
    %get3A_39 = arith.constant 0 : index
    %get3A_40 = vector.load %arg16[%get3A_38, %get3A_39] : memref<1x64xf32, #tpu.memory_space<vmem>>, vector<1x64xf32>
    %get3A_41 = arith.constant 0 : index
    %get3A_42 = arith.constant 0 : index
    %get3A_43 = vector.load %arg17[%get3A_41, %get3A_42] : memref<1x64xf32, #tpu.memory_space<vmem>>, vector<1x64xf32>
    %get3A_44 = arith.constant 0 : index
    %get3A_45 = arith.constant 0 : index
    %get3A_46 = vector.load %arg18[%get3A_44, %get3A_45] : memref<1x64xf32, #tpu.memory_space<vmem>>, vector<1x64xf32>
    %get3A_47 = arith.constant 0 : index
    %get3A_48 = arith.constant 0 : index
    %get3A_49 = vector.load %arg19[%get3A_47, %get3A_48] : memref<64x64xf32, #tpu.memory_space<vmem>>, vector<64x64xf32>
    %get3A_50 = arith.constant 0 : index
    %get3A_51 = arith.constant 0 : index
    %get3A_52 = vector.load %arg20[%get3A_50, %get3A_51] : memref<1x64xf32, #tpu.memory_space<vmem>>, vector<1x64xf32>
    %get3A_53 = arith.constant 0 : index
    %get3A_54 = arith.constant 0 : index
    %get3A_55 = vector.load %arg21[%get3A_53, %get3A_54] : memref<1x64xf32, #tpu.memory_space<vmem>>, vector<1x64xf32>
    %get3A_56 = arith.constant 0 : index
    %get3A_57 = arith.constant 0 : index
    %get3A_58 = vector.load %arg22[%get3A_56, %get3A_57] : memref<1x64xf32, #tpu.memory_space<vmem>>, vector<1x64xf32>
    %get3A_59 = arith.constant 0 : index
    %get3A_60 = arith.constant 0 : index
    %get3A_61 = vector.load %arg23[%get3A_59, %get3A_60] : memref<16x32xf32, #tpu.memory_space<vmem>>, vector<16x32xf32>
    %get3A_62 = arith.constant 0 : index
    %get3A_63 = arith.constant 0 : index
    %get3A_64 = vector.load %arg24[%get3A_62, %get3A_63] : memref<1x64xf32, #tpu.memory_space<vmem>>, vector<1x64xf32>
    %get3A_65 = arith.constant 0 : index
    %get3A_66 = arith.constant 0 : index
    %get3A_67 = vector.load %arg25[%get3A_65, %get3A_66] : memref<64x48xf32, #tpu.memory_space<vmem>>, vector<64x48xf32>
    %get3A_68 = arith.constant 0 : index
    %get3A_69 = arith.constant 0 : index
    %get3A_70 = vector.load %arg26[%get3A_68, %get3A_69] : memref<1x48xf32, #tpu.memory_space<vmem>>, vector<1x48xf32>
    %get3A_71 = arith.constant 0 : index
    %get3A_72 = arith.constant 0 : index
    %get3A_73 = arith.constant 0 : index
    %get3A_74 = vector.load %arg2[%get3A_71, %get3A_72, %get3A_73] : memref<1x1024x3xf32, #tpu.memory_space<vmem>>, vector<1x1024x3xf32>
    %get3A_75 = vector.shape_cast %get3A_74 : vector<1x1024x3xf32> to vector<1024x3xf32>
    %mul3A = arith.constant 256 : i32
    %mul3A_76 = arith.muli %arg1, %mul3A : i32
    %get3A_77 = arith.constant 0 : index
    %get3A_78 = arith.index_cast %mul3A_76 : i32 to index
    %get3A_79 = arith.constant 0 : index
    %get3A_80 = vector.load %arg2[%get3A_77, %get3A_78, %get3A_79] : memref<1x1024x3xf32, #tpu.memory_space<vmem>>, vector<1x256x3xf32>
    %get3A_81 = vector.shape_cast %get3A_80 : vector<1x256x3xf32> to vector<256x3xf32>
    %dot_general3A = arith.constant dense<0.000000e+00> : vector<256x1024xf32>
    %dot_general3A_82 = tpu.matmul %get3A_81, %get3A_75, %dot_general3A {dimension_numbers = #tpu.dot_dimension_numbers<[1], [1], [0], [0], [0, 0, 1, 0], [], []>, transpose_lhs_hint = false} : vector<256x3xf32>, vector<1024x3xf32>, vector<256x1024xf32> -> vector<256x1024xf32>
    %mul3A_83 = arith.mulf %get3A_75, %get3A_75 : vector<1024x3xf32>
    %reduce_sum3A = arith.constant dense<0.000000e+00> : vector<1024xf32>
    %reduce_sum3A_84 = vector.multi_reduction <add>, %mul3A_83, %reduce_sum3A [1] : vector<1024x3xf32> to vector<1024xf32>
    %broadcast_in_dim3A = vector.shape_cast %reduce_sum3A_84 : vector<1024xf32> to vector<1024x1xf32>
    %mul3A_85 = arith.mulf %get3A_81, %get3A_81 : vector<256x3xf32>
    %reduce_sum3A_86 = arith.constant dense<0.000000e+00> : vector<256xf32>
    %reduce_sum3A_87 = vector.multi_reduction <add>, %mul3A_85, %reduce_sum3A_86 [1] : vector<256x3xf32> to vector<256xf32>
    %broadcast_in_dim3A_88 = vector.shape_cast %reduce_sum3A_87 : vector<256xf32> to vector<256x1xf32>
    %transpose3A = tpu.transpose %broadcast_in_dim3A, [1, 0] : vector<1024x1xf32> -> vector<1x1024xf32>
    %add3A = vector.broadcast %broadcast_in_dim3A_88 : vector<256x1xf32> to vector<256x1024xf32>
    %add3A_89 = vector.broadcast %transpose3A : vector<1x1024xf32> to vector<256x1024xf32>
    %add3A_90 = arith.addf %add3A, %add3A_89 : vector<256x1024xf32>
    %mul3A_91 = arith.constant 2.000000e+00 : f32
    %mul3A_92 = vector.broadcast %mul3A_91 : f32 to vector<256x1024xf32>
    %mul3A_93 = arith.mulf %mul3A_92, %dot_general3A_82 : vector<256x1024xf32>
    %sub3A = arith.subf %add3A_90, %mul3A_93 : vector<256x1024xf32>
    %iota3A = tpu.iota {dimensions = array<i32: 1>} : vector<256x1024xi32>
    %convert_element_type3A = arith.sitofp %iota3A : vector<256x1024xi32> to vector<256x1024xf32>
    %reduce_min3A = arith.constant dense<0x7F800000> : vector<256xf32>
    %reduce_min3A_94 = vector.multi_reduction <minimumf>, %sub3A, %reduce_min3A [1] : vector<256x1024xf32> to vector<256xf32>
    %broadcast_in_dim3A_95 = vector.shape_cast %reduce_min3A_94 : vector<256xf32> to vector<256x1xf32>
    %eq3A = vector.broadcast %broadcast_in_dim3A_95 : vector<256x1xf32> to vector<256x1024xf32>
    %eq3A_96 = arith.cmpf oeq, %sub3A, %eq3A : vector<256x1024xf32>
    %jit3A = arith.constant 1.024000e+03 : f32
    %broadcast_in_dim3A_97 = vector.broadcast %jit3A : f32 to vector<256x1024xf32>
    %select_n3A = arith.select %eq3A_96, %convert_element_type3A, %broadcast_in_dim3A_97 : vector<256x1024xi1>, vector<256x1024xf32>
    %reduce_min3A_98 = arith.constant dense<0x7F800000> : vector<256xf32>
    %reduce_min3A_99 = vector.multi_reduction <minimumf>, %select_n3A, %reduce_min3A_98 [1] : vector<256x1024xf32> to vector<256xf32>
    %broadcast_in_dim3A_100 = vector.shape_cast %reduce_min3A_99 : vector<256xf32> to vector<256x1xf32>
    %eq3A_101 = vector.broadcast %broadcast_in_dim3A_100 : vector<256x1xf32> to vector<256x1024xf32>
    %eq3A_102 = arith.cmpf oeq, %convert_element_type3A, %eq3A_101 : vector<256x1024xf32>
    %convert_element_type3A_103 = arith.extui %eq3A_102 : vector<256x1024xi1> to vector<256x1024xi32>
    %convert_element_type3A_104 = arith.sitofp %convert_element_type3A_103 : vector<256x1024xi32> to vector<256x1024xf32>
    %jit3A_105 = arith.constant 1.000000e+30 : f32
    %broadcast_in_dim3A_106 = vector.broadcast %jit3A_105 : f32 to vector<256x1024xf32>
    %select_n3A_107 = arith.select %eq3A_102, %broadcast_in_dim3A_106, %sub3A : vector<256x1024xi1>, vector<256x1024xf32>
    %reduce_min3A_108 = arith.constant dense<0x7F800000> : vector<256xf32>
    %reduce_min3A_109 = vector.multi_reduction <minimumf>, %select_n3A_107, %reduce_min3A_108 [1] : vector<256x1024xf32> to vector<256xf32>
    %broadcast_in_dim3A_110 = vector.shape_cast %reduce_min3A_109 : vector<256xf32> to vector<256x1xf32>
    %eq3A_111 = vector.broadcast %broadcast_in_dim3A_110 : vector<256x1xf32> to vector<256x1024xf32>
    %eq3A_112 = arith.cmpf oeq, %select_n3A_107, %eq3A_111 : vector<256x1024xf32>
    %jit3A_113 = arith.constant 1.024000e+03 : f32
    %broadcast_in_dim3A_114 = vector.broadcast %jit3A_113 : f32 to vector<256x1024xf32>
    %select_n3A_115 = arith.select %eq3A_112, %convert_element_type3A, %broadcast_in_dim3A_114 : vector<256x1024xi1>, vector<256x1024xf32>
    %reduce_min3A_116 = arith.constant dense<0x7F800000> : vector<256xf32>
    %reduce_min3A_117 = vector.multi_reduction <minimumf>, %select_n3A_115, %reduce_min3A_116 [1] : vector<256x1024xf32> to vector<256xf32>
    %broadcast_in_dim3A_118 = vector.shape_cast %reduce_min3A_117 : vector<256xf32> to vector<256x1xf32>
    %eq3A_119 = vector.broadcast %broadcast_in_dim3A_118 : vector<256x1xf32> to vector<256x1024xf32>
    %eq3A_120 = arith.cmpf oeq, %convert_element_type3A, %eq3A_119 : vector<256x1024xf32>
    %convert_element_type3A_121 = arith.extui %eq3A_120 : vector<256x1024xi1> to vector<256x1024xi32>
    %convert_element_type3A_122 = arith.sitofp %convert_element_type3A_121 : vector<256x1024xi32> to vector<256x1024xf32>
    %jit3A_123 = arith.constant 1.000000e+30 : f32
    %broadcast_in_dim3A_124 = vector.broadcast %jit3A_123 : f32 to vector<256x1024xf32>
    %select_n3A_125 = arith.select %eq3A_120, %broadcast_in_dim3A_124, %select_n3A_107 : vector<256x1024xi1>, vector<256x1024xf32>
    %reduce_min3A_126 = arith.constant dense<0x7F800000> : vector<256xf32>
    %reduce_min3A_127 = vector.multi_reduction <minimumf>, %select_n3A_125, %reduce_min3A_126 [1] : vector<256x1024xf32> to vector<256xf32>
    %broadcast_in_dim3A_128 = vector.shape_cast %reduce_min3A_127 : vector<256xf32> to vector<256x1xf32>
    %eq3A_129 = vector.broadcast %broadcast_in_dim3A_128 : vector<256x1xf32> to vector<256x1024xf32>
    %eq3A_130 = arith.cmpf oeq, %select_n3A_125, %eq3A_129 : vector<256x1024xf32>
    %jit3A_131 = arith.constant 1.024000e+03 : f32
    %broadcast_in_dim3A_132 = vector.broadcast %jit3A_131 : f32 to vector<256x1024xf32>
    %select_n3A_133 = arith.select %eq3A_130, %convert_element_type3A, %broadcast_in_dim3A_132 : vector<256x1024xi1>, vector<256x1024xf32>
    %reduce_min3A_134 = arith.constant dense<0x7F800000> : vector<256xf32>
    %reduce_min3A_135 = vector.multi_reduction <minimumf>, %select_n3A_133, %reduce_min3A_134 [1] : vector<256x1024xf32> to vector<256xf32>
    %broadcast_in_dim3A_136 = vector.shape_cast %reduce_min3A_135 : vector<256xf32> to vector<256x1xf32>
    %eq3A_137 = vector.broadcast %broadcast_in_dim3A_136 : vector<256x1xf32> to vector<256x1024xf32>
    %eq3A_138 = arith.cmpf oeq, %convert_element_type3A, %eq3A_137 : vector<256x1024xf32>
    %convert_element_type3A_139 = arith.extui %eq3A_138 : vector<256x1024xi1> to vector<256x1024xi32>
    %convert_element_type3A_140 = arith.sitofp %convert_element_type3A_139 : vector<256x1024xi32> to vector<256x1024xf32>
    %jit3A_141 = arith.constant 1.000000e+30 : f32
    %broadcast_in_dim3A_142 = vector.broadcast %jit3A_141 : f32 to vector<256x1024xf32>
    %select_n3A_143 = arith.select %eq3A_138, %broadcast_in_dim3A_142, %select_n3A_125 : vector<256x1024xi1>, vector<256x1024xf32>
    %reduce_min3A_144 = arith.constant dense<0x7F800000> : vector<256xf32>
    %reduce_min3A_145 = vector.multi_reduction <minimumf>, %select_n3A_143, %reduce_min3A_144 [1] : vector<256x1024xf32> to vector<256xf32>
    %broadcast_in_dim3A_146 = vector.shape_cast %reduce_min3A_145 : vector<256xf32> to vector<256x1xf32>
    %eq3A_147 = vector.broadcast %broadcast_in_dim3A_146 : vector<256x1xf32> to vector<256x1024xf32>
    %eq3A_148 = arith.cmpf oeq, %select_n3A_143, %eq3A_147 : vector<256x1024xf32>
    %jit3A_149 = arith.constant 1.024000e+03 : f32
    %broadcast_in_dim3A_150 = vector.broadcast %jit3A_149 : f32 to vector<256x1024xf32>
    %select_n3A_151 = arith.select %eq3A_148, %convert_element_type3A, %broadcast_in_dim3A_150 : vector<256x1024xi1>, vector<256x1024xf32>
    %reduce_min3A_152 = arith.constant dense<0x7F800000> : vector<256xf32>
    %reduce_min3A_153 = vector.multi_reduction <minimumf>, %select_n3A_151, %reduce_min3A_152 [1] : vector<256x1024xf32> to vector<256xf32>
    %broadcast_in_dim3A_154 = vector.shape_cast %reduce_min3A_153 : vector<256xf32> to vector<256x1xf32>
    %eq3A_155 = vector.broadcast %broadcast_in_dim3A_154 : vector<256x1xf32> to vector<256x1024xf32>
    %eq3A_156 = arith.cmpf oeq, %convert_element_type3A, %eq3A_155 : vector<256x1024xf32>
    %convert_element_type3A_157 = arith.extui %eq3A_156 : vector<256x1024xi1> to vector<256x1024xi32>
    %convert_element_type3A_158 = arith.sitofp %convert_element_type3A_157 : vector<256x1024xi32> to vector<256x1024xf32>
    %jit3A_159 = arith.constant 1.000000e+30 : f32
    %broadcast_in_dim3A_160 = vector.broadcast %jit3A_159 : f32 to vector<256x1024xf32>
    %select_n3A_161 = arith.select %eq3A_156, %broadcast_in_dim3A_160, %select_n3A_143 : vector<256x1024xi1>, vector<256x1024xf32>
    %reduce_min3A_162 = arith.constant dense<0x7F800000> : vector<256xf32>
    %reduce_min3A_163 = vector.multi_reduction <minimumf>, %select_n3A_161, %reduce_min3A_162 [1] : vector<256x1024xf32> to vector<256xf32>
    %broadcast_in_dim3A_164 = vector.shape_cast %reduce_min3A_163 : vector<256xf32> to vector<256x1xf32>
    %eq3A_165 = vector.broadcast %broadcast_in_dim3A_164 : vector<256x1xf32> to vector<256x1024xf32>
    %eq3A_166 = arith.cmpf oeq, %select_n3A_161, %eq3A_165 : vector<256x1024xf32>
    %jit3A_167 = arith.constant 1.024000e+03 : f32
    %broadcast_in_dim3A_168 = vector.broadcast %jit3A_167 : f32 to vector<256x1024xf32>
    %select_n3A_169 = arith.select %eq3A_166, %convert_element_type3A, %broadcast_in_dim3A_168 : vector<256x1024xi1>, vector<256x1024xf32>
    %reduce_min3A_170 = arith.constant dense<0x7F800000> : vector<256xf32>
    %reduce_min3A_171 = vector.multi_reduction <minimumf>, %select_n3A_169, %reduce_min3A_170 [1] : vector<256x1024xf32> to vector<256xf32>
    %broadcast_in_dim3A_172 = vector.shape_cast %reduce_min3A_171 : vector<256xf32> to vector<256x1xf32>
    %eq3A_173 = vector.broadcast %broadcast_in_dim3A_172 : vector<256x1xf32> to vector<256x1024xf32>
    %eq3A_174 = arith.cmpf oeq, %convert_element_type3A, %eq3A_173 : vector<256x1024xf32>
    %convert_element_type3A_175 = arith.extui %eq3A_174 : vector<256x1024xi1> to vector<256x1024xi32>
    %convert_element_type3A_176 = arith.sitofp %convert_element_type3A_175 : vector<256x1024xi32> to vector<256x1024xf32>
    %jit3A_177 = arith.constant 1.000000e+30 : f32
    %broadcast_in_dim3A_178 = vector.broadcast %jit3A_177 : f32 to vector<256x1024xf32>
    %select_n3A_179 = arith.select %eq3A_174, %broadcast_in_dim3A_178, %select_n3A_161 : vector<256x1024xi1>, vector<256x1024xf32>
    %reduce_min3A_180 = arith.constant dense<0x7F800000> : vector<256xf32>
    %reduce_min3A_181 = vector.multi_reduction <minimumf>, %select_n3A_179, %reduce_min3A_180 [1] : vector<256x1024xf32> to vector<256xf32>
    %broadcast_in_dim3A_182 = vector.shape_cast %reduce_min3A_181 : vector<256xf32> to vector<256x1xf32>
    %eq3A_183 = vector.broadcast %broadcast_in_dim3A_182 : vector<256x1xf32> to vector<256x1024xf32>
    %eq3A_184 = arith.cmpf oeq, %select_n3A_179, %eq3A_183 : vector<256x1024xf32>
    %jit3A_185 = arith.constant 1.024000e+03 : f32
    %broadcast_in_dim3A_186 = vector.broadcast %jit3A_185 : f32 to vector<256x1024xf32>
    %select_n3A_187 = arith.select %eq3A_184, %convert_element_type3A, %broadcast_in_dim3A_186 : vector<256x1024xi1>, vector<256x1024xf32>
    %reduce_min3A_188 = arith.constant dense<0x7F800000> : vector<256xf32>
    %reduce_min3A_189 = vector.multi_reduction <minimumf>, %select_n3A_187, %reduce_min3A_188 [1] : vector<256x1024xf32> to vector<256xf32>
    %broadcast_in_dim3A_190 = vector.shape_cast %reduce_min3A_189 : vector<256xf32> to vector<256x1xf32>
    %eq3A_191 = vector.broadcast %broadcast_in_dim3A_190 : vector<256x1xf32> to vector<256x1024xf32>
    %eq3A_192 = arith.cmpf oeq, %convert_element_type3A, %eq3A_191 : vector<256x1024xf32>
    %convert_element_type3A_193 = arith.extui %eq3A_192 : vector<256x1024xi1> to vector<256x1024xi32>
    %convert_element_type3A_194 = arith.sitofp %convert_element_type3A_193 : vector<256x1024xi32> to vector<256x1024xf32>
    %jit3A_195 = arith.constant 1.000000e+30 : f32
    %broadcast_in_dim3A_196 = vector.broadcast %jit3A_195 : f32 to vector<256x1024xf32>
    %select_n3A_197 = arith.select %eq3A_192, %broadcast_in_dim3A_196, %select_n3A_179 : vector<256x1024xi1>, vector<256x1024xf32>
    %reduce_min3A_198 = arith.constant dense<0x7F800000> : vector<256xf32>
    %reduce_min3A_199 = vector.multi_reduction <minimumf>, %select_n3A_197, %reduce_min3A_198 [1] : vector<256x1024xf32> to vector<256xf32>
    %broadcast_in_dim3A_200 = vector.shape_cast %reduce_min3A_199 : vector<256xf32> to vector<256x1xf32>
    %eq3A_201 = vector.broadcast %broadcast_in_dim3A_200 : vector<256x1xf32> to vector<256x1024xf32>
    %eq3A_202 = arith.cmpf oeq, %select_n3A_197, %eq3A_201 : vector<256x1024xf32>
    %jit3A_203 = arith.constant 1.024000e+03 : f32
    %broadcast_in_dim3A_204 = vector.broadcast %jit3A_203 : f32 to vector<256x1024xf32>
    %select_n3A_205 = arith.select %eq3A_202, %convert_element_type3A, %broadcast_in_dim3A_204 : vector<256x1024xi1>, vector<256x1024xf32>
    %reduce_min3A_206 = arith.constant dense<0x7F800000> : vector<256xf32>
    %reduce_min3A_207 = vector.multi_reduction <minimumf>, %select_n3A_205, %reduce_min3A_206 [1] : vector<256x1024xf32> to vector<256xf32>
    %broadcast_in_dim3A_208 = vector.shape_cast %reduce_min3A_207 : vector<256xf32> to vector<256x1xf32>
    %eq3A_209 = vector.broadcast %broadcast_in_dim3A_208 : vector<256x1xf32> to vector<256x1024xf32>
    %eq3A_210 = arith.cmpf oeq, %convert_element_type3A, %eq3A_209 : vector<256x1024xf32>
    %convert_element_type3A_211 = arith.extui %eq3A_210 : vector<256x1024xi1> to vector<256x1024xi32>
    %convert_element_type3A_212 = arith.sitofp %convert_element_type3A_211 : vector<256x1024xi32> to vector<256x1024xf32>
    %jit3A_213 = arith.constant 1.000000e+30 : f32
    %broadcast_in_dim3A_214 = vector.broadcast %jit3A_213 : f32 to vector<256x1024xf32>
    %select_n3A_215 = arith.select %eq3A_210, %broadcast_in_dim3A_214, %select_n3A_197 : vector<256x1024xi1>, vector<256x1024xf32>
    %reduce_min3A_216 = arith.constant dense<0x7F800000> : vector<256xf32>
    %reduce_min3A_217 = vector.multi_reduction <minimumf>, %select_n3A_215, %reduce_min3A_216 [1] : vector<256x1024xf32> to vector<256xf32>
    %broadcast_in_dim3A_218 = vector.shape_cast %reduce_min3A_217 : vector<256xf32> to vector<256x1xf32>
    %eq3A_219 = vector.broadcast %broadcast_in_dim3A_218 : vector<256x1xf32> to vector<256x1024xf32>
    %eq3A_220 = arith.cmpf oeq, %select_n3A_215, %eq3A_219 : vector<256x1024xf32>
    %jit3A_221 = arith.constant 1.024000e+03 : f32
    %broadcast_in_dim3A_222 = vector.broadcast %jit3A_221 : f32 to vector<256x1024xf32>
    %select_n3A_223 = arith.select %eq3A_220, %convert_element_type3A, %broadcast_in_dim3A_222 : vector<256x1024xi1>, vector<256x1024xf32>
    %reduce_min3A_224 = arith.constant dense<0x7F800000> : vector<256xf32>
    %reduce_min3A_225 = vector.multi_reduction <minimumf>, %select_n3A_223, %reduce_min3A_224 [1] : vector<256x1024xf32> to vector<256xf32>
    %broadcast_in_dim3A_226 = vector.shape_cast %reduce_min3A_225 : vector<256xf32> to vector<256x1xf32>
    %eq3A_227 = vector.broadcast %broadcast_in_dim3A_226 : vector<256x1xf32> to vector<256x1024xf32>
    %eq3A_228 = arith.cmpf oeq, %convert_element_type3A, %eq3A_227 : vector<256x1024xf32>
    %convert_element_type3A_229 = arith.extui %eq3A_228 : vector<256x1024xi1> to vector<256x1024xi32>
    %convert_element_type3A_230 = arith.sitofp %convert_element_type3A_229 : vector<256x1024xi32> to vector<256x1024xf32>
    %dot_general3A_231 = arith.constant dense<0.000000e+00> : vector<256x3xf32>
    %dot_general3A_232 = tpu.matmul %convert_element_type3A_104, %get3A_75, %dot_general3A_231 {dimension_numbers = #tpu.dot_dimension_numbers<[1], [0], [0], [1], [0, 0, 1, 1], [], []>, transpose_lhs_hint = false} : vector<256x1024xf32>, vector<1024x3xf32>, vector<256x3xf32> -> vector<256x3xf32>
    %sub3A_233 = arith.subf %dot_general3A_232, %get3A_81 : vector<256x3xf32>
    %dot_general3A_234 = arith.constant dense<0.000000e+00> : vector<256x3xf32>
    %dot_general3A_235 = tpu.matmul %convert_element_type3A_122, %get3A_75, %dot_general3A_234 {dimension_numbers = #tpu.dot_dimension_numbers<[1], [0], [0], [1], [0, 0, 1, 1], [], []>, transpose_lhs_hint = false} : vector<256x1024xf32>, vector<1024x3xf32>, vector<256x3xf32> -> vector<256x3xf32>
    %sub3A_236 = arith.subf %dot_general3A_235, %get3A_81 : vector<256x3xf32>
    %dot_general3A_237 = arith.constant dense<0.000000e+00> : vector<256x3xf32>
    %dot_general3A_238 = tpu.matmul %convert_element_type3A_140, %get3A_75, %dot_general3A_237 {dimension_numbers = #tpu.dot_dimension_numbers<[1], [0], [0], [1], [0, 0, 1, 1], [], []>, transpose_lhs_hint = false} : vector<256x1024xf32>, vector<1024x3xf32>, vector<256x3xf32> -> vector<256x3xf32>
    %sub3A_239 = arith.subf %dot_general3A_238, %get3A_81 : vector<256x3xf32>
    %dot_general3A_240 = arith.constant dense<0.000000e+00> : vector<256x3xf32>
    %dot_general3A_241 = tpu.matmul %convert_element_type3A_158, %get3A_75, %dot_general3A_240 {dimension_numbers = #tpu.dot_dimension_numbers<[1], [0], [0], [1], [0, 0, 1, 1], [], []>, transpose_lhs_hint = false} : vector<256x1024xf32>, vector<1024x3xf32>, vector<256x3xf32> -> vector<256x3xf32>
    %sub3A_242 = arith.subf %dot_general3A_241, %get3A_81 : vector<256x3xf32>
    %dot_general3A_243 = arith.constant dense<0.000000e+00> : vector<256x3xf32>
    %dot_general3A_244 = tpu.matmul %convert_element_type3A_176, %get3A_75, %dot_general3A_243 {dimension_numbers = #tpu.dot_dimension_numbers<[1], [0], [0], [1], [0, 0, 1, 1], [], []>, transpose_lhs_hint = false} : vector<256x1024xf32>, vector<1024x3xf32>, vector<256x3xf32> -> vector<256x3xf32>
    %sub3A_245 = arith.subf %dot_general3A_244, %get3A_81 : vector<256x3xf32>
    %dot_general3A_246 = arith.constant dense<0.000000e+00> : vector<256x3xf32>
    %dot_general3A_247 = tpu.matmul %convert_element_type3A_194, %get3A_75, %dot_general3A_246 {dimension_numbers = #tpu.dot_dimension_numbers<[1], [0], [0], [1], [0, 0, 1, 1], [], []>, transpose_lhs_hint = false} : vector<256x1024xf32>, vector<1024x3xf32>, vector<256x3xf32> -> vector<256x3xf32>
    %sub3A_248 = arith.subf %dot_general3A_247, %get3A_81 : vector<256x3xf32>
    %dot_general3A_249 = arith.constant dense<0.000000e+00> : vector<256x3xf32>
    %dot_general3A_250 = tpu.matmul %convert_element_type3A_212, %get3A_75, %dot_general3A_249 {dimension_numbers = #tpu.dot_dimension_numbers<[1], [0], [0], [1], [0, 0, 1, 1], [], []>, transpose_lhs_hint = false} : vector<256x1024xf32>, vector<1024x3xf32>, vector<256x3xf32> -> vector<256x3xf32>
    %sub3A_251 = arith.subf %dot_general3A_250, %get3A_81 : vector<256x3xf32>
    %dot_general3A_252 = arith.constant dense<0.000000e+00> : vector<256x3xf32>
    %dot_general3A_253 = tpu.matmul %convert_element_type3A_230, %get3A_75, %dot_general3A_252 {dimension_numbers = #tpu.dot_dimension_numbers<[1], [0], [0], [1], [0, 0, 1, 1], [], []>, transpose_lhs_hint = false} : vector<256x1024xf32>, vector<1024x3xf32>, vector<256x3xf32> -> vector<256x3xf32>
    %sub3A_254 = arith.subf %dot_general3A_253, %get3A_81 : vector<256x3xf32>
    %concatenate3A = tpu.concatenate %sub3A_233, %sub3A_236, %sub3A_239, %sub3A_242, %sub3A_245, %sub3A_248, %sub3A_251, %sub3A_254 in 0 : vector<256x3xf32>, vector<256x3xf32>, vector<256x3xf32>, vector<256x3xf32>, vector<256x3xf32>, vector<256x3xf32>, vector<256x3xf32>, vector<256x3xf32> -> vector<2048x3xf32>
    %dot_general3A_255 = arith.constant dense<0.000000e+00> : vector<2048x32xf32>
    %dot_general3A_256 = tpu.matmul %concatenate3A, %get3A_1, %dot_general3A_255 {dimension_numbers = #tpu.dot_dimension_numbers<[1], [0], [0], [1], [0, 0, 1, 1], [], []>, transpose_lhs_hint = false} : vector<2048x3xf32>, vector<3x32xf32>, vector<2048x32xf32> -> vector<2048x32xf32>
    %add3A_257 = vector.broadcast %get3A_4 : vector<1x32xf32> to vector<2048x32xf32>
    %add3A_258 = arith.addf %dot_general3A_256, %add3A_257 : vector<2048x32xf32>
    %gt3A = arith.constant 0.000000e+00 : f32
    %gt3A_259 = vector.broadcast %gt3A : f32 to vector<2048x32xf32>
    %gt3A_260 = arith.cmpf ogt, %add3A_258, %gt3A_259 : vector<2048x32xf32>
    %exp3A = math.exp %add3A_258 : vector<2048x32xf32>
    %sub3A_261 = arith.constant 1.000000e+00 : f32
    %sub3A_262 = vector.broadcast %sub3A_261 : f32 to vector<2048x32xf32>
    %sub3A_263 = arith.subf %exp3A, %sub3A_262 : vector<2048x32xf32>
    %select_n3A_264 = arith.select %gt3A_260, %add3A_258, %sub3A_263 : vector<2048x32xi1>, vector<2048x32xf32>
    %mul3A_265 = vector.broadcast %get3A_7 : vector<1x32xf32> to vector<2048x32xf32>
    %mul3A_266 = arith.mulf %select_n3A_264, %mul3A_265 : vector<2048x32xf32>
    %add3A_267 = vector.broadcast %get3A_10 : vector<1x32xf32> to vector<2048x32xf32>
    %add3A_268 = arith.addf %mul3A_266, %add3A_267 : vector<2048x32xf32>
    %dot_general3A_269 = arith.constant dense<0.000000e+00> : vector<2048x32xf32>
    %dot_general3A_270 = tpu.matmul %add3A_268, %get3A_13, %dot_general3A_269 {dimension_numbers = #tpu.dot_dimension_numbers<[1], [0], [0], [1], [0, 0, 1, 1], [], []>, transpose_lhs_hint = false} : vector<2048x32xf32>, vector<32x32xf32>, vector<2048x32xf32> -> vector<2048x32xf32>
    %add3A_271 = vector.broadcast %get3A_16 : vector<1x32xf32> to vector<2048x32xf32>
    %add3A_272 = arith.addf %dot_general3A_270, %add3A_271 : vector<2048x32xf32>
    %gt3A_273 = arith.constant 0.000000e+00 : f32
    %gt3A_274 = vector.broadcast %gt3A_273 : f32 to vector<2048x32xf32>
    %gt3A_275 = arith.cmpf ogt, %add3A_272, %gt3A_274 : vector<2048x32xf32>
    %exp3A_276 = math.exp %add3A_272 : vector<2048x32xf32>
    %sub3A_277 = arith.constant 1.000000e+00 : f32
    %sub3A_278 = vector.broadcast %sub3A_277 : f32 to vector<2048x32xf32>
    %sub3A_279 = arith.subf %exp3A_276, %sub3A_278 : vector<2048x32xf32>
    %select_n3A_280 = arith.select %gt3A_275, %add3A_272, %sub3A_279 : vector<2048x32xi1>, vector<2048x32xf32>
    %mul3A_281 = vector.broadcast %get3A_19 : vector<1x32xf32> to vector<2048x32xf32>
    %mul3A_282 = arith.mulf %select_n3A_280, %mul3A_281 : vector<2048x32xf32>
    %add3A_283 = vector.broadcast %get3A_22 : vector<1x32xf32> to vector<2048x32xf32>
    %add3A_284 = arith.addf %mul3A_282, %add3A_283 : vector<2048x32xf32>
    %concatenate3A_285 = tpu.concatenate %sub3A_233, %sub3A_236, %sub3A_239, %sub3A_242, %sub3A_245, %sub3A_248, %sub3A_251, %sub3A_254 in 1 : vector<256x3xf32>, vector<256x3xf32>, vector<256x3xf32>, vector<256x3xf32>, vector<256x3xf32>, vector<256x3xf32>, vector<256x3xf32>, vector<256x3xf32> -> vector<256x24xf32>
    %dot_general3A_286 = arith.constant dense<0.000000e+00> : vector<256x64xf32>
    %dot_general3A_287 = tpu.matmul %concatenate3A_285, %get3A_25, %dot_general3A_286 {dimension_numbers = #tpu.dot_dimension_numbers<[1], [0], [0], [1], [0, 0, 1, 1], [], []>, transpose_lhs_hint = false} : vector<256x24xf32>, vector<24x64xf32>, vector<256x64xf32> -> vector<256x64xf32>
    %add3A_288 = vector.broadcast %get3A_28 : vector<1x64xf32> to vector<256x64xf32>
    %add3A_289 = arith.addf %dot_general3A_287, %add3A_288 : vector<256x64xf32>
    %gt3A_290 = arith.constant 0.000000e+00 : f32
    %gt3A_291 = vector.broadcast %gt3A_290 : f32 to vector<256x64xf32>
    %gt3A_292 = arith.cmpf ogt, %add3A_289, %gt3A_291 : vector<256x64xf32>
    %exp3A_293 = math.exp %add3A_289 : vector<256x64xf32>
    %sub3A_294 = arith.constant 1.000000e+00 : f32
    %sub3A_295 = vector.broadcast %sub3A_294 : f32 to vector<256x64xf32>
    %sub3A_296 = arith.subf %exp3A_293, %sub3A_295 : vector<256x64xf32>
    %select_n3A_297 = arith.select %gt3A_292, %add3A_289, %sub3A_296 : vector<256x64xi1>, vector<256x64xf32>
    %mul3A_298 = vector.broadcast %get3A_31 : vector<1x64xf32> to vector<256x64xf32>
    %mul3A_299 = arith.mulf %select_n3A_297, %mul3A_298 : vector<256x64xf32>
    %add3A_300 = vector.broadcast %get3A_34 : vector<1x64xf32> to vector<256x64xf32>
    %add3A_301 = arith.addf %mul3A_299, %add3A_300 : vector<256x64xf32>
    %dot_general3A_302 = arith.constant dense<0.000000e+00> : vector<256x64xf32>
    %dot_general3A_303 = tpu.matmul %add3A_301, %get3A_37, %dot_general3A_302 {dimension_numbers = #tpu.dot_dimension_numbers<[1], [0], [0], [1], [0, 0, 1, 1], [], []>, transpose_lhs_hint = false} : vector<256x64xf32>, vector<64x64xf32>, vector<256x64xf32> -> vector<256x64xf32>
    %add3A_304 = vector.broadcast %get3A_40 : vector<1x64xf32> to vector<256x64xf32>
    %add3A_305 = arith.addf %dot_general3A_303, %add3A_304 : vector<256x64xf32>
    %gt3A_306 = arith.constant 0.000000e+00 : f32
    %gt3A_307 = vector.broadcast %gt3A_306 : f32 to vector<256x64xf32>
    %gt3A_308 = arith.cmpf ogt, %add3A_305, %gt3A_307 : vector<256x64xf32>
    %exp3A_309 = math.exp %add3A_305 : vector<256x64xf32>
    %sub3A_310 = arith.constant 1.000000e+00 : f32
    %sub3A_311 = vector.broadcast %sub3A_310 : f32 to vector<256x64xf32>
    %sub3A_312 = arith.subf %exp3A_309, %sub3A_311 : vector<256x64xf32>
    %select_n3A_313 = arith.select %gt3A_308, %add3A_305, %sub3A_312 : vector<256x64xi1>, vector<256x64xf32>
    %mul3A_314 = vector.broadcast %get3A_43 : vector<1x64xf32> to vector<256x64xf32>
    %mul3A_315 = arith.mulf %select_n3A_313, %mul3A_314 : vector<256x64xf32>
    %add3A_316 = vector.broadcast %get3A_46 : vector<1x64xf32> to vector<256x64xf32>
    %add3A_317 = arith.addf %mul3A_315, %add3A_316 : vector<256x64xf32>
    %dot_general3A_318 = arith.constant dense<0.000000e+00> : vector<256x64xf32>
    %dot_general3A_319 = tpu.matmul %add3A_317, %get3A_49, %dot_general3A_318 {dimension_numbers = #tpu.dot_dimension_numbers<[1], [0], [0], [1], [0, 0, 1, 1], [], []>, transpose_lhs_hint = false} : vector<256x64xf32>, vector<64x64xf32>, vector<256x64xf32> -> vector<256x64xf32>
    %add3A_320 = vector.broadcast %get3A_52 : vector<1x64xf32> to vector<256x64xf32>
    %add3A_321 = arith.addf %dot_general3A_319, %add3A_320 : vector<256x64xf32>
    %mul3A_322 = vector.broadcast %get3A_55 : vector<1x64xf32> to vector<256x64xf32>
    %mul3A_323 = arith.mulf %add3A_321, %mul3A_322 : vector<256x64xf32>
    %add3A_324 = vector.broadcast %get3A_58 : vector<1x64xf32> to vector<256x64xf32>
    %add3A_325 = arith.addf %mul3A_323, %add3A_324 : vector<256x64xf32>
    %slice3A = vector.extract_strided_slice %add3A_284 {offsets = [0, 0], sizes = [256, 32], strides = [1, 1]} : vector<2048x32xf32> to vector<256x32xf32>
    %slice3A_326 = vector.extract_strided_slice %add3A_284 {offsets = [256, 0], sizes = [256, 32], strides = [1, 1]} : vector<2048x32xf32> to vector<256x32xf32>
    %slice3A_327 = vector.extract_strided_slice %add3A_284 {offsets = [512, 0], sizes = [256, 32], strides = [1, 1]} : vector<2048x32xf32> to vector<256x32xf32>
    %slice3A_328 = vector.extract_strided_slice %add3A_284 {offsets = [768, 0], sizes = [256, 32], strides = [1, 1]} : vector<2048x32xf32> to vector<256x32xf32>
    %slice3A_329 = vector.extract_strided_slice %add3A_284 {offsets = [1024, 0], sizes = [256, 32], strides = [1, 1]} : vector<2048x32xf32> to vector<256x32xf32>
    %slice3A_330 = vector.extract_strided_slice %add3A_284 {offsets = [1280, 0], sizes = [256, 32], strides = [1, 1]} : vector<2048x32xf32> to vector<256x32xf32>
    %slice3A_331 = vector.extract_strided_slice %add3A_284 {offsets = [1536, 0], sizes = [256, 32], strides = [1, 1]} : vector<2048x32xf32> to vector<256x32xf32>
    %slice3A_332 = vector.extract_strided_slice %add3A_284 {offsets = [1792, 0], sizes = [256, 32], strides = [1, 1]} : vector<2048x32xf32> to vector<256x32xf32>
    %slice3A_333 = vector.extract_strided_slice %get3A_61 {offsets = [0, 0], sizes = [8, 32], strides = [1, 1]} : vector<16x32xf32> to vector<8x32xf32>
    %slice3A_334 = vector.extract_strided_slice %add3A_325 {offsets = [0, 0], sizes = [256, 8], strides = [1, 1]} : vector<256x64xf32> to vector<256x8xf32>
    %dot_general3A_335 = arith.constant dense<0.000000e+00> : vector<256x32xf32>
    %dot_general3A_336 = tpu.matmul %slice3A_334, %slice3A_333, %dot_general3A_335 {dimension_numbers = #tpu.dot_dimension_numbers<[1], [0], [0], [1], [0, 0, 1, 1], [], []>, transpose_lhs_hint = false} : vector<256x8xf32>, vector<8x32xf32>, vector<256x32xf32> -> vector<256x32xf32>
    %mul3A_337 = arith.mulf %slice3A, %dot_general3A_336 : vector<256x32xf32>
    %slice3A_338 = vector.extract_strided_slice %add3A_325 {offsets = [0, 8], sizes = [256, 8], strides = [1, 1]} : vector<256x64xf32> to vector<256x8xf32>
    %dot_general3A_339 = arith.constant dense<0.000000e+00> : vector<256x32xf32>
    %dot_general3A_340 = tpu.matmul %slice3A_338, %slice3A_333, %dot_general3A_339 {dimension_numbers = #tpu.dot_dimension_numbers<[1], [0], [0], [1], [0, 0, 1, 1], [], []>, transpose_lhs_hint = false} : vector<256x8xf32>, vector<8x32xf32>, vector<256x32xf32> -> vector<256x32xf32>
    %mul3A_341 = arith.mulf %slice3A_326, %dot_general3A_340 : vector<256x32xf32>
    %add3A_342 = arith.addf %mul3A_337, %mul3A_341 : vector<256x32xf32>
    %slice3A_343 = vector.extract_strided_slice %add3A_325 {offsets = [0, 16], sizes = [256, 8], strides = [1, 1]} : vector<256x64xf32> to vector<256x8xf32>
    %dot_general3A_344 = arith.constant dense<0.000000e+00> : vector<256x32xf32>
    %dot_general3A_345 = tpu.matmul %slice3A_343, %slice3A_333, %dot_general3A_344 {dimension_numbers = #tpu.dot_dimension_numbers<[1], [0], [0], [1], [0, 0, 1, 1], [], []>, transpose_lhs_hint = false} : vector<256x8xf32>, vector<8x32xf32>, vector<256x32xf32> -> vector<256x32xf32>
    %mul3A_346 = arith.mulf %slice3A_327, %dot_general3A_345 : vector<256x32xf32>
    %add3A_347 = arith.addf %add3A_342, %mul3A_346 : vector<256x32xf32>
    %slice3A_348 = vector.extract_strided_slice %add3A_325 {offsets = [0, 24], sizes = [256, 8], strides = [1, 1]} : vector<256x64xf32> to vector<256x8xf32>
    %dot_general3A_349 = arith.constant dense<0.000000e+00> : vector<256x32xf32>
    %dot_general3A_350 = tpu.matmul %slice3A_348, %slice3A_333, %dot_general3A_349 {dimension_numbers = #tpu.dot_dimension_numbers<[1], [0], [0], [1], [0, 0, 1, 1], [], []>, transpose_lhs_hint = false} : vector<256x8xf32>, vector<8x32xf32>, vector<256x32xf32> -> vector<256x32xf32>
    %mul3A_351 = arith.mulf %slice3A_328, %dot_general3A_350 : vector<256x32xf32>
    %add3A_352 = arith.addf %add3A_347, %mul3A_351 : vector<256x32xf32>
    %slice3A_353 = vector.extract_strided_slice %add3A_325 {offsets = [0, 32], sizes = [256, 8], strides = [1, 1]} : vector<256x64xf32> to vector<256x8xf32>
    %dot_general3A_354 = arith.constant dense<0.000000e+00> : vector<256x32xf32>
    %dot_general3A_355 = tpu.matmul %slice3A_353, %slice3A_333, %dot_general3A_354 {dimension_numbers = #tpu.dot_dimension_numbers<[1], [0], [0], [1], [0, 0, 1, 1], [], []>, transpose_lhs_hint = false} : vector<256x8xf32>, vector<8x32xf32>, vector<256x32xf32> -> vector<256x32xf32>
    %mul3A_356 = arith.mulf %slice3A_329, %dot_general3A_355 : vector<256x32xf32>
    %add3A_357 = arith.addf %add3A_352, %mul3A_356 : vector<256x32xf32>
    %slice3A_358 = vector.extract_strided_slice %add3A_325 {offsets = [0, 40], sizes = [256, 8], strides = [1, 1]} : vector<256x64xf32> to vector<256x8xf32>
    %dot_general3A_359 = arith.constant dense<0.000000e+00> : vector<256x32xf32>
    %dot_general3A_360 = tpu.matmul %slice3A_358, %slice3A_333, %dot_general3A_359 {dimension_numbers = #tpu.dot_dimension_numbers<[1], [0], [0], [1], [0, 0, 1, 1], [], []>, transpose_lhs_hint = false} : vector<256x8xf32>, vector<8x32xf32>, vector<256x32xf32> -> vector<256x32xf32>
    %mul3A_361 = arith.mulf %slice3A_330, %dot_general3A_360 : vector<256x32xf32>
    %add3A_362 = arith.addf %add3A_357, %mul3A_361 : vector<256x32xf32>
    %slice3A_363 = vector.extract_strided_slice %add3A_325 {offsets = [0, 48], sizes = [256, 8], strides = [1, 1]} : vector<256x64xf32> to vector<256x8xf32>
    %dot_general3A_364 = arith.constant dense<0.000000e+00> : vector<256x32xf32>
    %dot_general3A_365 = tpu.matmul %slice3A_363, %slice3A_333, %dot_general3A_364 {dimension_numbers = #tpu.dot_dimension_numbers<[1], [0], [0], [1], [0, 0, 1, 1], [], []>, transpose_lhs_hint = false} : vector<256x8xf32>, vector<8x32xf32>, vector<256x32xf32> -> vector<256x32xf32>
    %mul3A_366 = arith.mulf %slice3A_331, %dot_general3A_365 : vector<256x32xf32>
    %add3A_367 = arith.addf %add3A_362, %mul3A_366 : vector<256x32xf32>
    %slice3A_368 = vector.extract_strided_slice %add3A_325 {offsets = [0, 56], sizes = [256, 8], strides = [1, 1]} : vector<256x64xf32> to vector<256x8xf32>
    %dot_general3A_369 = arith.constant dense<0.000000e+00> : vector<256x32xf32>
    %dot_general3A_370 = tpu.matmul %slice3A_368, %slice3A_333, %dot_general3A_369 {dimension_numbers = #tpu.dot_dimension_numbers<[1], [0], [0], [1], [0, 0, 1, 1], [], []>, transpose_lhs_hint = false} : vector<256x8xf32>, vector<8x32xf32>, vector<256x32xf32> -> vector<256x32xf32>
    %mul3A_371 = arith.mulf %slice3A_332, %dot_general3A_370 : vector<256x32xf32>
    %add3A_372 = arith.addf %add3A_367, %mul3A_371 : vector<256x32xf32>
    %slice3A_373 = vector.extract_strided_slice %get3A_61 {offsets = [8, 0], sizes = [8, 32], strides = [1, 1]} : vector<16x32xf32> to vector<8x32xf32>
    %slice3A_374 = vector.extract_strided_slice %add3A_325 {offsets = [0, 0], sizes = [256, 8], strides = [1, 1]} : vector<256x64xf32> to vector<256x8xf32>
    %dot_general3A_375 = arith.constant dense<0.000000e+00> : vector<256x32xf32>
    %dot_general3A_376 = tpu.matmul %slice3A_374, %slice3A_373, %dot_general3A_375 {dimension_numbers = #tpu.dot_dimension_numbers<[1], [0], [0], [1], [0, 0, 1, 1], [], []>, transpose_lhs_hint = false} : vector<256x8xf32>, vector<8x32xf32>, vector<256x32xf32> -> vector<256x32xf32>
    %mul3A_377 = arith.mulf %slice3A, %dot_general3A_376 : vector<256x32xf32>
    %slice3A_378 = vector.extract_strided_slice %add3A_325 {offsets = [0, 8], sizes = [256, 8], strides = [1, 1]} : vector<256x64xf32> to vector<256x8xf32>
    %dot_general3A_379 = arith.constant dense<0.000000e+00> : vector<256x32xf32>
    %dot_general3A_380 = tpu.matmul %slice3A_378, %slice3A_373, %dot_general3A_379 {dimension_numbers = #tpu.dot_dimension_numbers<[1], [0], [0], [1], [0, 0, 1, 1], [], []>, transpose_lhs_hint = false} : vector<256x8xf32>, vector<8x32xf32>, vector<256x32xf32> -> vector<256x32xf32>
    %mul3A_381 = arith.mulf %slice3A_326, %dot_general3A_380 : vector<256x32xf32>
    %add3A_382 = arith.addf %mul3A_377, %mul3A_381 : vector<256x32xf32>
    %slice3A_383 = vector.extract_strided_slice %add3A_325 {offsets = [0, 16], sizes = [256, 8], strides = [1, 1]} : vector<256x64xf32> to vector<256x8xf32>
    %dot_general3A_384 = arith.constant dense<0.000000e+00> : vector<256x32xf32>
    %dot_general3A_385 = tpu.matmul %slice3A_383, %slice3A_373, %dot_general3A_384 {dimension_numbers = #tpu.dot_dimension_numbers<[1], [0], [0], [1], [0, 0, 1, 1], [], []>, transpose_lhs_hint = false} : vector<256x8xf32>, vector<8x32xf32>, vector<256x32xf32> -> vector<256x32xf32>
    %mul3A_386 = arith.mulf %slice3A_327, %dot_general3A_385 : vector<256x32xf32>
    %add3A_387 = arith.addf %add3A_382, %mul3A_386 : vector<256x32xf32>
    %slice3A_388 = vector.extract_strided_slice %add3A_325 {offsets = [0, 24], sizes = [256, 8], strides = [1, 1]} : vector<256x64xf32> to vector<256x8xf32>
    %dot_general3A_389 = arith.constant dense<0.000000e+00> : vector<256x32xf32>
    %dot_general3A_390 = tpu.matmul %slice3A_388, %slice3A_373, %dot_general3A_389 {dimension_numbers = #tpu.dot_dimension_numbers<[1], [0], [0], [1], [0, 0, 1, 1], [], []>, transpose_lhs_hint = false} : vector<256x8xf32>, vector<8x32xf32>, vector<256x32xf32> -> vector<256x32xf32>
    %mul3A_391 = arith.mulf %slice3A_328, %dot_general3A_390 : vector<256x32xf32>
    %add3A_392 = arith.addf %add3A_387, %mul3A_391 : vector<256x32xf32>
    %slice3A_393 = vector.extract_strided_slice %add3A_325 {offsets = [0, 32], sizes = [256, 8], strides = [1, 1]} : vector<256x64xf32> to vector<256x8xf32>
    %dot_general3A_394 = arith.constant dense<0.000000e+00> : vector<256x32xf32>
    %dot_general3A_395 = tpu.matmul %slice3A_393, %slice3A_373, %dot_general3A_394 {dimension_numbers = #tpu.dot_dimension_numbers<[1], [0], [0], [1], [0, 0, 1, 1], [], []>, transpose_lhs_hint = false} : vector<256x8xf32>, vector<8x32xf32>, vector<256x32xf32> -> vector<256x32xf32>
    %mul3A_396 = arith.mulf %slice3A_329, %dot_general3A_395 : vector<256x32xf32>
    %add3A_397 = arith.addf %add3A_392, %mul3A_396 : vector<256x32xf32>
    %slice3A_398 = vector.extract_strided_slice %add3A_325 {offsets = [0, 40], sizes = [256, 8], strides = [1, 1]} : vector<256x64xf32> to vector<256x8xf32>
    %dot_general3A_399 = arith.constant dense<0.000000e+00> : vector<256x32xf32>
    %dot_general3A_400 = tpu.matmul %slice3A_398, %slice3A_373, %dot_general3A_399 {dimension_numbers = #tpu.dot_dimension_numbers<[1], [0], [0], [1], [0, 0, 1, 1], [], []>, transpose_lhs_hint = false} : vector<256x8xf32>, vector<8x32xf32>, vector<256x32xf32> -> vector<256x32xf32>
    %mul3A_401 = arith.mulf %slice3A_330, %dot_general3A_400 : vector<256x32xf32>
    %add3A_402 = arith.addf %add3A_397, %mul3A_401 : vector<256x32xf32>
    %slice3A_403 = vector.extract_strided_slice %add3A_325 {offsets = [0, 48], sizes = [256, 8], strides = [1, 1]} : vector<256x64xf32> to vector<256x8xf32>
    %dot_general3A_404 = arith.constant dense<0.000000e+00> : vector<256x32xf32>
    %dot_general3A_405 = tpu.matmul %slice3A_403, %slice3A_373, %dot_general3A_404 {dimension_numbers = #tpu.dot_dimension_numbers<[1], [0], [0], [1], [0, 0, 1, 1], [], []>, transpose_lhs_hint = false} : vector<256x8xf32>, vector<8x32xf32>, vector<256x32xf32> -> vector<256x32xf32>
    %mul3A_406 = arith.mulf %slice3A_331, %dot_general3A_405 : vector<256x32xf32>
    %add3A_407 = arith.addf %add3A_402, %mul3A_406 : vector<256x32xf32>
    %slice3A_408 = vector.extract_strided_slice %add3A_325 {offsets = [0, 56], sizes = [256, 8], strides = [1, 1]} : vector<256x64xf32> to vector<256x8xf32>
    %dot_general3A_409 = arith.constant dense<0.000000e+00> : vector<256x32xf32>
    %dot_general3A_410 = tpu.matmul %slice3A_408, %slice3A_373, %dot_general3A_409 {dimension_numbers = #tpu.dot_dimension_numbers<[1], [0], [0], [1], [0, 0, 1, 1], [], []>, transpose_lhs_hint = false} : vector<256x8xf32>, vector<8x32xf32>, vector<256x32xf32> -> vector<256x32xf32>
    %mul3A_411 = arith.mulf %slice3A_332, %dot_general3A_410 : vector<256x32xf32>
    %add3A_412 = arith.addf %add3A_407, %mul3A_411 : vector<256x32xf32>
    %concatenate3A_413 = tpu.concatenate %add3A_372, %add3A_412 in 1 : vector<256x32xf32>, vector<256x32xf32> -> vector<256x64xf32>
    %add3A_414 = vector.broadcast %get3A_64 : vector<1x64xf32> to vector<256x64xf32>
    %add3A_415 = arith.addf %concatenate3A_413, %add3A_414 : vector<256x64xf32>
    %dot_general3A_416 = arith.constant dense<0.000000e+00> : vector<256x48xf32>
    %dot_general3A_417 = tpu.matmul %add3A_415, %get3A_67, %dot_general3A_416 {dimension_numbers = #tpu.dot_dimension_numbers<[1], [0], [0], [1], [0, 0, 1, 1], [], []>, transpose_lhs_hint = false} : vector<256x64xf32>, vector<64x48xf32>, vector<256x48xf32> -> vector<256x48xf32>
    %add3A_418 = vector.broadcast %get3A_70 : vector<1x48xf32> to vector<256x48xf32>
    %add3A_419 = arith.addf %dot_general3A_417, %add3A_418 : vector<256x48xf32>
    %max3A = arith.constant 0.000000e+00 : f32
    %max3A_420 = vector.broadcast %max3A : f32 to vector<256x48xf32>
    %max3A_421 = arith.maximumf %add3A_419, %max3A_420 : vector<256x48xf32>
    %swap3A = arith.constant 0 : index
    %swap3A_422 = arith.constant 0 : index
    %swap3A_423 = arith.constant 0 : index
    %swap3A_424 = vector.load %arg27[%swap3A, %swap3A_422, %swap3A_423] : memref<1x256x48xf32, #tpu.memory_space<vmem>>, vector<1x256x48xf32>
    %swap3A_425 = vector.shape_cast %swap3A_424 : vector<1x256x48xf32> to vector<256x48xf32>
    %swap3A_426 = vector.shape_cast %max3A_421 : vector<256x48xf32> to vector<1x256x48xf32>
    tpu.vector_store %arg27[%swap3A, %swap3A_422, %swap3A_423], %swap3A_426 {strides = array<i32>} : memref<1x256x48xf32, #tpu.memory_space<vmem>>, vector<1x256x48xf32>,
    return
  }
  func.func @transform_0(%arg0: i32, %arg1: i32) -> (i32, i32, i32) {
    %c0_i32 = arith.constant 0 : i32
    %c0_i32_0 = arith.constant 0 : i32
    %c0_i32_1 = arith.constant 0 : i32
    return %arg0, %c0_i32, %c0_i32_0 : i32, i32, i32
  }
  func.func @transform_1(%arg0: i32, %arg1: i32) -> (i32, i32) {
    %c0_i32 = arith.constant 0 : i32
    %c0_i32_0 = arith.constant 0 : i32
    %c0_i32_1 = arith.constant 0 : i32
    return %c0_i32, %c0_i32_0 : i32, i32
  }
  func.func @transform_2(%arg0: i32, %arg1: i32) -> (i32, i32) {
    %c0_i32 = arith.constant 0 : i32
    %c0_i32_0 = arith.constant 0 : i32
    %c0_i32_1 = arith.constant 0 : i32
    return %c0_i32, %c0_i32_0 : i32, i32
  }
  func.func @transform_3(%arg0: i32, %arg1: i32) -> (i32, i32) {
    %c0_i32 = arith.constant 0 : i32
    %c0_i32_0 = arith.constant 0 : i32
    %c0_i32_1 = arith.constant 0 : i32
    return %c0_i32, %c0_i32_0 : i32, i32
  }
  func.func @transform_4(%arg0: i32, %arg1: i32) -> (i32, i32) {
    %c0_i32 = arith.constant 0 : i32
    %c0_i32_0 = arith.constant 0 : i32
    %c0_i32_1 = arith.constant 0 : i32
    return %c0_i32, %c0_i32_0 : i32, i32
  }
  func.func @transform_5(%arg0: i32, %arg1: i32) -> (i32, i32) {
    %c0_i32 = arith.constant 0 : i32
    %c0_i32_0 = arith.constant 0 : i32
    %c0_i32_1 = arith.constant 0 : i32
    return %c0_i32, %c0_i32_0 : i32, i32
  }
  func.func @transform_6(%arg0: i32, %arg1: i32) -> (i32, i32) {
    %c0_i32 = arith.constant 0 : i32
    %c0_i32_0 = arith.constant 0 : i32
    %c0_i32_1 = arith.constant 0 : i32
    return %c0_i32, %c0_i32_0 : i32, i32
  }
  func.func @transform_7(%arg0: i32, %arg1: i32) -> (i32, i32) {
    %c0_i32 = arith.constant 0 : i32
    %c0_i32_0 = arith.constant 0 : i32
    %c0_i32_1 = arith.constant 0 : i32
    return %c0_i32, %c0_i32_0 : i32, i32
  }
  func.func @transform_8(%arg0: i32, %arg1: i32) -> (i32, i32) {
    %c0_i32 = arith.constant 0 : i32
    %c0_i32_0 = arith.constant 0 : i32
    %c0_i32_1 = arith.constant 0 : i32
    return %c0_i32, %c0_i32_0 : i32, i32
  }
  func.func @transform_9(%arg0: i32, %arg1: i32) -> (i32, i32) {
    %c0_i32 = arith.constant 0 : i32
    %c0_i32_0 = arith.constant 0 : i32
    %c0_i32_1 = arith.constant 0 : i32
    return %c0_i32, %c0_i32_0 : i32, i32
  }
  func.func @transform_10(%arg0: i32, %arg1: i32) -> (i32, i32) {
    %c0_i32 = arith.constant 0 : i32
    %c0_i32_0 = arith.constant 0 : i32
    %c0_i32_1 = arith.constant 0 : i32
    return %c0_i32, %c0_i32_0 : i32, i32
  }
  func.func @transform_11(%arg0: i32, %arg1: i32) -> (i32, i32) {
    %c0_i32 = arith.constant 0 : i32
    %c0_i32_0 = arith.constant 0 : i32
    %c0_i32_1 = arith.constant 0 : i32
    return %c0_i32, %c0_i32_0 : i32, i32
  }
  func.func @transform_12(%arg0: i32, %arg1: i32) -> (i32, i32) {
    %c0_i32 = arith.constant 0 : i32
    %c0_i32_0 = arith.constant 0 : i32
    %c0_i32_1 = arith.constant 0 : i32
    return %c0_i32, %c0_i32_0 : i32, i32
  }
  func.func @transform_13(%arg0: i32, %arg1: i32) -> (i32, i32) {
    %c0_i32 = arith.constant 0 : i32
    %c0_i32_0 = arith.constant 0 : i32
    %c0_i32_1 = arith.constant 0 : i32
    return %c0_i32, %c0_i32_0 : i32, i32
  }
  func.func @transform_14(%arg0: i32, %arg1: i32) -> (i32, i32) {
    %c0_i32 = arith.constant 0 : i32
    %c0_i32_0 = arith.constant 0 : i32
    %c0_i32_1 = arith.constant 0 : i32
    return %c0_i32, %c0_i32_0 : i32, i32
  }
  func.func @transform_15(%arg0: i32, %arg1: i32) -> (i32, i32) {
    %c0_i32 = arith.constant 0 : i32
    %c0_i32_0 = arith.constant 0 : i32
    %c0_i32_1 = arith.constant 0 : i32
    return %c0_i32, %c0_i32_0 : i32, i32
  }
  func.func @transform_16(%arg0: i32, %arg1: i32) -> (i32, i32) {
    %c0_i32 = arith.constant 0 : i32
    %c0_i32_0 = arith.constant 0 : i32
    %c0_i32_1 = arith.constant 0 : i32
    return %c0_i32, %c0_i32_0 : i32, i32
  }
  func.func @transform_17(%arg0: i32, %arg1: i32) -> (i32, i32) {
    %c0_i32 = arith.constant 0 : i32
    %c0_i32_0 = arith.constant 0 : i32
    %c0_i32_1 = arith.constant 0 : i32
    return %c0_i32, %c0_i32_0 : i32, i32
  }
  func.func @transform_18(%arg0: i32, %arg1: i32) -> (i32, i32) {
    %c0_i32 = arith.constant 0 : i32
    %c0_i32_0 = arith.constant 0 : i32
    %c0_i32_1 = arith.constant 0 : i32
    return %c0_i32, %c0_i32_0 : i32, i32
  }
  func.func @transform_19(%arg0: i32, %arg1: i32) -> (i32, i32) {
    %c0_i32 = arith.constant 0 : i32
    %c0_i32_0 = arith.constant 0 : i32
    %c0_i32_1 = arith.constant 0 : i32
    return %c0_i32, %c0_i32_0 : i32, i32
  }
  func.func @transform_20(%arg0: i32, %arg1: i32) -> (i32, i32) {
    %c0_i32 = arith.constant 0 : i32
    %c0_i32_0 = arith.constant 0 : i32
    %c0_i32_1 = arith.constant 0 : i32
    return %c0_i32, %c0_i32_0 : i32, i32
  }
  func.func @transform_21(%arg0: i32, %arg1: i32) -> (i32, i32) {
    %c0_i32 = arith.constant 0 : i32
    %c0_i32_0 = arith.constant 0 : i32
    %c0_i32_1 = arith.constant 0 : i32
    return %c0_i32, %c0_i32_0 : i32, i32
  }
  func.func @transform_22(%arg0: i32, %arg1: i32) -> (i32, i32) {
    %c0_i32 = arith.constant 0 : i32
    %c0_i32_0 = arith.constant 0 : i32
    %c0_i32_1 = arith.constant 0 : i32
    return %c0_i32, %c0_i32_0 : i32, i32
  }
  func.func @transform_23(%arg0: i32, %arg1: i32) -> (i32, i32) {
    %c0_i32 = arith.constant 0 : i32
    %c0_i32_0 = arith.constant 0 : i32
    %c0_i32_1 = arith.constant 0 : i32
    return %c0_i32, %c0_i32_0 : i32, i32
  }
  func.func @transform_24(%arg0: i32, %arg1: i32) -> (i32, i32) {
    %c0_i32 = arith.constant 0 : i32
    %c0_i32_0 = arith.constant 0 : i32
    %c0_i32_1 = arith.constant 0 : i32
    return %c0_i32, %c0_i32_0 : i32, i32
  }
  func.func @transform_25(%arg0: i32, %arg1: i32) -> (i32, i32, i32) {
    %c0_i32 = arith.constant 0 : i32
    %c0_i32_0 = arith.constant 0 : i32
    return %arg0, %arg1, %c0_i32 : i32, i32, i32
  }
}

module attributes {stable_mosaic.version = 14 : i64} {
  func.func @_xconv2_body(%arg0: i32, %arg1: memref<1x1x384xi32, #tpu.memory_space<vmem>>, %arg2: memref<1x1024x3xf32, #tpu.memory_space<vmem>>, %arg3: memref<1x1024x48xf32, #tpu.memory_space<vmem>>, %arg4: memref<3x64xf32, #tpu.memory_space<vmem>>, %arg5: memref<1x64xf32, #tpu.memory_space<vmem>>, %arg6: memref<1x64xf32, #tpu.memory_space<vmem>>, %arg7: memref<1x64xf32, #tpu.memory_space<vmem>>, %arg8: memref<64x64xf32, #tpu.memory_space<vmem>>, %arg9: memref<1x64xf32, #tpu.memory_space<vmem>>, %arg10: memref<1x64xf32, #tpu.memory_space<vmem>>, %arg11: memref<1x64xf32, #tpu.memory_space<vmem>>, %arg12: memref<36x144xf32, #tpu.memory_space<vmem>>, %arg13: memref<1x144xf32, #tpu.memory_space<vmem>>, %arg14: memref<1x144xf32, #tpu.memory_space<vmem>>, %arg15: memref<1x144xf32, #tpu.memory_space<vmem>>, %arg16: memref<144x144xf32, #tpu.memory_space<vmem>>, %arg17: memref<1x144xf32, #tpu.memory_space<vmem>>, %arg18: memref<1x144xf32, #tpu.memory_space<vmem>>, %arg19: memref<1x144xf32, #tpu.memory_space<vmem>>, %arg20: memref<144x144xf32, #tpu.memory_space<vmem>>, %arg21: memref<1x144xf32, #tpu.memory_space<vmem>>, %arg22: memref<1x144xf32, #tpu.memory_space<vmem>>, %arg23: memref<1x144xf32, #tpu.memory_space<vmem>>, %arg24: memref<12x112xf32, #tpu.memory_space<vmem>>, %arg25: memref<1x112xf32, #tpu.memory_space<vmem>>, %arg26: memref<112x96xf32, #tpu.memory_space<vmem>>, %arg27: memref<1x96xf32, #tpu.memory_space<vmem>>, %arg28: memref<1x384x96xf32, #tpu.memory_space<vmem>>) attributes {dimension_semantics = [#tpu.dimension_semantics<arbitrary>], iteration_bounds = array<i64: 32>, scalar_prefetch = 0 : i64, scratch_operands = 0 : i64, tpu.core_type = #tpu.core_type<tc>, window_params = [{transform_indices = @transform_0, window_bounds = array<i64: 1, 1, 384>}, {transform_indices = @transform_1, window_bounds = array<i64: 1, 1024, 3>}, {transform_indices = @transform_2, window_bounds = array<i64: 1, 1024, 48>}, {pipeline_mode = #tpu.pipeline_mode<synchronous>, transform_indices = @transform_3, window_bounds = array<i64: 3, 64>}, {pipeline_mode = #tpu.pipeline_mode<synchronous>, transform_indices = @transform_4, window_bounds = array<i64: 1, 64>}, {pipeline_mode = #tpu.pipeline_mode<synchronous>, transform_indices = @transform_5, window_bounds = array<i64: 1, 64>}, {pipeline_mode = #tpu.pipeline_mode<synchronous>, transform_indices = @transform_6, window_bounds = array<i64: 1, 64>}, {pipeline_mode = #tpu.pipeline_mode<synchronous>, transform_indices = @transform_7, window_bounds = array<i64: 64, 64>}, {pipeline_mode = #tpu.pipeline_mode<synchronous>, transform_indices = @transform_8, window_bounds = array<i64: 1, 64>}, {pipeline_mode = #tpu.pipeline_mode<synchronous>, transform_indices = @transform_9, window_bounds = array<i64: 1, 64>}, {pipeline_mode = #tpu.pipeline_mode<synchronous>, transform_indices = @transform_10, window_bounds = array<i64: 1, 64>}, {pipeline_mode = #tpu.pipeline_mode<synchronous>, transform_indices = @transform_11, window_bounds = array<i64: 36, 144>}, {pipeline_mode = #tpu.pipeline_mode<synchronous>, transform_indices = @transform_12, window_bounds = array<i64: 1, 144>}, {pipeline_mode = #tpu.pipeline_mode<synchronous>, transform_indices = @transform_13, window_bounds = array<i64: 1, 144>}, {pipeline_mode = #tpu.pipeline_mode<synchronous>, transform_indices = @transform_14, window_bounds = array<i64: 1, 144>}, {pipeline_mode = #tpu.pipeline_mode<synchronous>, transform_indices = @transform_15, window_bounds = array<i64: 144, 144>}, {pipeline_mode = #tpu.pipeline_mode<synchronous>, transform_indices = @transform_16, window_bounds = array<i64: 1, 144>}, {pipeline_mode = #tpu.pipeline_mode<synchronous>, transform_indices = @transform_17, window_bounds = array<i64: 1, 144>}, {pipeline_mode = #tpu.pipeline_mode<synchronous>, transform_indices = @transform_18, window_bounds = array<i64: 1, 144>}, {pipeline_mode = #tpu.pipeline_mode<synchronous>, transform_indices = @transform_19, window_bounds = array<i64: 144, 144>}, {pipeline_mode = #tpu.pipeline_mode<synchronous>, transform_indices = @transform_20, window_bounds = array<i64: 1, 144>}, {pipeline_mode = #tpu.pipeline_mode<synchronous>, transform_indices = @transform_21, window_bounds = array<i64: 1, 144>}, {pipeline_mode = #tpu.pipeline_mode<synchronous>, transform_indices = @transform_22, window_bounds = array<i64: 1, 144>}, {pipeline_mode = #tpu.pipeline_mode<synchronous>, transform_indices = @transform_23, window_bounds = array<i64: 12, 112>}, {pipeline_mode = #tpu.pipeline_mode<synchronous>, transform_indices = @transform_24, window_bounds = array<i64: 1, 112>}, {pipeline_mode = #tpu.pipeline_mode<synchronous>, transform_indices = @transform_25, window_bounds = array<i64: 112, 96>}, {pipeline_mode = #tpu.pipeline_mode<synchronous>, transform_indices = @transform_26, window_bounds = array<i64: 1, 96>}, {transform_indices = @transform_27, window_bounds = array<i64: 1, 384, 96>}]} {
    %get3A = arith.constant 0 : index
    %get3A_0 = arith.constant 0 : index
    %get3A_1 = vector.load %arg4[%get3A, %get3A_0] : memref<3x64xf32, #tpu.memory_space<vmem>>, vector<3x64xf32>
    %get3A_2 = arith.constant 0 : index
    %get3A_3 = arith.constant 0 : index
    %get3A_4 = vector.load %arg5[%get3A_2, %get3A_3] : memref<1x64xf32, #tpu.memory_space<vmem>>, vector<1x64xf32>
    %get3A_5 = arith.constant 0 : index
    %get3A_6 = arith.constant 0 : index
    %get3A_7 = vector.load %arg6[%get3A_5, %get3A_6] : memref<1x64xf32, #tpu.memory_space<vmem>>, vector<1x64xf32>
    %get3A_8 = arith.constant 0 : index
    %get3A_9 = arith.constant 0 : index
    %get3A_10 = vector.load %arg7[%get3A_8, %get3A_9] : memref<1x64xf32, #tpu.memory_space<vmem>>, vector<1x64xf32>
    %get3A_11 = arith.constant 0 : index
    %get3A_12 = arith.constant 0 : index
    %get3A_13 = vector.load %arg8[%get3A_11, %get3A_12] : memref<64x64xf32, #tpu.memory_space<vmem>>, vector<64x64xf32>
    %get3A_14 = arith.constant 0 : index
    %get3A_15 = arith.constant 0 : index
    %get3A_16 = vector.load %arg9[%get3A_14, %get3A_15] : memref<1x64xf32, #tpu.memory_space<vmem>>, vector<1x64xf32>
    %get3A_17 = arith.constant 0 : index
    %get3A_18 = arith.constant 0 : index
    %get3A_19 = vector.load %arg10[%get3A_17, %get3A_18] : memref<1x64xf32, #tpu.memory_space<vmem>>, vector<1x64xf32>
    %get3A_20 = arith.constant 0 : index
    %get3A_21 = arith.constant 0 : index
    %get3A_22 = vector.load %arg11[%get3A_20, %get3A_21] : memref<1x64xf32, #tpu.memory_space<vmem>>, vector<1x64xf32>
    %get3A_23 = arith.constant 0 : index
    %get3A_24 = arith.constant 0 : index
    %get3A_25 = vector.load %arg12[%get3A_23, %get3A_24] : memref<36x144xf32, #tpu.memory_space<vmem>>, vector<36x144xf32>
    %get3A_26 = arith.constant 0 : index
    %get3A_27 = arith.constant 0 : index
    %get3A_28 = vector.load %arg13[%get3A_26, %get3A_27] : memref<1x144xf32, #tpu.memory_space<vmem>>, vector<1x144xf32>
    %get3A_29 = arith.constant 0 : index
    %get3A_30 = arith.constant 0 : index
    %get3A_31 = vector.load %arg14[%get3A_29, %get3A_30] : memref<1x144xf32, #tpu.memory_space<vmem>>, vector<1x144xf32>
    %get3A_32 = arith.constant 0 : index
    %get3A_33 = arith.constant 0 : index
    %get3A_34 = vector.load %arg15[%get3A_32, %get3A_33] : memref<1x144xf32, #tpu.memory_space<vmem>>, vector<1x144xf32>
    %get3A_35 = arith.constant 0 : index
    %get3A_36 = arith.constant 0 : index
    %get3A_37 = vector.load %arg16[%get3A_35, %get3A_36] : memref<144x144xf32, #tpu.memory_space<vmem>>, vector<144x144xf32>
    %get3A_38 = arith.constant 0 : index
    %get3A_39 = arith.constant 0 : index
    %get3A_40 = vector.load %arg17[%get3A_38, %get3A_39] : memref<1x144xf32, #tpu.memory_space<vmem>>, vector<1x144xf32>
    %get3A_41 = arith.constant 0 : index
    %get3A_42 = arith.constant 0 : index
    %get3A_43 = vector.load %arg18[%get3A_41, %get3A_42] : memref<1x144xf32, #tpu.memory_space<vmem>>, vector<1x144xf32>
    %get3A_44 = arith.constant 0 : index
    %get3A_45 = arith.constant 0 : index
    %get3A_46 = vector.load %arg19[%get3A_44, %get3A_45] : memref<1x144xf32, #tpu.memory_space<vmem>>, vector<1x144xf32>
    %get3A_47 = arith.constant 0 : index
    %get3A_48 = arith.constant 0 : index
    %get3A_49 = vector.load %arg20[%get3A_47, %get3A_48] : memref<144x144xf32, #tpu.memory_space<vmem>>, vector<144x144xf32>
    %get3A_50 = arith.constant 0 : index
    %get3A_51 = arith.constant 0 : index
    %get3A_52 = vector.load %arg21[%get3A_50, %get3A_51] : memref<1x144xf32, #tpu.memory_space<vmem>>, vector<1x144xf32>
    %get3A_53 = arith.constant 0 : index
    %get3A_54 = arith.constant 0 : index
    %get3A_55 = vector.load %arg22[%get3A_53, %get3A_54] : memref<1x144xf32, #tpu.memory_space<vmem>>, vector<1x144xf32>
    %get3A_56 = arith.constant 0 : index
    %get3A_57 = arith.constant 0 : index
    %get3A_58 = vector.load %arg23[%get3A_56, %get3A_57] : memref<1x144xf32, #tpu.memory_space<vmem>>, vector<1x144xf32>
    %get3A_59 = arith.constant 0 : index
    %get3A_60 = arith.constant 0 : index
    %get3A_61 = vector.load %arg24[%get3A_59, %get3A_60] : memref<12x112xf32, #tpu.memory_space<vmem>>, vector<12x112xf32>
    %get3A_62 = arith.constant 0 : index
    %get3A_63 = arith.constant 0 : index
    %get3A_64 = vector.load %arg25[%get3A_62, %get3A_63] : memref<1x112xf32, #tpu.memory_space<vmem>>, vector<1x112xf32>
    %get3A_65 = arith.constant 0 : index
    %get3A_66 = arith.constant 0 : index
    %get3A_67 = vector.load %arg26[%get3A_65, %get3A_66] : memref<112x96xf32, #tpu.memory_space<vmem>>, vector<112x96xf32>
    %get3A_68 = arith.constant 0 : index
    %get3A_69 = arith.constant 0 : index
    %get3A_70 = vector.load %arg27[%get3A_68, %get3A_69] : memref<1x96xf32, #tpu.memory_space<vmem>>, vector<1x96xf32>
    %get3A_71 = arith.constant 0 : index
    %get3A_72 = arith.constant 0 : index
    %get3A_73 = arith.constant 0 : index
    %get3A_74 = vector.load %arg1[%get3A_71, %get3A_72, %get3A_73] : memref<1x1x384xi32, #tpu.memory_space<vmem>>, vector<1x1x384xi32>
    %get3A_75 = vector.shape_cast %get3A_74 : vector<1x1x384xi32> to vector<1x384xi32>
    %get3A_76 = arith.constant 0 : index
    %get3A_77 = arith.constant 0 : index
    %get3A_78 = arith.constant 0 : index
    %get3A_79 = vector.load %arg2[%get3A_76, %get3A_77, %get3A_78] : memref<1x1024x3xf32, #tpu.memory_space<vmem>>, vector<1x1024x3xf32>
    %get3A_80 = vector.shape_cast %get3A_79 : vector<1x1024x3xf32> to vector<1024x3xf32>
    %get3A_81 = arith.constant 0 : index
    %get3A_82 = arith.constant 0 : index
    %get3A_83 = arith.constant 0 : index
    %get3A_84 = vector.load %arg3[%get3A_81, %get3A_82, %get3A_83] : memref<1x1024x48xf32, #tpu.memory_space<vmem>>, vector<1x1024x48xf32>
    %get3A_85 = vector.shape_cast %get3A_84 : vector<1x1024x48xf32> to vector<1024x48xf32>
    %concatenate3A = tpu.concatenate %get3A_80, %get3A_85 in 1 : vector<1024x3xf32>, vector<1024x48xf32> -> vector<1024x51xf32>
    %iota3A = tpu.iota {dimensions = array<i32: 0>} : vector<1024x384xi32>
    %eq3A = vector.broadcast %get3A_75 : vector<1x384xi32> to vector<1024x384xi32>
    %eq3A_86 = arith.cmpi eq, %iota3A, %eq3A : vector<1024x384xi32>
    %convert_element_type3A = arith.extui %eq3A_86 : vector<1024x384xi1> to vector<1024x384xi32>
    %convert_element_type3A_87 = arith.sitofp %convert_element_type3A : vector<1024x384xi32> to vector<1024x384xf32>
    %dot_general3A = arith.constant dense<0.000000e+00> : vector<384x51xf32>
    %dot_general3A_88 = tpu.matmul %convert_element_type3A_87, %concatenate3A, %dot_general3A {dimension_numbers = #tpu.dot_dimension_numbers<[0], [0], [1], [1], [0, 1, 1, 1], [], []>, transpose_lhs_hint = false} : vector<1024x384xf32>, vector<1024x51xf32>, vector<384x51xf32> -> vector<384x51xf32>
    %slice3A = vector.extract_strided_slice %dot_general3A_88 {offsets = [0, 0], sizes = [384, 3], strides = [1, 1]} : vector<384x51xf32> to vector<384x3xf32>
    %dot_general3A_89 = arith.constant dense<0.000000e+00> : vector<384x384xf32>
    %dot_general3A_90 = tpu.matmul %slice3A, %slice3A, %dot_general3A_89 {dimension_numbers = #tpu.dot_dimension_numbers<[1], [1], [0], [0], [0, 0, 1, 0], [], []>, transpose_lhs_hint = false} : vector<384x3xf32>, vector<384x3xf32>, vector<384x384xf32> -> vector<384x384xf32>
    %mul3A = arith.mulf %slice3A, %slice3A : vector<384x3xf32>
    %reduce_sum3A = arith.constant dense<0.000000e+00> : vector<384xf32>
    %reduce_sum3A_91 = vector.multi_reduction <add>, %mul3A, %reduce_sum3A [1] : vector<384x3xf32> to vector<384xf32>
    %broadcast_in_dim3A = vector.shape_cast %reduce_sum3A_91 : vector<384xf32> to vector<384x1xf32>
    %mul3A_92 = arith.mulf %slice3A, %slice3A : vector<384x3xf32>
    %reduce_sum3A_93 = arith.constant dense<0.000000e+00> : vector<384xf32>
    %reduce_sum3A_94 = vector.multi_reduction <add>, %mul3A_92, %reduce_sum3A_93 [1] : vector<384x3xf32> to vector<384xf32>
    %broadcast_in_dim3A_95 = vector.shape_cast %reduce_sum3A_94 : vector<384xf32> to vector<384x1xf32>
    %transpose3A = tpu.transpose %broadcast_in_dim3A, [1, 0] : vector<384x1xf32> -> vector<1x384xf32>
    %add3A = vector.broadcast %broadcast_in_dim3A_95 : vector<384x1xf32> to vector<384x384xf32>
    %add3A_96 = vector.broadcast %transpose3A : vector<1x384xf32> to vector<384x384xf32>
    %add3A_97 = arith.addf %add3A, %add3A_96 : vector<384x384xf32>
    %mul3A_98 = arith.constant 2.000000e+00 : f32
    %mul3A_99 = vector.broadcast %mul3A_98 : f32 to vector<384x384xf32>
    %mul3A_100 = arith.mulf %mul3A_99, %dot_general3A_90 : vector<384x384xf32>
    %sub3A = arith.subf %add3A_97, %mul3A_100 : vector<384x384xf32>
    %iota3A_101 = tpu.iota {dimensions = array<i32: 1>} : vector<384x384xi32>
    %convert_element_type3A_102 = arith.sitofp %iota3A_101 : vector<384x384xi32> to vector<384x384xf32>
    %reduce_min3A = arith.constant dense<0x7F800000> : vector<384xf32>
    %reduce_min3A_103 = vector.multi_reduction <minimumf>, %sub3A, %reduce_min3A [1] : vector<384x384xf32> to vector<384xf32>
    %broadcast_in_dim3A_104 = vector.shape_cast %reduce_min3A_103 : vector<384xf32> to vector<384x1xf32>
    %eq3A_105 = vector.broadcast %broadcast_in_dim3A_104 : vector<384x1xf32> to vector<384x384xf32>
    %eq3A_106 = arith.cmpf oeq, %sub3A, %eq3A_105 : vector<384x384xf32>
    %jit3A = arith.constant 3.840000e+02 : f32
    %broadcast_in_dim3A_107 = vector.broadcast %jit3A : f32 to vector<384x384xf32>
    %select_n3A = arith.select %eq3A_106, %convert_element_type3A_102, %broadcast_in_dim3A_107 : vector<384x384xi1>, vector<384x384xf32>
    %reduce_min3A_108 = arith.constant dense<0x7F800000> : vector<384xf32>
    %reduce_min3A_109 = vector.multi_reduction <minimumf>, %select_n3A, %reduce_min3A_108 [1] : vector<384x384xf32> to vector<384xf32>
    %broadcast_in_dim3A_110 = vector.shape_cast %reduce_min3A_109 : vector<384xf32> to vector<384x1xf32>
    %eq3A_111 = vector.broadcast %broadcast_in_dim3A_110 : vector<384x1xf32> to vector<384x384xf32>
    %eq3A_112 = arith.cmpf oeq, %convert_element_type3A_102, %eq3A_111 : vector<384x384xf32>
    %convert_element_type3A_113 = arith.extui %eq3A_112 : vector<384x384xi1> to vector<384x384xi32>
    %convert_element_type3A_114 = arith.sitofp %convert_element_type3A_113 : vector<384x384xi32> to vector<384x384xf32>
    %jit3A_115 = arith.constant 1.000000e+30 : f32
    %broadcast_in_dim3A_116 = vector.broadcast %jit3A_115 : f32 to vector<384x384xf32>
    %select_n3A_117 = arith.select %eq3A_112, %broadcast_in_dim3A_116, %sub3A : vector<384x384xi1>, vector<384x384xf32>
    %reduce_min3A_118 = arith.constant dense<0x7F800000> : vector<384xf32>
    %reduce_min3A_119 = vector.multi_reduction <minimumf>, %select_n3A_117, %reduce_min3A_118 [1] : vector<384x384xf32> to vector<384xf32>
    %broadcast_in_dim3A_120 = vector.shape_cast %reduce_min3A_119 : vector<384xf32> to vector<384x1xf32>
    %eq3A_121 = vector.broadcast %broadcast_in_dim3A_120 : vector<384x1xf32> to vector<384x384xf32>
    %eq3A_122 = arith.cmpf oeq, %select_n3A_117, %eq3A_121 : vector<384x384xf32>
    %jit3A_123 = arith.constant 3.840000e+02 : f32
    %broadcast_in_dim3A_124 = vector.broadcast %jit3A_123 : f32 to vector<384x384xf32>
    %select_n3A_125 = arith.select %eq3A_122, %convert_element_type3A_102, %broadcast_in_dim3A_124 : vector<384x384xi1>, vector<384x384xf32>
    %reduce_min3A_126 = arith.constant dense<0x7F800000> : vector<384xf32>
    %reduce_min3A_127 = vector.multi_reduction <minimumf>, %select_n3A_125, %reduce_min3A_126 [1] : vector<384x384xf32> to vector<384xf32>
    %broadcast_in_dim3A_128 = vector.shape_cast %reduce_min3A_127 : vector<384xf32> to vector<384x1xf32>
    %eq3A_129 = vector.broadcast %broadcast_in_dim3A_128 : vector<384x1xf32> to vector<384x384xf32>
    %eq3A_130 = arith.cmpf oeq, %convert_element_type3A_102, %eq3A_129 : vector<384x384xf32>
    %jit3A_131 = arith.constant 1.000000e+30 : f32
    %broadcast_in_dim3A_132 = vector.broadcast %jit3A_131 : f32 to vector<384x384xf32>
    %select_n3A_133 = arith.select %eq3A_130, %broadcast_in_dim3A_132, %select_n3A_117 : vector<384x384xi1>, vector<384x384xf32>
    %reduce_min3A_134 = arith.constant dense<0x7F800000> : vector<384xf32>
    %reduce_min3A_135 = vector.multi_reduction <minimumf>, %select_n3A_133, %reduce_min3A_134 [1] : vector<384x384xf32> to vector<384xf32>
    %broadcast_in_dim3A_136 = vector.shape_cast %reduce_min3A_135 : vector<384xf32> to vector<384x1xf32>
    %eq3A_137 = vector.broadcast %broadcast_in_dim3A_136 : vector<384x1xf32> to vector<384x384xf32>
    %eq3A_138 = arith.cmpf oeq, %select_n3A_133, %eq3A_137 : vector<384x384xf32>
    %jit3A_139 = arith.constant 3.840000e+02 : f32
    %broadcast_in_dim3A_140 = vector.broadcast %jit3A_139 : f32 to vector<384x384xf32>
    %select_n3A_141 = arith.select %eq3A_138, %convert_element_type3A_102, %broadcast_in_dim3A_140 : vector<384x384xi1>, vector<384x384xf32>
    %reduce_min3A_142 = arith.constant dense<0x7F800000> : vector<384xf32>
    %reduce_min3A_143 = vector.multi_reduction <minimumf>, %select_n3A_141, %reduce_min3A_142 [1] : vector<384x384xf32> to vector<384xf32>
    %broadcast_in_dim3A_144 = vector.shape_cast %reduce_min3A_143 : vector<384xf32> to vector<384x1xf32>
    %eq3A_145 = vector.broadcast %broadcast_in_dim3A_144 : vector<384x1xf32> to vector<384x384xf32>
    %eq3A_146 = arith.cmpf oeq, %convert_element_type3A_102, %eq3A_145 : vector<384x384xf32>
    %convert_element_type3A_147 = arith.extui %eq3A_146 : vector<384x384xi1> to vector<384x384xi32>
    %convert_element_type3A_148 = arith.sitofp %convert_element_type3A_147 : vector<384x384xi32> to vector<384x384xf32>
    %jit3A_149 = arith.constant 1.000000e+30 : f32
    %broadcast_in_dim3A_150 = vector.broadcast %jit3A_149 : f32 to vector<384x384xf32>
    %select_n3A_151 = arith.select %eq3A_146, %broadcast_in_dim3A_150, %select_n3A_133 : vector<384x384xi1>, vector<384x384xf32>
    %reduce_min3A_152 = arith.constant dense<0x7F800000> : vector<384xf32>
    %reduce_min3A_153 = vector.multi_reduction <minimumf>, %select_n3A_151, %reduce_min3A_152 [1] : vector<384x384xf32> to vector<384xf32>
    %broadcast_in_dim3A_154 = vector.shape_cast %reduce_min3A_153 : vector<384xf32> to vector<384x1xf32>
    %eq3A_155 = vector.broadcast %broadcast_in_dim3A_154 : vector<384x1xf32> to vector<384x384xf32>
    %eq3A_156 = arith.cmpf oeq, %select_n3A_151, %eq3A_155 : vector<384x384xf32>
    %jit3A_157 = arith.constant 3.840000e+02 : f32
    %broadcast_in_dim3A_158 = vector.broadcast %jit3A_157 : f32 to vector<384x384xf32>
    %select_n3A_159 = arith.select %eq3A_156, %convert_element_type3A_102, %broadcast_in_dim3A_158 : vector<384x384xi1>, vector<384x384xf32>
    %reduce_min3A_160 = arith.constant dense<0x7F800000> : vector<384xf32>
    %reduce_min3A_161 = vector.multi_reduction <minimumf>, %select_n3A_159, %reduce_min3A_160 [1] : vector<384x384xf32> to vector<384xf32>
    %broadcast_in_dim3A_162 = vector.shape_cast %reduce_min3A_161 : vector<384xf32> to vector<384x1xf32>
    %eq3A_163 = vector.broadcast %broadcast_in_dim3A_162 : vector<384x1xf32> to vector<384x384xf32>
    %eq3A_164 = arith.cmpf oeq, %convert_element_type3A_102, %eq3A_163 : vector<384x384xf32>
    %jit3A_165 = arith.constant 1.000000e+30 : f32
    %broadcast_in_dim3A_166 = vector.broadcast %jit3A_165 : f32 to vector<384x384xf32>
    %select_n3A_167 = arith.select %eq3A_164, %broadcast_in_dim3A_166, %select_n3A_151 : vector<384x384xi1>, vector<384x384xf32>
    %reduce_min3A_168 = arith.constant dense<0x7F800000> : vector<384xf32>
    %reduce_min3A_169 = vector.multi_reduction <minimumf>, %select_n3A_167, %reduce_min3A_168 [1] : vector<384x384xf32> to vector<384xf32>
    %broadcast_in_dim3A_170 = vector.shape_cast %reduce_min3A_169 : vector<384xf32> to vector<384x1xf32>
    %eq3A_171 = vector.broadcast %broadcast_in_dim3A_170 : vector<384x1xf32> to vector<384x384xf32>
    %eq3A_172 = arith.cmpf oeq, %select_n3A_167, %eq3A_171 : vector<384x384xf32>
    %jit3A_173 = arith.constant 3.840000e+02 : f32
    %broadcast_in_dim3A_174 = vector.broadcast %jit3A_173 : f32 to vector<384x384xf32>
    %select_n3A_175 = arith.select %eq3A_172, %convert_element_type3A_102, %broadcast_in_dim3A_174 : vector<384x384xi1>, vector<384x384xf32>
    %reduce_min3A_176 = arith.constant dense<0x7F800000> : vector<384xf32>
    %reduce_min3A_177 = vector.multi_reduction <minimumf>, %select_n3A_175, %reduce_min3A_176 [1] : vector<384x384xf32> to vector<384xf32>
    %broadcast_in_dim3A_178 = vector.shape_cast %reduce_min3A_177 : vector<384xf32> to vector<384x1xf32>
    %eq3A_179 = vector.broadcast %broadcast_in_dim3A_178 : vector<384x1xf32> to vector<384x384xf32>
    %eq3A_180 = arith.cmpf oeq, %convert_element_type3A_102, %eq3A_179 : vector<384x384xf32>
    %convert_element_type3A_181 = arith.extui %eq3A_180 : vector<384x384xi1> to vector<384x384xi32>
    %convert_element_type3A_182 = arith.sitofp %convert_element_type3A_181 : vector<384x384xi32> to vector<384x384xf32>
    %jit3A_183 = arith.constant 1.000000e+30 : f32
    %broadcast_in_dim3A_184 = vector.broadcast %jit3A_183 : f32 to vector<384x384xf32>
    %select_n3A_185 = arith.select %eq3A_180, %broadcast_in_dim3A_184, %select_n3A_167 : vector<384x384xi1>, vector<384x384xf32>
    %reduce_min3A_186 = arith.constant dense<0x7F800000> : vector<384xf32>
    %reduce_min3A_187 = vector.multi_reduction <minimumf>, %select_n3A_185, %reduce_min3A_186 [1] : vector<384x384xf32> to vector<384xf32>
    %broadcast_in_dim3A_188 = vector.shape_cast %reduce_min3A_187 : vector<384xf32> to vector<384x1xf32>
    %eq3A_189 = vector.broadcast %broadcast_in_dim3A_188 : vector<384x1xf32> to vector<384x384xf32>
    %eq3A_190 = arith.cmpf oeq, %select_n3A_185, %eq3A_189 : vector<384x384xf32>
    %jit3A_191 = arith.constant 3.840000e+02 : f32
    %broadcast_in_dim3A_192 = vector.broadcast %jit3A_191 : f32 to vector<384x384xf32>
    %select_n3A_193 = arith.select %eq3A_190, %convert_element_type3A_102, %broadcast_in_dim3A_192 : vector<384x384xi1>, vector<384x384xf32>
    %reduce_min3A_194 = arith.constant dense<0x7F800000> : vector<384xf32>
    %reduce_min3A_195 = vector.multi_reduction <minimumf>, %select_n3A_193, %reduce_min3A_194 [1] : vector<384x384xf32> to vector<384xf32>
    %broadcast_in_dim3A_196 = vector.shape_cast %reduce_min3A_195 : vector<384xf32> to vector<384x1xf32>
    %eq3A_197 = vector.broadcast %broadcast_in_dim3A_196 : vector<384x1xf32> to vector<384x384xf32>
    %eq3A_198 = arith.cmpf oeq, %convert_element_type3A_102, %eq3A_197 : vector<384x384xf32>
    %jit3A_199 = arith.constant 1.000000e+30 : f32
    %broadcast_in_dim3A_200 = vector.broadcast %jit3A_199 : f32 to vector<384x384xf32>
    %select_n3A_201 = arith.select %eq3A_198, %broadcast_in_dim3A_200, %select_n3A_185 : vector<384x384xi1>, vector<384x384xf32>
    %reduce_min3A_202 = arith.constant dense<0x7F800000> : vector<384xf32>
    %reduce_min3A_203 = vector.multi_reduction <minimumf>, %select_n3A_201, %reduce_min3A_202 [1] : vector<384x384xf32> to vector<384xf32>
    %broadcast_in_dim3A_204 = vector.shape_cast %reduce_min3A_203 : vector<384xf32> to vector<384x1xf32>
    %eq3A_205 = vector.broadcast %broadcast_in_dim3A_204 : vector<384x1xf32> to vector<384x384xf32>
    %eq3A_206 = arith.cmpf oeq, %select_n3A_201, %eq3A_205 : vector<384x384xf32>
    %jit3A_207 = arith.constant 3.840000e+02 : f32
    %broadcast_in_dim3A_208 = vector.broadcast %jit3A_207 : f32 to vector<384x384xf32>
    %select_n3A_209 = arith.select %eq3A_206, %convert_element_type3A_102, %broadcast_in_dim3A_208 : vector<384x384xi1>, vector<384x384xf32>
    %reduce_min3A_210 = arith.constant dense<0x7F800000> : vector<384xf32>
    %reduce_min3A_211 = vector.multi_reduction <minimumf>, %select_n3A_209, %reduce_min3A_210 [1] : vector<384x384xf32> to vector<384xf32>
    %broadcast_in_dim3A_212 = vector.shape_cast %reduce_min3A_211 : vector<384xf32> to vector<384x1xf32>
    %eq3A_213 = vector.broadcast %broadcast_in_dim3A_212 : vector<384x1xf32> to vector<384x384xf32>
    %eq3A_214 = arith.cmpf oeq, %convert_element_type3A_102, %eq3A_213 : vector<384x384xf32>
    %convert_element_type3A_215 = arith.extui %eq3A_214 : vector<384x384xi1> to vector<384x384xi32>
    %convert_element_type3A_216 = arith.sitofp %convert_element_type3A_215 : vector<384x384xi32> to vector<384x384xf32>
    %jit3A_217 = arith.constant 1.000000e+30 : f32
    %broadcast_in_dim3A_218 = vector.broadcast %jit3A_217 : f32 to vector<384x384xf32>
    %select_n3A_219 = arith.select %eq3A_214, %broadcast_in_dim3A_218, %select_n3A_201 : vector<384x384xi1>, vector<384x384xf32>
    %reduce_min3A_220 = arith.constant dense<0x7F800000> : vector<384xf32>
    %reduce_min3A_221 = vector.multi_reduction <minimumf>, %select_n3A_219, %reduce_min3A_220 [1] : vector<384x384xf32> to vector<384xf32>
    %broadcast_in_dim3A_222 = vector.shape_cast %reduce_min3A_221 : vector<384xf32> to vector<384x1xf32>
    %eq3A_223 = vector.broadcast %broadcast_in_dim3A_222 : vector<384x1xf32> to vector<384x384xf32>
    %eq3A_224 = arith.cmpf oeq, %select_n3A_219, %eq3A_223 : vector<384x384xf32>
    %jit3A_225 = arith.constant 3.840000e+02 : f32
    %broadcast_in_dim3A_226 = vector.broadcast %jit3A_225 : f32 to vector<384x384xf32>
    %select_n3A_227 = arith.select %eq3A_224, %convert_element_type3A_102, %broadcast_in_dim3A_226 : vector<384x384xi1>, vector<384x384xf32>
    %reduce_min3A_228 = arith.constant dense<0x7F800000> : vector<384xf32>
    %reduce_min3A_229 = vector.multi_reduction <minimumf>, %select_n3A_227, %reduce_min3A_228 [1] : vector<384x384xf32> to vector<384xf32>
    %broadcast_in_dim3A_230 = vector.shape_cast %reduce_min3A_229 : vector<384xf32> to vector<384x1xf32>
    %eq3A_231 = vector.broadcast %broadcast_in_dim3A_230 : vector<384x1xf32> to vector<384x384xf32>
    %eq3A_232 = arith.cmpf oeq, %convert_element_type3A_102, %eq3A_231 : vector<384x384xf32>
    %jit3A_233 = arith.constant 1.000000e+30 : f32
    %broadcast_in_dim3A_234 = vector.broadcast %jit3A_233 : f32 to vector<384x384xf32>
    %select_n3A_235 = arith.select %eq3A_232, %broadcast_in_dim3A_234, %select_n3A_219 : vector<384x384xi1>, vector<384x384xf32>
    %reduce_min3A_236 = arith.constant dense<0x7F800000> : vector<384xf32>
    %reduce_min3A_237 = vector.multi_reduction <minimumf>, %select_n3A_235, %reduce_min3A_236 [1] : vector<384x384xf32> to vector<384xf32>
    %broadcast_in_dim3A_238 = vector.shape_cast %reduce_min3A_237 : vector<384xf32> to vector<384x1xf32>
    %eq3A_239 = vector.broadcast %broadcast_in_dim3A_238 : vector<384x1xf32> to vector<384x384xf32>
    %eq3A_240 = arith.cmpf oeq, %select_n3A_235, %eq3A_239 : vector<384x384xf32>
    %jit3A_241 = arith.constant 3.840000e+02 : f32
    %broadcast_in_dim3A_242 = vector.broadcast %jit3A_241 : f32 to vector<384x384xf32>
    %select_n3A_243 = arith.select %eq3A_240, %convert_element_type3A_102, %broadcast_in_dim3A_242 : vector<384x384xi1>, vector<384x384xf32>
    %reduce_min3A_244 = arith.constant dense<0x7F800000> : vector<384xf32>
    %reduce_min3A_245 = vector.multi_reduction <minimumf>, %select_n3A_243, %reduce_min3A_244 [1] : vector<384x384xf32> to vector<384xf32>
    %broadcast_in_dim3A_246 = vector.shape_cast %reduce_min3A_245 : vector<384xf32> to vector<384x1xf32>
    %eq3A_247 = vector.broadcast %broadcast_in_dim3A_246 : vector<384x1xf32> to vector<384x384xf32>
    %eq3A_248 = arith.cmpf oeq, %convert_element_type3A_102, %eq3A_247 : vector<384x384xf32>
    %convert_element_type3A_249 = arith.extui %eq3A_248 : vector<384x384xi1> to vector<384x384xi32>
    %convert_element_type3A_250 = arith.sitofp %convert_element_type3A_249 : vector<384x384xi32> to vector<384x384xf32>
    %jit3A_251 = arith.constant 1.000000e+30 : f32
    %broadcast_in_dim3A_252 = vector.broadcast %jit3A_251 : f32 to vector<384x384xf32>
    %select_n3A_253 = arith.select %eq3A_248, %broadcast_in_dim3A_252, %select_n3A_235 : vector<384x384xi1>, vector<384x384xf32>
    %reduce_min3A_254 = arith.constant dense<0x7F800000> : vector<384xf32>
    %reduce_min3A_255 = vector.multi_reduction <minimumf>, %select_n3A_253, %reduce_min3A_254 [1] : vector<384x384xf32> to vector<384xf32>
    %broadcast_in_dim3A_256 = vector.shape_cast %reduce_min3A_255 : vector<384xf32> to vector<384x1xf32>
    %eq3A_257 = vector.broadcast %broadcast_in_dim3A_256 : vector<384x1xf32> to vector<384x384xf32>
    %eq3A_258 = arith.cmpf oeq, %select_n3A_253, %eq3A_257 : vector<384x384xf32>
    %jit3A_259 = arith.constant 3.840000e+02 : f32
    %broadcast_in_dim3A_260 = vector.broadcast %jit3A_259 : f32 to vector<384x384xf32>
    %select_n3A_261 = arith.select %eq3A_258, %convert_element_type3A_102, %broadcast_in_dim3A_260 : vector<384x384xi1>, vector<384x384xf32>
    %reduce_min3A_262 = arith.constant dense<0x7F800000> : vector<384xf32>
    %reduce_min3A_263 = vector.multi_reduction <minimumf>, %select_n3A_261, %reduce_min3A_262 [1] : vector<384x384xf32> to vector<384xf32>
    %broadcast_in_dim3A_264 = vector.shape_cast %reduce_min3A_263 : vector<384xf32> to vector<384x1xf32>
    %eq3A_265 = vector.broadcast %broadcast_in_dim3A_264 : vector<384x1xf32> to vector<384x384xf32>
    %eq3A_266 = arith.cmpf oeq, %convert_element_type3A_102, %eq3A_265 : vector<384x384xf32>
    %jit3A_267 = arith.constant 1.000000e+30 : f32
    %broadcast_in_dim3A_268 = vector.broadcast %jit3A_267 : f32 to vector<384x384xf32>
    %select_n3A_269 = arith.select %eq3A_266, %broadcast_in_dim3A_268, %select_n3A_253 : vector<384x384xi1>, vector<384x384xf32>
    %reduce_min3A_270 = arith.constant dense<0x7F800000> : vector<384xf32>
    %reduce_min3A_271 = vector.multi_reduction <minimumf>, %select_n3A_269, %reduce_min3A_270 [1] : vector<384x384xf32> to vector<384xf32>
    %broadcast_in_dim3A_272 = vector.shape_cast %reduce_min3A_271 : vector<384xf32> to vector<384x1xf32>
    %eq3A_273 = vector.broadcast %broadcast_in_dim3A_272 : vector<384x1xf32> to vector<384x384xf32>
    %eq3A_274 = arith.cmpf oeq, %select_n3A_269, %eq3A_273 : vector<384x384xf32>
    %jit3A_275 = arith.constant 3.840000e+02 : f32
    %broadcast_in_dim3A_276 = vector.broadcast %jit3A_275 : f32 to vector<384x384xf32>
    %select_n3A_277 = arith.select %eq3A_274, %convert_element_type3A_102, %broadcast_in_dim3A_276 : vector<384x384xi1>, vector<384x384xf32>
    %reduce_min3A_278 = arith.constant dense<0x7F800000> : vector<384xf32>
    %reduce_min3A_279 = vector.multi_reduction <minimumf>, %select_n3A_277, %reduce_min3A_278 [1] : vector<384x384xf32> to vector<384xf32>
    %broadcast_in_dim3A_280 = vector.shape_cast %reduce_min3A_279 : vector<384xf32> to vector<384x1xf32>
    %eq3A_281 = vector.broadcast %broadcast_in_dim3A_280 : vector<384x1xf32> to vector<384x384xf32>
    %eq3A_282 = arith.cmpf oeq, %convert_element_type3A_102, %eq3A_281 : vector<384x384xf32>
    %convert_element_type3A_283 = arith.extui %eq3A_282 : vector<384x384xi1> to vector<384x384xi32>
    %convert_element_type3A_284 = arith.sitofp %convert_element_type3A_283 : vector<384x384xi32> to vector<384x384xf32>
    %jit3A_285 = arith.constant 1.000000e+30 : f32
    %broadcast_in_dim3A_286 = vector.broadcast %jit3A_285 : f32 to vector<384x384xf32>
    %select_n3A_287 = arith.select %eq3A_282, %broadcast_in_dim3A_286, %select_n3A_269 : vector<384x384xi1>, vector<384x384xf32>
    %reduce_min3A_288 = arith.constant dense<0x7F800000> : vector<384xf32>
    %reduce_min3A_289 = vector.multi_reduction <minimumf>, %select_n3A_287, %reduce_min3A_288 [1] : vector<384x384xf32> to vector<384xf32>
    %broadcast_in_dim3A_290 = vector.shape_cast %reduce_min3A_289 : vector<384xf32> to vector<384x1xf32>
    %eq3A_291 = vector.broadcast %broadcast_in_dim3A_290 : vector<384x1xf32> to vector<384x384xf32>
    %eq3A_292 = arith.cmpf oeq, %select_n3A_287, %eq3A_291 : vector<384x384xf32>
    %jit3A_293 = arith.constant 3.840000e+02 : f32
    %broadcast_in_dim3A_294 = vector.broadcast %jit3A_293 : f32 to vector<384x384xf32>
    %select_n3A_295 = arith.select %eq3A_292, %convert_element_type3A_102, %broadcast_in_dim3A_294 : vector<384x384xi1>, vector<384x384xf32>
    %reduce_min3A_296 = arith.constant dense<0x7F800000> : vector<384xf32>
    %reduce_min3A_297 = vector.multi_reduction <minimumf>, %select_n3A_295, %reduce_min3A_296 [1] : vector<384x384xf32> to vector<384xf32>
    %broadcast_in_dim3A_298 = vector.shape_cast %reduce_min3A_297 : vector<384xf32> to vector<384x1xf32>
    %eq3A_299 = vector.broadcast %broadcast_in_dim3A_298 : vector<384x1xf32> to vector<384x384xf32>
    %eq3A_300 = arith.cmpf oeq, %convert_element_type3A_102, %eq3A_299 : vector<384x384xf32>
    %jit3A_301 = arith.constant 1.000000e+30 : f32
    %broadcast_in_dim3A_302 = vector.broadcast %jit3A_301 : f32 to vector<384x384xf32>
    %select_n3A_303 = arith.select %eq3A_300, %broadcast_in_dim3A_302, %select_n3A_287 : vector<384x384xi1>, vector<384x384xf32>
    %reduce_min3A_304 = arith.constant dense<0x7F800000> : vector<384xf32>
    %reduce_min3A_305 = vector.multi_reduction <minimumf>, %select_n3A_303, %reduce_min3A_304 [1] : vector<384x384xf32> to vector<384xf32>
    %broadcast_in_dim3A_306 = vector.shape_cast %reduce_min3A_305 : vector<384xf32> to vector<384x1xf32>
    %eq3A_307 = vector.broadcast %broadcast_in_dim3A_306 : vector<384x1xf32> to vector<384x384xf32>
    %eq3A_308 = arith.cmpf oeq, %select_n3A_303, %eq3A_307 : vector<384x384xf32>
    %jit3A_309 = arith.constant 3.840000e+02 : f32
    %broadcast_in_dim3A_310 = vector.broadcast %jit3A_309 : f32 to vector<384x384xf32>
    %select_n3A_311 = arith.select %eq3A_308, %convert_element_type3A_102, %broadcast_in_dim3A_310 : vector<384x384xi1>, vector<384x384xf32>
    %reduce_min3A_312 = arith.constant dense<0x7F800000> : vector<384xf32>
    %reduce_min3A_313 = vector.multi_reduction <minimumf>, %select_n3A_311, %reduce_min3A_312 [1] : vector<384x384xf32> to vector<384xf32>
    %broadcast_in_dim3A_314 = vector.shape_cast %reduce_min3A_313 : vector<384xf32> to vector<384x1xf32>
    %eq3A_315 = vector.broadcast %broadcast_in_dim3A_314 : vector<384x1xf32> to vector<384x384xf32>
    %eq3A_316 = arith.cmpf oeq, %convert_element_type3A_102, %eq3A_315 : vector<384x384xf32>
    %convert_element_type3A_317 = arith.extui %eq3A_316 : vector<384x384xi1> to vector<384x384xi32>
    %convert_element_type3A_318 = arith.sitofp %convert_element_type3A_317 : vector<384x384xi32> to vector<384x384xf32>
    %jit3A_319 = arith.constant 1.000000e+30 : f32
    %broadcast_in_dim3A_320 = vector.broadcast %jit3A_319 : f32 to vector<384x384xf32>
    %select_n3A_321 = arith.select %eq3A_316, %broadcast_in_dim3A_320, %select_n3A_303 : vector<384x384xi1>, vector<384x384xf32>
    %reduce_min3A_322 = arith.constant dense<0x7F800000> : vector<384xf32>
    %reduce_min3A_323 = vector.multi_reduction <minimumf>, %select_n3A_321, %reduce_min3A_322 [1] : vector<384x384xf32> to vector<384xf32>
    %broadcast_in_dim3A_324 = vector.shape_cast %reduce_min3A_323 : vector<384xf32> to vector<384x1xf32>
    %eq3A_325 = vector.broadcast %broadcast_in_dim3A_324 : vector<384x1xf32> to vector<384x384xf32>
    %eq3A_326 = arith.cmpf oeq, %select_n3A_321, %eq3A_325 : vector<384x384xf32>
    %jit3A_327 = arith.constant 3.840000e+02 : f32
    %broadcast_in_dim3A_328 = vector.broadcast %jit3A_327 : f32 to vector<384x384xf32>
    %select_n3A_329 = arith.select %eq3A_326, %convert_element_type3A_102, %broadcast_in_dim3A_328 : vector<384x384xi1>, vector<384x384xf32>
    %reduce_min3A_330 = arith.constant dense<0x7F800000> : vector<384xf32>
    %reduce_min3A_331 = vector.multi_reduction <minimumf>, %select_n3A_329, %reduce_min3A_330 [1] : vector<384x384xf32> to vector<384xf32>
    %broadcast_in_dim3A_332 = vector.shape_cast %reduce_min3A_331 : vector<384xf32> to vector<384x1xf32>
    %eq3A_333 = vector.broadcast %broadcast_in_dim3A_332 : vector<384x1xf32> to vector<384x384xf32>
    %eq3A_334 = arith.cmpf oeq, %convert_element_type3A_102, %eq3A_333 : vector<384x384xf32>
    %jit3A_335 = arith.constant 1.000000e+30 : f32
    %broadcast_in_dim3A_336 = vector.broadcast %jit3A_335 : f32 to vector<384x384xf32>
    %select_n3A_337 = arith.select %eq3A_334, %broadcast_in_dim3A_336, %select_n3A_321 : vector<384x384xi1>, vector<384x384xf32>
    %reduce_min3A_338 = arith.constant dense<0x7F800000> : vector<384xf32>
    %reduce_min3A_339 = vector.multi_reduction <minimumf>, %select_n3A_337, %reduce_min3A_338 [1] : vector<384x384xf32> to vector<384xf32>
    %broadcast_in_dim3A_340 = vector.shape_cast %reduce_min3A_339 : vector<384xf32> to vector<384x1xf32>
    %eq3A_341 = vector.broadcast %broadcast_in_dim3A_340 : vector<384x1xf32> to vector<384x384xf32>
    %eq3A_342 = arith.cmpf oeq, %select_n3A_337, %eq3A_341 : vector<384x384xf32>
    %jit3A_343 = arith.constant 3.840000e+02 : f32
    %broadcast_in_dim3A_344 = vector.broadcast %jit3A_343 : f32 to vector<384x384xf32>
    %select_n3A_345 = arith.select %eq3A_342, %convert_element_type3A_102, %broadcast_in_dim3A_344 : vector<384x384xi1>, vector<384x384xf32>
    %reduce_min3A_346 = arith.constant dense<0x7F800000> : vector<384xf32>
    %reduce_min3A_347 = vector.multi_reduction <minimumf>, %select_n3A_345, %reduce_min3A_346 [1] : vector<384x384xf32> to vector<384xf32>
    %broadcast_in_dim3A_348 = vector.shape_cast %reduce_min3A_347 : vector<384xf32> to vector<384x1xf32>
    %eq3A_349 = vector.broadcast %broadcast_in_dim3A_348 : vector<384x1xf32> to vector<384x384xf32>
    %eq3A_350 = arith.cmpf oeq, %convert_element_type3A_102, %eq3A_349 : vector<384x384xf32>
    %convert_element_type3A_351 = arith.extui %eq3A_350 : vector<384x384xi1> to vector<384x384xi32>
    %convert_element_type3A_352 = arith.sitofp %convert_element_type3A_351 : vector<384x384xi32> to vector<384x384xf32>
    %jit3A_353 = arith.constant 1.000000e+30 : f32
    %broadcast_in_dim3A_354 = vector.broadcast %jit3A_353 : f32 to vector<384x384xf32>
    %select_n3A_355 = arith.select %eq3A_350, %broadcast_in_dim3A_354, %select_n3A_337 : vector<384x384xi1>, vector<384x384xf32>
    %reduce_min3A_356 = arith.constant dense<0x7F800000> : vector<384xf32>
    %reduce_min3A_357 = vector.multi_reduction <minimumf>, %select_n3A_355, %reduce_min3A_356 [1] : vector<384x384xf32> to vector<384xf32>
    %broadcast_in_dim3A_358 = vector.shape_cast %reduce_min3A_357 : vector<384xf32> to vector<384x1xf32>
    %eq3A_359 = vector.broadcast %broadcast_in_dim3A_358 : vector<384x1xf32> to vector<384x384xf32>
    %eq3A_360 = arith.cmpf oeq, %select_n3A_355, %eq3A_359 : vector<384x384xf32>
    %jit3A_361 = arith.constant 3.840000e+02 : f32
    %broadcast_in_dim3A_362 = vector.broadcast %jit3A_361 : f32 to vector<384x384xf32>
    %select_n3A_363 = arith.select %eq3A_360, %convert_element_type3A_102, %broadcast_in_dim3A_362 : vector<384x384xi1>, vector<384x384xf32>
    %reduce_min3A_364 = arith.constant dense<0x7F800000> : vector<384xf32>
    %reduce_min3A_365 = vector.multi_reduction <minimumf>, %select_n3A_363, %reduce_min3A_364 [1] : vector<384x384xf32> to vector<384xf32>
    %broadcast_in_dim3A_366 = vector.shape_cast %reduce_min3A_365 : vector<384xf32> to vector<384x1xf32>
    %eq3A_367 = vector.broadcast %broadcast_in_dim3A_366 : vector<384x1xf32> to vector<384x384xf32>
    %eq3A_368 = arith.cmpf oeq, %convert_element_type3A_102, %eq3A_367 : vector<384x384xf32>
    %jit3A_369 = arith.constant 1.000000e+30 : f32
    %broadcast_in_dim3A_370 = vector.broadcast %jit3A_369 : f32 to vector<384x384xf32>
    %select_n3A_371 = arith.select %eq3A_368, %broadcast_in_dim3A_370, %select_n3A_355 : vector<384x384xi1>, vector<384x384xf32>
    %reduce_min3A_372 = arith.constant dense<0x7F800000> : vector<384xf32>
    %reduce_min3A_373 = vector.multi_reduction <minimumf>, %select_n3A_371, %reduce_min3A_372 [1] : vector<384x384xf32> to vector<384xf32>
    %broadcast_in_dim3A_374 = vector.shape_cast %reduce_min3A_373 : vector<384xf32> to vector<384x1xf32>
    %eq3A_375 = vector.broadcast %broadcast_in_dim3A_374 : vector<384x1xf32> to vector<384x384xf32>
    %eq3A_376 = arith.cmpf oeq, %select_n3A_371, %eq3A_375 : vector<384x384xf32>
    %jit3A_377 = arith.constant 3.840000e+02 : f32
    %broadcast_in_dim3A_378 = vector.broadcast %jit3A_377 : f32 to vector<384x384xf32>
    %select_n3A_379 = arith.select %eq3A_376, %convert_element_type3A_102, %broadcast_in_dim3A_378 : vector<384x384xi1>, vector<384x384xf32>
    %reduce_min3A_380 = arith.constant dense<0x7F800000> : vector<384xf32>
    %reduce_min3A_381 = vector.multi_reduction <minimumf>, %select_n3A_379, %reduce_min3A_380 [1] : vector<384x384xf32> to vector<384xf32>
    %broadcast_in_dim3A_382 = vector.shape_cast %reduce_min3A_381 : vector<384xf32> to vector<384x1xf32>
    %eq3A_383 = vector.broadcast %broadcast_in_dim3A_382 : vector<384x1xf32> to vector<384x384xf32>
    %eq3A_384 = arith.cmpf oeq, %convert_element_type3A_102, %eq3A_383 : vector<384x384xf32>
    %convert_element_type3A_385 = arith.extui %eq3A_384 : vector<384x384xi1> to vector<384x384xi32>
    %convert_element_type3A_386 = arith.sitofp %convert_element_type3A_385 : vector<384x384xi32> to vector<384x384xf32>
    %jit3A_387 = arith.constant 1.000000e+30 : f32
    %broadcast_in_dim3A_388 = vector.broadcast %jit3A_387 : f32 to vector<384x384xf32>
    %select_n3A_389 = arith.select %eq3A_384, %broadcast_in_dim3A_388, %select_n3A_371 : vector<384x384xi1>, vector<384x384xf32>
    %reduce_min3A_390 = arith.constant dense<0x7F800000> : vector<384xf32>
    %reduce_min3A_391 = vector.multi_reduction <minimumf>, %select_n3A_389, %reduce_min3A_390 [1] : vector<384x384xf32> to vector<384xf32>
    %broadcast_in_dim3A_392 = vector.shape_cast %reduce_min3A_391 : vector<384xf32> to vector<384x1xf32>
    %eq3A_393 = vector.broadcast %broadcast_in_dim3A_392 : vector<384x1xf32> to vector<384x384xf32>
    %eq3A_394 = arith.cmpf oeq, %select_n3A_389, %eq3A_393 : vector<384x384xf32>
    %jit3A_395 = arith.constant 3.840000e+02 : f32
    %broadcast_in_dim3A_396 = vector.broadcast %jit3A_395 : f32 to vector<384x384xf32>
    %select_n3A_397 = arith.select %eq3A_394, %convert_element_type3A_102, %broadcast_in_dim3A_396 : vector<384x384xi1>, vector<384x384xf32>
    %reduce_min3A_398 = arith.constant dense<0x7F800000> : vector<384xf32>
    %reduce_min3A_399 = vector.multi_reduction <minimumf>, %select_n3A_397, %reduce_min3A_398 [1] : vector<384x384xf32> to vector<384xf32>
    %broadcast_in_dim3A_400 = vector.shape_cast %reduce_min3A_399 : vector<384xf32> to vector<384x1xf32>
    %eq3A_401 = vector.broadcast %broadcast_in_dim3A_400 : vector<384x1xf32> to vector<384x384xf32>
    %eq3A_402 = arith.cmpf oeq, %convert_element_type3A_102, %eq3A_401 : vector<384x384xf32>
    %jit3A_403 = arith.constant 1.000000e+30 : f32
    %broadcast_in_dim3A_404 = vector.broadcast %jit3A_403 : f32 to vector<384x384xf32>
    %select_n3A_405 = arith.select %eq3A_402, %broadcast_in_dim3A_404, %select_n3A_389 : vector<384x384xi1>, vector<384x384xf32>
    %reduce_min3A_406 = arith.constant dense<0x7F800000> : vector<384xf32>
    %reduce_min3A_407 = vector.multi_reduction <minimumf>, %select_n3A_405, %reduce_min3A_406 [1] : vector<384x384xf32> to vector<384xf32>
    %broadcast_in_dim3A_408 = vector.shape_cast %reduce_min3A_407 : vector<384xf32> to vector<384x1xf32>
    %eq3A_409 = vector.broadcast %broadcast_in_dim3A_408 : vector<384x1xf32> to vector<384x384xf32>
    %eq3A_410 = arith.cmpf oeq, %select_n3A_405, %eq3A_409 : vector<384x384xf32>
    %jit3A_411 = arith.constant 3.840000e+02 : f32
    %broadcast_in_dim3A_412 = vector.broadcast %jit3A_411 : f32 to vector<384x384xf32>
    %select_n3A_413 = arith.select %eq3A_410, %convert_element_type3A_102, %broadcast_in_dim3A_412 : vector<384x384xi1>, vector<384x384xf32>
    %reduce_min3A_414 = arith.constant dense<0x7F800000> : vector<384xf32>
    %reduce_min3A_415 = vector.multi_reduction <minimumf>, %select_n3A_413, %reduce_min3A_414 [1] : vector<384x384xf32> to vector<384xf32>
    %broadcast_in_dim3A_416 = vector.shape_cast %reduce_min3A_415 : vector<384xf32> to vector<384x1xf32>
    %eq3A_417 = vector.broadcast %broadcast_in_dim3A_416 : vector<384x1xf32> to vector<384x384xf32>
    %eq3A_418 = arith.cmpf oeq, %convert_element_type3A_102, %eq3A_417 : vector<384x384xf32>
    %convert_element_type3A_419 = arith.extui %eq3A_418 : vector<384x384xi1> to vector<384x384xi32>
    %convert_element_type3A_420 = arith.sitofp %convert_element_type3A_419 : vector<384x384xi32> to vector<384x384xf32>
    %jit3A_421 = arith.constant 1.000000e+30 : f32
    %broadcast_in_dim3A_422 = vector.broadcast %jit3A_421 : f32 to vector<384x384xf32>
    %select_n3A_423 = arith.select %eq3A_418, %broadcast_in_dim3A_422, %select_n3A_405 : vector<384x384xi1>, vector<384x384xf32>
    %reduce_min3A_424 = arith.constant dense<0x7F800000> : vector<384xf32>
    %reduce_min3A_425 = vector.multi_reduction <minimumf>, %select_n3A_423, %reduce_min3A_424 [1] : vector<384x384xf32> to vector<384xf32>
    %broadcast_in_dim3A_426 = vector.shape_cast %reduce_min3A_425 : vector<384xf32> to vector<384x1xf32>
    %eq3A_427 = vector.broadcast %broadcast_in_dim3A_426 : vector<384x1xf32> to vector<384x384xf32>
    %eq3A_428 = arith.cmpf oeq, %select_n3A_423, %eq3A_427 : vector<384x384xf32>
    %jit3A_429 = arith.constant 3.840000e+02 : f32
    %broadcast_in_dim3A_430 = vector.broadcast %jit3A_429 : f32 to vector<384x384xf32>
    %select_n3A_431 = arith.select %eq3A_428, %convert_element_type3A_102, %broadcast_in_dim3A_430 : vector<384x384xi1>, vector<384x384xf32>
    %reduce_min3A_432 = arith.constant dense<0x7F800000> : vector<384xf32>
    %reduce_min3A_433 = vector.multi_reduction <minimumf>, %select_n3A_431, %reduce_min3A_432 [1] : vector<384x384xf32> to vector<384xf32>
    %broadcast_in_dim3A_434 = vector.shape_cast %reduce_min3A_433 : vector<384xf32> to vector<384x1xf32>
    %eq3A_435 = vector.broadcast %broadcast_in_dim3A_434 : vector<384x1xf32> to vector<384x384xf32>
    %eq3A_436 = arith.cmpf oeq, %convert_element_type3A_102, %eq3A_435 : vector<384x384xf32>
    %jit3A_437 = arith.constant 1.000000e+30 : f32
    %broadcast_in_dim3A_438 = vector.broadcast %jit3A_437 : f32 to vector<384x384xf32>
    %select_n3A_439 = arith.select %eq3A_436, %broadcast_in_dim3A_438, %select_n3A_423 : vector<384x384xi1>, vector<384x384xf32>
    %reduce_min3A_440 = arith.constant dense<0x7F800000> : vector<384xf32>
    %reduce_min3A_441 = vector.multi_reduction <minimumf>, %select_n3A_439, %reduce_min3A_440 [1] : vector<384x384xf32> to vector<384xf32>
    %broadcast_in_dim3A_442 = vector.shape_cast %reduce_min3A_441 : vector<384xf32> to vector<384x1xf32>
    %eq3A_443 = vector.broadcast %broadcast_in_dim3A_442 : vector<384x1xf32> to vector<384x384xf32>
    %eq3A_444 = arith.cmpf oeq, %select_n3A_439, %eq3A_443 : vector<384x384xf32>
    %jit3A_445 = arith.constant 3.840000e+02 : f32
    %broadcast_in_dim3A_446 = vector.broadcast %jit3A_445 : f32 to vector<384x384xf32>
    %select_n3A_447 = arith.select %eq3A_444, %convert_element_type3A_102, %broadcast_in_dim3A_446 : vector<384x384xi1>, vector<384x384xf32>
    %reduce_min3A_448 = arith.constant dense<0x7F800000> : vector<384xf32>
    %reduce_min3A_449 = vector.multi_reduction <minimumf>, %select_n3A_447, %reduce_min3A_448 [1] : vector<384x384xf32> to vector<384xf32>
    %broadcast_in_dim3A_450 = vector.shape_cast %reduce_min3A_449 : vector<384xf32> to vector<384x1xf32>
    %eq3A_451 = vector.broadcast %broadcast_in_dim3A_450 : vector<384x1xf32> to vector<384x384xf32>
    %eq3A_452 = arith.cmpf oeq, %convert_element_type3A_102, %eq3A_451 : vector<384x384xf32>
    %convert_element_type3A_453 = arith.extui %eq3A_452 : vector<384x384xi1> to vector<384x384xi32>
    %convert_element_type3A_454 = arith.sitofp %convert_element_type3A_453 : vector<384x384xi32> to vector<384x384xf32>
    %jit3A_455 = arith.constant 1.000000e+30 : f32
    %broadcast_in_dim3A_456 = vector.broadcast %jit3A_455 : f32 to vector<384x384xf32>
    %select_n3A_457 = arith.select %eq3A_452, %broadcast_in_dim3A_456, %select_n3A_439 : vector<384x384xi1>, vector<384x384xf32>
    %reduce_min3A_458 = arith.constant dense<0x7F800000> : vector<384xf32>
    %reduce_min3A_459 = vector.multi_reduction <minimumf>, %select_n3A_457, %reduce_min3A_458 [1] : vector<384x384xf32> to vector<384xf32>
    %broadcast_in_dim3A_460 = vector.shape_cast %reduce_min3A_459 : vector<384xf32> to vector<384x1xf32>
    %eq3A_461 = vector.broadcast %broadcast_in_dim3A_460 : vector<384x1xf32> to vector<384x384xf32>
    %eq3A_462 = arith.cmpf oeq, %select_n3A_457, %eq3A_461 : vector<384x384xf32>
    %jit3A_463 = arith.constant 3.840000e+02 : f32
    %broadcast_in_dim3A_464 = vector.broadcast %jit3A_463 : f32 to vector<384x384xf32>
    %select_n3A_465 = arith.select %eq3A_462, %convert_element_type3A_102, %broadcast_in_dim3A_464 : vector<384x384xi1>, vector<384x384xf32>
    %reduce_min3A_466 = arith.constant dense<0x7F800000> : vector<384xf32>
    %reduce_min3A_467 = vector.multi_reduction <minimumf>, %select_n3A_465, %reduce_min3A_466 [1] : vector<384x384xf32> to vector<384xf32>
    %broadcast_in_dim3A_468 = vector.shape_cast %reduce_min3A_467 : vector<384xf32> to vector<384x1xf32>
    %eq3A_469 = vector.broadcast %broadcast_in_dim3A_468 : vector<384x1xf32> to vector<384x384xf32>
    %eq3A_470 = arith.cmpf oeq, %convert_element_type3A_102, %eq3A_469 : vector<384x384xf32>
    %jit3A_471 = arith.constant 1.000000e+30 : f32
    %broadcast_in_dim3A_472 = vector.broadcast %jit3A_471 : f32 to vector<384x384xf32>
    %select_n3A_473 = arith.select %eq3A_470, %broadcast_in_dim3A_472, %select_n3A_457 : vector<384x384xi1>, vector<384x384xf32>
    %reduce_min3A_474 = arith.constant dense<0x7F800000> : vector<384xf32>
    %reduce_min3A_475 = vector.multi_reduction <minimumf>, %select_n3A_473, %reduce_min3A_474 [1] : vector<384x384xf32> to vector<384xf32>
    %broadcast_in_dim3A_476 = vector.shape_cast %reduce_min3A_475 : vector<384xf32> to vector<384x1xf32>
    %eq3A_477 = vector.broadcast %broadcast_in_dim3A_476 : vector<384x1xf32> to vector<384x384xf32>
    %eq3A_478 = arith.cmpf oeq, %select_n3A_473, %eq3A_477 : vector<384x384xf32>
    %jit3A_479 = arith.constant 3.840000e+02 : f32
    %broadcast_in_dim3A_480 = vector.broadcast %jit3A_479 : f32 to vector<384x384xf32>
    %select_n3A_481 = arith.select %eq3A_478, %convert_element_type3A_102, %broadcast_in_dim3A_480 : vector<384x384xi1>, vector<384x384xf32>
    %reduce_min3A_482 = arith.constant dense<0x7F800000> : vector<384xf32>
    %reduce_min3A_483 = vector.multi_reduction <minimumf>, %select_n3A_481, %reduce_min3A_482 [1] : vector<384x384xf32> to vector<384xf32>
    %broadcast_in_dim3A_484 = vector.shape_cast %reduce_min3A_483 : vector<384xf32> to vector<384x1xf32>
    %eq3A_485 = vector.broadcast %broadcast_in_dim3A_484 : vector<384x1xf32> to vector<384x384xf32>
    %eq3A_486 = arith.cmpf oeq, %convert_element_type3A_102, %eq3A_485 : vector<384x384xf32>
    %convert_element_type3A_487 = arith.extui %eq3A_486 : vector<384x384xi1> to vector<384x384xi32>
    %convert_element_type3A_488 = arith.sitofp %convert_element_type3A_487 : vector<384x384xi32> to vector<384x384xf32>
    %dot_general3A_489 = arith.constant dense<0.000000e+00> : vector<384x51xf32>
    %dot_general3A_490 = tpu.matmul %convert_element_type3A_114, %dot_general3A_88, %dot_general3A_489 {dimension_numbers = #tpu.dot_dimension_numbers<[1], [0], [0], [1], [0, 0, 1, 1], [], []>, transpose_lhs_hint = false} : vector<384x384xf32>, vector<384x51xf32>, vector<384x51xf32> -> vector<384x51xf32>
    %slice3A_491 = vector.extract_strided_slice %dot_general3A_490 {offsets = [0, 0], sizes = [384, 3], strides = [1, 1]} : vector<384x51xf32> to vector<384x3xf32>
    %sub3A_492 = arith.subf %slice3A_491, %slice3A : vector<384x3xf32>
    %slice3A_493 = vector.extract_strided_slice %dot_general3A_490 {offsets = [0, 3], sizes = [384, 48], strides = [1, 1]} : vector<384x51xf32> to vector<384x48xf32>
    %dot_general3A_494 = arith.constant dense<0.000000e+00> : vector<384x51xf32>
    %dot_general3A_495 = tpu.matmul %convert_element_type3A_148, %dot_general3A_88, %dot_general3A_494 {dimension_numbers = #tpu.dot_dimension_numbers<[1], [0], [0], [1], [0, 0, 1, 1], [], []>, transpose_lhs_hint = false} : vector<384x384xf32>, vector<384x51xf32>, vector<384x51xf32> -> vector<384x51xf32>
    %slice3A_496 = vector.extract_strided_slice %dot_general3A_495 {offsets = [0, 0], sizes = [384, 3], strides = [1, 1]} : vector<384x51xf32> to vector<384x3xf32>
    %sub3A_497 = arith.subf %slice3A_496, %slice3A : vector<384x3xf32>
    %slice3A_498 = vector.extract_strided_slice %dot_general3A_495 {offsets = [0, 3], sizes = [384, 48], strides = [1, 1]} : vector<384x51xf32> to vector<384x48xf32>
    %dot_general3A_499 = arith.constant dense<0.000000e+00> : vector<384x51xf32>
    %dot_general3A_500 = tpu.matmul %convert_element_type3A_182, %dot_general3A_88, %dot_general3A_499 {dimension_numbers = #tpu.dot_dimension_numbers<[1], [0], [0], [1], [0, 0, 1, 1], [], []>, transpose_lhs_hint = false} : vector<384x384xf32>, vector<384x51xf32>, vector<384x51xf32> -> vector<384x51xf32>
    %slice3A_501 = vector.extract_strided_slice %dot_general3A_500 {offsets = [0, 0], sizes = [384, 3], strides = [1, 1]} : vector<384x51xf32> to vector<384x3xf32>
    %sub3A_502 = arith.subf %slice3A_501, %slice3A : vector<384x3xf32>
    %slice3A_503 = vector.extract_strided_slice %dot_general3A_500 {offsets = [0, 3], sizes = [384, 48], strides = [1, 1]} : vector<384x51xf32> to vector<384x48xf32>
    %dot_general3A_504 = arith.constant dense<0.000000e+00> : vector<384x51xf32>
    %dot_general3A_505 = tpu.matmul %convert_element_type3A_216, %dot_general3A_88, %dot_general3A_504 {dimension_numbers = #tpu.dot_dimension_numbers<[1], [0], [0], [1], [0, 0, 1, 1], [], []>, transpose_lhs_hint = false} : vector<384x384xf32>, vector<384x51xf32>, vector<384x51xf32> -> vector<384x51xf32>
    %slice3A_506 = vector.extract_strided_slice %dot_general3A_505 {offsets = [0, 0], sizes = [384, 3], strides = [1, 1]} : vector<384x51xf32> to vector<384x3xf32>
    %sub3A_507 = arith.subf %slice3A_506, %slice3A : vector<384x3xf32>
    %slice3A_508 = vector.extract_strided_slice %dot_general3A_505 {offsets = [0, 3], sizes = [384, 48], strides = [1, 1]} : vector<384x51xf32> to vector<384x48xf32>
    %dot_general3A_509 = arith.constant dense<0.000000e+00> : vector<384x51xf32>
    %dot_general3A_510 = tpu.matmul %convert_element_type3A_250, %dot_general3A_88, %dot_general3A_509 {dimension_numbers = #tpu.dot_dimension_numbers<[1], [0], [0], [1], [0, 0, 1, 1], [], []>, transpose_lhs_hint = false} : vector<384x384xf32>, vector<384x51xf32>, vector<384x51xf32> -> vector<384x51xf32>
    %slice3A_511 = vector.extract_strided_slice %dot_general3A_510 {offsets = [0, 0], sizes = [384, 3], strides = [1, 1]} : vector<384x51xf32> to vector<384x3xf32>
    %sub3A_512 = arith.subf %slice3A_511, %slice3A : vector<384x3xf32>
    %slice3A_513 = vector.extract_strided_slice %dot_general3A_510 {offsets = [0, 3], sizes = [384, 48], strides = [1, 1]} : vector<384x51xf32> to vector<384x48xf32>
    %dot_general3A_514 = arith.constant dense<0.000000e+00> : vector<384x51xf32>
    %dot_general3A_515 = tpu.matmul %convert_element_type3A_284, %dot_general3A_88, %dot_general3A_514 {dimension_numbers = #tpu.dot_dimension_numbers<[1], [0], [0], [1], [0, 0, 1, 1], [], []>, transpose_lhs_hint = false} : vector<384x384xf32>, vector<384x51xf32>, vector<384x51xf32> -> vector<384x51xf32>
    %slice3A_516 = vector.extract_strided_slice %dot_general3A_515 {offsets = [0, 0], sizes = [384, 3], strides = [1, 1]} : vector<384x51xf32> to vector<384x3xf32>
    %sub3A_517 = arith.subf %slice3A_516, %slice3A : vector<384x3xf32>
    %slice3A_518 = vector.extract_strided_slice %dot_general3A_515 {offsets = [0, 3], sizes = [384, 48], strides = [1, 1]} : vector<384x51xf32> to vector<384x48xf32>
    %dot_general3A_519 = arith.constant dense<0.000000e+00> : vector<384x51xf32>
    %dot_general3A_520 = tpu.matmul %convert_element_type3A_318, %dot_general3A_88, %dot_general3A_519 {dimension_numbers = #tpu.dot_dimension_numbers<[1], [0], [0], [1], [0, 0, 1, 1], [], []>, transpose_lhs_hint = false} : vector<384x384xf32>, vector<384x51xf32>, vector<384x51xf32> -> vector<384x51xf32>
    %slice3A_521 = vector.extract_strided_slice %dot_general3A_520 {offsets = [0, 0], sizes = [384, 3], strides = [1, 1]} : vector<384x51xf32> to vector<384x3xf32>
    %sub3A_522 = arith.subf %slice3A_521, %slice3A : vector<384x3xf32>
    %slice3A_523 = vector.extract_strided_slice %dot_general3A_520 {offsets = [0, 3], sizes = [384, 48], strides = [1, 1]} : vector<384x51xf32> to vector<384x48xf32>
    %dot_general3A_524 = arith.constant dense<0.000000e+00> : vector<384x51xf32>
    %dot_general3A_525 = tpu.matmul %convert_element_type3A_352, %dot_general3A_88, %dot_general3A_524 {dimension_numbers = #tpu.dot_dimension_numbers<[1], [0], [0], [1], [0, 0, 1, 1], [], []>, transpose_lhs_hint = false} : vector<384x384xf32>, vector<384x51xf32>, vector<384x51xf32> -> vector<384x51xf32>
    %slice3A_526 = vector.extract_strided_slice %dot_general3A_525 {offsets = [0, 0], sizes = [384, 3], strides = [1, 1]} : vector<384x51xf32> to vector<384x3xf32>
    %sub3A_527 = arith.subf %slice3A_526, %slice3A : vector<384x3xf32>
    %slice3A_528 = vector.extract_strided_slice %dot_general3A_525 {offsets = [0, 3], sizes = [384, 48], strides = [1, 1]} : vector<384x51xf32> to vector<384x48xf32>
    %dot_general3A_529 = arith.constant dense<0.000000e+00> : vector<384x51xf32>
    %dot_general3A_530 = tpu.matmul %convert_element_type3A_386, %dot_general3A_88, %dot_general3A_529 {dimension_numbers = #tpu.dot_dimension_numbers<[1], [0], [0], [1], [0, 0, 1, 1], [], []>, transpose_lhs_hint = false} : vector<384x384xf32>, vector<384x51xf32>, vector<384x51xf32> -> vector<384x51xf32>
    %slice3A_531 = vector.extract_strided_slice %dot_general3A_530 {offsets = [0, 0], sizes = [384, 3], strides = [1, 1]} : vector<384x51xf32> to vector<384x3xf32>
    %sub3A_532 = arith.subf %slice3A_531, %slice3A : vector<384x3xf32>
    %slice3A_533 = vector.extract_strided_slice %dot_general3A_530 {offsets = [0, 3], sizes = [384, 48], strides = [1, 1]} : vector<384x51xf32> to vector<384x48xf32>
    %dot_general3A_534 = arith.constant dense<0.000000e+00> : vector<384x51xf32>
    %dot_general3A_535 = tpu.matmul %convert_element_type3A_420, %dot_general3A_88, %dot_general3A_534 {dimension_numbers = #tpu.dot_dimension_numbers<[1], [0], [0], [1], [0, 0, 1, 1], [], []>, transpose_lhs_hint = false} : vector<384x384xf32>, vector<384x51xf32>, vector<384x51xf32> -> vector<384x51xf32>
    %slice3A_536 = vector.extract_strided_slice %dot_general3A_535 {offsets = [0, 0], sizes = [384, 3], strides = [1, 1]} : vector<384x51xf32> to vector<384x3xf32>
    %sub3A_537 = arith.subf %slice3A_536, %slice3A : vector<384x3xf32>
    %slice3A_538 = vector.extract_strided_slice %dot_general3A_535 {offsets = [0, 3], sizes = [384, 48], strides = [1, 1]} : vector<384x51xf32> to vector<384x48xf32>
    %dot_general3A_539 = arith.constant dense<0.000000e+00> : vector<384x51xf32>
    %dot_general3A_540 = tpu.matmul %convert_element_type3A_454, %dot_general3A_88, %dot_general3A_539 {dimension_numbers = #tpu.dot_dimension_numbers<[1], [0], [0], [1], [0, 0, 1, 1], [], []>, transpose_lhs_hint = false} : vector<384x384xf32>, vector<384x51xf32>, vector<384x51xf32> -> vector<384x51xf32>
    %slice3A_541 = vector.extract_strided_slice %dot_general3A_540 {offsets = [0, 0], sizes = [384, 3], strides = [1, 1]} : vector<384x51xf32> to vector<384x3xf32>
    %sub3A_542 = arith.subf %slice3A_541, %slice3A : vector<384x3xf32>
    %slice3A_543 = vector.extract_strided_slice %dot_general3A_540 {offsets = [0, 3], sizes = [384, 48], strides = [1, 1]} : vector<384x51xf32> to vector<384x48xf32>
    %dot_general3A_544 = arith.constant dense<0.000000e+00> : vector<384x51xf32>
    %dot_general3A_545 = tpu.matmul %convert_element_type3A_488, %dot_general3A_88, %dot_general3A_544 {dimension_numbers = #tpu.dot_dimension_numbers<[1], [0], [0], [1], [0, 0, 1, 1], [], []>, transpose_lhs_hint = false} : vector<384x384xf32>, vector<384x51xf32>, vector<384x51xf32> -> vector<384x51xf32>
    %slice3A_546 = vector.extract_strided_slice %dot_general3A_545 {offsets = [0, 0], sizes = [384, 3], strides = [1, 1]} : vector<384x51xf32> to vector<384x3xf32>
    %sub3A_547 = arith.subf %slice3A_546, %slice3A : vector<384x3xf32>
    %slice3A_548 = vector.extract_strided_slice %dot_general3A_545 {offsets = [0, 3], sizes = [384, 48], strides = [1, 1]} : vector<384x51xf32> to vector<384x48xf32>
    %concatenate3A_549 = tpu.concatenate %sub3A_492, %sub3A_497, %sub3A_502, %sub3A_507, %sub3A_512, %sub3A_517, %sub3A_522, %sub3A_527, %sub3A_532, %sub3A_537, %sub3A_542, %sub3A_547 in 0 : vector<384x3xf32>, vector<384x3xf32>, vector<384x3xf32>, vector<384x3xf32>, vector<384x3xf32>, vector<384x3xf32>, vector<384x3xf32>, vector<384x3xf32>, vector<384x3xf32>, vector<384x3xf32>, vector<384x3xf32>, vector<384x3xf32> -> vector<4608x3xf32>
    %dot_general3A_550 = arith.constant dense<0.000000e+00> : vector<4608x64xf32>
    %dot_general3A_551 = tpu.matmul %concatenate3A_549, %get3A_1, %dot_general3A_550 {dimension_numbers = #tpu.dot_dimension_numbers<[1], [0], [0], [1], [0, 0, 1, 1], [], []>, transpose_lhs_hint = false} : vector<4608x3xf32>, vector<3x64xf32>, vector<4608x64xf32> -> vector<4608x64xf32>
    %add3A_552 = vector.broadcast %get3A_4 : vector<1x64xf32> to vector<4608x64xf32>
    %add3A_553 = arith.addf %dot_general3A_551, %add3A_552 : vector<4608x64xf32>
    %gt3A = arith.constant 0.000000e+00 : f32
    %gt3A_554 = vector.broadcast %gt3A : f32 to vector<4608x64xf32>
    %gt3A_555 = arith.cmpf ogt, %add3A_553, %gt3A_554 : vector<4608x64xf32>
    %exp3A = math.exp %add3A_553 : vector<4608x64xf32>
    %sub3A_556 = arith.constant 1.000000e+00 : f32
    %sub3A_557 = vector.broadcast %sub3A_556 : f32 to vector<4608x64xf32>
    %sub3A_558 = arith.subf %exp3A, %sub3A_557 : vector<4608x64xf32>
    %select_n3A_559 = arith.select %gt3A_555, %add3A_553, %sub3A_558 : vector<4608x64xi1>, vector<4608x64xf32>
    %mul3A_560 = vector.broadcast %get3A_7 : vector<1x64xf32> to vector<4608x64xf32>
    %mul3A_561 = arith.mulf %select_n3A_559, %mul3A_560 : vector<4608x64xf32>
    %add3A_562 = vector.broadcast %get3A_10 : vector<1x64xf32> to vector<4608x64xf32>
    %add3A_563 = arith.addf %mul3A_561, %add3A_562 : vector<4608x64xf32>
    %dot_general3A_564 = arith.constant dense<0.000000e+00> : vector<4608x64xf32>
    %dot_general3A_565 = tpu.matmul %add3A_563, %get3A_13, %dot_general3A_564 {dimension_numbers = #tpu.dot_dimension_numbers<[1], [0], [0], [1], [0, 0, 1, 1], [], []>, transpose_lhs_hint = false} : vector<4608x64xf32>, vector<64x64xf32>, vector<4608x64xf32> -> vector<4608x64xf32>
    %add3A_566 = vector.broadcast %get3A_16 : vector<1x64xf32> to vector<4608x64xf32>
    %add3A_567 = arith.addf %dot_general3A_565, %add3A_566 : vector<4608x64xf32>
    %gt3A_568 = arith.constant 0.000000e+00 : f32
    %gt3A_569 = vector.broadcast %gt3A_568 : f32 to vector<4608x64xf32>
    %gt3A_570 = arith.cmpf ogt, %add3A_567, %gt3A_569 : vector<4608x64xf32>
    %exp3A_571 = math.exp %add3A_567 : vector<4608x64xf32>
    %sub3A_572 = arith.constant 1.000000e+00 : f32
    %sub3A_573 = vector.broadcast %sub3A_572 : f32 to vector<4608x64xf32>
    %sub3A_574 = arith.subf %exp3A_571, %sub3A_573 : vector<4608x64xf32>
    %select_n3A_575 = arith.select %gt3A_570, %add3A_567, %sub3A_574 : vector<4608x64xi1>, vector<4608x64xf32>
    %mul3A_576 = vector.broadcast %get3A_19 : vector<1x64xf32> to vector<4608x64xf32>
    %mul3A_577 = arith.mulf %select_n3A_575, %mul3A_576 : vector<4608x64xf32>
    %add3A_578 = vector.broadcast %get3A_22 : vector<1x64xf32> to vector<4608x64xf32>
    %add3A_579 = arith.addf %mul3A_577, %add3A_578 : vector<4608x64xf32>
    %concatenate3A_580 = tpu.concatenate %sub3A_492, %sub3A_497, %sub3A_502, %sub3A_507, %sub3A_512, %sub3A_517, %sub3A_522, %sub3A_527, %sub3A_532, %sub3A_537, %sub3A_542, %sub3A_547 in 1 : vector<384x3xf32>, vector<384x3xf32>, vector<384x3xf32>, vector<384x3xf32>, vector<384x3xf32>, vector<384x3xf32>, vector<384x3xf32>, vector<384x3xf32>, vector<384x3xf32>, vector<384x3xf32>, vector<384x3xf32>, vector<384x3xf32> -> vector<384x36xf32>
    %dot_general3A_581 = arith.constant dense<0.000000e+00> : vector<384x144xf32>
    %dot_general3A_582 = tpu.matmul %concatenate3A_580, %get3A_25, %dot_general3A_581 {dimension_numbers = #tpu.dot_dimension_numbers<[1], [0], [0], [1], [0, 0, 1, 1], [], []>, transpose_lhs_hint = false} : vector<384x36xf32>, vector<36x144xf32>, vector<384x144xf32> -> vector<384x144xf32>
    %add3A_583 = vector.broadcast %get3A_28 : vector<1x144xf32> to vector<384x144xf32>
    %add3A_584 = arith.addf %dot_general3A_582, %add3A_583 : vector<384x144xf32>
    %gt3A_585 = arith.constant 0.000000e+00 : f32
    %gt3A_586 = vector.broadcast %gt3A_585 : f32 to vector<384x144xf32>
    %gt3A_587 = arith.cmpf ogt, %add3A_584, %gt3A_586 : vector<384x144xf32>
    %exp3A_588 = math.exp %add3A_584 : vector<384x144xf32>
    %sub3A_589 = arith.constant 1.000000e+00 : f32
    %sub3A_590 = vector.broadcast %sub3A_589 : f32 to vector<384x144xf32>
    %sub3A_591 = arith.subf %exp3A_588, %sub3A_590 : vector<384x144xf32>
    %select_n3A_592 = arith.select %gt3A_587, %add3A_584, %sub3A_591 : vector<384x144xi1>, vector<384x144xf32>
    %mul3A_593 = vector.broadcast %get3A_31 : vector<1x144xf32> to vector<384x144xf32>
    %mul3A_594 = arith.mulf %select_n3A_592, %mul3A_593 : vector<384x144xf32>
    %add3A_595 = vector.broadcast %get3A_34 : vector<1x144xf32> to vector<384x144xf32>
    %add3A_596 = arith.addf %mul3A_594, %add3A_595 : vector<384x144xf32>
    %dot_general3A_597 = arith.constant dense<0.000000e+00> : vector<384x144xf32>
    %dot_general3A_598 = tpu.matmul %add3A_596, %get3A_37, %dot_general3A_597 {dimension_numbers = #tpu.dot_dimension_numbers<[1], [0], [0], [1], [0, 0, 1, 1], [], []>, transpose_lhs_hint = false} : vector<384x144xf32>, vector<144x144xf32>, vector<384x144xf32> -> vector<384x144xf32>
    %add3A_599 = vector.broadcast %get3A_40 : vector<1x144xf32> to vector<384x144xf32>
    %add3A_600 = arith.addf %dot_general3A_598, %add3A_599 : vector<384x144xf32>
    %gt3A_601 = arith.constant 0.000000e+00 : f32
    %gt3A_602 = vector.broadcast %gt3A_601 : f32 to vector<384x144xf32>
    %gt3A_603 = arith.cmpf ogt, %add3A_600, %gt3A_602 : vector<384x144xf32>
    %exp3A_604 = math.exp %add3A_600 : vector<384x144xf32>
    %sub3A_605 = arith.constant 1.000000e+00 : f32
    %sub3A_606 = vector.broadcast %sub3A_605 : f32 to vector<384x144xf32>
    %sub3A_607 = arith.subf %exp3A_604, %sub3A_606 : vector<384x144xf32>
    %select_n3A_608 = arith.select %gt3A_603, %add3A_600, %sub3A_607 : vector<384x144xi1>, vector<384x144xf32>
    %mul3A_609 = vector.broadcast %get3A_43 : vector<1x144xf32> to vector<384x144xf32>
    %mul3A_610 = arith.mulf %select_n3A_608, %mul3A_609 : vector<384x144xf32>
    %add3A_611 = vector.broadcast %get3A_46 : vector<1x144xf32> to vector<384x144xf32>
    %add3A_612 = arith.addf %mul3A_610, %add3A_611 : vector<384x144xf32>
    %dot_general3A_613 = arith.constant dense<0.000000e+00> : vector<384x144xf32>
    %dot_general3A_614 = tpu.matmul %add3A_612, %get3A_49, %dot_general3A_613 {dimension_numbers = #tpu.dot_dimension_numbers<[1], [0], [0], [1], [0, 0, 1, 1], [], []>, transpose_lhs_hint = false} : vector<384x144xf32>, vector<144x144xf32>, vector<384x144xf32> -> vector<384x144xf32>
    %add3A_615 = vector.broadcast %get3A_52 : vector<1x144xf32> to vector<384x144xf32>
    %add3A_616 = arith.addf %dot_general3A_614, %add3A_615 : vector<384x144xf32>
    %mul3A_617 = vector.broadcast %get3A_55 : vector<1x144xf32> to vector<384x144xf32>
    %mul3A_618 = arith.mulf %add3A_616, %mul3A_617 : vector<384x144xf32>
    %add3A_619 = vector.broadcast %get3A_58 : vector<1x144xf32> to vector<384x144xf32>
    %add3A_620 = arith.addf %mul3A_618, %add3A_619 : vector<384x144xf32>
    %slice3A_621 = vector.extract_strided_slice %add3A_579 {offsets = [0, 0], sizes = [384, 64], strides = [1, 1]} : vector<4608x64xf32> to vector<384x64xf32>
    %concatenate3A_622 = tpu.concatenate %slice3A_621, %slice3A_493 in 1 : vector<384x64xf32>, vector<384x48xf32> -> vector<384x112xf32>
    %slice3A_623 = vector.extract_strided_slice %add3A_579 {offsets = [384, 0], sizes = [384, 64], strides = [1, 1]} : vector<4608x64xf32> to vector<384x64xf32>
    %concatenate3A_624 = tpu.concatenate %slice3A_623, %slice3A_498 in 1 : vector<384x64xf32>, vector<384x48xf32> -> vector<384x112xf32>
    %slice3A_625 = vector.extract_strided_slice %add3A_579 {offsets = [768, 0], sizes = [384, 64], strides = [1, 1]} : vector<4608x64xf32> to vector<384x64xf32>
    %concatenate3A_626 = tpu.concatenate %slice3A_625, %slice3A_503 in 1 : vector<384x64xf32>, vector<384x48xf32> -> vector<384x112xf32>
    %slice3A_627 = vector.extract_strided_slice %add3A_579 {offsets = [1152, 0], sizes = [384, 64], strides = [1, 1]} : vector<4608x64xf32> to vector<384x64xf32>
    %concatenate3A_628 = tpu.concatenate %slice3A_627, %slice3A_508 in 1 : vector<384x64xf32>, vector<384x48xf32> -> vector<384x112xf32>
    %slice3A_629 = vector.extract_strided_slice %add3A_579 {offsets = [1536, 0], sizes = [384, 64], strides = [1, 1]} : vector<4608x64xf32> to vector<384x64xf32>
    %concatenate3A_630 = tpu.concatenate %slice3A_629, %slice3A_513 in 1 : vector<384x64xf32>, vector<384x48xf32> -> vector<384x112xf32>
    %slice3A_631 = vector.extract_strided_slice %add3A_579 {offsets = [1920, 0], sizes = [384, 64], strides = [1, 1]} : vector<4608x64xf32> to vector<384x64xf32>
    %concatenate3A_632 = tpu.concatenate %slice3A_631, %slice3A_518 in 1 : vector<384x64xf32>, vector<384x48xf32> -> vector<384x112xf32>
    %slice3A_633 = vector.extract_strided_slice %add3A_579 {offsets = [2304, 0], sizes = [384, 64], strides = [1, 1]} : vector<4608x64xf32> to vector<384x64xf32>
    %concatenate3A_634 = tpu.concatenate %slice3A_633, %slice3A_523 in 1 : vector<384x64xf32>, vector<384x48xf32> -> vector<384x112xf32>
    %slice3A_635 = vector.extract_strided_slice %add3A_579 {offsets = [2688, 0], sizes = [384, 64], strides = [1, 1]} : vector<4608x64xf32> to vector<384x64xf32>
    %concatenate3A_636 = tpu.concatenate %slice3A_635, %slice3A_528 in 1 : vector<384x64xf32>, vector<384x48xf32> -> vector<384x112xf32>
    %slice3A_637 = vector.extract_strided_slice %add3A_579 {offsets = [3072, 0], sizes = [384, 64], strides = [1, 1]} : vector<4608x64xf32> to vector<384x64xf32>
    %concatenate3A_638 = tpu.concatenate %slice3A_637, %slice3A_533 in 1 : vector<384x64xf32>, vector<384x48xf32> -> vector<384x112xf32>
    %slice3A_639 = vector.extract_strided_slice %add3A_579 {offsets = [3456, 0], sizes = [384, 64], strides = [1, 1]} : vector<4608x64xf32> to vector<384x64xf32>
    %concatenate3A_640 = tpu.concatenate %slice3A_639, %slice3A_538 in 1 : vector<384x64xf32>, vector<384x48xf32> -> vector<384x112xf32>
    %slice3A_641 = vector.extract_strided_slice %add3A_579 {offsets = [3840, 0], sizes = [384, 64], strides = [1, 1]} : vector<4608x64xf32> to vector<384x64xf32>
    %concatenate3A_642 = tpu.concatenate %slice3A_641, %slice3A_543 in 1 : vector<384x64xf32>, vector<384x48xf32> -> vector<384x112xf32>
    %slice3A_643 = vector.extract_strided_slice %add3A_579 {offsets = [4224, 0], sizes = [384, 64], strides = [1, 1]} : vector<4608x64xf32> to vector<384x64xf32>
    %concatenate3A_644 = tpu.concatenate %slice3A_643, %slice3A_548 in 1 : vector<384x64xf32>, vector<384x48xf32> -> vector<384x112xf32>
    %slice3A_645 = vector.extract_strided_slice %add3A_620 {offsets = [0, 0], sizes = [384, 12], strides = [1, 1]} : vector<384x144xf32> to vector<384x12xf32>
    %dot_general3A_646 = arith.constant dense<0.000000e+00> : vector<384x112xf32>
    %dot_general3A_647 = tpu.matmul %slice3A_645, %get3A_61, %dot_general3A_646 {dimension_numbers = #tpu.dot_dimension_numbers<[1], [0], [0], [1], [0, 0, 1, 1], [], []>, transpose_lhs_hint = false} : vector<384x12xf32>, vector<12x112xf32>, vector<384x112xf32> -> vector<384x112xf32>
    %mul3A_648 = arith.mulf %concatenate3A_622, %dot_general3A_647 : vector<384x112xf32>
    %slice3A_649 = vector.extract_strided_slice %add3A_620 {offsets = [0, 12], sizes = [384, 12], strides = [1, 1]} : vector<384x144xf32> to vector<384x12xf32>
    %dot_general3A_650 = arith.constant dense<0.000000e+00> : vector<384x112xf32>
    %dot_general3A_651 = tpu.matmul %slice3A_649, %get3A_61, %dot_general3A_650 {dimension_numbers = #tpu.dot_dimension_numbers<[1], [0], [0], [1], [0, 0, 1, 1], [], []>, transpose_lhs_hint = false} : vector<384x12xf32>, vector<12x112xf32>, vector<384x112xf32> -> vector<384x112xf32>
    %mul3A_652 = arith.mulf %concatenate3A_624, %dot_general3A_651 : vector<384x112xf32>
    %add3A_653 = arith.addf %mul3A_648, %mul3A_652 : vector<384x112xf32>
    %slice3A_654 = vector.extract_strided_slice %add3A_620 {offsets = [0, 24], sizes = [384, 12], strides = [1, 1]} : vector<384x144xf32> to vector<384x12xf32>
    %dot_general3A_655 = arith.constant dense<0.000000e+00> : vector<384x112xf32>
    %dot_general3A_656 = tpu.matmul %slice3A_654, %get3A_61, %dot_general3A_655 {dimension_numbers = #tpu.dot_dimension_numbers<[1], [0], [0], [1], [0, 0, 1, 1], [], []>, transpose_lhs_hint = false} : vector<384x12xf32>, vector<12x112xf32>, vector<384x112xf32> -> vector<384x112xf32>
    %mul3A_657 = arith.mulf %concatenate3A_626, %dot_general3A_656 : vector<384x112xf32>
    %add3A_658 = arith.addf %add3A_653, %mul3A_657 : vector<384x112xf32>
    %slice3A_659 = vector.extract_strided_slice %add3A_620 {offsets = [0, 36], sizes = [384, 12], strides = [1, 1]} : vector<384x144xf32> to vector<384x12xf32>
    %dot_general3A_660 = arith.constant dense<0.000000e+00> : vector<384x112xf32>
    %dot_general3A_661 = tpu.matmul %slice3A_659, %get3A_61, %dot_general3A_660 {dimension_numbers = #tpu.dot_dimension_numbers<[1], [0], [0], [1], [0, 0, 1, 1], [], []>, transpose_lhs_hint = false} : vector<384x12xf32>, vector<12x112xf32>, vector<384x112xf32> -> vector<384x112xf32>
    %mul3A_662 = arith.mulf %concatenate3A_628, %dot_general3A_661 : vector<384x112xf32>
    %add3A_663 = arith.addf %add3A_658, %mul3A_662 : vector<384x112xf32>
    %slice3A_664 = vector.extract_strided_slice %add3A_620 {offsets = [0, 48], sizes = [384, 12], strides = [1, 1]} : vector<384x144xf32> to vector<384x12xf32>
    %dot_general3A_665 = arith.constant dense<0.000000e+00> : vector<384x112xf32>
    %dot_general3A_666 = tpu.matmul %slice3A_664, %get3A_61, %dot_general3A_665 {dimension_numbers = #tpu.dot_dimension_numbers<[1], [0], [0], [1], [0, 0, 1, 1], [], []>, transpose_lhs_hint = false} : vector<384x12xf32>, vector<12x112xf32>, vector<384x112xf32> -> vector<384x112xf32>
    %mul3A_667 = arith.mulf %concatenate3A_630, %dot_general3A_666 : vector<384x112xf32>
    %add3A_668 = arith.addf %add3A_663, %mul3A_667 : vector<384x112xf32>
    %slice3A_669 = vector.extract_strided_slice %add3A_620 {offsets = [0, 60], sizes = [384, 12], strides = [1, 1]} : vector<384x144xf32> to vector<384x12xf32>
    %dot_general3A_670 = arith.constant dense<0.000000e+00> : vector<384x112xf32>
    %dot_general3A_671 = tpu.matmul %slice3A_669, %get3A_61, %dot_general3A_670 {dimension_numbers = #tpu.dot_dimension_numbers<[1], [0], [0], [1], [0, 0, 1, 1], [], []>, transpose_lhs_hint = false} : vector<384x12xf32>, vector<12x112xf32>, vector<384x112xf32> -> vector<384x112xf32>
    %mul3A_672 = arith.mulf %concatenate3A_632, %dot_general3A_671 : vector<384x112xf32>
    %add3A_673 = arith.addf %add3A_668, %mul3A_672 : vector<384x112xf32>
    %slice3A_674 = vector.extract_strided_slice %add3A_620 {offsets = [0, 72], sizes = [384, 12], strides = [1, 1]} : vector<384x144xf32> to vector<384x12xf32>
    %dot_general3A_675 = arith.constant dense<0.000000e+00> : vector<384x112xf32>
    %dot_general3A_676 = tpu.matmul %slice3A_674, %get3A_61, %dot_general3A_675 {dimension_numbers = #tpu.dot_dimension_numbers<[1], [0], [0], [1], [0, 0, 1, 1], [], []>, transpose_lhs_hint = false} : vector<384x12xf32>, vector<12x112xf32>, vector<384x112xf32> -> vector<384x112xf32>
    %mul3A_677 = arith.mulf %concatenate3A_634, %dot_general3A_676 : vector<384x112xf32>
    %add3A_678 = arith.addf %add3A_673, %mul3A_677 : vector<384x112xf32>
    %slice3A_679 = vector.extract_strided_slice %add3A_620 {offsets = [0, 84], sizes = [384, 12], strides = [1, 1]} : vector<384x144xf32> to vector<384x12xf32>
    %dot_general3A_680 = arith.constant dense<0.000000e+00> : vector<384x112xf32>
    %dot_general3A_681 = tpu.matmul %slice3A_679, %get3A_61, %dot_general3A_680 {dimension_numbers = #tpu.dot_dimension_numbers<[1], [0], [0], [1], [0, 0, 1, 1], [], []>, transpose_lhs_hint = false} : vector<384x12xf32>, vector<12x112xf32>, vector<384x112xf32> -> vector<384x112xf32>
    %mul3A_682 = arith.mulf %concatenate3A_636, %dot_general3A_681 : vector<384x112xf32>
    %add3A_683 = arith.addf %add3A_678, %mul3A_682 : vector<384x112xf32>
    %slice3A_684 = vector.extract_strided_slice %add3A_620 {offsets = [0, 96], sizes = [384, 12], strides = [1, 1]} : vector<384x144xf32> to vector<384x12xf32>
    %dot_general3A_685 = arith.constant dense<0.000000e+00> : vector<384x112xf32>
    %dot_general3A_686 = tpu.matmul %slice3A_684, %get3A_61, %dot_general3A_685 {dimension_numbers = #tpu.dot_dimension_numbers<[1], [0], [0], [1], [0, 0, 1, 1], [], []>, transpose_lhs_hint = false} : vector<384x12xf32>, vector<12x112xf32>, vector<384x112xf32> -> vector<384x112xf32>
    %mul3A_687 = arith.mulf %concatenate3A_638, %dot_general3A_686 : vector<384x112xf32>
    %add3A_688 = arith.addf %add3A_683, %mul3A_687 : vector<384x112xf32>
    %slice3A_689 = vector.extract_strided_slice %add3A_620 {offsets = [0, 108], sizes = [384, 12], strides = [1, 1]} : vector<384x144xf32> to vector<384x12xf32>
    %dot_general3A_690 = arith.constant dense<0.000000e+00> : vector<384x112xf32>
    %dot_general3A_691 = tpu.matmul %slice3A_689, %get3A_61, %dot_general3A_690 {dimension_numbers = #tpu.dot_dimension_numbers<[1], [0], [0], [1], [0, 0, 1, 1], [], []>, transpose_lhs_hint = false} : vector<384x12xf32>, vector<12x112xf32>, vector<384x112xf32> -> vector<384x112xf32>
    %mul3A_692 = arith.mulf %concatenate3A_640, %dot_general3A_691 : vector<384x112xf32>
    %add3A_693 = arith.addf %add3A_688, %mul3A_692 : vector<384x112xf32>
    %slice3A_694 = vector.extract_strided_slice %add3A_620 {offsets = [0, 120], sizes = [384, 12], strides = [1, 1]} : vector<384x144xf32> to vector<384x12xf32>
    %dot_general3A_695 = arith.constant dense<0.000000e+00> : vector<384x112xf32>
    %dot_general3A_696 = tpu.matmul %slice3A_694, %get3A_61, %dot_general3A_695 {dimension_numbers = #tpu.dot_dimension_numbers<[1], [0], [0], [1], [0, 0, 1, 1], [], []>, transpose_lhs_hint = false} : vector<384x12xf32>, vector<12x112xf32>, vector<384x112xf32> -> vector<384x112xf32>
    %mul3A_697 = arith.mulf %concatenate3A_642, %dot_general3A_696 : vector<384x112xf32>
    %add3A_698 = arith.addf %add3A_693, %mul3A_697 : vector<384x112xf32>
    %slice3A_699 = vector.extract_strided_slice %add3A_620 {offsets = [0, 132], sizes = [384, 12], strides = [1, 1]} : vector<384x144xf32> to vector<384x12xf32>
    %dot_general3A_700 = arith.constant dense<0.000000e+00> : vector<384x112xf32>
    %dot_general3A_701 = tpu.matmul %slice3A_699, %get3A_61, %dot_general3A_700 {dimension_numbers = #tpu.dot_dimension_numbers<[1], [0], [0], [1], [0, 0, 1, 1], [], []>, transpose_lhs_hint = false} : vector<384x12xf32>, vector<12x112xf32>, vector<384x112xf32> -> vector<384x112xf32>
    %mul3A_702 = arith.mulf %concatenate3A_644, %dot_general3A_701 : vector<384x112xf32>
    %add3A_703 = arith.addf %add3A_698, %mul3A_702 : vector<384x112xf32>
    %add3A_704 = vector.broadcast %get3A_64 : vector<1x112xf32> to vector<384x112xf32>
    %add3A_705 = arith.addf %add3A_703, %add3A_704 : vector<384x112xf32>
    %dot_general3A_706 = arith.constant dense<0.000000e+00> : vector<384x96xf32>
    %dot_general3A_707 = tpu.matmul %add3A_705, %get3A_67, %dot_general3A_706 {dimension_numbers = #tpu.dot_dimension_numbers<[1], [0], [0], [1], [0, 0, 1, 1], [], []>, transpose_lhs_hint = false} : vector<384x112xf32>, vector<112x96xf32>, vector<384x96xf32> -> vector<384x96xf32>
    %add3A_708 = vector.broadcast %get3A_70 : vector<1x96xf32> to vector<384x96xf32>
    %add3A_709 = arith.addf %dot_general3A_707, %add3A_708 : vector<384x96xf32>
    %max3A = arith.constant 0.000000e+00 : f32
    %max3A_710 = vector.broadcast %max3A : f32 to vector<384x96xf32>
    %max3A_711 = arith.maximumf %add3A_709, %max3A_710 : vector<384x96xf32>
    %swap3A = arith.constant 0 : index
    %swap3A_712 = arith.constant 0 : index
    %swap3A_713 = arith.constant 0 : index
    %swap3A_714 = vector.load %arg28[%swap3A, %swap3A_712, %swap3A_713] : memref<1x384x96xf32, #tpu.memory_space<vmem>>, vector<1x384x96xf32>
    %swap3A_715 = vector.shape_cast %swap3A_714 : vector<1x384x96xf32> to vector<384x96xf32>
    %swap3A_716 = vector.shape_cast %max3A_711 : vector<384x96xf32> to vector<1x384x96xf32>
    tpu.vector_store %arg28[%swap3A, %swap3A_712, %swap3A_713], %swap3A_716 {strides = array<i32>} : memref<1x384x96xf32, #tpu.memory_space<vmem>>, vector<1x384x96xf32>,
    return
  }
  func.func @transform_0(%arg0: i32) -> (i32, i32, i32) {
    %c0_i32 = arith.constant 0 : i32
    %c0_i32_0 = arith.constant 0 : i32
    %c0_i32_1 = arith.constant 0 : i32
    return %arg0, %c0_i32, %c0_i32_0 : i32, i32, i32
  }
  func.func @transform_1(%arg0: i32) -> (i32, i32, i32) {
    %c0_i32 = arith.constant 0 : i32
    %c0_i32_0 = arith.constant 0 : i32
    %c0_i32_1 = arith.constant 0 : i32
    return %arg0, %c0_i32, %c0_i32_0 : i32, i32, i32
  }
  func.func @transform_2(%arg0: i32) -> (i32, i32, i32) {
    %c0_i32 = arith.constant 0 : i32
    %c0_i32_0 = arith.constant 0 : i32
    %c0_i32_1 = arith.constant 0 : i32
    return %arg0, %c0_i32, %c0_i32_0 : i32, i32, i32
  }
  func.func @transform_3(%arg0: i32) -> (i32, i32) {
    %c0_i32 = arith.constant 0 : i32
    %c0_i32_0 = arith.constant 0 : i32
    %c0_i32_1 = arith.constant 0 : i32
    return %c0_i32, %c0_i32_0 : i32, i32
  }
  func.func @transform_4(%arg0: i32) -> (i32, i32) {
    %c0_i32 = arith.constant 0 : i32
    %c0_i32_0 = arith.constant 0 : i32
    %c0_i32_1 = arith.constant 0 : i32
    return %c0_i32, %c0_i32_0 : i32, i32
  }
  func.func @transform_5(%arg0: i32) -> (i32, i32) {
    %c0_i32 = arith.constant 0 : i32
    %c0_i32_0 = arith.constant 0 : i32
    %c0_i32_1 = arith.constant 0 : i32
    return %c0_i32, %c0_i32_0 : i32, i32
  }
  func.func @transform_6(%arg0: i32) -> (i32, i32) {
    %c0_i32 = arith.constant 0 : i32
    %c0_i32_0 = arith.constant 0 : i32
    %c0_i32_1 = arith.constant 0 : i32
    return %c0_i32, %c0_i32_0 : i32, i32
  }
  func.func @transform_7(%arg0: i32) -> (i32, i32) {
    %c0_i32 = arith.constant 0 : i32
    %c0_i32_0 = arith.constant 0 : i32
    %c0_i32_1 = arith.constant 0 : i32
    return %c0_i32, %c0_i32_0 : i32, i32
  }
  func.func @transform_8(%arg0: i32) -> (i32, i32) {
    %c0_i32 = arith.constant 0 : i32
    %c0_i32_0 = arith.constant 0 : i32
    %c0_i32_1 = arith.constant 0 : i32
    return %c0_i32, %c0_i32_0 : i32, i32
  }
  func.func @transform_9(%arg0: i32) -> (i32, i32) {
    %c0_i32 = arith.constant 0 : i32
    %c0_i32_0 = arith.constant 0 : i32
    %c0_i32_1 = arith.constant 0 : i32
    return %c0_i32, %c0_i32_0 : i32, i32
  }
  func.func @transform_10(%arg0: i32) -> (i32, i32) {
    %c0_i32 = arith.constant 0 : i32
    %c0_i32_0 = arith.constant 0 : i32
    %c0_i32_1 = arith.constant 0 : i32
    return %c0_i32, %c0_i32_0 : i32, i32
  }
  func.func @transform_11(%arg0: i32) -> (i32, i32) {
    %c0_i32 = arith.constant 0 : i32
    %c0_i32_0 = arith.constant 0 : i32
    %c0_i32_1 = arith.constant 0 : i32
    return %c0_i32, %c0_i32_0 : i32, i32
  }
  func.func @transform_12(%arg0: i32) -> (i32, i32) {
    %c0_i32 = arith.constant 0 : i32
    %c0_i32_0 = arith.constant 0 : i32
    %c0_i32_1 = arith.constant 0 : i32
    return %c0_i32, %c0_i32_0 : i32, i32
  }
  func.func @transform_13(%arg0: i32) -> (i32, i32) {
    %c0_i32 = arith.constant 0 : i32
    %c0_i32_0 = arith.constant 0 : i32
    %c0_i32_1 = arith.constant 0 : i32
    return %c0_i32, %c0_i32_0 : i32, i32
  }
  func.func @transform_14(%arg0: i32) -> (i32, i32) {
    %c0_i32 = arith.constant 0 : i32
    %c0_i32_0 = arith.constant 0 : i32
    %c0_i32_1 = arith.constant 0 : i32
    return %c0_i32, %c0_i32_0 : i32, i32
  }
  func.func @transform_15(%arg0: i32) -> (i32, i32) {
    %c0_i32 = arith.constant 0 : i32
    %c0_i32_0 = arith.constant 0 : i32
    %c0_i32_1 = arith.constant 0 : i32
    return %c0_i32, %c0_i32_0 : i32, i32
  }
  func.func @transform_16(%arg0: i32) -> (i32, i32) {
    %c0_i32 = arith.constant 0 : i32
    %c0_i32_0 = arith.constant 0 : i32
    %c0_i32_1 = arith.constant 0 : i32
    return %c0_i32, %c0_i32_0 : i32, i32
  }
  func.func @transform_17(%arg0: i32) -> (i32, i32) {
    %c0_i32 = arith.constant 0 : i32
    %c0_i32_0 = arith.constant 0 : i32
    %c0_i32_1 = arith.constant 0 : i32
    return %c0_i32, %c0_i32_0 : i32, i32
  }
  func.func @transform_18(%arg0: i32) -> (i32, i32) {
    %c0_i32 = arith.constant 0 : i32
    %c0_i32_0 = arith.constant 0 : i32
    %c0_i32_1 = arith.constant 0 : i32
    return %c0_i32, %c0_i32_0 : i32, i32
  }
  func.func @transform_19(%arg0: i32) -> (i32, i32) {
    %c0_i32 = arith.constant 0 : i32
    %c0_i32_0 = arith.constant 0 : i32
    %c0_i32_1 = arith.constant 0 : i32
    return %c0_i32, %c0_i32_0 : i32, i32
  }
  func.func @transform_20(%arg0: i32) -> (i32, i32) {
    %c0_i32 = arith.constant 0 : i32
    %c0_i32_0 = arith.constant 0 : i32
    %c0_i32_1 = arith.constant 0 : i32
    return %c0_i32, %c0_i32_0 : i32, i32
  }
  func.func @transform_21(%arg0: i32) -> (i32, i32) {
    %c0_i32 = arith.constant 0 : i32
    %c0_i32_0 = arith.constant 0 : i32
    %c0_i32_1 = arith.constant 0 : i32
    return %c0_i32, %c0_i32_0 : i32, i32
  }
  func.func @transform_22(%arg0: i32) -> (i32, i32) {
    %c0_i32 = arith.constant 0 : i32
    %c0_i32_0 = arith.constant 0 : i32
    %c0_i32_1 = arith.constant 0 : i32
    return %c0_i32, %c0_i32_0 : i32, i32
  }
  func.func @transform_23(%arg0: i32) -> (i32, i32) {
    %c0_i32 = arith.constant 0 : i32
    %c0_i32_0 = arith.constant 0 : i32
    %c0_i32_1 = arith.constant 0 : i32
    return %c0_i32, %c0_i32_0 : i32, i32
  }
  func.func @transform_24(%arg0: i32) -> (i32, i32) {
    %c0_i32 = arith.constant 0 : i32
    %c0_i32_0 = arith.constant 0 : i32
    %c0_i32_1 = arith.constant 0 : i32
    return %c0_i32, %c0_i32_0 : i32, i32
  }
  func.func @transform_25(%arg0: i32) -> (i32, i32) {
    %c0_i32 = arith.constant 0 : i32
    %c0_i32_0 = arith.constant 0 : i32
    %c0_i32_1 = arith.constant 0 : i32
    return %c0_i32, %c0_i32_0 : i32, i32
  }
  func.func @transform_26(%arg0: i32) -> (i32, i32) {
    %c0_i32 = arith.constant 0 : i32
    %c0_i32_0 = arith.constant 0 : i32
    %c0_i32_1 = arith.constant 0 : i32
    return %c0_i32, %c0_i32_0 : i32, i32
  }
  func.func @transform_27(%arg0: i32) -> (i32, i32, i32) {
    %c0_i32 = arith.constant 0 : i32
    %c0_i32_0 = arith.constant 0 : i32
    %c0_i32_1 = arith.constant 0 : i32
    return %arg0, %c0_i32, %c0_i32_0 : i32, i32, i32
  }
}

module attributes {stable_mosaic.version = 14 : i64} {
  func.func @_xconv34_body(%arg0: i32, %arg1: memref<1x1x129xi32, #tpu.memory_space<vmem>>, %arg2: memref<1x384x3xf32, #tpu.memory_space<vmem>>, %arg3: memref<1x384x96xf32, #tpu.memory_space<vmem>>, %arg4: memref<3x128xf32, #tpu.memory_space<vmem>>, %arg5: memref<1x128xf32, #tpu.memory_space<vmem>>, %arg6: memref<1x128xf32, #tpu.memory_space<vmem>>, %arg7: memref<1x128xf32, #tpu.memory_space<vmem>>, %arg8: memref<128x128xf32, #tpu.memory_space<vmem>>, %arg9: memref<1x128xf32, #tpu.memory_space<vmem>>, %arg10: memref<1x128xf32, #tpu.memory_space<vmem>>, %arg11: memref<1x128xf32, #tpu.memory_space<vmem>>, %arg12: memref<48x256xf32, #tpu.memory_space<vmem>>, %arg13: memref<1x256xf32, #tpu.memory_space<vmem>>, %arg14: memref<1x256xf32, #tpu.memory_space<vmem>>, %arg15: memref<1x256xf32, #tpu.memory_space<vmem>>, %arg16: memref<256x256xf32, #tpu.memory_space<vmem>>, %arg17: memref<1x256xf32, #tpu.memory_space<vmem>>, %arg18: memref<1x256xf32, #tpu.memory_space<vmem>>, %arg19: memref<1x256xf32, #tpu.memory_space<vmem>>, %arg20: memref<256x256xf32, #tpu.memory_space<vmem>>, %arg21: memref<1x256xf32, #tpu.memory_space<vmem>>, %arg22: memref<1x256xf32, #tpu.memory_space<vmem>>, %arg23: memref<1x256xf32, #tpu.memory_space<vmem>>, %arg24: memref<16x224xf32, #tpu.memory_space<vmem>>, %arg25: memref<1x224xf32, #tpu.memory_space<vmem>>, %arg26: memref<224x192xf32, #tpu.memory_space<vmem>>, %arg27: memref<1x192xf32, #tpu.memory_space<vmem>>, %arg28: memref<3x256xf32, #tpu.memory_space<vmem>>, %arg29: memref<1x256xf32, #tpu.memory_space<vmem>>, %arg30: memref<1x256xf32, #tpu.memory_space<vmem>>, %arg31: memref<1x256xf32, #tpu.memory_space<vmem>>, %arg32: memref<256x256xf32, #tpu.memory_space<vmem>>, %arg33: memref<1x256xf32, #tpu.memory_space<vmem>>, %arg34: memref<1x256xf32, #tpu.memory_space<vmem>>, %arg35: memref<1x256xf32, #tpu.memory_space<vmem>>, %arg36: memref<48x256xf32, #tpu.memory_space<vmem>>, %arg37: memref<1x256xf32, #tpu.memory_space<vmem>>, %arg38: memref<1x256xf32, #tpu.memory_space<vmem>>, %arg39: memref<1x256xf32, #tpu.memory_space<vmem>>, %arg40: memref<256x256xf32, #tpu.memory_space<vmem>>, %arg41: memref<1x256xf32, #tpu.memory_space<vmem>>, %arg42: memref<1x256xf32, #tpu.memory_space<vmem>>, %arg43: memref<1x256xf32, #tpu.memory_space<vmem>>, %arg44: memref<256x256xf32, #tpu.memory_space<vmem>>, %arg45: memref<1x256xf32, #tpu.memory_space<vmem>>, %arg46: memref<1x256xf32, #tpu.memory_space<vmem>>, %arg47: memref<1x256xf32, #tpu.memory_space<vmem>>, %arg48: memref<16x448xf32, #tpu.memory_space<vmem>>, %arg49: memref<1x448xf32, #tpu.memory_space<vmem>>, %arg50: memref<448x384xf32, #tpu.memory_space<vmem>>, %arg51: memref<1x384xf32, #tpu.memory_space<vmem>>, %arg52: memref<1x1x384xf32, #tpu.memory_space<vmem>>) attributes {dimension_semantics = [#tpu.dimension_semantics<arbitrary>], iteration_bounds = array<i64: 32>, scalar_prefetch = 0 : i64, scratch_operands = 0 : i64, tpu.core_type = #tpu.core_type<tc>, window_params = [{transform_indices = @transform_0, window_bounds = array<i64: 1, 1, 129>}, {transform_indices = @transform_1, window_bounds = array<i64: 1, 384, 3>}, {transform_indices = @transform_2, window_bounds = array<i64: 1, 384, 96>}, {pipeline_mode = #tpu.pipeline_mode<synchronous>, transform_indices = @transform_3, window_bounds = array<i64: 3, 128>}, {pipeline_mode = #tpu.pipeline_mode<synchronous>, transform_indices = @transform_4, window_bounds = array<i64: 1, 128>}, {pipeline_mode = #tpu.pipeline_mode<synchronous>, transform_indices = @transform_5, window_bounds = array<i64: 1, 128>}, {pipeline_mode = #tpu.pipeline_mode<synchronous>, transform_indices = @transform_6, window_bounds = array<i64: 1, 128>}, {pipeline_mode = #tpu.pipeline_mode<synchronous>, transform_indices = @transform_7, window_bounds = array<i64: 128, 128>}, {pipeline_mode = #tpu.pipeline_mode<synchronous>, transform_indices = @transform_8, window_bounds = array<i64: 1, 128>}, {pipeline_mode = #tpu.pipeline_mode<synchronous>, transform_indices = @transform_9, window_bounds = array<i64: 1, 128>}, {pipeline_mode = #tpu.pipeline_mode<synchronous>, transform_indices = @transform_10, window_bounds = array<i64: 1, 128>}, {pipeline_mode = #tpu.pipeline_mode<synchronous>, transform_indices = @transform_11, window_bounds = array<i64: 48, 256>}, {pipeline_mode = #tpu.pipeline_mode<synchronous>, transform_indices = @transform_12, window_bounds = array<i64: 1, 256>}, {pipeline_mode = #tpu.pipeline_mode<synchronous>, transform_indices = @transform_13, window_bounds = array<i64: 1, 256>}, {pipeline_mode = #tpu.pipeline_mode<synchronous>, transform_indices = @transform_14, window_bounds = array<i64: 1, 256>}, {pipeline_mode = #tpu.pipeline_mode<synchronous>, transform_indices = @transform_15, window_bounds = array<i64: 256, 256>}, {pipeline_mode = #tpu.pipeline_mode<synchronous>, transform_indices = @transform_16, window_bounds = array<i64: 1, 256>}, {pipeline_mode = #tpu.pipeline_mode<synchronous>, transform_indices = @transform_17, window_bounds = array<i64: 1, 256>}, {pipeline_mode = #tpu.pipeline_mode<synchronous>, transform_indices = @transform_18, window_bounds = array<i64: 1, 256>}, {pipeline_mode = #tpu.pipeline_mode<synchronous>, transform_indices = @transform_19, window_bounds = array<i64: 256, 256>}, {pipeline_mode = #tpu.pipeline_mode<synchronous>, transform_indices = @transform_20, window_bounds = array<i64: 1, 256>}, {pipeline_mode = #tpu.pipeline_mode<synchronous>, transform_indices = @transform_21, window_bounds = array<i64: 1, 256>}, {pipeline_mode = #tpu.pipeline_mode<synchronous>, transform_indices = @transform_22, window_bounds = array<i64: 1, 256>}, {pipeline_mode = #tpu.pipeline_mode<synchronous>, transform_indices = @transform_23, window_bounds = array<i64: 16, 224>}, {pipeline_mode = #tpu.pipeline_mode<synchronous>, transform_indices = @transform_24, window_bounds = array<i64: 1, 224>}, {pipeline_mode = #tpu.pipeline_mode<synchronous>, transform_indices = @transform_25, window_bounds = array<i64: 224, 192>}, {pipeline_mode = #tpu.pipeline_mode<synchronous>, transform_indices = @transform_26, window_bounds = array<i64: 1, 192>}, {pipeline_mode = #tpu.pipeline_mode<synchronous>, transform_indices = @transform_27, window_bounds = array<i64: 3, 256>}, {pipeline_mode = #tpu.pipeline_mode<synchronous>, transform_indices = @transform_28, window_bounds = array<i64: 1, 256>}, {pipeline_mode = #tpu.pipeline_mode<synchronous>, transform_indices = @transform_29, window_bounds = array<i64: 1, 256>}, {pipeline_mode = #tpu.pipeline_mode<synchronous>, transform_indices = @transform_30, window_bounds = array<i64: 1, 256>}, {pipeline_mode = #tpu.pipeline_mode<synchronous>, transform_indices = @transform_31, window_bounds = array<i64: 256, 256>}, {pipeline_mode = #tpu.pipeline_mode<synchronous>, transform_indices = @transform_32, window_bounds = array<i64: 1, 256>}, {pipeline_mode = #tpu.pipeline_mode<synchronous>, transform_indices = @transform_33, window_bounds = array<i64: 1, 256>}, {pipeline_mode = #tpu.pipeline_mode<synchronous>, transform_indices = @transform_34, window_bounds = array<i64: 1, 256>}, {pipeline_mode = #tpu.pipeline_mode<synchronous>, transform_indices = @transform_35, window_bounds = array<i64: 48, 256>}, {pipeline_mode = #tpu.pipeline_mode<synchronous>, transform_indices = @transform_36, window_bounds = array<i64: 1, 256>}, {pipeline_mode = #tpu.pipeline_mode<synchronous>, transform_indices = @transform_37, window_bounds = array<i64: 1, 256>}, {pipeline_mode = #tpu.pipeline_mode<synchronous>, transform_indices = @transform_38, window_bounds = array<i64: 1, 256>}, {pipeline_mode = #tpu.pipeline_mode<synchronous>, transform_indices = @transform_39, window_bounds = array<i64: 256, 256>}, {pipeline_mode = #tpu.pipeline_mode<synchronous>, transform_indices = @transform_40, window_bounds = array<i64: 1, 256>}, {pipeline_mode = #tpu.pipeline_mode<synchronous>, transform_indices = @transform_41, window_bounds = array<i64: 1, 256>}, {pipeline_mode = #tpu.pipeline_mode<synchronous>, transform_indices = @transform_42, window_bounds = array<i64: 1, 256>}, {pipeline_mode = #tpu.pipeline_mode<synchronous>, transform_indices = @transform_43, window_bounds = array<i64: 256, 256>}, {pipeline_mode = #tpu.pipeline_mode<synchronous>, transform_indices = @transform_44, window_bounds = array<i64: 1, 256>}, {pipeline_mode = #tpu.pipeline_mode<synchronous>, transform_indices = @transform_45, window_bounds = array<i64: 1, 256>}, {pipeline_mode = #tpu.pipeline_mode<synchronous>, transform_indices = @transform_46, window_bounds = array<i64: 1, 256>}, {pipeline_mode = #tpu.pipeline_mode<synchronous>, transform_indices = @transform_47, window_bounds = array<i64: 16, 448>}, {pipeline_mode = #tpu.pipeline_mode<synchronous>, transform_indices = @transform_48, window_bounds = array<i64: 1, 448>}, {pipeline_mode = #tpu.pipeline_mode<synchronous>, transform_indices = @transform_49, window_bounds = array<i64: 448, 384>}, {pipeline_mode = #tpu.pipeline_mode<synchronous>, transform_indices = @transform_50, window_bounds = array<i64: 1, 384>}, {transform_indices = @transform_51, window_bounds = array<i64: 1, 1, 384>}]} {
    %get3A = arith.constant 0 : index
    %get3A_0 = arith.constant 0 : index
    %get3A_1 = vector.load %arg4[%get3A, %get3A_0] : memref<3x128xf32, #tpu.memory_space<vmem>>, vector<3x128xf32>
    %get3A_2 = arith.constant 0 : index
    %get3A_3 = arith.constant 0 : index
    %get3A_4 = vector.load %arg5[%get3A_2, %get3A_3] : memref<1x128xf32, #tpu.memory_space<vmem>>, vector<1x128xf32>
    %get3A_5 = arith.constant 0 : index
    %get3A_6 = arith.constant 0 : index
    %get3A_7 = vector.load %arg6[%get3A_5, %get3A_6] : memref<1x128xf32, #tpu.memory_space<vmem>>, vector<1x128xf32>
    %get3A_8 = arith.constant 0 : index
    %get3A_9 = arith.constant 0 : index
    %get3A_10 = vector.load %arg7[%get3A_8, %get3A_9] : memref<1x128xf32, #tpu.memory_space<vmem>>, vector<1x128xf32>
    %get3A_11 = arith.constant 0 : index
    %get3A_12 = arith.constant 0 : index
    %get3A_13 = vector.load %arg8[%get3A_11, %get3A_12] : memref<128x128xf32, #tpu.memory_space<vmem>>, vector<128x128xf32>
    %get3A_14 = arith.constant 0 : index
    %get3A_15 = arith.constant 0 : index
    %get3A_16 = vector.load %arg9[%get3A_14, %get3A_15] : memref<1x128xf32, #tpu.memory_space<vmem>>, vector<1x128xf32>
    %get3A_17 = arith.constant 0 : index
    %get3A_18 = arith.constant 0 : index
    %get3A_19 = vector.load %arg10[%get3A_17, %get3A_18] : memref<1x128xf32, #tpu.memory_space<vmem>>, vector<1x128xf32>
    %get3A_20 = arith.constant 0 : index
    %get3A_21 = arith.constant 0 : index
    %get3A_22 = vector.load %arg11[%get3A_20, %get3A_21] : memref<1x128xf32, #tpu.memory_space<vmem>>, vector<1x128xf32>
    %get3A_23 = arith.constant 0 : index
    %get3A_24 = arith.constant 0 : index
    %get3A_25 = vector.load %arg12[%get3A_23, %get3A_24] : memref<48x256xf32, #tpu.memory_space<vmem>>, vector<48x256xf32>
    %get3A_26 = arith.constant 0 : index
    %get3A_27 = arith.constant 0 : index
    %get3A_28 = vector.load %arg13[%get3A_26, %get3A_27] : memref<1x256xf32, #tpu.memory_space<vmem>>, vector<1x256xf32>
    %get3A_29 = arith.constant 0 : index
    %get3A_30 = arith.constant 0 : index
    %get3A_31 = vector.load %arg14[%get3A_29, %get3A_30] : memref<1x256xf32, #tpu.memory_space<vmem>>, vector<1x256xf32>
    %get3A_32 = arith.constant 0 : index
    %get3A_33 = arith.constant 0 : index
    %get3A_34 = vector.load %arg15[%get3A_32, %get3A_33] : memref<1x256xf32, #tpu.memory_space<vmem>>, vector<1x256xf32>
    %get3A_35 = arith.constant 0 : index
    %get3A_36 = arith.constant 0 : index
    %get3A_37 = vector.load %arg16[%get3A_35, %get3A_36] : memref<256x256xf32, #tpu.memory_space<vmem>>, vector<256x256xf32>
    %get3A_38 = arith.constant 0 : index
    %get3A_39 = arith.constant 0 : index
    %get3A_40 = vector.load %arg17[%get3A_38, %get3A_39] : memref<1x256xf32, #tpu.memory_space<vmem>>, vector<1x256xf32>
    %get3A_41 = arith.constant 0 : index
    %get3A_42 = arith.constant 0 : index
    %get3A_43 = vector.load %arg18[%get3A_41, %get3A_42] : memref<1x256xf32, #tpu.memory_space<vmem>>, vector<1x256xf32>
    %get3A_44 = arith.constant 0 : index
    %get3A_45 = arith.constant 0 : index
    %get3A_46 = vector.load %arg19[%get3A_44, %get3A_45] : memref<1x256xf32, #tpu.memory_space<vmem>>, vector<1x256xf32>
    %get3A_47 = arith.constant 0 : index
    %get3A_48 = arith.constant 0 : index
    %get3A_49 = vector.load %arg20[%get3A_47, %get3A_48] : memref<256x256xf32, #tpu.memory_space<vmem>>, vector<256x256xf32>
    %get3A_50 = arith.constant 0 : index
    %get3A_51 = arith.constant 0 : index
    %get3A_52 = vector.load %arg21[%get3A_50, %get3A_51] : memref<1x256xf32, #tpu.memory_space<vmem>>, vector<1x256xf32>
    %get3A_53 = arith.constant 0 : index
    %get3A_54 = arith.constant 0 : index
    %get3A_55 = vector.load %arg22[%get3A_53, %get3A_54] : memref<1x256xf32, #tpu.memory_space<vmem>>, vector<1x256xf32>
    %get3A_56 = arith.constant 0 : index
    %get3A_57 = arith.constant 0 : index
    %get3A_58 = vector.load %arg23[%get3A_56, %get3A_57] : memref<1x256xf32, #tpu.memory_space<vmem>>, vector<1x256xf32>
    %get3A_59 = arith.constant 0 : index
    %get3A_60 = arith.constant 0 : index
    %get3A_61 = vector.load %arg24[%get3A_59, %get3A_60] : memref<16x224xf32, #tpu.memory_space<vmem>>, vector<16x224xf32>
    %get3A_62 = arith.constant 0 : index
    %get3A_63 = arith.constant 0 : index
    %get3A_64 = vector.load %arg25[%get3A_62, %get3A_63] : memref<1x224xf32, #tpu.memory_space<vmem>>, vector<1x224xf32>
    %get3A_65 = arith.constant 0 : index
    %get3A_66 = arith.constant 0 : index
    %get3A_67 = vector.load %arg26[%get3A_65, %get3A_66] : memref<224x192xf32, #tpu.memory_space<vmem>>, vector<224x192xf32>
    %get3A_68 = arith.constant 0 : index
    %get3A_69 = arith.constant 0 : index
    %get3A_70 = vector.load %arg27[%get3A_68, %get3A_69] : memref<1x192xf32, #tpu.memory_space<vmem>>, vector<1x192xf32>
    %get3A_71 = arith.constant 0 : index
    %get3A_72 = arith.constant 0 : index
    %get3A_73 = vector.load %arg28[%get3A_71, %get3A_72] : memref<3x256xf32, #tpu.memory_space<vmem>>, vector<3x256xf32>
    %get3A_74 = arith.constant 0 : index
    %get3A_75 = arith.constant 0 : index
    %get3A_76 = vector.load %arg29[%get3A_74, %get3A_75] : memref<1x256xf32, #tpu.memory_space<vmem>>, vector<1x256xf32>
    %get3A_77 = arith.constant 0 : index
    %get3A_78 = arith.constant 0 : index
    %get3A_79 = vector.load %arg30[%get3A_77, %get3A_78] : memref<1x256xf32, #tpu.memory_space<vmem>>, vector<1x256xf32>
    %get3A_80 = arith.constant 0 : index
    %get3A_81 = arith.constant 0 : index
    %get3A_82 = vector.load %arg31[%get3A_80, %get3A_81] : memref<1x256xf32, #tpu.memory_space<vmem>>, vector<1x256xf32>
    %get3A_83 = arith.constant 0 : index
    %get3A_84 = arith.constant 0 : index
    %get3A_85 = vector.load %arg32[%get3A_83, %get3A_84] : memref<256x256xf32, #tpu.memory_space<vmem>>, vector<256x256xf32>
    %get3A_86 = arith.constant 0 : index
    %get3A_87 = arith.constant 0 : index
    %get3A_88 = vector.load %arg33[%get3A_86, %get3A_87] : memref<1x256xf32, #tpu.memory_space<vmem>>, vector<1x256xf32>
    %get3A_89 = arith.constant 0 : index
    %get3A_90 = arith.constant 0 : index
    %get3A_91 = vector.load %arg34[%get3A_89, %get3A_90] : memref<1x256xf32, #tpu.memory_space<vmem>>, vector<1x256xf32>
    %get3A_92 = arith.constant 0 : index
    %get3A_93 = arith.constant 0 : index
    %get3A_94 = vector.load %arg35[%get3A_92, %get3A_93] : memref<1x256xf32, #tpu.memory_space<vmem>>, vector<1x256xf32>
    %get3A_95 = arith.constant 0 : index
    %get3A_96 = arith.constant 0 : index
    %get3A_97 = vector.load %arg36[%get3A_95, %get3A_96] : memref<48x256xf32, #tpu.memory_space<vmem>>, vector<48x256xf32>
    %get3A_98 = arith.constant 0 : index
    %get3A_99 = arith.constant 0 : index
    %get3A_100 = vector.load %arg37[%get3A_98, %get3A_99] : memref<1x256xf32, #tpu.memory_space<vmem>>, vector<1x256xf32>
    %get3A_101 = arith.constant 0 : index
    %get3A_102 = arith.constant 0 : index
    %get3A_103 = vector.load %arg38[%get3A_101, %get3A_102] : memref<1x256xf32, #tpu.memory_space<vmem>>, vector<1x256xf32>
    %get3A_104 = arith.constant 0 : index
    %get3A_105 = arith.constant 0 : index
    %get3A_106 = vector.load %arg39[%get3A_104, %get3A_105] : memref<1x256xf32, #tpu.memory_space<vmem>>, vector<1x256xf32>
    %get3A_107 = arith.constant 0 : index
    %get3A_108 = arith.constant 0 : index
    %get3A_109 = vector.load %arg40[%get3A_107, %get3A_108] : memref<256x256xf32, #tpu.memory_space<vmem>>, vector<256x256xf32>
    %get3A_110 = arith.constant 0 : index
    %get3A_111 = arith.constant 0 : index
    %get3A_112 = vector.load %arg41[%get3A_110, %get3A_111] : memref<1x256xf32, #tpu.memory_space<vmem>>, vector<1x256xf32>
    %get3A_113 = arith.constant 0 : index
    %get3A_114 = arith.constant 0 : index
    %get3A_115 = vector.load %arg42[%get3A_113, %get3A_114] : memref<1x256xf32, #tpu.memory_space<vmem>>, vector<1x256xf32>
    %get3A_116 = arith.constant 0 : index
    %get3A_117 = arith.constant 0 : index
    %get3A_118 = vector.load %arg43[%get3A_116, %get3A_117] : memref<1x256xf32, #tpu.memory_space<vmem>>, vector<1x256xf32>
    %get3A_119 = arith.constant 0 : index
    %get3A_120 = arith.constant 0 : index
    %get3A_121 = vector.load %arg44[%get3A_119, %get3A_120] : memref<256x256xf32, #tpu.memory_space<vmem>>, vector<256x256xf32>
    %get3A_122 = arith.constant 0 : index
    %get3A_123 = arith.constant 0 : index
    %get3A_124 = vector.load %arg45[%get3A_122, %get3A_123] : memref<1x256xf32, #tpu.memory_space<vmem>>, vector<1x256xf32>
    %get3A_125 = arith.constant 0 : index
    %get3A_126 = arith.constant 0 : index
    %get3A_127 = vector.load %arg46[%get3A_125, %get3A_126] : memref<1x256xf32, #tpu.memory_space<vmem>>, vector<1x256xf32>
    %get3A_128 = arith.constant 0 : index
    %get3A_129 = arith.constant 0 : index
    %get3A_130 = vector.load %arg47[%get3A_128, %get3A_129] : memref<1x256xf32, #tpu.memory_space<vmem>>, vector<1x256xf32>
    %get3A_131 = arith.constant 0 : index
    %get3A_132 = arith.constant 0 : index
    %get3A_133 = vector.load %arg48[%get3A_131, %get3A_132] : memref<16x448xf32, #tpu.memory_space<vmem>>, vector<16x448xf32>
    %get3A_134 = arith.constant 0 : index
    %get3A_135 = arith.constant 0 : index
    %get3A_136 = vector.load %arg49[%get3A_134, %get3A_135] : memref<1x448xf32, #tpu.memory_space<vmem>>, vector<1x448xf32>
    %get3A_137 = arith.constant 0 : index
    %get3A_138 = arith.constant 0 : index
    %get3A_139 = vector.load %arg50[%get3A_137, %get3A_138] : memref<448x384xf32, #tpu.memory_space<vmem>>, vector<448x384xf32>
    %get3A_140 = arith.constant 0 : index
    %get3A_141 = arith.constant 0 : index
    %get3A_142 = vector.load %arg51[%get3A_140, %get3A_141] : memref<1x384xf32, #tpu.memory_space<vmem>>, vector<1x384xf32>
    %get3A_143 = arith.constant 0 : index
    %get3A_144 = arith.constant 0 : index
    %get3A_145 = arith.constant 0 : index
    %get3A_146 = vector.load %arg1[%get3A_143, %get3A_144, %get3A_145] : memref<1x1x129xi32, #tpu.memory_space<vmem>>, vector<1x1x129xi32>
    %get3A_147 = vector.shape_cast %get3A_146 : vector<1x1x129xi32> to vector<1x129xi32>
    %get3A_148 = arith.constant 0 : index
    %get3A_149 = arith.constant 0 : index
    %get3A_150 = arith.constant 0 : index
    %get3A_151 = vector.load %arg2[%get3A_148, %get3A_149, %get3A_150] : memref<1x384x3xf32, #tpu.memory_space<vmem>>, vector<1x384x3xf32>
    %get3A_152 = vector.shape_cast %get3A_151 : vector<1x384x3xf32> to vector<384x3xf32>
    %get3A_153 = arith.constant 0 : index
    %get3A_154 = arith.constant 0 : index
    %get3A_155 = arith.constant 0 : index
    %get3A_156 = vector.load %arg3[%get3A_153, %get3A_154, %get3A_155] : memref<1x384x96xf32, #tpu.memory_space<vmem>>, vector<1x384x96xf32>
    %get3A_157 = vector.shape_cast %get3A_156 : vector<1x384x96xf32> to vector<384x96xf32>
    %concatenate3A = tpu.concatenate %get3A_152, %get3A_157 in 1 : vector<384x3xf32>, vector<384x96xf32> -> vector<384x99xf32>
    %iota3A = tpu.iota {dimensions = array<i32: 0>} : vector<384x129xi32>
    %eq3A = vector.broadcast %get3A_147 : vector<1x129xi32> to vector<384x129xi32>
    %eq3A_158 = arith.cmpi eq, %iota3A, %eq3A : vector<384x129xi32>
    %convert_element_type3A = arith.extui %eq3A_158 : vector<384x129xi1> to vector<384x129xi32>
    %convert_element_type3A_159 = arith.sitofp %convert_element_type3A : vector<384x129xi32> to vector<384x129xf32>
    %dot_general3A = arith.constant dense<0.000000e+00> : vector<129x99xf32>
    %dot_general3A_160 = tpu.matmul %convert_element_type3A_159, %concatenate3A, %dot_general3A {dimension_numbers = #tpu.dot_dimension_numbers<[0], [0], [1], [1], [0, 1, 1, 1], [], []>, transpose_lhs_hint = false} : vector<384x129xf32>, vector<384x99xf32>, vector<129x99xf32> -> vector<129x99xf32>
    %slice3A = vector.extract_strided_slice %dot_general3A_160 {offsets = [0, 0], sizes = [129, 3], strides = [1, 1]} : vector<129x99xf32> to vector<129x3xf32>
    %dot_general3A_161 = arith.constant dense<0.000000e+00> : vector<129x129xf32>
    %dot_general3A_162 = tpu.matmul %slice3A, %slice3A, %dot_general3A_161 {dimension_numbers = #tpu.dot_dimension_numbers<[1], [1], [0], [0], [0, 0, 1, 0], [], []>, transpose_lhs_hint = false} : vector<129x3xf32>, vector<129x3xf32>, vector<129x129xf32> -> vector<129x129xf32>
    %mul3A = arith.mulf %slice3A, %slice3A : vector<129x3xf32>
    %reduce_sum3A = arith.constant dense<0.000000e+00> : vector<129xf32>
    %reduce_sum3A_163 = vector.multi_reduction <add>, %mul3A, %reduce_sum3A [1] : vector<129x3xf32> to vector<129xf32>
    %broadcast_in_dim3A = vector.shape_cast %reduce_sum3A_163 : vector<129xf32> to vector<129x1xf32>
    %mul3A_164 = arith.mulf %slice3A, %slice3A : vector<129x3xf32>
    %reduce_sum3A_165 = arith.constant dense<0.000000e+00> : vector<129xf32>
    %reduce_sum3A_166 = vector.multi_reduction <add>, %mul3A_164, %reduce_sum3A_165 [1] : vector<129x3xf32> to vector<129xf32>
    %broadcast_in_dim3A_167 = vector.shape_cast %reduce_sum3A_166 : vector<129xf32> to vector<129x1xf32>
    %transpose3A = tpu.transpose %broadcast_in_dim3A, [1, 0] : vector<129x1xf32> -> vector<1x129xf32>
    %add3A = vector.broadcast %broadcast_in_dim3A_167 : vector<129x1xf32> to vector<129x129xf32>
    %add3A_168 = vector.broadcast %transpose3A : vector<1x129xf32> to vector<129x129xf32>
    %add3A_169 = arith.addf %add3A, %add3A_168 : vector<129x129xf32>
    %mul3A_170 = arith.constant 2.000000e+00 : f32
    %mul3A_171 = vector.broadcast %mul3A_170 : f32 to vector<129x129xf32>
    %mul3A_172 = arith.mulf %mul3A_171, %dot_general3A_162 : vector<129x129xf32>
    %sub3A = arith.subf %add3A_169, %mul3A_172 : vector<129x129xf32>
    %iota3A_173 = tpu.iota {dimensions = array<i32: 1>} : vector<129x129xi32>
    %convert_element_type3A_174 = arith.sitofp %iota3A_173 : vector<129x129xi32> to vector<129x129xf32>
    %reduce_min3A = arith.constant dense<0x7F800000> : vector<129xf32>
    %reduce_min3A_175 = vector.multi_reduction <minimumf>, %sub3A, %reduce_min3A [1] : vector<129x129xf32> to vector<129xf32>
    %broadcast_in_dim3A_176 = vector.shape_cast %reduce_min3A_175 : vector<129xf32> to vector<129x1xf32>
    %eq3A_177 = vector.broadcast %broadcast_in_dim3A_176 : vector<129x1xf32> to vector<129x129xf32>
    %eq3A_178 = arith.cmpf oeq, %sub3A, %eq3A_177 : vector<129x129xf32>
    %jit3A = arith.constant 1.290000e+02 : f32
    %broadcast_in_dim3A_179 = vector.broadcast %jit3A : f32 to vector<129x129xf32>
    %select_n3A = arith.select %eq3A_178, %convert_element_type3A_174, %broadcast_in_dim3A_179 : vector<129x129xi1>, vector<129x129xf32>
    %reduce_min3A_180 = arith.constant dense<0x7F800000> : vector<129xf32>
    %reduce_min3A_181 = vector.multi_reduction <minimumf>, %select_n3A, %reduce_min3A_180 [1] : vector<129x129xf32> to vector<129xf32>
    %broadcast_in_dim3A_182 = vector.shape_cast %reduce_min3A_181 : vector<129xf32> to vector<129x1xf32>
    %eq3A_183 = vector.broadcast %broadcast_in_dim3A_182 : vector<129x1xf32> to vector<129x129xf32>
    %eq3A_184 = arith.cmpf oeq, %convert_element_type3A_174, %eq3A_183 : vector<129x129xf32>
    %convert_element_type3A_185 = arith.extui %eq3A_184 : vector<129x129xi1> to vector<129x129xi32>
    %convert_element_type3A_186 = arith.sitofp %convert_element_type3A_185 : vector<129x129xi32> to vector<129x129xf32>
    %jit3A_187 = arith.constant 1.000000e+30 : f32
    %broadcast_in_dim3A_188 = vector.broadcast %jit3A_187 : f32 to vector<129x129xf32>
    %select_n3A_189 = arith.select %eq3A_184, %broadcast_in_dim3A_188, %sub3A : vector<129x129xi1>, vector<129x129xf32>
    %reduce_min3A_190 = arith.constant dense<0x7F800000> : vector<129xf32>
    %reduce_min3A_191 = vector.multi_reduction <minimumf>, %select_n3A_189, %reduce_min3A_190 [1] : vector<129x129xf32> to vector<129xf32>
    %broadcast_in_dim3A_192 = vector.shape_cast %reduce_min3A_191 : vector<129xf32> to vector<129x1xf32>
    %eq3A_193 = vector.broadcast %broadcast_in_dim3A_192 : vector<129x1xf32> to vector<129x129xf32>
    %eq3A_194 = arith.cmpf oeq, %select_n3A_189, %eq3A_193 : vector<129x129xf32>
    %jit3A_195 = arith.constant 1.290000e+02 : f32
    %broadcast_in_dim3A_196 = vector.broadcast %jit3A_195 : f32 to vector<129x129xf32>
    %select_n3A_197 = arith.select %eq3A_194, %convert_element_type3A_174, %broadcast_in_dim3A_196 : vector<129x129xi1>, vector<129x129xf32>
    %reduce_min3A_198 = arith.constant dense<0x7F800000> : vector<129xf32>
    %reduce_min3A_199 = vector.multi_reduction <minimumf>, %select_n3A_197, %reduce_min3A_198 [1] : vector<129x129xf32> to vector<129xf32>
    %broadcast_in_dim3A_200 = vector.shape_cast %reduce_min3A_199 : vector<129xf32> to vector<129x1xf32>
    %eq3A_201 = vector.broadcast %broadcast_in_dim3A_200 : vector<129x1xf32> to vector<129x129xf32>
    %eq3A_202 = arith.cmpf oeq, %convert_element_type3A_174, %eq3A_201 : vector<129x129xf32>
    %jit3A_203 = arith.constant 1.000000e+30 : f32
    %broadcast_in_dim3A_204 = vector.broadcast %jit3A_203 : f32 to vector<129x129xf32>
    %select_n3A_205 = arith.select %eq3A_202, %broadcast_in_dim3A_204, %select_n3A_189 : vector<129x129xi1>, vector<129x129xf32>
    %reduce_min3A_206 = arith.constant dense<0x7F800000> : vector<129xf32>
    %reduce_min3A_207 = vector.multi_reduction <minimumf>, %select_n3A_205, %reduce_min3A_206 [1] : vector<129x129xf32> to vector<129xf32>
    %broadcast_in_dim3A_208 = vector.shape_cast %reduce_min3A_207 : vector<129xf32> to vector<129x1xf32>
    %eq3A_209 = vector.broadcast %broadcast_in_dim3A_208 : vector<129x1xf32> to vector<129x129xf32>
    %eq3A_210 = arith.cmpf oeq, %select_n3A_205, %eq3A_209 : vector<129x129xf32>
    %jit3A_211 = arith.constant 1.290000e+02 : f32
    %broadcast_in_dim3A_212 = vector.broadcast %jit3A_211 : f32 to vector<129x129xf32>
    %select_n3A_213 = arith.select %eq3A_210, %convert_element_type3A_174, %broadcast_in_dim3A_212 : vector<129x129xi1>, vector<129x129xf32>
    %reduce_min3A_214 = arith.constant dense<0x7F800000> : vector<129xf32>
    %reduce_min3A_215 = vector.multi_reduction <minimumf>, %select_n3A_213, %reduce_min3A_214 [1] : vector<129x129xf32> to vector<129xf32>
    %broadcast_in_dim3A_216 = vector.shape_cast %reduce_min3A_215 : vector<129xf32> to vector<129x1xf32>
    %eq3A_217 = vector.broadcast %broadcast_in_dim3A_216 : vector<129x1xf32> to vector<129x129xf32>
    %eq3A_218 = arith.cmpf oeq, %convert_element_type3A_174, %eq3A_217 : vector<129x129xf32>
    %convert_element_type3A_219 = arith.extui %eq3A_218 : vector<129x129xi1> to vector<129x129xi32>
    %convert_element_type3A_220 = arith.sitofp %convert_element_type3A_219 : vector<129x129xi32> to vector<129x129xf32>
    %jit3A_221 = arith.constant 1.000000e+30 : f32
    %broadcast_in_dim3A_222 = vector.broadcast %jit3A_221 : f32 to vector<129x129xf32>
    %select_n3A_223 = arith.select %eq3A_218, %broadcast_in_dim3A_222, %select_n3A_205 : vector<129x129xi1>, vector<129x129xf32>
    %reduce_min3A_224 = arith.constant dense<0x7F800000> : vector<129xf32>
    %reduce_min3A_225 = vector.multi_reduction <minimumf>, %select_n3A_223, %reduce_min3A_224 [1] : vector<129x129xf32> to vector<129xf32>
    %broadcast_in_dim3A_226 = vector.shape_cast %reduce_min3A_225 : vector<129xf32> to vector<129x1xf32>
    %eq3A_227 = vector.broadcast %broadcast_in_dim3A_226 : vector<129x1xf32> to vector<129x129xf32>
    %eq3A_228 = arith.cmpf oeq, %select_n3A_223, %eq3A_227 : vector<129x129xf32>
    %jit3A_229 = arith.constant 1.290000e+02 : f32
    %broadcast_in_dim3A_230 = vector.broadcast %jit3A_229 : f32 to vector<129x129xf32>
    %select_n3A_231 = arith.select %eq3A_228, %convert_element_type3A_174, %broadcast_in_dim3A_230 : vector<129x129xi1>, vector<129x129xf32>
    %reduce_min3A_232 = arith.constant dense<0x7F800000> : vector<129xf32>
    %reduce_min3A_233 = vector.multi_reduction <minimumf>, %select_n3A_231, %reduce_min3A_232 [1] : vector<129x129xf32> to vector<129xf32>
    %broadcast_in_dim3A_234 = vector.shape_cast %reduce_min3A_233 : vector<129xf32> to vector<129x1xf32>
    %eq3A_235 = vector.broadcast %broadcast_in_dim3A_234 : vector<129x1xf32> to vector<129x129xf32>
    %eq3A_236 = arith.cmpf oeq, %convert_element_type3A_174, %eq3A_235 : vector<129x129xf32>
    %jit3A_237 = arith.constant 1.000000e+30 : f32
    %broadcast_in_dim3A_238 = vector.broadcast %jit3A_237 : f32 to vector<129x129xf32>
    %select_n3A_239 = arith.select %eq3A_236, %broadcast_in_dim3A_238, %select_n3A_223 : vector<129x129xi1>, vector<129x129xf32>
    %reduce_min3A_240 = arith.constant dense<0x7F800000> : vector<129xf32>
    %reduce_min3A_241 = vector.multi_reduction <minimumf>, %select_n3A_239, %reduce_min3A_240 [1] : vector<129x129xf32> to vector<129xf32>
    %broadcast_in_dim3A_242 = vector.shape_cast %reduce_min3A_241 : vector<129xf32> to vector<129x1xf32>
    %eq3A_243 = vector.broadcast %broadcast_in_dim3A_242 : vector<129x1xf32> to vector<129x129xf32>
    %eq3A_244 = arith.cmpf oeq, %select_n3A_239, %eq3A_243 : vector<129x129xf32>
    %jit3A_245 = arith.constant 1.290000e+02 : f32
    %broadcast_in_dim3A_246 = vector.broadcast %jit3A_245 : f32 to vector<129x129xf32>
    %select_n3A_247 = arith.select %eq3A_244, %convert_element_type3A_174, %broadcast_in_dim3A_246 : vector<129x129xi1>, vector<129x129xf32>
    %reduce_min3A_248 = arith.constant dense<0x7F800000> : vector<129xf32>
    %reduce_min3A_249 = vector.multi_reduction <minimumf>, %select_n3A_247, %reduce_min3A_248 [1] : vector<129x129xf32> to vector<129xf32>
    %broadcast_in_dim3A_250 = vector.shape_cast %reduce_min3A_249 : vector<129xf32> to vector<129x1xf32>
    %eq3A_251 = vector.broadcast %broadcast_in_dim3A_250 : vector<129x1xf32> to vector<129x129xf32>
    %eq3A_252 = arith.cmpf oeq, %convert_element_type3A_174, %eq3A_251 : vector<129x129xf32>
    %convert_element_type3A_253 = arith.extui %eq3A_252 : vector<129x129xi1> to vector<129x129xi32>
    %convert_element_type3A_254 = arith.sitofp %convert_element_type3A_253 : vector<129x129xi32> to vector<129x129xf32>
    %jit3A_255 = arith.constant 1.000000e+30 : f32
    %broadcast_in_dim3A_256 = vector.broadcast %jit3A_255 : f32 to vector<129x129xf32>
    %select_n3A_257 = arith.select %eq3A_252, %broadcast_in_dim3A_256, %select_n3A_239 : vector<129x129xi1>, vector<129x129xf32>
    %reduce_min3A_258 = arith.constant dense<0x7F800000> : vector<129xf32>
    %reduce_min3A_259 = vector.multi_reduction <minimumf>, %select_n3A_257, %reduce_min3A_258 [1] : vector<129x129xf32> to vector<129xf32>
    %broadcast_in_dim3A_260 = vector.shape_cast %reduce_min3A_259 : vector<129xf32> to vector<129x1xf32>
    %eq3A_261 = vector.broadcast %broadcast_in_dim3A_260 : vector<129x1xf32> to vector<129x129xf32>
    %eq3A_262 = arith.cmpf oeq, %select_n3A_257, %eq3A_261 : vector<129x129xf32>
    %jit3A_263 = arith.constant 1.290000e+02 : f32
    %broadcast_in_dim3A_264 = vector.broadcast %jit3A_263 : f32 to vector<129x129xf32>
    %select_n3A_265 = arith.select %eq3A_262, %convert_element_type3A_174, %broadcast_in_dim3A_264 : vector<129x129xi1>, vector<129x129xf32>
    %reduce_min3A_266 = arith.constant dense<0x7F800000> : vector<129xf32>
    %reduce_min3A_267 = vector.multi_reduction <minimumf>, %select_n3A_265, %reduce_min3A_266 [1] : vector<129x129xf32> to vector<129xf32>
    %broadcast_in_dim3A_268 = vector.shape_cast %reduce_min3A_267 : vector<129xf32> to vector<129x1xf32>
    %eq3A_269 = vector.broadcast %broadcast_in_dim3A_268 : vector<129x1xf32> to vector<129x129xf32>
    %eq3A_270 = arith.cmpf oeq, %convert_element_type3A_174, %eq3A_269 : vector<129x129xf32>
    %jit3A_271 = arith.constant 1.000000e+30 : f32
    %broadcast_in_dim3A_272 = vector.broadcast %jit3A_271 : f32 to vector<129x129xf32>
    %select_n3A_273 = arith.select %eq3A_270, %broadcast_in_dim3A_272, %select_n3A_257 : vector<129x129xi1>, vector<129x129xf32>
    %reduce_min3A_274 = arith.constant dense<0x7F800000> : vector<129xf32>
    %reduce_min3A_275 = vector.multi_reduction <minimumf>, %select_n3A_273, %reduce_min3A_274 [1] : vector<129x129xf32> to vector<129xf32>
    %broadcast_in_dim3A_276 = vector.shape_cast %reduce_min3A_275 : vector<129xf32> to vector<129x1xf32>
    %eq3A_277 = vector.broadcast %broadcast_in_dim3A_276 : vector<129x1xf32> to vector<129x129xf32>
    %eq3A_278 = arith.cmpf oeq, %select_n3A_273, %eq3A_277 : vector<129x129xf32>
    %jit3A_279 = arith.constant 1.290000e+02 : f32
    %broadcast_in_dim3A_280 = vector.broadcast %jit3A_279 : f32 to vector<129x129xf32>
    %select_n3A_281 = arith.select %eq3A_278, %convert_element_type3A_174, %broadcast_in_dim3A_280 : vector<129x129xi1>, vector<129x129xf32>
    %reduce_min3A_282 = arith.constant dense<0x7F800000> : vector<129xf32>
    %reduce_min3A_283 = vector.multi_reduction <minimumf>, %select_n3A_281, %reduce_min3A_282 [1] : vector<129x129xf32> to vector<129xf32>
    %broadcast_in_dim3A_284 = vector.shape_cast %reduce_min3A_283 : vector<129xf32> to vector<129x1xf32>
    %eq3A_285 = vector.broadcast %broadcast_in_dim3A_284 : vector<129x1xf32> to vector<129x129xf32>
    %eq3A_286 = arith.cmpf oeq, %convert_element_type3A_174, %eq3A_285 : vector<129x129xf32>
    %convert_element_type3A_287 = arith.extui %eq3A_286 : vector<129x129xi1> to vector<129x129xi32>
    %convert_element_type3A_288 = arith.sitofp %convert_element_type3A_287 : vector<129x129xi32> to vector<129x129xf32>
    %jit3A_289 = arith.constant 1.000000e+30 : f32
    %broadcast_in_dim3A_290 = vector.broadcast %jit3A_289 : f32 to vector<129x129xf32>
    %select_n3A_291 = arith.select %eq3A_286, %broadcast_in_dim3A_290, %select_n3A_273 : vector<129x129xi1>, vector<129x129xf32>
    %reduce_min3A_292 = arith.constant dense<0x7F800000> : vector<129xf32>
    %reduce_min3A_293 = vector.multi_reduction <minimumf>, %select_n3A_291, %reduce_min3A_292 [1] : vector<129x129xf32> to vector<129xf32>
    %broadcast_in_dim3A_294 = vector.shape_cast %reduce_min3A_293 : vector<129xf32> to vector<129x1xf32>
    %eq3A_295 = vector.broadcast %broadcast_in_dim3A_294 : vector<129x1xf32> to vector<129x129xf32>
    %eq3A_296 = arith.cmpf oeq, %select_n3A_291, %eq3A_295 : vector<129x129xf32>
    %jit3A_297 = arith.constant 1.290000e+02 : f32
    %broadcast_in_dim3A_298 = vector.broadcast %jit3A_297 : f32 to vector<129x129xf32>
    %select_n3A_299 = arith.select %eq3A_296, %convert_element_type3A_174, %broadcast_in_dim3A_298 : vector<129x129xi1>, vector<129x129xf32>
    %reduce_min3A_300 = arith.constant dense<0x7F800000> : vector<129xf32>
    %reduce_min3A_301 = vector.multi_reduction <minimumf>, %select_n3A_299, %reduce_min3A_300 [1] : vector<129x129xf32> to vector<129xf32>
    %broadcast_in_dim3A_302 = vector.shape_cast %reduce_min3A_301 : vector<129xf32> to vector<129x1xf32>
    %eq3A_303 = vector.broadcast %broadcast_in_dim3A_302 : vector<129x1xf32> to vector<129x129xf32>
    %eq3A_304 = arith.cmpf oeq, %convert_element_type3A_174, %eq3A_303 : vector<129x129xf32>
    %jit3A_305 = arith.constant 1.000000e+30 : f32
    %broadcast_in_dim3A_306 = vector.broadcast %jit3A_305 : f32 to vector<129x129xf32>
    %select_n3A_307 = arith.select %eq3A_304, %broadcast_in_dim3A_306, %select_n3A_291 : vector<129x129xi1>, vector<129x129xf32>
    %reduce_min3A_308 = arith.constant dense<0x7F800000> : vector<129xf32>
    %reduce_min3A_309 = vector.multi_reduction <minimumf>, %select_n3A_307, %reduce_min3A_308 [1] : vector<129x129xf32> to vector<129xf32>
    %broadcast_in_dim3A_310 = vector.shape_cast %reduce_min3A_309 : vector<129xf32> to vector<129x1xf32>
    %eq3A_311 = vector.broadcast %broadcast_in_dim3A_310 : vector<129x1xf32> to vector<129x129xf32>
    %eq3A_312 = arith.cmpf oeq, %select_n3A_307, %eq3A_311 : vector<129x129xf32>
    %jit3A_313 = arith.constant 1.290000e+02 : f32
    %broadcast_in_dim3A_314 = vector.broadcast %jit3A_313 : f32 to vector<129x129xf32>
    %select_n3A_315 = arith.select %eq3A_312, %convert_element_type3A_174, %broadcast_in_dim3A_314 : vector<129x129xi1>, vector<129x129xf32>
    %reduce_min3A_316 = arith.constant dense<0x7F800000> : vector<129xf32>
    %reduce_min3A_317 = vector.multi_reduction <minimumf>, %select_n3A_315, %reduce_min3A_316 [1] : vector<129x129xf32> to vector<129xf32>
    %broadcast_in_dim3A_318 = vector.shape_cast %reduce_min3A_317 : vector<129xf32> to vector<129x1xf32>
    %eq3A_319 = vector.broadcast %broadcast_in_dim3A_318 : vector<129x1xf32> to vector<129x129xf32>
    %eq3A_320 = arith.cmpf oeq, %convert_element_type3A_174, %eq3A_319 : vector<129x129xf32>
    %convert_element_type3A_321 = arith.extui %eq3A_320 : vector<129x129xi1> to vector<129x129xi32>
    %convert_element_type3A_322 = arith.sitofp %convert_element_type3A_321 : vector<129x129xi32> to vector<129x129xf32>
    %jit3A_323 = arith.constant 1.000000e+30 : f32
    %broadcast_in_dim3A_324 = vector.broadcast %jit3A_323 : f32 to vector<129x129xf32>
    %select_n3A_325 = arith.select %eq3A_320, %broadcast_in_dim3A_324, %select_n3A_307 : vector<129x129xi1>, vector<129x129xf32>
    %reduce_min3A_326 = arith.constant dense<0x7F800000> : vector<129xf32>
    %reduce_min3A_327 = vector.multi_reduction <minimumf>, %select_n3A_325, %reduce_min3A_326 [1] : vector<129x129xf32> to vector<129xf32>
    %broadcast_in_dim3A_328 = vector.shape_cast %reduce_min3A_327 : vector<129xf32> to vector<129x1xf32>
    %eq3A_329 = vector.broadcast %broadcast_in_dim3A_328 : vector<129x1xf32> to vector<129x129xf32>
    %eq3A_330 = arith.cmpf oeq, %select_n3A_325, %eq3A_329 : vector<129x129xf32>
    %jit3A_331 = arith.constant 1.290000e+02 : f32
    %broadcast_in_dim3A_332 = vector.broadcast %jit3A_331 : f32 to vector<129x129xf32>
    %select_n3A_333 = arith.select %eq3A_330, %convert_element_type3A_174, %broadcast_in_dim3A_332 : vector<129x129xi1>, vector<129x129xf32>
    %reduce_min3A_334 = arith.constant dense<0x7F800000> : vector<129xf32>
    %reduce_min3A_335 = vector.multi_reduction <minimumf>, %select_n3A_333, %reduce_min3A_334 [1] : vector<129x129xf32> to vector<129xf32>
    %broadcast_in_dim3A_336 = vector.shape_cast %reduce_min3A_335 : vector<129xf32> to vector<129x1xf32>
    %eq3A_337 = vector.broadcast %broadcast_in_dim3A_336 : vector<129x1xf32> to vector<129x129xf32>
    %eq3A_338 = arith.cmpf oeq, %convert_element_type3A_174, %eq3A_337 : vector<129x129xf32>
    %jit3A_339 = arith.constant 1.000000e+30 : f32
    %broadcast_in_dim3A_340 = vector.broadcast %jit3A_339 : f32 to vector<129x129xf32>
    %select_n3A_341 = arith.select %eq3A_338, %broadcast_in_dim3A_340, %select_n3A_325 : vector<129x129xi1>, vector<129x129xf32>
    %reduce_min3A_342 = arith.constant dense<0x7F800000> : vector<129xf32>
    %reduce_min3A_343 = vector.multi_reduction <minimumf>, %select_n3A_341, %reduce_min3A_342 [1] : vector<129x129xf32> to vector<129xf32>
    %broadcast_in_dim3A_344 = vector.shape_cast %reduce_min3A_343 : vector<129xf32> to vector<129x1xf32>
    %eq3A_345 = vector.broadcast %broadcast_in_dim3A_344 : vector<129x1xf32> to vector<129x129xf32>
    %eq3A_346 = arith.cmpf oeq, %select_n3A_341, %eq3A_345 : vector<129x129xf32>
    %jit3A_347 = arith.constant 1.290000e+02 : f32
    %broadcast_in_dim3A_348 = vector.broadcast %jit3A_347 : f32 to vector<129x129xf32>
    %select_n3A_349 = arith.select %eq3A_346, %convert_element_type3A_174, %broadcast_in_dim3A_348 : vector<129x129xi1>, vector<129x129xf32>
    %reduce_min3A_350 = arith.constant dense<0x7F800000> : vector<129xf32>
    %reduce_min3A_351 = vector.multi_reduction <minimumf>, %select_n3A_349, %reduce_min3A_350 [1] : vector<129x129xf32> to vector<129xf32>
    %broadcast_in_dim3A_352 = vector.shape_cast %reduce_min3A_351 : vector<129xf32> to vector<129x1xf32>
    %eq3A_353 = vector.broadcast %broadcast_in_dim3A_352 : vector<129x1xf32> to vector<129x129xf32>
    %eq3A_354 = arith.cmpf oeq, %convert_element_type3A_174, %eq3A_353 : vector<129x129xf32>
    %convert_element_type3A_355 = arith.extui %eq3A_354 : vector<129x129xi1> to vector<129x129xi32>
    %convert_element_type3A_356 = arith.sitofp %convert_element_type3A_355 : vector<129x129xi32> to vector<129x129xf32>
    %jit3A_357 = arith.constant 1.000000e+30 : f32
    %broadcast_in_dim3A_358 = vector.broadcast %jit3A_357 : f32 to vector<129x129xf32>
    %select_n3A_359 = arith.select %eq3A_354, %broadcast_in_dim3A_358, %select_n3A_341 : vector<129x129xi1>, vector<129x129xf32>
    %reduce_min3A_360 = arith.constant dense<0x7F800000> : vector<129xf32>
    %reduce_min3A_361 = vector.multi_reduction <minimumf>, %select_n3A_359, %reduce_min3A_360 [1] : vector<129x129xf32> to vector<129xf32>
    %broadcast_in_dim3A_362 = vector.shape_cast %reduce_min3A_361 : vector<129xf32> to vector<129x1xf32>
    %eq3A_363 = vector.broadcast %broadcast_in_dim3A_362 : vector<129x1xf32> to vector<129x129xf32>
    %eq3A_364 = arith.cmpf oeq, %select_n3A_359, %eq3A_363 : vector<129x129xf32>
    %jit3A_365 = arith.constant 1.290000e+02 : f32
    %broadcast_in_dim3A_366 = vector.broadcast %jit3A_365 : f32 to vector<129x129xf32>
    %select_n3A_367 = arith.select %eq3A_364, %convert_element_type3A_174, %broadcast_in_dim3A_366 : vector<129x129xi1>, vector<129x129xf32>
    %reduce_min3A_368 = arith.constant dense<0x7F800000> : vector<129xf32>
    %reduce_min3A_369 = vector.multi_reduction <minimumf>, %select_n3A_367, %reduce_min3A_368 [1] : vector<129x129xf32> to vector<129xf32>
    %broadcast_in_dim3A_370 = vector.shape_cast %reduce_min3A_369 : vector<129xf32> to vector<129x1xf32>
    %eq3A_371 = vector.broadcast %broadcast_in_dim3A_370 : vector<129x1xf32> to vector<129x129xf32>
    %eq3A_372 = arith.cmpf oeq, %convert_element_type3A_174, %eq3A_371 : vector<129x129xf32>
    %jit3A_373 = arith.constant 1.000000e+30 : f32
    %broadcast_in_dim3A_374 = vector.broadcast %jit3A_373 : f32 to vector<129x129xf32>
    %select_n3A_375 = arith.select %eq3A_372, %broadcast_in_dim3A_374, %select_n3A_359 : vector<129x129xi1>, vector<129x129xf32>
    %reduce_min3A_376 = arith.constant dense<0x7F800000> : vector<129xf32>
    %reduce_min3A_377 = vector.multi_reduction <minimumf>, %select_n3A_375, %reduce_min3A_376 [1] : vector<129x129xf32> to vector<129xf32>
    %broadcast_in_dim3A_378 = vector.shape_cast %reduce_min3A_377 : vector<129xf32> to vector<129x1xf32>
    %eq3A_379 = vector.broadcast %broadcast_in_dim3A_378 : vector<129x1xf32> to vector<129x129xf32>
    %eq3A_380 = arith.cmpf oeq, %select_n3A_375, %eq3A_379 : vector<129x129xf32>
    %jit3A_381 = arith.constant 1.290000e+02 : f32
    %broadcast_in_dim3A_382 = vector.broadcast %jit3A_381 : f32 to vector<129x129xf32>
    %select_n3A_383 = arith.select %eq3A_380, %convert_element_type3A_174, %broadcast_in_dim3A_382 : vector<129x129xi1>, vector<129x129xf32>
    %reduce_min3A_384 = arith.constant dense<0x7F800000> : vector<129xf32>
    %reduce_min3A_385 = vector.multi_reduction <minimumf>, %select_n3A_383, %reduce_min3A_384 [1] : vector<129x129xf32> to vector<129xf32>
    %broadcast_in_dim3A_386 = vector.shape_cast %reduce_min3A_385 : vector<129xf32> to vector<129x1xf32>
    %eq3A_387 = vector.broadcast %broadcast_in_dim3A_386 : vector<129x1xf32> to vector<129x129xf32>
    %eq3A_388 = arith.cmpf oeq, %convert_element_type3A_174, %eq3A_387 : vector<129x129xf32>
    %convert_element_type3A_389 = arith.extui %eq3A_388 : vector<129x129xi1> to vector<129x129xi32>
    %convert_element_type3A_390 = arith.sitofp %convert_element_type3A_389 : vector<129x129xi32> to vector<129x129xf32>
    %jit3A_391 = arith.constant 1.000000e+30 : f32
    %broadcast_in_dim3A_392 = vector.broadcast %jit3A_391 : f32 to vector<129x129xf32>
    %select_n3A_393 = arith.select %eq3A_388, %broadcast_in_dim3A_392, %select_n3A_375 : vector<129x129xi1>, vector<129x129xf32>
    %reduce_min3A_394 = arith.constant dense<0x7F800000> : vector<129xf32>
    %reduce_min3A_395 = vector.multi_reduction <minimumf>, %select_n3A_393, %reduce_min3A_394 [1] : vector<129x129xf32> to vector<129xf32>
    %broadcast_in_dim3A_396 = vector.shape_cast %reduce_min3A_395 : vector<129xf32> to vector<129x1xf32>
    %eq3A_397 = vector.broadcast %broadcast_in_dim3A_396 : vector<129x1xf32> to vector<129x129xf32>
    %eq3A_398 = arith.cmpf oeq, %select_n3A_393, %eq3A_397 : vector<129x129xf32>
    %jit3A_399 = arith.constant 1.290000e+02 : f32
    %broadcast_in_dim3A_400 = vector.broadcast %jit3A_399 : f32 to vector<129x129xf32>
    %select_n3A_401 = arith.select %eq3A_398, %convert_element_type3A_174, %broadcast_in_dim3A_400 : vector<129x129xi1>, vector<129x129xf32>
    %reduce_min3A_402 = arith.constant dense<0x7F800000> : vector<129xf32>
    %reduce_min3A_403 = vector.multi_reduction <minimumf>, %select_n3A_401, %reduce_min3A_402 [1] : vector<129x129xf32> to vector<129xf32>
    %broadcast_in_dim3A_404 = vector.shape_cast %reduce_min3A_403 : vector<129xf32> to vector<129x1xf32>
    %eq3A_405 = vector.broadcast %broadcast_in_dim3A_404 : vector<129x1xf32> to vector<129x129xf32>
    %eq3A_406 = arith.cmpf oeq, %convert_element_type3A_174, %eq3A_405 : vector<129x129xf32>
    %jit3A_407 = arith.constant 1.000000e+30 : f32
    %broadcast_in_dim3A_408 = vector.broadcast %jit3A_407 : f32 to vector<129x129xf32>
    %select_n3A_409 = arith.select %eq3A_406, %broadcast_in_dim3A_408, %select_n3A_393 : vector<129x129xi1>, vector<129x129xf32>
    %reduce_min3A_410 = arith.constant dense<0x7F800000> : vector<129xf32>
    %reduce_min3A_411 = vector.multi_reduction <minimumf>, %select_n3A_409, %reduce_min3A_410 [1] : vector<129x129xf32> to vector<129xf32>
    %broadcast_in_dim3A_412 = vector.shape_cast %reduce_min3A_411 : vector<129xf32> to vector<129x1xf32>
    %eq3A_413 = vector.broadcast %broadcast_in_dim3A_412 : vector<129x1xf32> to vector<129x129xf32>
    %eq3A_414 = arith.cmpf oeq, %select_n3A_409, %eq3A_413 : vector<129x129xf32>
    %jit3A_415 = arith.constant 1.290000e+02 : f32
    %broadcast_in_dim3A_416 = vector.broadcast %jit3A_415 : f32 to vector<129x129xf32>
    %select_n3A_417 = arith.select %eq3A_414, %convert_element_type3A_174, %broadcast_in_dim3A_416 : vector<129x129xi1>, vector<129x129xf32>
    %reduce_min3A_418 = arith.constant dense<0x7F800000> : vector<129xf32>
    %reduce_min3A_419 = vector.multi_reduction <minimumf>, %select_n3A_417, %reduce_min3A_418 [1] : vector<129x129xf32> to vector<129xf32>
    %broadcast_in_dim3A_420 = vector.shape_cast %reduce_min3A_419 : vector<129xf32> to vector<129x1xf32>
    %eq3A_421 = vector.broadcast %broadcast_in_dim3A_420 : vector<129x1xf32> to vector<129x129xf32>
    %eq3A_422 = arith.cmpf oeq, %convert_element_type3A_174, %eq3A_421 : vector<129x129xf32>
    %convert_element_type3A_423 = arith.extui %eq3A_422 : vector<129x129xi1> to vector<129x129xi32>
    %convert_element_type3A_424 = arith.sitofp %convert_element_type3A_423 : vector<129x129xi32> to vector<129x129xf32>
    %jit3A_425 = arith.constant 1.000000e+30 : f32
    %broadcast_in_dim3A_426 = vector.broadcast %jit3A_425 : f32 to vector<129x129xf32>
    %select_n3A_427 = arith.select %eq3A_422, %broadcast_in_dim3A_426, %select_n3A_409 : vector<129x129xi1>, vector<129x129xf32>
    %reduce_min3A_428 = arith.constant dense<0x7F800000> : vector<129xf32>
    %reduce_min3A_429 = vector.multi_reduction <minimumf>, %select_n3A_427, %reduce_min3A_428 [1] : vector<129x129xf32> to vector<129xf32>
    %broadcast_in_dim3A_430 = vector.shape_cast %reduce_min3A_429 : vector<129xf32> to vector<129x1xf32>
    %eq3A_431 = vector.broadcast %broadcast_in_dim3A_430 : vector<129x1xf32> to vector<129x129xf32>
    %eq3A_432 = arith.cmpf oeq, %select_n3A_427, %eq3A_431 : vector<129x129xf32>
    %jit3A_433 = arith.constant 1.290000e+02 : f32
    %broadcast_in_dim3A_434 = vector.broadcast %jit3A_433 : f32 to vector<129x129xf32>
    %select_n3A_435 = arith.select %eq3A_432, %convert_element_type3A_174, %broadcast_in_dim3A_434 : vector<129x129xi1>, vector<129x129xf32>
    %reduce_min3A_436 = arith.constant dense<0x7F800000> : vector<129xf32>
    %reduce_min3A_437 = vector.multi_reduction <minimumf>, %select_n3A_435, %reduce_min3A_436 [1] : vector<129x129xf32> to vector<129xf32>
    %broadcast_in_dim3A_438 = vector.shape_cast %reduce_min3A_437 : vector<129xf32> to vector<129x1xf32>
    %eq3A_439 = vector.broadcast %broadcast_in_dim3A_438 : vector<129x1xf32> to vector<129x129xf32>
    %eq3A_440 = arith.cmpf oeq, %convert_element_type3A_174, %eq3A_439 : vector<129x129xf32>
    %jit3A_441 = arith.constant 1.000000e+30 : f32
    %broadcast_in_dim3A_442 = vector.broadcast %jit3A_441 : f32 to vector<129x129xf32>
    %select_n3A_443 = arith.select %eq3A_440, %broadcast_in_dim3A_442, %select_n3A_427 : vector<129x129xi1>, vector<129x129xf32>
    %reduce_min3A_444 = arith.constant dense<0x7F800000> : vector<129xf32>
    %reduce_min3A_445 = vector.multi_reduction <minimumf>, %select_n3A_443, %reduce_min3A_444 [1] : vector<129x129xf32> to vector<129xf32>
    %broadcast_in_dim3A_446 = vector.shape_cast %reduce_min3A_445 : vector<129xf32> to vector<129x1xf32>
    %eq3A_447 = vector.broadcast %broadcast_in_dim3A_446 : vector<129x1xf32> to vector<129x129xf32>
    %eq3A_448 = arith.cmpf oeq, %select_n3A_443, %eq3A_447 : vector<129x129xf32>
    %jit3A_449 = arith.constant 1.290000e+02 : f32
    %broadcast_in_dim3A_450 = vector.broadcast %jit3A_449 : f32 to vector<129x129xf32>
    %select_n3A_451 = arith.select %eq3A_448, %convert_element_type3A_174, %broadcast_in_dim3A_450 : vector<129x129xi1>, vector<129x129xf32>
    %reduce_min3A_452 = arith.constant dense<0x7F800000> : vector<129xf32>
    %reduce_min3A_453 = vector.multi_reduction <minimumf>, %select_n3A_451, %reduce_min3A_452 [1] : vector<129x129xf32> to vector<129xf32>
    %broadcast_in_dim3A_454 = vector.shape_cast %reduce_min3A_453 : vector<129xf32> to vector<129x1xf32>
    %eq3A_455 = vector.broadcast %broadcast_in_dim3A_454 : vector<129x1xf32> to vector<129x129xf32>
    %eq3A_456 = arith.cmpf oeq, %convert_element_type3A_174, %eq3A_455 : vector<129x129xf32>
    %convert_element_type3A_457 = arith.extui %eq3A_456 : vector<129x129xi1> to vector<129x129xi32>
    %convert_element_type3A_458 = arith.sitofp %convert_element_type3A_457 : vector<129x129xi32> to vector<129x129xf32>
    %jit3A_459 = arith.constant 1.000000e+30 : f32
    %broadcast_in_dim3A_460 = vector.broadcast %jit3A_459 : f32 to vector<129x129xf32>
    %select_n3A_461 = arith.select %eq3A_456, %broadcast_in_dim3A_460, %select_n3A_443 : vector<129x129xi1>, vector<129x129xf32>
    %reduce_min3A_462 = arith.constant dense<0x7F800000> : vector<129xf32>
    %reduce_min3A_463 = vector.multi_reduction <minimumf>, %select_n3A_461, %reduce_min3A_462 [1] : vector<129x129xf32> to vector<129xf32>
    %broadcast_in_dim3A_464 = vector.shape_cast %reduce_min3A_463 : vector<129xf32> to vector<129x1xf32>
    %eq3A_465 = vector.broadcast %broadcast_in_dim3A_464 : vector<129x1xf32> to vector<129x129xf32>
    %eq3A_466 = arith.cmpf oeq, %select_n3A_461, %eq3A_465 : vector<129x129xf32>
    %jit3A_467 = arith.constant 1.290000e+02 : f32
    %broadcast_in_dim3A_468 = vector.broadcast %jit3A_467 : f32 to vector<129x129xf32>
    %select_n3A_469 = arith.select %eq3A_466, %convert_element_type3A_174, %broadcast_in_dim3A_468 : vector<129x129xi1>, vector<129x129xf32>
    %reduce_min3A_470 = arith.constant dense<0x7F800000> : vector<129xf32>
    %reduce_min3A_471 = vector.multi_reduction <minimumf>, %select_n3A_469, %reduce_min3A_470 [1] : vector<129x129xf32> to vector<129xf32>
    %broadcast_in_dim3A_472 = vector.shape_cast %reduce_min3A_471 : vector<129xf32> to vector<129x1xf32>
    %eq3A_473 = vector.broadcast %broadcast_in_dim3A_472 : vector<129x1xf32> to vector<129x129xf32>
    %eq3A_474 = arith.cmpf oeq, %convert_element_type3A_174, %eq3A_473 : vector<129x129xf32>
    %jit3A_475 = arith.constant 1.000000e+30 : f32
    %broadcast_in_dim3A_476 = vector.broadcast %jit3A_475 : f32 to vector<129x129xf32>
    %select_n3A_477 = arith.select %eq3A_474, %broadcast_in_dim3A_476, %select_n3A_461 : vector<129x129xi1>, vector<129x129xf32>
    %reduce_min3A_478 = arith.constant dense<0x7F800000> : vector<129xf32>
    %reduce_min3A_479 = vector.multi_reduction <minimumf>, %select_n3A_477, %reduce_min3A_478 [1] : vector<129x129xf32> to vector<129xf32>
    %broadcast_in_dim3A_480 = vector.shape_cast %reduce_min3A_479 : vector<129xf32> to vector<129x1xf32>
    %eq3A_481 = vector.broadcast %broadcast_in_dim3A_480 : vector<129x1xf32> to vector<129x129xf32>
    %eq3A_482 = arith.cmpf oeq, %select_n3A_477, %eq3A_481 : vector<129x129xf32>
    %jit3A_483 = arith.constant 1.290000e+02 : f32
    %broadcast_in_dim3A_484 = vector.broadcast %jit3A_483 : f32 to vector<129x129xf32>
    %select_n3A_485 = arith.select %eq3A_482, %convert_element_type3A_174, %broadcast_in_dim3A_484 : vector<129x129xi1>, vector<129x129xf32>
    %reduce_min3A_486 = arith.constant dense<0x7F800000> : vector<129xf32>
    %reduce_min3A_487 = vector.multi_reduction <minimumf>, %select_n3A_485, %reduce_min3A_486 [1] : vector<129x129xf32> to vector<129xf32>
    %broadcast_in_dim3A_488 = vector.shape_cast %reduce_min3A_487 : vector<129xf32> to vector<129x1xf32>
    %eq3A_489 = vector.broadcast %broadcast_in_dim3A_488 : vector<129x1xf32> to vector<129x129xf32>
    %eq3A_490 = arith.cmpf oeq, %convert_element_type3A_174, %eq3A_489 : vector<129x129xf32>
    %convert_element_type3A_491 = arith.extui %eq3A_490 : vector<129x129xi1> to vector<129x129xi32>
    %convert_element_type3A_492 = arith.sitofp %convert_element_type3A_491 : vector<129x129xi32> to vector<129x129xf32>
    %jit3A_493 = arith.constant 1.000000e+30 : f32
    %broadcast_in_dim3A_494 = vector.broadcast %jit3A_493 : f32 to vector<129x129xf32>
    %select_n3A_495 = arith.select %eq3A_490, %broadcast_in_dim3A_494, %select_n3A_477 : vector<129x129xi1>, vector<129x129xf32>
    %reduce_min3A_496 = arith.constant dense<0x7F800000> : vector<129xf32>
    %reduce_min3A_497 = vector.multi_reduction <minimumf>, %select_n3A_495, %reduce_min3A_496 [1] : vector<129x129xf32> to vector<129xf32>
    %broadcast_in_dim3A_498 = vector.shape_cast %reduce_min3A_497 : vector<129xf32> to vector<129x1xf32>
    %eq3A_499 = vector.broadcast %broadcast_in_dim3A_498 : vector<129x1xf32> to vector<129x129xf32>
    %eq3A_500 = arith.cmpf oeq, %select_n3A_495, %eq3A_499 : vector<129x129xf32>
    %jit3A_501 = arith.constant 1.290000e+02 : f32
    %broadcast_in_dim3A_502 = vector.broadcast %jit3A_501 : f32 to vector<129x129xf32>
    %select_n3A_503 = arith.select %eq3A_500, %convert_element_type3A_174, %broadcast_in_dim3A_502 : vector<129x129xi1>, vector<129x129xf32>
    %reduce_min3A_504 = arith.constant dense<0x7F800000> : vector<129xf32>
    %reduce_min3A_505 = vector.multi_reduction <minimumf>, %select_n3A_503, %reduce_min3A_504 [1] : vector<129x129xf32> to vector<129xf32>
    %broadcast_in_dim3A_506 = vector.shape_cast %reduce_min3A_505 : vector<129xf32> to vector<129x1xf32>
    %eq3A_507 = vector.broadcast %broadcast_in_dim3A_506 : vector<129x1xf32> to vector<129x129xf32>
    %eq3A_508 = arith.cmpf oeq, %convert_element_type3A_174, %eq3A_507 : vector<129x129xf32>
    %jit3A_509 = arith.constant 1.000000e+30 : f32
    %broadcast_in_dim3A_510 = vector.broadcast %jit3A_509 : f32 to vector<129x129xf32>
    %select_n3A_511 = arith.select %eq3A_508, %broadcast_in_dim3A_510, %select_n3A_495 : vector<129x129xi1>, vector<129x129xf32>
    %reduce_min3A_512 = arith.constant dense<0x7F800000> : vector<129xf32>
    %reduce_min3A_513 = vector.multi_reduction <minimumf>, %select_n3A_511, %reduce_min3A_512 [1] : vector<129x129xf32> to vector<129xf32>
    %broadcast_in_dim3A_514 = vector.shape_cast %reduce_min3A_513 : vector<129xf32> to vector<129x1xf32>
    %eq3A_515 = vector.broadcast %broadcast_in_dim3A_514 : vector<129x1xf32> to vector<129x129xf32>
    %eq3A_516 = arith.cmpf oeq, %select_n3A_511, %eq3A_515 : vector<129x129xf32>
    %jit3A_517 = arith.constant 1.290000e+02 : f32
    %broadcast_in_dim3A_518 = vector.broadcast %jit3A_517 : f32 to vector<129x129xf32>
    %select_n3A_519 = arith.select %eq3A_516, %convert_element_type3A_174, %broadcast_in_dim3A_518 : vector<129x129xi1>, vector<129x129xf32>
    %reduce_min3A_520 = arith.constant dense<0x7F800000> : vector<129xf32>
    %reduce_min3A_521 = vector.multi_reduction <minimumf>, %select_n3A_519, %reduce_min3A_520 [1] : vector<129x129xf32> to vector<129xf32>
    %broadcast_in_dim3A_522 = vector.shape_cast %reduce_min3A_521 : vector<129xf32> to vector<129x1xf32>
    %eq3A_523 = vector.broadcast %broadcast_in_dim3A_522 : vector<129x1xf32> to vector<129x129xf32>
    %eq3A_524 = arith.cmpf oeq, %convert_element_type3A_174, %eq3A_523 : vector<129x129xf32>
    %convert_element_type3A_525 = arith.extui %eq3A_524 : vector<129x129xi1> to vector<129x129xi32>
    %convert_element_type3A_526 = arith.sitofp %convert_element_type3A_525 : vector<129x129xi32> to vector<129x129xf32>
    %jit3A_527 = arith.constant 1.000000e+30 : f32
    %broadcast_in_dim3A_528 = vector.broadcast %jit3A_527 : f32 to vector<129x129xf32>
    %select_n3A_529 = arith.select %eq3A_524, %broadcast_in_dim3A_528, %select_n3A_511 : vector<129x129xi1>, vector<129x129xf32>
    %reduce_min3A_530 = arith.constant dense<0x7F800000> : vector<129xf32>
    %reduce_min3A_531 = vector.multi_reduction <minimumf>, %select_n3A_529, %reduce_min3A_530 [1] : vector<129x129xf32> to vector<129xf32>
    %broadcast_in_dim3A_532 = vector.shape_cast %reduce_min3A_531 : vector<129xf32> to vector<129x1xf32>
    %eq3A_533 = vector.broadcast %broadcast_in_dim3A_532 : vector<129x1xf32> to vector<129x129xf32>
    %eq3A_534 = arith.cmpf oeq, %select_n3A_529, %eq3A_533 : vector<129x129xf32>
    %jit3A_535 = arith.constant 1.290000e+02 : f32
    %broadcast_in_dim3A_536 = vector.broadcast %jit3A_535 : f32 to vector<129x129xf32>
    %select_n3A_537 = arith.select %eq3A_534, %convert_element_type3A_174, %broadcast_in_dim3A_536 : vector<129x129xi1>, vector<129x129xf32>
    %reduce_min3A_538 = arith.constant dense<0x7F800000> : vector<129xf32>
    %reduce_min3A_539 = vector.multi_reduction <minimumf>, %select_n3A_537, %reduce_min3A_538 [1] : vector<129x129xf32> to vector<129xf32>
    %broadcast_in_dim3A_540 = vector.shape_cast %reduce_min3A_539 : vector<129xf32> to vector<129x1xf32>
    %eq3A_541 = vector.broadcast %broadcast_in_dim3A_540 : vector<129x1xf32> to vector<129x129xf32>
    %eq3A_542 = arith.cmpf oeq, %convert_element_type3A_174, %eq3A_541 : vector<129x129xf32>
    %jit3A_543 = arith.constant 1.000000e+30 : f32
    %broadcast_in_dim3A_544 = vector.broadcast %jit3A_543 : f32 to vector<129x129xf32>
    %select_n3A_545 = arith.select %eq3A_542, %broadcast_in_dim3A_544, %select_n3A_529 : vector<129x129xi1>, vector<129x129xf32>
    %reduce_min3A_546 = arith.constant dense<0x7F800000> : vector<129xf32>
    %reduce_min3A_547 = vector.multi_reduction <minimumf>, %select_n3A_545, %reduce_min3A_546 [1] : vector<129x129xf32> to vector<129xf32>
    %broadcast_in_dim3A_548 = vector.shape_cast %reduce_min3A_547 : vector<129xf32> to vector<129x1xf32>
    %eq3A_549 = vector.broadcast %broadcast_in_dim3A_548 : vector<129x1xf32> to vector<129x129xf32>
    %eq3A_550 = arith.cmpf oeq, %select_n3A_545, %eq3A_549 : vector<129x129xf32>
    %jit3A_551 = arith.constant 1.290000e+02 : f32
    %broadcast_in_dim3A_552 = vector.broadcast %jit3A_551 : f32 to vector<129x129xf32>
    %select_n3A_553 = arith.select %eq3A_550, %convert_element_type3A_174, %broadcast_in_dim3A_552 : vector<129x129xi1>, vector<129x129xf32>
    %reduce_min3A_554 = arith.constant dense<0x7F800000> : vector<129xf32>
    %reduce_min3A_555 = vector.multi_reduction <minimumf>, %select_n3A_553, %reduce_min3A_554 [1] : vector<129x129xf32> to vector<129xf32>
    %broadcast_in_dim3A_556 = vector.shape_cast %reduce_min3A_555 : vector<129xf32> to vector<129x1xf32>
    %eq3A_557 = vector.broadcast %broadcast_in_dim3A_556 : vector<129x1xf32> to vector<129x129xf32>
    %eq3A_558 = arith.cmpf oeq, %convert_element_type3A_174, %eq3A_557 : vector<129x129xf32>
    %convert_element_type3A_559 = arith.extui %eq3A_558 : vector<129x129xi1> to vector<129x129xi32>
    %convert_element_type3A_560 = arith.sitofp %convert_element_type3A_559 : vector<129x129xi32> to vector<129x129xf32>
    %jit3A_561 = arith.constant 1.000000e+30 : f32
    %broadcast_in_dim3A_562 = vector.broadcast %jit3A_561 : f32 to vector<129x129xf32>
    %select_n3A_563 = arith.select %eq3A_558, %broadcast_in_dim3A_562, %select_n3A_545 : vector<129x129xi1>, vector<129x129xf32>
    %reduce_min3A_564 = arith.constant dense<0x7F800000> : vector<129xf32>
    %reduce_min3A_565 = vector.multi_reduction <minimumf>, %select_n3A_563, %reduce_min3A_564 [1] : vector<129x129xf32> to vector<129xf32>
    %broadcast_in_dim3A_566 = vector.shape_cast %reduce_min3A_565 : vector<129xf32> to vector<129x1xf32>
    %eq3A_567 = vector.broadcast %broadcast_in_dim3A_566 : vector<129x1xf32> to vector<129x129xf32>
    %eq3A_568 = arith.cmpf oeq, %select_n3A_563, %eq3A_567 : vector<129x129xf32>
    %jit3A_569 = arith.constant 1.290000e+02 : f32
    %broadcast_in_dim3A_570 = vector.broadcast %jit3A_569 : f32 to vector<129x129xf32>
    %select_n3A_571 = arith.select %eq3A_568, %convert_element_type3A_174, %broadcast_in_dim3A_570 : vector<129x129xi1>, vector<129x129xf32>
    %reduce_min3A_572 = arith.constant dense<0x7F800000> : vector<129xf32>
    %reduce_min3A_573 = vector.multi_reduction <minimumf>, %select_n3A_571, %reduce_min3A_572 [1] : vector<129x129xf32> to vector<129xf32>
    %broadcast_in_dim3A_574 = vector.shape_cast %reduce_min3A_573 : vector<129xf32> to vector<129x1xf32>
    %eq3A_575 = vector.broadcast %broadcast_in_dim3A_574 : vector<129x1xf32> to vector<129x129xf32>
    %eq3A_576 = arith.cmpf oeq, %convert_element_type3A_174, %eq3A_575 : vector<129x129xf32>
    %jit3A_577 = arith.constant 1.000000e+30 : f32
    %broadcast_in_dim3A_578 = vector.broadcast %jit3A_577 : f32 to vector<129x129xf32>
    %select_n3A_579 = arith.select %eq3A_576, %broadcast_in_dim3A_578, %select_n3A_563 : vector<129x129xi1>, vector<129x129xf32>
    %reduce_min3A_580 = arith.constant dense<0x7F800000> : vector<129xf32>
    %reduce_min3A_581 = vector.multi_reduction <minimumf>, %select_n3A_579, %reduce_min3A_580 [1] : vector<129x129xf32> to vector<129xf32>
    %broadcast_in_dim3A_582 = vector.shape_cast %reduce_min3A_581 : vector<129xf32> to vector<129x1xf32>
    %eq3A_583 = vector.broadcast %broadcast_in_dim3A_582 : vector<129x1xf32> to vector<129x129xf32>
    %eq3A_584 = arith.cmpf oeq, %select_n3A_579, %eq3A_583 : vector<129x129xf32>
    %jit3A_585 = arith.constant 1.290000e+02 : f32
    %broadcast_in_dim3A_586 = vector.broadcast %jit3A_585 : f32 to vector<129x129xf32>
    %select_n3A_587 = arith.select %eq3A_584, %convert_element_type3A_174, %broadcast_in_dim3A_586 : vector<129x129xi1>, vector<129x129xf32>
    %reduce_min3A_588 = arith.constant dense<0x7F800000> : vector<129xf32>
    %reduce_min3A_589 = vector.multi_reduction <minimumf>, %select_n3A_587, %reduce_min3A_588 [1] : vector<129x129xf32> to vector<129xf32>
    %broadcast_in_dim3A_590 = vector.shape_cast %reduce_min3A_589 : vector<129xf32> to vector<129x1xf32>
    %eq3A_591 = vector.broadcast %broadcast_in_dim3A_590 : vector<129x1xf32> to vector<129x129xf32>
    %eq3A_592 = arith.cmpf oeq, %convert_element_type3A_174, %eq3A_591 : vector<129x129xf32>
    %convert_element_type3A_593 = arith.extui %eq3A_592 : vector<129x129xi1> to vector<129x129xi32>
    %convert_element_type3A_594 = arith.sitofp %convert_element_type3A_593 : vector<129x129xi32> to vector<129x129xf32>
    %jit3A_595 = arith.constant 1.000000e+30 : f32
    %broadcast_in_dim3A_596 = vector.broadcast %jit3A_595 : f32 to vector<129x129xf32>
    %select_n3A_597 = arith.select %eq3A_592, %broadcast_in_dim3A_596, %select_n3A_579 : vector<129x129xi1>, vector<129x129xf32>
    %reduce_min3A_598 = arith.constant dense<0x7F800000> : vector<129xf32>
    %reduce_min3A_599 = vector.multi_reduction <minimumf>, %select_n3A_597, %reduce_min3A_598 [1] : vector<129x129xf32> to vector<129xf32>
    %broadcast_in_dim3A_600 = vector.shape_cast %reduce_min3A_599 : vector<129xf32> to vector<129x1xf32>
    %eq3A_601 = vector.broadcast %broadcast_in_dim3A_600 : vector<129x1xf32> to vector<129x129xf32>
    %eq3A_602 = arith.cmpf oeq, %select_n3A_597, %eq3A_601 : vector<129x129xf32>
    %jit3A_603 = arith.constant 1.290000e+02 : f32
    %broadcast_in_dim3A_604 = vector.broadcast %jit3A_603 : f32 to vector<129x129xf32>
    %select_n3A_605 = arith.select %eq3A_602, %convert_element_type3A_174, %broadcast_in_dim3A_604 : vector<129x129xi1>, vector<129x129xf32>
    %reduce_min3A_606 = arith.constant dense<0x7F800000> : vector<129xf32>
    %reduce_min3A_607 = vector.multi_reduction <minimumf>, %select_n3A_605, %reduce_min3A_606 [1] : vector<129x129xf32> to vector<129xf32>
    %broadcast_in_dim3A_608 = vector.shape_cast %reduce_min3A_607 : vector<129xf32> to vector<129x1xf32>
    %eq3A_609 = vector.broadcast %broadcast_in_dim3A_608 : vector<129x1xf32> to vector<129x129xf32>
    %eq3A_610 = arith.cmpf oeq, %convert_element_type3A_174, %eq3A_609 : vector<129x129xf32>
    %jit3A_611 = arith.constant 1.000000e+30 : f32
    %broadcast_in_dim3A_612 = vector.broadcast %jit3A_611 : f32 to vector<129x129xf32>
    %select_n3A_613 = arith.select %eq3A_610, %broadcast_in_dim3A_612, %select_n3A_597 : vector<129x129xi1>, vector<129x129xf32>
    %reduce_min3A_614 = arith.constant dense<0x7F800000> : vector<129xf32>
    %reduce_min3A_615 = vector.multi_reduction <minimumf>, %select_n3A_613, %reduce_min3A_614 [1] : vector<129x129xf32> to vector<129xf32>
    %broadcast_in_dim3A_616 = vector.shape_cast %reduce_min3A_615 : vector<129xf32> to vector<129x1xf32>
    %eq3A_617 = vector.broadcast %broadcast_in_dim3A_616 : vector<129x1xf32> to vector<129x129xf32>
    %eq3A_618 = arith.cmpf oeq, %select_n3A_613, %eq3A_617 : vector<129x129xf32>
    %jit3A_619 = arith.constant 1.290000e+02 : f32
    %broadcast_in_dim3A_620 = vector.broadcast %jit3A_619 : f32 to vector<129x129xf32>
    %select_n3A_621 = arith.select %eq3A_618, %convert_element_type3A_174, %broadcast_in_dim3A_620 : vector<129x129xi1>, vector<129x129xf32>
    %reduce_min3A_622 = arith.constant dense<0x7F800000> : vector<129xf32>
    %reduce_min3A_623 = vector.multi_reduction <minimumf>, %select_n3A_621, %reduce_min3A_622 [1] : vector<129x129xf32> to vector<129xf32>
    %broadcast_in_dim3A_624 = vector.shape_cast %reduce_min3A_623 : vector<129xf32> to vector<129x1xf32>
    %eq3A_625 = vector.broadcast %broadcast_in_dim3A_624 : vector<129x1xf32> to vector<129x129xf32>
    %eq3A_626 = arith.cmpf oeq, %convert_element_type3A_174, %eq3A_625 : vector<129x129xf32>
    %convert_element_type3A_627 = arith.extui %eq3A_626 : vector<129x129xi1> to vector<129x129xi32>
    %convert_element_type3A_628 = arith.sitofp %convert_element_type3A_627 : vector<129x129xi32> to vector<129x129xf32>
    %jit3A_629 = arith.constant 1.000000e+30 : f32
    %broadcast_in_dim3A_630 = vector.broadcast %jit3A_629 : f32 to vector<129x129xf32>
    %select_n3A_631 = arith.select %eq3A_626, %broadcast_in_dim3A_630, %select_n3A_613 : vector<129x129xi1>, vector<129x129xf32>
    %reduce_min3A_632 = arith.constant dense<0x7F800000> : vector<129xf32>
    %reduce_min3A_633 = vector.multi_reduction <minimumf>, %select_n3A_631, %reduce_min3A_632 [1] : vector<129x129xf32> to vector<129xf32>
    %broadcast_in_dim3A_634 = vector.shape_cast %reduce_min3A_633 : vector<129xf32> to vector<129x1xf32>
    %eq3A_635 = vector.broadcast %broadcast_in_dim3A_634 : vector<129x1xf32> to vector<129x129xf32>
    %eq3A_636 = arith.cmpf oeq, %select_n3A_631, %eq3A_635 : vector<129x129xf32>
    %jit3A_637 = arith.constant 1.290000e+02 : f32
    %broadcast_in_dim3A_638 = vector.broadcast %jit3A_637 : f32 to vector<129x129xf32>
    %select_n3A_639 = arith.select %eq3A_636, %convert_element_type3A_174, %broadcast_in_dim3A_638 : vector<129x129xi1>, vector<129x129xf32>
    %reduce_min3A_640 = arith.constant dense<0x7F800000> : vector<129xf32>
    %reduce_min3A_641 = vector.multi_reduction <minimumf>, %select_n3A_639, %reduce_min3A_640 [1] : vector<129x129xf32> to vector<129xf32>
    %broadcast_in_dim3A_642 = vector.shape_cast %reduce_min3A_641 : vector<129xf32> to vector<129x1xf32>
    %eq3A_643 = vector.broadcast %broadcast_in_dim3A_642 : vector<129x1xf32> to vector<129x129xf32>
    %eq3A_644 = arith.cmpf oeq, %convert_element_type3A_174, %eq3A_643 : vector<129x129xf32>
    %jit3A_645 = arith.constant 1.000000e+30 : f32
    %broadcast_in_dim3A_646 = vector.broadcast %jit3A_645 : f32 to vector<129x129xf32>
    %select_n3A_647 = arith.select %eq3A_644, %broadcast_in_dim3A_646, %select_n3A_631 : vector<129x129xi1>, vector<129x129xf32>
    %reduce_min3A_648 = arith.constant dense<0x7F800000> : vector<129xf32>
    %reduce_min3A_649 = vector.multi_reduction <minimumf>, %select_n3A_647, %reduce_min3A_648 [1] : vector<129x129xf32> to vector<129xf32>
    %broadcast_in_dim3A_650 = vector.shape_cast %reduce_min3A_649 : vector<129xf32> to vector<129x1xf32>
    %eq3A_651 = vector.broadcast %broadcast_in_dim3A_650 : vector<129x1xf32> to vector<129x129xf32>
    %eq3A_652 = arith.cmpf oeq, %select_n3A_647, %eq3A_651 : vector<129x129xf32>
    %jit3A_653 = arith.constant 1.290000e+02 : f32
    %broadcast_in_dim3A_654 = vector.broadcast %jit3A_653 : f32 to vector<129x129xf32>
    %select_n3A_655 = arith.select %eq3A_652, %convert_element_type3A_174, %broadcast_in_dim3A_654 : vector<129x129xi1>, vector<129x129xf32>
    %reduce_min3A_656 = arith.constant dense<0x7F800000> : vector<129xf32>
    %reduce_min3A_657 = vector.multi_reduction <minimumf>, %select_n3A_655, %reduce_min3A_656 [1] : vector<129x129xf32> to vector<129xf32>
    %broadcast_in_dim3A_658 = vector.shape_cast %reduce_min3A_657 : vector<129xf32> to vector<129x1xf32>
    %eq3A_659 = vector.broadcast %broadcast_in_dim3A_658 : vector<129x1xf32> to vector<129x129xf32>
    %eq3A_660 = arith.cmpf oeq, %convert_element_type3A_174, %eq3A_659 : vector<129x129xf32>
    %convert_element_type3A_661 = arith.extui %eq3A_660 : vector<129x129xi1> to vector<129x129xi32>
    %convert_element_type3A_662 = arith.sitofp %convert_element_type3A_661 : vector<129x129xi32> to vector<129x129xf32>
    %jit3A_663 = arith.constant 1.000000e+30 : f32
    %broadcast_in_dim3A_664 = vector.broadcast %jit3A_663 : f32 to vector<129x129xf32>
    %select_n3A_665 = arith.select %eq3A_660, %broadcast_in_dim3A_664, %select_n3A_647 : vector<129x129xi1>, vector<129x129xf32>
    %reduce_min3A_666 = arith.constant dense<0x7F800000> : vector<129xf32>
    %reduce_min3A_667 = vector.multi_reduction <minimumf>, %select_n3A_665, %reduce_min3A_666 [1] : vector<129x129xf32> to vector<129xf32>
    %broadcast_in_dim3A_668 = vector.shape_cast %reduce_min3A_667 : vector<129xf32> to vector<129x1xf32>
    %eq3A_669 = vector.broadcast %broadcast_in_dim3A_668 : vector<129x1xf32> to vector<129x129xf32>
    %eq3A_670 = arith.cmpf oeq, %select_n3A_665, %eq3A_669 : vector<129x129xf32>
    %jit3A_671 = arith.constant 1.290000e+02 : f32
    %broadcast_in_dim3A_672 = vector.broadcast %jit3A_671 : f32 to vector<129x129xf32>
    %select_n3A_673 = arith.select %eq3A_670, %convert_element_type3A_174, %broadcast_in_dim3A_672 : vector<129x129xi1>, vector<129x129xf32>
    %reduce_min3A_674 = arith.constant dense<0x7F800000> : vector<129xf32>
    %reduce_min3A_675 = vector.multi_reduction <minimumf>, %select_n3A_673, %reduce_min3A_674 [1] : vector<129x129xf32> to vector<129xf32>
    %broadcast_in_dim3A_676 = vector.shape_cast %reduce_min3A_675 : vector<129xf32> to vector<129x1xf32>
    %eq3A_677 = vector.broadcast %broadcast_in_dim3A_676 : vector<129x1xf32> to vector<129x129xf32>
    %eq3A_678 = arith.cmpf oeq, %convert_element_type3A_174, %eq3A_677 : vector<129x129xf32>
    %jit3A_679 = arith.constant 1.000000e+30 : f32
    %broadcast_in_dim3A_680 = vector.broadcast %jit3A_679 : f32 to vector<129x129xf32>
    %select_n3A_681 = arith.select %eq3A_678, %broadcast_in_dim3A_680, %select_n3A_665 : vector<129x129xi1>, vector<129x129xf32>
    %reduce_min3A_682 = arith.constant dense<0x7F800000> : vector<129xf32>
    %reduce_min3A_683 = vector.multi_reduction <minimumf>, %select_n3A_681, %reduce_min3A_682 [1] : vector<129x129xf32> to vector<129xf32>
    %broadcast_in_dim3A_684 = vector.shape_cast %reduce_min3A_683 : vector<129xf32> to vector<129x1xf32>
    %eq3A_685 = vector.broadcast %broadcast_in_dim3A_684 : vector<129x1xf32> to vector<129x129xf32>
    %eq3A_686 = arith.cmpf oeq, %select_n3A_681, %eq3A_685 : vector<129x129xf32>
    %jit3A_687 = arith.constant 1.290000e+02 : f32
    %broadcast_in_dim3A_688 = vector.broadcast %jit3A_687 : f32 to vector<129x129xf32>
    %select_n3A_689 = arith.select %eq3A_686, %convert_element_type3A_174, %broadcast_in_dim3A_688 : vector<129x129xi1>, vector<129x129xf32>
    %reduce_min3A_690 = arith.constant dense<0x7F800000> : vector<129xf32>
    %reduce_min3A_691 = vector.multi_reduction <minimumf>, %select_n3A_689, %reduce_min3A_690 [1] : vector<129x129xf32> to vector<129xf32>
    %broadcast_in_dim3A_692 = vector.shape_cast %reduce_min3A_691 : vector<129xf32> to vector<129x1xf32>
    %eq3A_693 = vector.broadcast %broadcast_in_dim3A_692 : vector<129x1xf32> to vector<129x129xf32>
    %eq3A_694 = arith.cmpf oeq, %convert_element_type3A_174, %eq3A_693 : vector<129x129xf32>
    %convert_element_type3A_695 = arith.extui %eq3A_694 : vector<129x129xi1> to vector<129x129xi32>
    %convert_element_type3A_696 = arith.sitofp %convert_element_type3A_695 : vector<129x129xi32> to vector<129x129xf32>
    %dot_general3A_697 = arith.constant dense<0.000000e+00> : vector<129x99xf32>
    %dot_general3A_698 = tpu.matmul %convert_element_type3A_186, %dot_general3A_160, %dot_general3A_697 {dimension_numbers = #tpu.dot_dimension_numbers<[1], [0], [0], [1], [0, 0, 1, 1], [], []>, transpose_lhs_hint = false} : vector<129x129xf32>, vector<129x99xf32>, vector<129x99xf32> -> vector<129x99xf32>
    %slice3A_699 = vector.extract_strided_slice %dot_general3A_698 {offsets = [0, 0], sizes = [129, 3], strides = [1, 1]} : vector<129x99xf32> to vector<129x3xf32>
    %sub3A_700 = arith.subf %slice3A_699, %slice3A : vector<129x3xf32>
    %slice3A_701 = vector.extract_strided_slice %dot_general3A_698 {offsets = [0, 3], sizes = [129, 96], strides = [1, 1]} : vector<129x99xf32> to vector<129x96xf32>
    %dot_general3A_702 = arith.constant dense<0.000000e+00> : vector<129x99xf32>
    %dot_general3A_703 = tpu.matmul %convert_element_type3A_220, %dot_general3A_160, %dot_general3A_702 {dimension_numbers = #tpu.dot_dimension_numbers<[1], [0], [0], [1], [0, 0, 1, 1], [], []>, transpose_lhs_hint = false} : vector<129x129xf32>, vector<129x99xf32>, vector<129x99xf32> -> vector<129x99xf32>
    %slice3A_704 = vector.extract_strided_slice %dot_general3A_703 {offsets = [0, 0], sizes = [129, 3], strides = [1, 1]} : vector<129x99xf32> to vector<129x3xf32>
    %sub3A_705 = arith.subf %slice3A_704, %slice3A : vector<129x3xf32>
    %slice3A_706 = vector.extract_strided_slice %dot_general3A_703 {offsets = [0, 3], sizes = [129, 96], strides = [1, 1]} : vector<129x99xf32> to vector<129x96xf32>
    %dot_general3A_707 = arith.constant dense<0.000000e+00> : vector<129x99xf32>
    %dot_general3A_708 = tpu.matmul %convert_element_type3A_254, %dot_general3A_160, %dot_general3A_707 {dimension_numbers = #tpu.dot_dimension_numbers<[1], [0], [0], [1], [0, 0, 1, 1], [], []>, transpose_lhs_hint = false} : vector<129x129xf32>, vector<129x99xf32>, vector<129x99xf32> -> vector<129x99xf32>
    %slice3A_709 = vector.extract_strided_slice %dot_general3A_708 {offsets = [0, 0], sizes = [129, 3], strides = [1, 1]} : vector<129x99xf32> to vector<129x3xf32>
    %sub3A_710 = arith.subf %slice3A_709, %slice3A : vector<129x3xf32>
    %slice3A_711 = vector.extract_strided_slice %dot_general3A_708 {offsets = [0, 3], sizes = [129, 96], strides = [1, 1]} : vector<129x99xf32> to vector<129x96xf32>
    %dot_general3A_712 = arith.constant dense<0.000000e+00> : vector<129x99xf32>
    %dot_general3A_713 = tpu.matmul %convert_element_type3A_288, %dot_general3A_160, %dot_general3A_712 {dimension_numbers = #tpu.dot_dimension_numbers<[1], [0], [0], [1], [0, 0, 1, 1], [], []>, transpose_lhs_hint = false} : vector<129x129xf32>, vector<129x99xf32>, vector<129x99xf32> -> vector<129x99xf32>
    %slice3A_714 = vector.extract_strided_slice %dot_general3A_713 {offsets = [0, 0], sizes = [129, 3], strides = [1, 1]} : vector<129x99xf32> to vector<129x3xf32>
    %sub3A_715 = arith.subf %slice3A_714, %slice3A : vector<129x3xf32>
    %slice3A_716 = vector.extract_strided_slice %dot_general3A_713 {offsets = [0, 3], sizes = [129, 96], strides = [1, 1]} : vector<129x99xf32> to vector<129x96xf32>
    %dot_general3A_717 = arith.constant dense<0.000000e+00> : vector<129x99xf32>
    %dot_general3A_718 = tpu.matmul %convert_element_type3A_322, %dot_general3A_160, %dot_general3A_717 {dimension_numbers = #tpu.dot_dimension_numbers<[1], [0], [0], [1], [0, 0, 1, 1], [], []>, transpose_lhs_hint = false} : vector<129x129xf32>, vector<129x99xf32>, vector<129x99xf32> -> vector<129x99xf32>
    %slice3A_719 = vector.extract_strided_slice %dot_general3A_718 {offsets = [0, 0], sizes = [129, 3], strides = [1, 1]} : vector<129x99xf32> to vector<129x3xf32>
    %sub3A_720 = arith.subf %slice3A_719, %slice3A : vector<129x3xf32>
    %slice3A_721 = vector.extract_strided_slice %dot_general3A_718 {offsets = [0, 3], sizes = [129, 96], strides = [1, 1]} : vector<129x99xf32> to vector<129x96xf32>
    %dot_general3A_722 = arith.constant dense<0.000000e+00> : vector<129x99xf32>
    %dot_general3A_723 = tpu.matmul %convert_element_type3A_356, %dot_general3A_160, %dot_general3A_722 {dimension_numbers = #tpu.dot_dimension_numbers<[1], [0], [0], [1], [0, 0, 1, 1], [], []>, transpose_lhs_hint = false} : vector<129x129xf32>, vector<129x99xf32>, vector<129x99xf32> -> vector<129x99xf32>
    %slice3A_724 = vector.extract_strided_slice %dot_general3A_723 {offsets = [0, 0], sizes = [129, 3], strides = [1, 1]} : vector<129x99xf32> to vector<129x3xf32>
    %sub3A_725 = arith.subf %slice3A_724, %slice3A : vector<129x3xf32>
    %slice3A_726 = vector.extract_strided_slice %dot_general3A_723 {offsets = [0, 3], sizes = [129, 96], strides = [1, 1]} : vector<129x99xf32> to vector<129x96xf32>
    %dot_general3A_727 = arith.constant dense<0.000000e+00> : vector<129x99xf32>
    %dot_general3A_728 = tpu.matmul %convert_element_type3A_390, %dot_general3A_160, %dot_general3A_727 {dimension_numbers = #tpu.dot_dimension_numbers<[1], [0], [0], [1], [0, 0, 1, 1], [], []>, transpose_lhs_hint = false} : vector<129x129xf32>, vector<129x99xf32>, vector<129x99xf32> -> vector<129x99xf32>
    %slice3A_729 = vector.extract_strided_slice %dot_general3A_728 {offsets = [0, 0], sizes = [129, 3], strides = [1, 1]} : vector<129x99xf32> to vector<129x3xf32>
    %sub3A_730 = arith.subf %slice3A_729, %slice3A : vector<129x3xf32>
    %slice3A_731 = vector.extract_strided_slice %dot_general3A_728 {offsets = [0, 3], sizes = [129, 96], strides = [1, 1]} : vector<129x99xf32> to vector<129x96xf32>
    %dot_general3A_732 = arith.constant dense<0.000000e+00> : vector<129x99xf32>
    %dot_general3A_733 = tpu.matmul %convert_element_type3A_424, %dot_general3A_160, %dot_general3A_732 {dimension_numbers = #tpu.dot_dimension_numbers<[1], [0], [0], [1], [0, 0, 1, 1], [], []>, transpose_lhs_hint = false} : vector<129x129xf32>, vector<129x99xf32>, vector<129x99xf32> -> vector<129x99xf32>
    %slice3A_734 = vector.extract_strided_slice %dot_general3A_733 {offsets = [0, 0], sizes = [129, 3], strides = [1, 1]} : vector<129x99xf32> to vector<129x3xf32>
    %sub3A_735 = arith.subf %slice3A_734, %slice3A : vector<129x3xf32>
    %slice3A_736 = vector.extract_strided_slice %dot_general3A_733 {offsets = [0, 3], sizes = [129, 96], strides = [1, 1]} : vector<129x99xf32> to vector<129x96xf32>
    %dot_general3A_737 = arith.constant dense<0.000000e+00> : vector<129x99xf32>
    %dot_general3A_738 = tpu.matmul %convert_element_type3A_458, %dot_general3A_160, %dot_general3A_737 {dimension_numbers = #tpu.dot_dimension_numbers<[1], [0], [0], [1], [0, 0, 1, 1], [], []>, transpose_lhs_hint = false} : vector<129x129xf32>, vector<129x99xf32>, vector<129x99xf32> -> vector<129x99xf32>
    %slice3A_739 = vector.extract_strided_slice %dot_general3A_738 {offsets = [0, 0], sizes = [129, 3], strides = [1, 1]} : vector<129x99xf32> to vector<129x3xf32>
    %sub3A_740 = arith.subf %slice3A_739, %slice3A : vector<129x3xf32>
    %slice3A_741 = vector.extract_strided_slice %dot_general3A_738 {offsets = [0, 3], sizes = [129, 96], strides = [1, 1]} : vector<129x99xf32> to vector<129x96xf32>
    %dot_general3A_742 = arith.constant dense<0.000000e+00> : vector<129x99xf32>
    %dot_general3A_743 = tpu.matmul %convert_element_type3A_492, %dot_general3A_160, %dot_general3A_742 {dimension_numbers = #tpu.dot_dimension_numbers<[1], [0], [0], [1], [0, 0, 1, 1], [], []>, transpose_lhs_hint = false} : vector<129x129xf32>, vector<129x99xf32>, vector<129x99xf32> -> vector<129x99xf32>
    %slice3A_744 = vector.extract_strided_slice %dot_general3A_743 {offsets = [0, 0], sizes = [129, 3], strides = [1, 1]} : vector<129x99xf32> to vector<129x3xf32>
    %sub3A_745 = arith.subf %slice3A_744, %slice3A : vector<129x3xf32>
    %slice3A_746 = vector.extract_strided_slice %dot_general3A_743 {offsets = [0, 3], sizes = [129, 96], strides = [1, 1]} : vector<129x99xf32> to vector<129x96xf32>
    %dot_general3A_747 = arith.constant dense<0.000000e+00> : vector<129x99xf32>
    %dot_general3A_748 = tpu.matmul %convert_element_type3A_526, %dot_general3A_160, %dot_general3A_747 {dimension_numbers = #tpu.dot_dimension_numbers<[1], [0], [0], [1], [0, 0, 1, 1], [], []>, transpose_lhs_hint = false} : vector<129x129xf32>, vector<129x99xf32>, vector<129x99xf32> -> vector<129x99xf32>
    %slice3A_749 = vector.extract_strided_slice %dot_general3A_748 {offsets = [0, 0], sizes = [129, 3], strides = [1, 1]} : vector<129x99xf32> to vector<129x3xf32>
    %sub3A_750 = arith.subf %slice3A_749, %slice3A : vector<129x3xf32>
    %slice3A_751 = vector.extract_strided_slice %dot_general3A_748 {offsets = [0, 3], sizes = [129, 96], strides = [1, 1]} : vector<129x99xf32> to vector<129x96xf32>
    %dot_general3A_752 = arith.constant dense<0.000000e+00> : vector<129x99xf32>
    %dot_general3A_753 = tpu.matmul %convert_element_type3A_560, %dot_general3A_160, %dot_general3A_752 {dimension_numbers = #tpu.dot_dimension_numbers<[1], [0], [0], [1], [0, 0, 1, 1], [], []>, transpose_lhs_hint = false} : vector<129x129xf32>, vector<129x99xf32>, vector<129x99xf32> -> vector<129x99xf32>
    %slice3A_754 = vector.extract_strided_slice %dot_general3A_753 {offsets = [0, 0], sizes = [129, 3], strides = [1, 1]} : vector<129x99xf32> to vector<129x3xf32>
    %sub3A_755 = arith.subf %slice3A_754, %slice3A : vector<129x3xf32>
    %slice3A_756 = vector.extract_strided_slice %dot_general3A_753 {offsets = [0, 3], sizes = [129, 96], strides = [1, 1]} : vector<129x99xf32> to vector<129x96xf32>
    %dot_general3A_757 = arith.constant dense<0.000000e+00> : vector<129x99xf32>
    %dot_general3A_758 = tpu.matmul %convert_element_type3A_594, %dot_general3A_160, %dot_general3A_757 {dimension_numbers = #tpu.dot_dimension_numbers<[1], [0], [0], [1], [0, 0, 1, 1], [], []>, transpose_lhs_hint = false} : vector<129x129xf32>, vector<129x99xf32>, vector<129x99xf32> -> vector<129x99xf32>
    %slice3A_759 = vector.extract_strided_slice %dot_general3A_758 {offsets = [0, 0], sizes = [129, 3], strides = [1, 1]} : vector<129x99xf32> to vector<129x3xf32>
    %sub3A_760 = arith.subf %slice3A_759, %slice3A : vector<129x3xf32>
    %slice3A_761 = vector.extract_strided_slice %dot_general3A_758 {offsets = [0, 3], sizes = [129, 96], strides = [1, 1]} : vector<129x99xf32> to vector<129x96xf32>
    %dot_general3A_762 = arith.constant dense<0.000000e+00> : vector<129x99xf32>
    %dot_general3A_763 = tpu.matmul %convert_element_type3A_628, %dot_general3A_160, %dot_general3A_762 {dimension_numbers = #tpu.dot_dimension_numbers<[1], [0], [0], [1], [0, 0, 1, 1], [], []>, transpose_lhs_hint = false} : vector<129x129xf32>, vector<129x99xf32>, vector<129x99xf32> -> vector<129x99xf32>
    %slice3A_764 = vector.extract_strided_slice %dot_general3A_763 {offsets = [0, 0], sizes = [129, 3], strides = [1, 1]} : vector<129x99xf32> to vector<129x3xf32>
    %sub3A_765 = arith.subf %slice3A_764, %slice3A : vector<129x3xf32>
    %slice3A_766 = vector.extract_strided_slice %dot_general3A_763 {offsets = [0, 3], sizes = [129, 96], strides = [1, 1]} : vector<129x99xf32> to vector<129x96xf32>
    %dot_general3A_767 = arith.constant dense<0.000000e+00> : vector<129x99xf32>
    %dot_general3A_768 = tpu.matmul %convert_element_type3A_662, %dot_general3A_160, %dot_general3A_767 {dimension_numbers = #tpu.dot_dimension_numbers<[1], [0], [0], [1], [0, 0, 1, 1], [], []>, transpose_lhs_hint = false} : vector<129x129xf32>, vector<129x99xf32>, vector<129x99xf32> -> vector<129x99xf32>
    %slice3A_769 = vector.extract_strided_slice %dot_general3A_768 {offsets = [0, 0], sizes = [129, 3], strides = [1, 1]} : vector<129x99xf32> to vector<129x3xf32>
    %sub3A_770 = arith.subf %slice3A_769, %slice3A : vector<129x3xf32>
    %slice3A_771 = vector.extract_strided_slice %dot_general3A_768 {offsets = [0, 3], sizes = [129, 96], strides = [1, 1]} : vector<129x99xf32> to vector<129x96xf32>
    %dot_general3A_772 = arith.constant dense<0.000000e+00> : vector<129x99xf32>
    %dot_general3A_773 = tpu.matmul %convert_element_type3A_696, %dot_general3A_160, %dot_general3A_772 {dimension_numbers = #tpu.dot_dimension_numbers<[1], [0], [0], [1], [0, 0, 1, 1], [], []>, transpose_lhs_hint = false} : vector<129x129xf32>, vector<129x99xf32>, vector<129x99xf32> -> vector<129x99xf32>
    %slice3A_774 = vector.extract_strided_slice %dot_general3A_773 {offsets = [0, 0], sizes = [129, 3], strides = [1, 1]} : vector<129x99xf32> to vector<129x3xf32>
    %sub3A_775 = arith.subf %slice3A_774, %slice3A : vector<129x3xf32>
    %slice3A_776 = vector.extract_strided_slice %dot_general3A_773 {offsets = [0, 3], sizes = [129, 96], strides = [1, 1]} : vector<129x99xf32> to vector<129x96xf32>
    %concatenate3A_777 = tpu.concatenate %sub3A_700, %sub3A_705, %sub3A_710, %sub3A_715, %sub3A_720, %sub3A_725, %sub3A_730, %sub3A_735, %sub3A_740, %sub3A_745, %sub3A_750, %sub3A_755, %sub3A_760, %sub3A_765, %sub3A_770, %sub3A_775 in 0 : vector<129x3xf32>, vector<129x3xf32>, vector<129x3xf32>, vector<129x3xf32>, vector<129x3xf32>, vector<129x3xf32>, vector<129x3xf32>, vector<129x3xf32>, vector<129x3xf32>, vector<129x3xf32>, vector<129x3xf32>, vector<129x3xf32>, vector<129x3xf32>, vector<129x3xf32>, vector<129x3xf32>, vector<129x3xf32> -> vector<2064x3xf32>
    %dot_general3A_778 = arith.constant dense<0.000000e+00> : vector<2064x128xf32>
    %dot_general3A_779 = tpu.matmul %concatenate3A_777, %get3A_1, %dot_general3A_778 {dimension_numbers = #tpu.dot_dimension_numbers<[1], [0], [0], [1], [0, 0, 1, 1], [], []>, transpose_lhs_hint = false} : vector<2064x3xf32>, vector<3x128xf32>, vector<2064x128xf32> -> vector<2064x128xf32>
    %add3A_780 = vector.broadcast %get3A_4 : vector<1x128xf32> to vector<2064x128xf32>
    %add3A_781 = arith.addf %dot_general3A_779, %add3A_780 : vector<2064x128xf32>
    %gt3A = arith.constant 0.000000e+00 : f32
    %gt3A_782 = vector.broadcast %gt3A : f32 to vector<2064x128xf32>
    %gt3A_783 = arith.cmpf ogt, %add3A_781, %gt3A_782 : vector<2064x128xf32>
    %exp3A = math.exp %add3A_781 : vector<2064x128xf32>
    %sub3A_784 = arith.constant 1.000000e+00 : f32
    %sub3A_785 = vector.broadcast %sub3A_784 : f32 to vector<2064x128xf32>
    %sub3A_786 = arith.subf %exp3A, %sub3A_785 : vector<2064x128xf32>
    %select_n3A_787 = arith.select %gt3A_783, %add3A_781, %sub3A_786 : vector<2064x128xi1>, vector<2064x128xf32>
    %mul3A_788 = vector.broadcast %get3A_7 : vector<1x128xf32> to vector<2064x128xf32>
    %mul3A_789 = arith.mulf %select_n3A_787, %mul3A_788 : vector<2064x128xf32>
    %add3A_790 = vector.broadcast %get3A_10 : vector<1x128xf32> to vector<2064x128xf32>
    %add3A_791 = arith.addf %mul3A_789, %add3A_790 : vector<2064x128xf32>
    %dot_general3A_792 = arith.constant dense<0.000000e+00> : vector<2064x128xf32>
    %dot_general3A_793 = tpu.matmul %add3A_791, %get3A_13, %dot_general3A_792 {dimension_numbers = #tpu.dot_dimension_numbers<[1], [0], [0], [1], [0, 0, 1, 1], [], []>, transpose_lhs_hint = false} : vector<2064x128xf32>, vector<128x128xf32>, vector<2064x128xf32> -> vector<2064x128xf32>
    %add3A_794 = vector.broadcast %get3A_16 : vector<1x128xf32> to vector<2064x128xf32>
    %add3A_795 = arith.addf %dot_general3A_793, %add3A_794 : vector<2064x128xf32>
    %gt3A_796 = arith.constant 0.000000e+00 : f32
    %gt3A_797 = vector.broadcast %gt3A_796 : f32 to vector<2064x128xf32>
    %gt3A_798 = arith.cmpf ogt, %add3A_795, %gt3A_797 : vector<2064x128xf32>
    %exp3A_799 = math.exp %add3A_795 : vector<2064x128xf32>
    %sub3A_800 = arith.constant 1.000000e+00 : f32
    %sub3A_801 = vector.broadcast %sub3A_800 : f32 to vector<2064x128xf32>
    %sub3A_802 = arith.subf %exp3A_799, %sub3A_801 : vector<2064x128xf32>
    %select_n3A_803 = arith.select %gt3A_798, %add3A_795, %sub3A_802 : vector<2064x128xi1>, vector<2064x128xf32>
    %mul3A_804 = vector.broadcast %get3A_19 : vector<1x128xf32> to vector<2064x128xf32>
    %mul3A_805 = arith.mulf %select_n3A_803, %mul3A_804 : vector<2064x128xf32>
    %add3A_806 = vector.broadcast %get3A_22 : vector<1x128xf32> to vector<2064x128xf32>
    %add3A_807 = arith.addf %mul3A_805, %add3A_806 : vector<2064x128xf32>
    %concatenate3A_808 = tpu.concatenate %sub3A_700, %sub3A_705, %sub3A_710, %sub3A_715, %sub3A_720, %sub3A_725, %sub3A_730, %sub3A_735, %sub3A_740, %sub3A_745, %sub3A_750, %sub3A_755, %sub3A_760, %sub3A_765, %sub3A_770, %sub3A_775 in 1 : vector<129x3xf32>, vector<129x3xf32>, vector<129x3xf32>, vector<129x3xf32>, vector<129x3xf32>, vector<129x3xf32>, vector<129x3xf32>, vector<129x3xf32>, vector<129x3xf32>, vector<129x3xf32>, vector<129x3xf32>, vector<129x3xf32>, vector<129x3xf32>, vector<129x3xf32>, vector<129x3xf32>, vector<129x3xf32> -> vector<129x48xf32>
    %dot_general3A_809 = arith.constant dense<0.000000e+00> : vector<129x256xf32>
    %dot_general3A_810 = tpu.matmul %concatenate3A_808, %get3A_25, %dot_general3A_809 {dimension_numbers = #tpu.dot_dimension_numbers<[1], [0], [0], [1], [0, 0, 1, 1], [], []>, transpose_lhs_hint = false} : vector<129x48xf32>, vector<48x256xf32>, vector<129x256xf32> -> vector<129x256xf32>
    %add3A_811 = vector.broadcast %get3A_28 : vector<1x256xf32> to vector<129x256xf32>
    %add3A_812 = arith.addf %dot_general3A_810, %add3A_811 : vector<129x256xf32>
    %gt3A_813 = arith.constant 0.000000e+00 : f32
    %gt3A_814 = vector.broadcast %gt3A_813 : f32 to vector<129x256xf32>
    %gt3A_815 = arith.cmpf ogt, %add3A_812, %gt3A_814 : vector<129x256xf32>
    %exp3A_816 = math.exp %add3A_812 : vector<129x256xf32>
    %sub3A_817 = arith.constant 1.000000e+00 : f32
    %sub3A_818 = vector.broadcast %sub3A_817 : f32 to vector<129x256xf32>
    %sub3A_819 = arith.subf %exp3A_816, %sub3A_818 : vector<129x256xf32>
    %select_n3A_820 = arith.select %gt3A_815, %add3A_812, %sub3A_819 : vector<129x256xi1>, vector<129x256xf32>
    %mul3A_821 = vector.broadcast %get3A_31 : vector<1x256xf32> to vector<129x256xf32>
    %mul3A_822 = arith.mulf %select_n3A_820, %mul3A_821 : vector<129x256xf32>
    %add3A_823 = vector.broadcast %get3A_34 : vector<1x256xf32> to vector<129x256xf32>
    %add3A_824 = arith.addf %mul3A_822, %add3A_823 : vector<129x256xf32>
    %dot_general3A_825 = arith.constant dense<0.000000e+00> : vector<129x256xf32>
    %dot_general3A_826 = tpu.matmul %add3A_824, %get3A_37, %dot_general3A_825 {dimension_numbers = #tpu.dot_dimension_numbers<[1], [0], [0], [1], [0, 0, 1, 1], [], []>, transpose_lhs_hint = false} : vector<129x256xf32>, vector<256x256xf32>, vector<129x256xf32> -> vector<129x256xf32>
    %add3A_827 = vector.broadcast %get3A_40 : vector<1x256xf32> to vector<129x256xf32>
    %add3A_828 = arith.addf %dot_general3A_826, %add3A_827 : vector<129x256xf32>
    %gt3A_829 = arith.constant 0.000000e+00 : f32
    %gt3A_830 = vector.broadcast %gt3A_829 : f32 to vector<129x256xf32>
    %gt3A_831 = arith.cmpf ogt, %add3A_828, %gt3A_830 : vector<129x256xf32>
    %exp3A_832 = math.exp %add3A_828 : vector<129x256xf32>
    %sub3A_833 = arith.constant 1.000000e+00 : f32
    %sub3A_834 = vector.broadcast %sub3A_833 : f32 to vector<129x256xf32>
    %sub3A_835 = arith.subf %exp3A_832, %sub3A_834 : vector<129x256xf32>
    %select_n3A_836 = arith.select %gt3A_831, %add3A_828, %sub3A_835 : vector<129x256xi1>, vector<129x256xf32>
    %mul3A_837 = vector.broadcast %get3A_43 : vector<1x256xf32> to vector<129x256xf32>
    %mul3A_838 = arith.mulf %select_n3A_836, %mul3A_837 : vector<129x256xf32>
    %add3A_839 = vector.broadcast %get3A_46 : vector<1x256xf32> to vector<129x256xf32>
    %add3A_840 = arith.addf %mul3A_838, %add3A_839 : vector<129x256xf32>
    %dot_general3A_841 = arith.constant dense<0.000000e+00> : vector<129x256xf32>
    %dot_general3A_842 = tpu.matmul %add3A_840, %get3A_49, %dot_general3A_841 {dimension_numbers = #tpu.dot_dimension_numbers<[1], [0], [0], [1], [0, 0, 1, 1], [], []>, transpose_lhs_hint = false} : vector<129x256xf32>, vector<256x256xf32>, vector<129x256xf32> -> vector<129x256xf32>
    %add3A_843 = vector.broadcast %get3A_52 : vector<1x256xf32> to vector<129x256xf32>
    %add3A_844 = arith.addf %dot_general3A_842, %add3A_843 : vector<129x256xf32>
    %mul3A_845 = vector.broadcast %get3A_55 : vector<1x256xf32> to vector<129x256xf32>
    %mul3A_846 = arith.mulf %add3A_844, %mul3A_845 : vector<129x256xf32>
    %add3A_847 = vector.broadcast %get3A_58 : vector<1x256xf32> to vector<129x256xf32>
    %add3A_848 = arith.addf %mul3A_846, %add3A_847 : vector<129x256xf32>
    %slice3A_849 = vector.extract_strided_slice %add3A_807 {offsets = [0, 0], sizes = [129, 128], strides = [1, 1]} : vector<2064x128xf32> to vector<129x128xf32>
    %concatenate3A_850 = tpu.concatenate %slice3A_849, %slice3A_701 in 1 : vector<129x128xf32>, vector<129x96xf32> -> vector<129x224xf32>
    %slice3A_851 = vector.extract_strided_slice %add3A_807 {offsets = [129, 0], sizes = [129, 128], strides = [1, 1]} : vector<2064x128xf32> to vector<129x128xf32>
    %concatenate3A_852 = tpu.concatenate %slice3A_851, %slice3A_706 in 1 : vector<129x128xf32>, vector<129x96xf32> -> vector<129x224xf32>
    %slice3A_853 = vector.extract_strided_slice %add3A_807 {offsets = [258, 0], sizes = [129, 128], strides = [1, 1]} : vector<2064x128xf32> to vector<129x128xf32>
    %concatenate3A_854 = tpu.concatenate %slice3A_853, %slice3A_711 in 1 : vector<129x128xf32>, vector<129x96xf32> -> vector<129x224xf32>
    %slice3A_855 = vector.extract_strided_slice %add3A_807 {offsets = [387, 0], sizes = [129, 128], strides = [1, 1]} : vector<2064x128xf32> to vector<129x128xf32>
    %concatenate3A_856 = tpu.concatenate %slice3A_855, %slice3A_716 in 1 : vector<129x128xf32>, vector<129x96xf32> -> vector<129x224xf32>
    %slice3A_857 = vector.extract_strided_slice %add3A_807 {offsets = [516, 0], sizes = [129, 128], strides = [1, 1]} : vector<2064x128xf32> to vector<129x128xf32>
    %concatenate3A_858 = tpu.concatenate %slice3A_857, %slice3A_721 in 1 : vector<129x128xf32>, vector<129x96xf32> -> vector<129x224xf32>
    %slice3A_859 = vector.extract_strided_slice %add3A_807 {offsets = [645, 0], sizes = [129, 128], strides = [1, 1]} : vector<2064x128xf32> to vector<129x128xf32>
    %concatenate3A_860 = tpu.concatenate %slice3A_859, %slice3A_726 in 1 : vector<129x128xf32>, vector<129x96xf32> -> vector<129x224xf32>
    %slice3A_861 = vector.extract_strided_slice %add3A_807 {offsets = [774, 0], sizes = [129, 128], strides = [1, 1]} : vector<2064x128xf32> to vector<129x128xf32>
    %concatenate3A_862 = tpu.concatenate %slice3A_861, %slice3A_731 in 1 : vector<129x128xf32>, vector<129x96xf32> -> vector<129x224xf32>
    %slice3A_863 = vector.extract_strided_slice %add3A_807 {offsets = [903, 0], sizes = [129, 128], strides = [1, 1]} : vector<2064x128xf32> to vector<129x128xf32>
    %concatenate3A_864 = tpu.concatenate %slice3A_863, %slice3A_736 in 1 : vector<129x128xf32>, vector<129x96xf32> -> vector<129x224xf32>
    %slice3A_865 = vector.extract_strided_slice %add3A_807 {offsets = [1032, 0], sizes = [129, 128], strides = [1, 1]} : vector<2064x128xf32> to vector<129x128xf32>
    %concatenate3A_866 = tpu.concatenate %slice3A_865, %slice3A_741 in 1 : vector<129x128xf32>, vector<129x96xf32> -> vector<129x224xf32>
    %slice3A_867 = vector.extract_strided_slice %add3A_807 {offsets = [1161, 0], sizes = [129, 128], strides = [1, 1]} : vector<2064x128xf32> to vector<129x128xf32>
    %concatenate3A_868 = tpu.concatenate %slice3A_867, %slice3A_746 in 1 : vector<129x128xf32>, vector<129x96xf32> -> vector<129x224xf32>
    %slice3A_869 = vector.extract_strided_slice %add3A_807 {offsets = [1290, 0], sizes = [129, 128], strides = [1, 1]} : vector<2064x128xf32> to vector<129x128xf32>
    %concatenate3A_870 = tpu.concatenate %slice3A_869, %slice3A_751 in 1 : vector<129x128xf32>, vector<129x96xf32> -> vector<129x224xf32>
    %slice3A_871 = vector.extract_strided_slice %add3A_807 {offsets = [1419, 0], sizes = [129, 128], strides = [1, 1]} : vector<2064x128xf32> to vector<129x128xf32>
    %concatenate3A_872 = tpu.concatenate %slice3A_871, %slice3A_756 in 1 : vector<129x128xf32>, vector<129x96xf32> -> vector<129x224xf32>
    %slice3A_873 = vector.extract_strided_slice %add3A_807 {offsets = [1548, 0], sizes = [129, 128], strides = [1, 1]} : vector<2064x128xf32> to vector<129x128xf32>
    %concatenate3A_874 = tpu.concatenate %slice3A_873, %slice3A_761 in 1 : vector<129x128xf32>, vector<129x96xf32> -> vector<129x224xf32>
    %slice3A_875 = vector.extract_strided_slice %add3A_807 {offsets = [1677, 0], sizes = [129, 128], strides = [1, 1]} : vector<2064x128xf32> to vector<129x128xf32>
    %concatenate3A_876 = tpu.concatenate %slice3A_875, %slice3A_766 in 1 : vector<129x128xf32>, vector<129x96xf32> -> vector<129x224xf32>
    %slice3A_877 = vector.extract_strided_slice %add3A_807 {offsets = [1806, 0], sizes = [129, 128], strides = [1, 1]} : vector<2064x128xf32> to vector<129x128xf32>
    %concatenate3A_878 = tpu.concatenate %slice3A_877, %slice3A_771 in 1 : vector<129x128xf32>, vector<129x96xf32> -> vector<129x224xf32>
    %slice3A_879 = vector.extract_strided_slice %add3A_807 {offsets = [1935, 0], sizes = [129, 128], strides = [1, 1]} : vector<2064x128xf32> to vector<129x128xf32>
    %concatenate3A_880 = tpu.concatenate %slice3A_879, %slice3A_776 in 1 : vector<129x128xf32>, vector<129x96xf32> -> vector<129x224xf32>
    %slice3A_881 = vector.extract_strided_slice %add3A_848 {offsets = [0, 0], sizes = [129, 16], strides = [1, 1]} : vector<129x256xf32> to vector<129x16xf32>
    %dot_general3A_882 = arith.constant dense<0.000000e+00> : vector<129x224xf32>
    %dot_general3A_883 = tpu.matmul %slice3A_881, %get3A_61, %dot_general3A_882 {dimension_numbers = #tpu.dot_dimension_numbers<[1], [0], [0], [1], [0, 0, 1, 1], [], []>, transpose_lhs_hint = false} : vector<129x16xf32>, vector<16x224xf32>, vector<129x224xf32> -> vector<129x224xf32>
    %mul3A_884 = arith.mulf %concatenate3A_850, %dot_general3A_883 : vector<129x224xf32>
    %slice3A_885 = vector.extract_strided_slice %add3A_848 {offsets = [0, 16], sizes = [129, 16], strides = [1, 1]} : vector<129x256xf32> to vector<129x16xf32>
    %dot_general3A_886 = arith.constant dense<0.000000e+00> : vector<129x224xf32>
    %dot_general3A_887 = tpu.matmul %slice3A_885, %get3A_61, %dot_general3A_886 {dimension_numbers = #tpu.dot_dimension_numbers<[1], [0], [0], [1], [0, 0, 1, 1], [], []>, transpose_lhs_hint = false} : vector<129x16xf32>, vector<16x224xf32>, vector<129x224xf32> -> vector<129x224xf32>
    %mul3A_888 = arith.mulf %concatenate3A_852, %dot_general3A_887 : vector<129x224xf32>
    %add3A_889 = arith.addf %mul3A_884, %mul3A_888 : vector<129x224xf32>
    %slice3A_890 = vector.extract_strided_slice %add3A_848 {offsets = [0, 32], sizes = [129, 16], strides = [1, 1]} : vector<129x256xf32> to vector<129x16xf32>
    %dot_general3A_891 = arith.constant dense<0.000000e+00> : vector<129x224xf32>
    %dot_general3A_892 = tpu.matmul %slice3A_890, %get3A_61, %dot_general3A_891 {dimension_numbers = #tpu.dot_dimension_numbers<[1], [0], [0], [1], [0, 0, 1, 1], [], []>, transpose_lhs_hint = false} : vector<129x16xf32>, vector<16x224xf32>, vector<129x224xf32> -> vector<129x224xf32>
    %mul3A_893 = arith.mulf %concatenate3A_854, %dot_general3A_892 : vector<129x224xf32>
    %add3A_894 = arith.addf %add3A_889, %mul3A_893 : vector<129x224xf32>
    %slice3A_895 = vector.extract_strided_slice %add3A_848 {offsets = [0, 48], sizes = [129, 16], strides = [1, 1]} : vector<129x256xf32> to vector<129x16xf32>
    %dot_general3A_896 = arith.constant dense<0.000000e+00> : vector<129x224xf32>
    %dot_general3A_897 = tpu.matmul %slice3A_895, %get3A_61, %dot_general3A_896 {dimension_numbers = #tpu.dot_dimension_numbers<[1], [0], [0], [1], [0, 0, 1, 1], [], []>, transpose_lhs_hint = false} : vector<129x16xf32>, vector<16x224xf32>, vector<129x224xf32> -> vector<129x224xf32>
    %mul3A_898 = arith.mulf %concatenate3A_856, %dot_general3A_897 : vector<129x224xf32>
    %add3A_899 = arith.addf %add3A_894, %mul3A_898 : vector<129x224xf32>
    %slice3A_900 = vector.extract_strided_slice %add3A_848 {offsets = [0, 64], sizes = [129, 16], strides = [1, 1]} : vector<129x256xf32> to vector<129x16xf32>
    %dot_general3A_901 = arith.constant dense<0.000000e+00> : vector<129x224xf32>
    %dot_general3A_902 = tpu.matmul %slice3A_900, %get3A_61, %dot_general3A_901 {dimension_numbers = #tpu.dot_dimension_numbers<[1], [0], [0], [1], [0, 0, 1, 1], [], []>, transpose_lhs_hint = false} : vector<129x16xf32>, vector<16x224xf32>, vector<129x224xf32> -> vector<129x224xf32>
    %mul3A_903 = arith.mulf %concatenate3A_858, %dot_general3A_902 : vector<129x224xf32>
    %add3A_904 = arith.addf %add3A_899, %mul3A_903 : vector<129x224xf32>
    %slice3A_905 = vector.extract_strided_slice %add3A_848 {offsets = [0, 80], sizes = [129, 16], strides = [1, 1]} : vector<129x256xf32> to vector<129x16xf32>
    %dot_general3A_906 = arith.constant dense<0.000000e+00> : vector<129x224xf32>
    %dot_general3A_907 = tpu.matmul %slice3A_905, %get3A_61, %dot_general3A_906 {dimension_numbers = #tpu.dot_dimension_numbers<[1], [0], [0], [1], [0, 0, 1, 1], [], []>, transpose_lhs_hint = false} : vector<129x16xf32>, vector<16x224xf32>, vector<129x224xf32> -> vector<129x224xf32>
    %mul3A_908 = arith.mulf %concatenate3A_860, %dot_general3A_907 : vector<129x224xf32>
    %add3A_909 = arith.addf %add3A_904, %mul3A_908 : vector<129x224xf32>
    %slice3A_910 = vector.extract_strided_slice %add3A_848 {offsets = [0, 96], sizes = [129, 16], strides = [1, 1]} : vector<129x256xf32> to vector<129x16xf32>
    %dot_general3A_911 = arith.constant dense<0.000000e+00> : vector<129x224xf32>
    %dot_general3A_912 = tpu.matmul %slice3A_910, %get3A_61, %dot_general3A_911 {dimension_numbers = #tpu.dot_dimension_numbers<[1], [0], [0], [1], [0, 0, 1, 1], [], []>, transpose_lhs_hint = false} : vector<129x16xf32>, vector<16x224xf32>, vector<129x224xf32> -> vector<129x224xf32>
    %mul3A_913 = arith.mulf %concatenate3A_862, %dot_general3A_912 : vector<129x224xf32>
    %add3A_914 = arith.addf %add3A_909, %mul3A_913 : vector<129x224xf32>
    %slice3A_915 = vector.extract_strided_slice %add3A_848 {offsets = [0, 112], sizes = [129, 16], strides = [1, 1]} : vector<129x256xf32> to vector<129x16xf32>
    %dot_general3A_916 = arith.constant dense<0.000000e+00> : vector<129x224xf32>
    %dot_general3A_917 = tpu.matmul %slice3A_915, %get3A_61, %dot_general3A_916 {dimension_numbers = #tpu.dot_dimension_numbers<[1], [0], [0], [1], [0, 0, 1, 1], [], []>, transpose_lhs_hint = false} : vector<129x16xf32>, vector<16x224xf32>, vector<129x224xf32> -> vector<129x224xf32>
    %mul3A_918 = arith.mulf %concatenate3A_864, %dot_general3A_917 : vector<129x224xf32>
    %add3A_919 = arith.addf %add3A_914, %mul3A_918 : vector<129x224xf32>
    %slice3A_920 = vector.extract_strided_slice %add3A_848 {offsets = [0, 128], sizes = [129, 16], strides = [1, 1]} : vector<129x256xf32> to vector<129x16xf32>
    %dot_general3A_921 = arith.constant dense<0.000000e+00> : vector<129x224xf32>
    %dot_general3A_922 = tpu.matmul %slice3A_920, %get3A_61, %dot_general3A_921 {dimension_numbers = #tpu.dot_dimension_numbers<[1], [0], [0], [1], [0, 0, 1, 1], [], []>, transpose_lhs_hint = false} : vector<129x16xf32>, vector<16x224xf32>, vector<129x224xf32> -> vector<129x224xf32>
    %mul3A_923 = arith.mulf %concatenate3A_866, %dot_general3A_922 : vector<129x224xf32>
    %add3A_924 = arith.addf %add3A_919, %mul3A_923 : vector<129x224xf32>
    %slice3A_925 = vector.extract_strided_slice %add3A_848 {offsets = [0, 144], sizes = [129, 16], strides = [1, 1]} : vector<129x256xf32> to vector<129x16xf32>
    %dot_general3A_926 = arith.constant dense<0.000000e+00> : vector<129x224xf32>
    %dot_general3A_927 = tpu.matmul %slice3A_925, %get3A_61, %dot_general3A_926 {dimension_numbers = #tpu.dot_dimension_numbers<[1], [0], [0], [1], [0, 0, 1, 1], [], []>, transpose_lhs_hint = false} : vector<129x16xf32>, vector<16x224xf32>, vector<129x224xf32> -> vector<129x224xf32>
    %mul3A_928 = arith.mulf %concatenate3A_868, %dot_general3A_927 : vector<129x224xf32>
    %add3A_929 = arith.addf %add3A_924, %mul3A_928 : vector<129x224xf32>
    %slice3A_930 = vector.extract_strided_slice %add3A_848 {offsets = [0, 160], sizes = [129, 16], strides = [1, 1]} : vector<129x256xf32> to vector<129x16xf32>
    %dot_general3A_931 = arith.constant dense<0.000000e+00> : vector<129x224xf32>
    %dot_general3A_932 = tpu.matmul %slice3A_930, %get3A_61, %dot_general3A_931 {dimension_numbers = #tpu.dot_dimension_numbers<[1], [0], [0], [1], [0, 0, 1, 1], [], []>, transpose_lhs_hint = false} : vector<129x16xf32>, vector<16x224xf32>, vector<129x224xf32> -> vector<129x224xf32>
    %mul3A_933 = arith.mulf %concatenate3A_870, %dot_general3A_932 : vector<129x224xf32>
    %add3A_934 = arith.addf %add3A_929, %mul3A_933 : vector<129x224xf32>
    %slice3A_935 = vector.extract_strided_slice %add3A_848 {offsets = [0, 176], sizes = [129, 16], strides = [1, 1]} : vector<129x256xf32> to vector<129x16xf32>
    %dot_general3A_936 = arith.constant dense<0.000000e+00> : vector<129x224xf32>
    %dot_general3A_937 = tpu.matmul %slice3A_935, %get3A_61, %dot_general3A_936 {dimension_numbers = #tpu.dot_dimension_numbers<[1], [0], [0], [1], [0, 0, 1, 1], [], []>, transpose_lhs_hint = false} : vector<129x16xf32>, vector<16x224xf32>, vector<129x224xf32> -> vector<129x224xf32>
    %mul3A_938 = arith.mulf %concatenate3A_872, %dot_general3A_937 : vector<129x224xf32>
    %add3A_939 = arith.addf %add3A_934, %mul3A_938 : vector<129x224xf32>
    %slice3A_940 = vector.extract_strided_slice %add3A_848 {offsets = [0, 192], sizes = [129, 16], strides = [1, 1]} : vector<129x256xf32> to vector<129x16xf32>
    %dot_general3A_941 = arith.constant dense<0.000000e+00> : vector<129x224xf32>
    %dot_general3A_942 = tpu.matmul %slice3A_940, %get3A_61, %dot_general3A_941 {dimension_numbers = #tpu.dot_dimension_numbers<[1], [0], [0], [1], [0, 0, 1, 1], [], []>, transpose_lhs_hint = false} : vector<129x16xf32>, vector<16x224xf32>, vector<129x224xf32> -> vector<129x224xf32>
    %mul3A_943 = arith.mulf %concatenate3A_874, %dot_general3A_942 : vector<129x224xf32>
    %add3A_944 = arith.addf %add3A_939, %mul3A_943 : vector<129x224xf32>
    %slice3A_945 = vector.extract_strided_slice %add3A_848 {offsets = [0, 208], sizes = [129, 16], strides = [1, 1]} : vector<129x256xf32> to vector<129x16xf32>
    %dot_general3A_946 = arith.constant dense<0.000000e+00> : vector<129x224xf32>
    %dot_general3A_947 = tpu.matmul %slice3A_945, %get3A_61, %dot_general3A_946 {dimension_numbers = #tpu.dot_dimension_numbers<[1], [0], [0], [1], [0, 0, 1, 1], [], []>, transpose_lhs_hint = false} : vector<129x16xf32>, vector<16x224xf32>, vector<129x224xf32> -> vector<129x224xf32>
    %mul3A_948 = arith.mulf %concatenate3A_876, %dot_general3A_947 : vector<129x224xf32>
    %add3A_949 = arith.addf %add3A_944, %mul3A_948 : vector<129x224xf32>
    %slice3A_950 = vector.extract_strided_slice %add3A_848 {offsets = [0, 224], sizes = [129, 16], strides = [1, 1]} : vector<129x256xf32> to vector<129x16xf32>
    %dot_general3A_951 = arith.constant dense<0.000000e+00> : vector<129x224xf32>
    %dot_general3A_952 = tpu.matmul %slice3A_950, %get3A_61, %dot_general3A_951 {dimension_numbers = #tpu.dot_dimension_numbers<[1], [0], [0], [1], [0, 0, 1, 1], [], []>, transpose_lhs_hint = false} : vector<129x16xf32>, vector<16x224xf32>, vector<129x224xf32> -> vector<129x224xf32>
    %mul3A_953 = arith.mulf %concatenate3A_878, %dot_general3A_952 : vector<129x224xf32>
    %add3A_954 = arith.addf %add3A_949, %mul3A_953 : vector<129x224xf32>
    %slice3A_955 = vector.extract_strided_slice %add3A_848 {offsets = [0, 240], sizes = [129, 16], strides = [1, 1]} : vector<129x256xf32> to vector<129x16xf32>
    %dot_general3A_956 = arith.constant dense<0.000000e+00> : vector<129x224xf32>
    %dot_general3A_957 = tpu.matmul %slice3A_955, %get3A_61, %dot_general3A_956 {dimension_numbers = #tpu.dot_dimension_numbers<[1], [0], [0], [1], [0, 0, 1, 1], [], []>, transpose_lhs_hint = false} : vector<129x16xf32>, vector<16x224xf32>, vector<129x224xf32> -> vector<129x224xf32>
    %mul3A_958 = arith.mulf %concatenate3A_880, %dot_general3A_957 : vector<129x224xf32>
    %add3A_959 = arith.addf %add3A_954, %mul3A_958 : vector<129x224xf32>
    %add3A_960 = vector.broadcast %get3A_64 : vector<1x224xf32> to vector<129x224xf32>
    %add3A_961 = arith.addf %add3A_959, %add3A_960 : vector<129x224xf32>
    %dot_general3A_962 = arith.constant dense<0.000000e+00> : vector<129x192xf32>
    %dot_general3A_963 = tpu.matmul %add3A_961, %get3A_67, %dot_general3A_962 {dimension_numbers = #tpu.dot_dimension_numbers<[1], [0], [0], [1], [0, 0, 1, 1], [], []>, transpose_lhs_hint = false} : vector<129x224xf32>, vector<224x192xf32>, vector<129x192xf32> -> vector<129x192xf32>
    %add3A_964 = vector.broadcast %get3A_70 : vector<1x192xf32> to vector<129x192xf32>
    %add3A_965 = arith.addf %dot_general3A_963, %add3A_964 : vector<129x192xf32>
    %max3A = arith.constant 0.000000e+00 : f32
    %max3A_966 = vector.broadcast %max3A : f32 to vector<129x192xf32>
    %max3A_967 = arith.maximumf %add3A_965, %max3A_966 : vector<129x192xf32>
    %concatenate3A_968 = tpu.concatenate %slice3A, %max3A_967 in 1 : vector<129x3xf32>, vector<129x192xf32> -> vector<129x195xf32>
    %dot_general3A_969 = arith.constant dense<0.000000e+00> : vector<129x195xf32>
    %dot_general3A_970 = tpu.matmul %convert_element_type3A_186, %concatenate3A_968, %dot_general3A_969 {dimension_numbers = #tpu.dot_dimension_numbers<[1], [0], [0], [1], [0, 0, 1, 1], [], []>, transpose_lhs_hint = false} : vector<129x129xf32>, vector<129x195xf32>, vector<129x195xf32> -> vector<129x195xf32>
    %slice3A_971 = vector.extract_strided_slice %dot_general3A_970 {offsets = [0, 0], sizes = [129, 3], strides = [1, 1]} : vector<129x195xf32> to vector<129x3xf32>
    %sub3A_972 = arith.subf %slice3A_971, %slice3A : vector<129x3xf32>
    %slice3A_973 = vector.extract_strided_slice %dot_general3A_970 {offsets = [0, 3], sizes = [129, 192], strides = [1, 1]} : vector<129x195xf32> to vector<129x192xf32>
    %dot_general3A_974 = arith.constant dense<0.000000e+00> : vector<129x195xf32>
    %dot_general3A_975 = tpu.matmul %convert_element_type3A_220, %concatenate3A_968, %dot_general3A_974 {dimension_numbers = #tpu.dot_dimension_numbers<[1], [0], [0], [1], [0, 0, 1, 1], [], []>, transpose_lhs_hint = false} : vector<129x129xf32>, vector<129x195xf32>, vector<129x195xf32> -> vector<129x195xf32>
    %slice3A_976 = vector.extract_strided_slice %dot_general3A_975 {offsets = [0, 0], sizes = [129, 3], strides = [1, 1]} : vector<129x195xf32> to vector<129x3xf32>
    %sub3A_977 = arith.subf %slice3A_976, %slice3A : vector<129x3xf32>
    %slice3A_978 = vector.extract_strided_slice %dot_general3A_975 {offsets = [0, 3], sizes = [129, 192], strides = [1, 1]} : vector<129x195xf32> to vector<129x192xf32>
    %dot_general3A_979 = arith.constant dense<0.000000e+00> : vector<129x195xf32>
    %dot_general3A_980 = tpu.matmul %convert_element_type3A_254, %concatenate3A_968, %dot_general3A_979 {dimension_numbers = #tpu.dot_dimension_numbers<[1], [0], [0], [1], [0, 0, 1, 1], [], []>, transpose_lhs_hint = false} : vector<129x129xf32>, vector<129x195xf32>, vector<129x195xf32> -> vector<129x195xf32>
    %slice3A_981 = vector.extract_strided_slice %dot_general3A_980 {offsets = [0, 0], sizes = [129, 3], strides = [1, 1]} : vector<129x195xf32> to vector<129x3xf32>
    %sub3A_982 = arith.subf %slice3A_981, %slice3A : vector<129x3xf32>
    %slice3A_983 = vector.extract_strided_slice %dot_general3A_980 {offsets = [0, 3], sizes = [129, 192], strides = [1, 1]} : vector<129x195xf32> to vector<129x192xf32>
    %dot_general3A_984 = arith.constant dense<0.000000e+00> : vector<129x195xf32>
    %dot_general3A_985 = tpu.matmul %convert_element_type3A_288, %concatenate3A_968, %dot_general3A_984 {dimension_numbers = #tpu.dot_dimension_numbers<[1], [0], [0], [1], [0, 0, 1, 1], [], []>, transpose_lhs_hint = false} : vector<129x129xf32>, vector<129x195xf32>, vector<129x195xf32> -> vector<129x195xf32>
    %slice3A_986 = vector.extract_strided_slice %dot_general3A_985 {offsets = [0, 0], sizes = [129, 3], strides = [1, 1]} : vector<129x195xf32> to vector<129x3xf32>
    %sub3A_987 = arith.subf %slice3A_986, %slice3A : vector<129x3xf32>
    %slice3A_988 = vector.extract_strided_slice %dot_general3A_985 {offsets = [0, 3], sizes = [129, 192], strides = [1, 1]} : vector<129x195xf32> to vector<129x192xf32>
    %dot_general3A_989 = arith.constant dense<0.000000e+00> : vector<129x195xf32>
    %dot_general3A_990 = tpu.matmul %convert_element_type3A_322, %concatenate3A_968, %dot_general3A_989 {dimension_numbers = #tpu.dot_dimension_numbers<[1], [0], [0], [1], [0, 0, 1, 1], [], []>, transpose_lhs_hint = false} : vector<129x129xf32>, vector<129x195xf32>, vector<129x195xf32> -> vector<129x195xf32>
    %slice3A_991 = vector.extract_strided_slice %dot_general3A_990 {offsets = [0, 0], sizes = [129, 3], strides = [1, 1]} : vector<129x195xf32> to vector<129x3xf32>
    %sub3A_992 = arith.subf %slice3A_991, %slice3A : vector<129x3xf32>
    %slice3A_993 = vector.extract_strided_slice %dot_general3A_990 {offsets = [0, 3], sizes = [129, 192], strides = [1, 1]} : vector<129x195xf32> to vector<129x192xf32>
    %dot_general3A_994 = arith.constant dense<0.000000e+00> : vector<129x195xf32>
    %dot_general3A_995 = tpu.matmul %convert_element_type3A_356, %concatenate3A_968, %dot_general3A_994 {dimension_numbers = #tpu.dot_dimension_numbers<[1], [0], [0], [1], [0, 0, 1, 1], [], []>, transpose_lhs_hint = false} : vector<129x129xf32>, vector<129x195xf32>, vector<129x195xf32> -> vector<129x195xf32>
    %slice3A_996 = vector.extract_strided_slice %dot_general3A_995 {offsets = [0, 0], sizes = [129, 3], strides = [1, 1]} : vector<129x195xf32> to vector<129x3xf32>
    %sub3A_997 = arith.subf %slice3A_996, %slice3A : vector<129x3xf32>
    %slice3A_998 = vector.extract_strided_slice %dot_general3A_995 {offsets = [0, 3], sizes = [129, 192], strides = [1, 1]} : vector<129x195xf32> to vector<129x192xf32>
    %dot_general3A_999 = arith.constant dense<0.000000e+00> : vector<129x195xf32>
    %dot_general3A_1000 = tpu.matmul %convert_element_type3A_390, %concatenate3A_968, %dot_general3A_999 {dimension_numbers = #tpu.dot_dimension_numbers<[1], [0], [0], [1], [0, 0, 1, 1], [], []>, transpose_lhs_hint = false} : vector<129x129xf32>, vector<129x195xf32>, vector<129x195xf32> -> vector<129x195xf32>
    %slice3A_1001 = vector.extract_strided_slice %dot_general3A_1000 {offsets = [0, 0], sizes = [129, 3], strides = [1, 1]} : vector<129x195xf32> to vector<129x3xf32>
    %sub3A_1002 = arith.subf %slice3A_1001, %slice3A : vector<129x3xf32>
    %slice3A_1003 = vector.extract_strided_slice %dot_general3A_1000 {offsets = [0, 3], sizes = [129, 192], strides = [1, 1]} : vector<129x195xf32> to vector<129x192xf32>
    %dot_general3A_1004 = arith.constant dense<0.000000e+00> : vector<129x195xf32>
    %dot_general3A_1005 = tpu.matmul %convert_element_type3A_424, %concatenate3A_968, %dot_general3A_1004 {dimension_numbers = #tpu.dot_dimension_numbers<[1], [0], [0], [1], [0, 0, 1, 1], [], []>, transpose_lhs_hint = false} : vector<129x129xf32>, vector<129x195xf32>, vector<129x195xf32> -> vector<129x195xf32>
    %slice3A_1006 = vector.extract_strided_slice %dot_general3A_1005 {offsets = [0, 0], sizes = [129, 3], strides = [1, 1]} : vector<129x195xf32> to vector<129x3xf32>
    %sub3A_1007 = arith.subf %slice3A_1006, %slice3A : vector<129x3xf32>
    %slice3A_1008 = vector.extract_strided_slice %dot_general3A_1005 {offsets = [0, 3], sizes = [129, 192], strides = [1, 1]} : vector<129x195xf32> to vector<129x192xf32>
    %dot_general3A_1009 = arith.constant dense<0.000000e+00> : vector<129x195xf32>
    %dot_general3A_1010 = tpu.matmul %convert_element_type3A_458, %concatenate3A_968, %dot_general3A_1009 {dimension_numbers = #tpu.dot_dimension_numbers<[1], [0], [0], [1], [0, 0, 1, 1], [], []>, transpose_lhs_hint = false} : vector<129x129xf32>, vector<129x195xf32>, vector<129x195xf32> -> vector<129x195xf32>
    %slice3A_1011 = vector.extract_strided_slice %dot_general3A_1010 {offsets = [0, 0], sizes = [129, 3], strides = [1, 1]} : vector<129x195xf32> to vector<129x3xf32>
    %sub3A_1012 = arith.subf %slice3A_1011, %slice3A : vector<129x3xf32>
    %slice3A_1013 = vector.extract_strided_slice %dot_general3A_1010 {offsets = [0, 3], sizes = [129, 192], strides = [1, 1]} : vector<129x195xf32> to vector<129x192xf32>
    %dot_general3A_1014 = arith.constant dense<0.000000e+00> : vector<129x195xf32>
    %dot_general3A_1015 = tpu.matmul %convert_element_type3A_492, %concatenate3A_968, %dot_general3A_1014 {dimension_numbers = #tpu.dot_dimension_numbers<[1], [0], [0], [1], [0, 0, 1, 1], [], []>, transpose_lhs_hint = false} : vector<129x129xf32>, vector<129x195xf32>, vector<129x195xf32> -> vector<129x195xf32>
    %slice3A_1016 = vector.extract_strided_slice %dot_general3A_1015 {offsets = [0, 0], sizes = [129, 3], strides = [1, 1]} : vector<129x195xf32> to vector<129x3xf32>
    %sub3A_1017 = arith.subf %slice3A_1016, %slice3A : vector<129x3xf32>
    %slice3A_1018 = vector.extract_strided_slice %dot_general3A_1015 {offsets = [0, 3], sizes = [129, 192], strides = [1, 1]} : vector<129x195xf32> to vector<129x192xf32>
    %dot_general3A_1019 = arith.constant dense<0.000000e+00> : vector<129x195xf32>
    %dot_general3A_1020 = tpu.matmul %convert_element_type3A_526, %concatenate3A_968, %dot_general3A_1019 {dimension_numbers = #tpu.dot_dimension_numbers<[1], [0], [0], [1], [0, 0, 1, 1], [], []>, transpose_lhs_hint = false} : vector<129x129xf32>, vector<129x195xf32>, vector<129x195xf32> -> vector<129x195xf32>
    %slice3A_1021 = vector.extract_strided_slice %dot_general3A_1020 {offsets = [0, 0], sizes = [129, 3], strides = [1, 1]} : vector<129x195xf32> to vector<129x3xf32>
    %sub3A_1022 = arith.subf %slice3A_1021, %slice3A : vector<129x3xf32>
    %slice3A_1023 = vector.extract_strided_slice %dot_general3A_1020 {offsets = [0, 3], sizes = [129, 192], strides = [1, 1]} : vector<129x195xf32> to vector<129x192xf32>
    %dot_general3A_1024 = arith.constant dense<0.000000e+00> : vector<129x195xf32>
    %dot_general3A_1025 = tpu.matmul %convert_element_type3A_560, %concatenate3A_968, %dot_general3A_1024 {dimension_numbers = #tpu.dot_dimension_numbers<[1], [0], [0], [1], [0, 0, 1, 1], [], []>, transpose_lhs_hint = false} : vector<129x129xf32>, vector<129x195xf32>, vector<129x195xf32> -> vector<129x195xf32>
    %slice3A_1026 = vector.extract_strided_slice %dot_general3A_1025 {offsets = [0, 0], sizes = [129, 3], strides = [1, 1]} : vector<129x195xf32> to vector<129x3xf32>
    %sub3A_1027 = arith.subf %slice3A_1026, %slice3A : vector<129x3xf32>
    %slice3A_1028 = vector.extract_strided_slice %dot_general3A_1025 {offsets = [0, 3], sizes = [129, 192], strides = [1, 1]} : vector<129x195xf32> to vector<129x192xf32>
    %dot_general3A_1029 = arith.constant dense<0.000000e+00> : vector<129x195xf32>
    %dot_general3A_1030 = tpu.matmul %convert_element_type3A_594, %concatenate3A_968, %dot_general3A_1029 {dimension_numbers = #tpu.dot_dimension_numbers<[1], [0], [0], [1], [0, 0, 1, 1], [], []>, transpose_lhs_hint = false} : vector<129x129xf32>, vector<129x195xf32>, vector<129x195xf32> -> vector<129x195xf32>
    %slice3A_1031 = vector.extract_strided_slice %dot_general3A_1030 {offsets = [0, 0], sizes = [129, 3], strides = [1, 1]} : vector<129x195xf32> to vector<129x3xf32>
    %sub3A_1032 = arith.subf %slice3A_1031, %slice3A : vector<129x3xf32>
    %slice3A_1033 = vector.extract_strided_slice %dot_general3A_1030 {offsets = [0, 3], sizes = [129, 192], strides = [1, 1]} : vector<129x195xf32> to vector<129x192xf32>
    %dot_general3A_1034 = arith.constant dense<0.000000e+00> : vector<129x195xf32>
    %dot_general3A_1035 = tpu.matmul %convert_element_type3A_628, %concatenate3A_968, %dot_general3A_1034 {dimension_numbers = #tpu.dot_dimension_numbers<[1], [0], [0], [1], [0, 0, 1, 1], [], []>, transpose_lhs_hint = false} : vector<129x129xf32>, vector<129x195xf32>, vector<129x195xf32> -> vector<129x195xf32>
    %slice3A_1036 = vector.extract_strided_slice %dot_general3A_1035 {offsets = [0, 0], sizes = [129, 3], strides = [1, 1]} : vector<129x195xf32> to vector<129x3xf32>
    %sub3A_1037 = arith.subf %slice3A_1036, %slice3A : vector<129x3xf32>
    %slice3A_1038 = vector.extract_strided_slice %dot_general3A_1035 {offsets = [0, 3], sizes = [129, 192], strides = [1, 1]} : vector<129x195xf32> to vector<129x192xf32>
    %dot_general3A_1039 = arith.constant dense<0.000000e+00> : vector<129x195xf32>
    %dot_general3A_1040 = tpu.matmul %convert_element_type3A_662, %concatenate3A_968, %dot_general3A_1039 {dimension_numbers = #tpu.dot_dimension_numbers<[1], [0], [0], [1], [0, 0, 1, 1], [], []>, transpose_lhs_hint = false} : vector<129x129xf32>, vector<129x195xf32>, vector<129x195xf32> -> vector<129x195xf32>
    %slice3A_1041 = vector.extract_strided_slice %dot_general3A_1040 {offsets = [0, 0], sizes = [129, 3], strides = [1, 1]} : vector<129x195xf32> to vector<129x3xf32>
    %sub3A_1042 = arith.subf %slice3A_1041, %slice3A : vector<129x3xf32>
    %slice3A_1043 = vector.extract_strided_slice %dot_general3A_1040 {offsets = [0, 3], sizes = [129, 192], strides = [1, 1]} : vector<129x195xf32> to vector<129x192xf32>
    %dot_general3A_1044 = arith.constant dense<0.000000e+00> : vector<129x195xf32>
    %dot_general3A_1045 = tpu.matmul %convert_element_type3A_696, %concatenate3A_968, %dot_general3A_1044 {dimension_numbers = #tpu.dot_dimension_numbers<[1], [0], [0], [1], [0, 0, 1, 1], [], []>, transpose_lhs_hint = false} : vector<129x129xf32>, vector<129x195xf32>, vector<129x195xf32> -> vector<129x195xf32>
    %slice3A_1046 = vector.extract_strided_slice %dot_general3A_1045 {offsets = [0, 0], sizes = [129, 3], strides = [1, 1]} : vector<129x195xf32> to vector<129x3xf32>
    %sub3A_1047 = arith.subf %slice3A_1046, %slice3A : vector<129x3xf32>
    %slice3A_1048 = vector.extract_strided_slice %dot_general3A_1045 {offsets = [0, 3], sizes = [129, 192], strides = [1, 1]} : vector<129x195xf32> to vector<129x192xf32>
    %concatenate3A_1049 = tpu.concatenate %sub3A_972, %sub3A_977, %sub3A_982, %sub3A_987, %sub3A_992, %sub3A_997, %sub3A_1002, %sub3A_1007, %sub3A_1012, %sub3A_1017, %sub3A_1022, %sub3A_1027, %sub3A_1032, %sub3A_1037, %sub3A_1042, %sub3A_1047 in 0 : vector<129x3xf32>, vector<129x3xf32>, vector<129x3xf32>, vector<129x3xf32>, vector<129x3xf32>, vector<129x3xf32>, vector<129x3xf32>, vector<129x3xf32>, vector<129x3xf32>, vector<129x3xf32>, vector<129x3xf32>, vector<129x3xf32>, vector<129x3xf32>, vector<129x3xf32>, vector<129x3xf32>, vector<129x3xf32> -> vector<2064x3xf32>
    %dot_general3A_1050 = arith.constant dense<0.000000e+00> : vector<2064x256xf32>
    %dot_general3A_1051 = tpu.matmul %concatenate3A_1049, %get3A_73, %dot_general3A_1050 {dimension_numbers = #tpu.dot_dimension_numbers<[1], [0], [0], [1], [0, 0, 1, 1], [], []>, transpose_lhs_hint = false} : vector<2064x3xf32>, vector<3x256xf32>, vector<2064x256xf32> -> vector<2064x256xf32>
    %add3A_1052 = vector.broadcast %get3A_76 : vector<1x256xf32> to vector<2064x256xf32>
    %add3A_1053 = arith.addf %dot_general3A_1051, %add3A_1052 : vector<2064x256xf32>
    %gt3A_1054 = arith.constant 0.000000e+00 : f32
    %gt3A_1055 = vector.broadcast %gt3A_1054 : f32 to vector<2064x256xf32>
    %gt3A_1056 = arith.cmpf ogt, %add3A_1053, %gt3A_1055 : vector<2064x256xf32>
    %exp3A_1057 = math.exp %add3A_1053 : vector<2064x256xf32>
    %sub3A_1058 = arith.constant 1.000000e+00 : f32
    %sub3A_1059 = vector.broadcast %sub3A_1058 : f32 to vector<2064x256xf32>
    %sub3A_1060 = arith.subf %exp3A_1057, %sub3A_1059 : vector<2064x256xf32>
    %select_n3A_1061 = arith.select %gt3A_1056, %add3A_1053, %sub3A_1060 : vector<2064x256xi1>, vector<2064x256xf32>
    %mul3A_1062 = vector.broadcast %get3A_79 : vector<1x256xf32> to vector<2064x256xf32>
    %mul3A_1063 = arith.mulf %select_n3A_1061, %mul3A_1062 : vector<2064x256xf32>
    %add3A_1064 = vector.broadcast %get3A_82 : vector<1x256xf32> to vector<2064x256xf32>
    %add3A_1065 = arith.addf %mul3A_1063, %add3A_1064 : vector<2064x256xf32>
    %dot_general3A_1066 = arith.constant dense<0.000000e+00> : vector<2064x256xf32>
    %dot_general3A_1067 = tpu.matmul %add3A_1065, %get3A_85, %dot_general3A_1066 {dimension_numbers = #tpu.dot_dimension_numbers<[1], [0], [0], [1], [0, 0, 1, 1], [], []>, transpose_lhs_hint = false} : vector<2064x256xf32>, vector<256x256xf32>, vector<2064x256xf32> -> vector<2064x256xf32>
    %add3A_1068 = vector.broadcast %get3A_88 : vector<1x256xf32> to vector<2064x256xf32>
    %add3A_1069 = arith.addf %dot_general3A_1067, %add3A_1068 : vector<2064x256xf32>
    %gt3A_1070 = arith.constant 0.000000e+00 : f32
    %gt3A_1071 = vector.broadcast %gt3A_1070 : f32 to vector<2064x256xf32>
    %gt3A_1072 = arith.cmpf ogt, %add3A_1069, %gt3A_1071 : vector<2064x256xf32>
    %exp3A_1073 = math.exp %add3A_1069 : vector<2064x256xf32>
    %sub3A_1074 = arith.constant 1.000000e+00 : f32
    %sub3A_1075 = vector.broadcast %sub3A_1074 : f32 to vector<2064x256xf32>
    %sub3A_1076 = arith.subf %exp3A_1073, %sub3A_1075 : vector<2064x256xf32>
    %select_n3A_1077 = arith.select %gt3A_1072, %add3A_1069, %sub3A_1076 : vector<2064x256xi1>, vector<2064x256xf32>
    %mul3A_1078 = vector.broadcast %get3A_91 : vector<1x256xf32> to vector<2064x256xf32>
    %mul3A_1079 = arith.mulf %select_n3A_1077, %mul3A_1078 : vector<2064x256xf32>
    %add3A_1080 = vector.broadcast %get3A_94 : vector<1x256xf32> to vector<2064x256xf32>
    %add3A_1081 = arith.addf %mul3A_1079, %add3A_1080 : vector<2064x256xf32>
    %concatenate3A_1082 = tpu.concatenate %sub3A_972, %sub3A_977, %sub3A_982, %sub3A_987, %sub3A_992, %sub3A_997, %sub3A_1002, %sub3A_1007, %sub3A_1012, %sub3A_1017, %sub3A_1022, %sub3A_1027, %sub3A_1032, %sub3A_1037, %sub3A_1042, %sub3A_1047 in 1 : vector<129x3xf32>, vector<129x3xf32>, vector<129x3xf32>, vector<129x3xf32>, vector<129x3xf32>, vector<129x3xf32>, vector<129x3xf32>, vector<129x3xf32>, vector<129x3xf32>, vector<129x3xf32>, vector<129x3xf32>, vector<129x3xf32>, vector<129x3xf32>, vector<129x3xf32>, vector<129x3xf32>, vector<129x3xf32> -> vector<129x48xf32>
    %dot_general3A_1083 = arith.constant dense<0.000000e+00> : vector<129x256xf32>
    %dot_general3A_1084 = tpu.matmul %concatenate3A_1082, %get3A_97, %dot_general3A_1083 {dimension_numbers = #tpu.dot_dimension_numbers<[1], [0], [0], [1], [0, 0, 1, 1], [], []>, transpose_lhs_hint = false} : vector<129x48xf32>, vector<48x256xf32>, vector<129x256xf32> -> vector<129x256xf32>
    %add3A_1085 = vector.broadcast %get3A_100 : vector<1x256xf32> to vector<129x256xf32>
    %add3A_1086 = arith.addf %dot_general3A_1084, %add3A_1085 : vector<129x256xf32>
    %gt3A_1087 = arith.constant 0.000000e+00 : f32
    %gt3A_1088 = vector.broadcast %gt3A_1087 : f32 to vector<129x256xf32>
    %gt3A_1089 = arith.cmpf ogt, %add3A_1086, %gt3A_1088 : vector<129x256xf32>
    %exp3A_1090 = math.exp %add3A_1086 : vector<129x256xf32>
    %sub3A_1091 = arith.constant 1.000000e+00 : f32
    %sub3A_1092 = vector.broadcast %sub3A_1091 : f32 to vector<129x256xf32>
    %sub3A_1093 = arith.subf %exp3A_1090, %sub3A_1092 : vector<129x256xf32>
    %select_n3A_1094 = arith.select %gt3A_1089, %add3A_1086, %sub3A_1093 : vector<129x256xi1>, vector<129x256xf32>
    %mul3A_1095 = vector.broadcast %get3A_103 : vector<1x256xf32> to vector<129x256xf32>
    %mul3A_1096 = arith.mulf %select_n3A_1094, %mul3A_1095 : vector<129x256xf32>
    %add3A_1097 = vector.broadcast %get3A_106 : vector<1x256xf32> to vector<129x256xf32>
    %add3A_1098 = arith.addf %mul3A_1096, %add3A_1097 : vector<129x256xf32>
    %dot_general3A_1099 = arith.constant dense<0.000000e+00> : vector<129x256xf32>
    %dot_general3A_1100 = tpu.matmul %add3A_1098, %get3A_109, %dot_general3A_1099 {dimension_numbers = #tpu.dot_dimension_numbers<[1], [0], [0], [1], [0, 0, 1, 1], [], []>, transpose_lhs_hint = false} : vector<129x256xf32>, vector<256x256xf32>, vector<129x256xf32> -> vector<129x256xf32>
    %add3A_1101 = vector.broadcast %get3A_112 : vector<1x256xf32> to vector<129x256xf32>
    %add3A_1102 = arith.addf %dot_general3A_1100, %add3A_1101 : vector<129x256xf32>
    %gt3A_1103 = arith.constant 0.000000e+00 : f32
    %gt3A_1104 = vector.broadcast %gt3A_1103 : f32 to vector<129x256xf32>
    %gt3A_1105 = arith.cmpf ogt, %add3A_1102, %gt3A_1104 : vector<129x256xf32>
    %exp3A_1106 = math.exp %add3A_1102 : vector<129x256xf32>
    %sub3A_1107 = arith.constant 1.000000e+00 : f32
    %sub3A_1108 = vector.broadcast %sub3A_1107 : f32 to vector<129x256xf32>
    %sub3A_1109 = arith.subf %exp3A_1106, %sub3A_1108 : vector<129x256xf32>
    %select_n3A_1110 = arith.select %gt3A_1105, %add3A_1102, %sub3A_1109 : vector<129x256xi1>, vector<129x256xf32>
    %mul3A_1111 = vector.broadcast %get3A_115 : vector<1x256xf32> to vector<129x256xf32>
    %mul3A_1112 = arith.mulf %select_n3A_1110, %mul3A_1111 : vector<129x256xf32>
    %add3A_1113 = vector.broadcast %get3A_118 : vector<1x256xf32> to vector<129x256xf32>
    %add3A_1114 = arith.addf %mul3A_1112, %add3A_1113 : vector<129x256xf32>
    %dot_general3A_1115 = arith.constant dense<0.000000e+00> : vector<129x256xf32>
    %dot_general3A_1116 = tpu.matmul %add3A_1114, %get3A_121, %dot_general3A_1115 {dimension_numbers = #tpu.dot_dimension_numbers<[1], [0], [0], [1], [0, 0, 1, 1], [], []>, transpose_lhs_hint = false} : vector<129x256xf32>, vector<256x256xf32>, vector<129x256xf32> -> vector<129x256xf32>
    %add3A_1117 = vector.broadcast %get3A_124 : vector<1x256xf32> to vector<129x256xf32>
    %add3A_1118 = arith.addf %dot_general3A_1116, %add3A_1117 : vector<129x256xf32>
    %mul3A_1119 = vector.broadcast %get3A_127 : vector<1x256xf32> to vector<129x256xf32>
    %mul3A_1120 = arith.mulf %add3A_1118, %mul3A_1119 : vector<129x256xf32>
    %add3A_1121 = vector.broadcast %get3A_130 : vector<1x256xf32> to vector<129x256xf32>
    %add3A_1122 = arith.addf %mul3A_1120, %add3A_1121 : vector<129x256xf32>
    %slice3A_1123 = vector.extract_strided_slice %add3A_1081 {offsets = [0, 0], sizes = [129, 256], strides = [1, 1]} : vector<2064x256xf32> to vector<129x256xf32>
    %concatenate3A_1124 = tpu.concatenate %slice3A_1123, %slice3A_973 in 1 : vector<129x256xf32>, vector<129x192xf32> -> vector<129x448xf32>
    %slice3A_1125 = vector.extract_strided_slice %add3A_1081 {offsets = [129, 0], sizes = [129, 256], strides = [1, 1]} : vector<2064x256xf32> to vector<129x256xf32>
    %concatenate3A_1126 = tpu.concatenate %slice3A_1125, %slice3A_978 in 1 : vector<129x256xf32>, vector<129x192xf32> -> vector<129x448xf32>
    %slice3A_1127 = vector.extract_strided_slice %add3A_1081 {offsets = [258, 0], sizes = [129, 256], strides = [1, 1]} : vector<2064x256xf32> to vector<129x256xf32>
    %concatenate3A_1128 = tpu.concatenate %slice3A_1127, %slice3A_983 in 1 : vector<129x256xf32>, vector<129x192xf32> -> vector<129x448xf32>
    %slice3A_1129 = vector.extract_strided_slice %add3A_1081 {offsets = [387, 0], sizes = [129, 256], strides = [1, 1]} : vector<2064x256xf32> to vector<129x256xf32>
    %concatenate3A_1130 = tpu.concatenate %slice3A_1129, %slice3A_988 in 1 : vector<129x256xf32>, vector<129x192xf32> -> vector<129x448xf32>
    %slice3A_1131 = vector.extract_strided_slice %add3A_1081 {offsets = [516, 0], sizes = [129, 256], strides = [1, 1]} : vector<2064x256xf32> to vector<129x256xf32>
    %concatenate3A_1132 = tpu.concatenate %slice3A_1131, %slice3A_993 in 1 : vector<129x256xf32>, vector<129x192xf32> -> vector<129x448xf32>
    %slice3A_1133 = vector.extract_strided_slice %add3A_1081 {offsets = [645, 0], sizes = [129, 256], strides = [1, 1]} : vector<2064x256xf32> to vector<129x256xf32>
    %concatenate3A_1134 = tpu.concatenate %slice3A_1133, %slice3A_998 in 1 : vector<129x256xf32>, vector<129x192xf32> -> vector<129x448xf32>
    %slice3A_1135 = vector.extract_strided_slice %add3A_1081 {offsets = [774, 0], sizes = [129, 256], strides = [1, 1]} : vector<2064x256xf32> to vector<129x256xf32>
    %concatenate3A_1136 = tpu.concatenate %slice3A_1135, %slice3A_1003 in 1 : vector<129x256xf32>, vector<129x192xf32> -> vector<129x448xf32>
    %slice3A_1137 = vector.extract_strided_slice %add3A_1081 {offsets = [903, 0], sizes = [129, 256], strides = [1, 1]} : vector<2064x256xf32> to vector<129x256xf32>
    %concatenate3A_1138 = tpu.concatenate %slice3A_1137, %slice3A_1008 in 1 : vector<129x256xf32>, vector<129x192xf32> -> vector<129x448xf32>
    %slice3A_1139 = vector.extract_strided_slice %add3A_1081 {offsets = [1032, 0], sizes = [129, 256], strides = [1, 1]} : vector<2064x256xf32> to vector<129x256xf32>
    %concatenate3A_1140 = tpu.concatenate %slice3A_1139, %slice3A_1013 in 1 : vector<129x256xf32>, vector<129x192xf32> -> vector<129x448xf32>
    %slice3A_1141 = vector.extract_strided_slice %add3A_1081 {offsets = [1161, 0], sizes = [129, 256], strides = [1, 1]} : vector<2064x256xf32> to vector<129x256xf32>
    %concatenate3A_1142 = tpu.concatenate %slice3A_1141, %slice3A_1018 in 1 : vector<129x256xf32>, vector<129x192xf32> -> vector<129x448xf32>
    %slice3A_1143 = vector.extract_strided_slice %add3A_1081 {offsets = [1290, 0], sizes = [129, 256], strides = [1, 1]} : vector<2064x256xf32> to vector<129x256xf32>
    %concatenate3A_1144 = tpu.concatenate %slice3A_1143, %slice3A_1023 in 1 : vector<129x256xf32>, vector<129x192xf32> -> vector<129x448xf32>
    %slice3A_1145 = vector.extract_strided_slice %add3A_1081 {offsets = [1419, 0], sizes = [129, 256], strides = [1, 1]} : vector<2064x256xf32> to vector<129x256xf32>
    %concatenate3A_1146 = tpu.concatenate %slice3A_1145, %slice3A_1028 in 1 : vector<129x256xf32>, vector<129x192xf32> -> vector<129x448xf32>
    %slice3A_1147 = vector.extract_strided_slice %add3A_1081 {offsets = [1548, 0], sizes = [129, 256], strides = [1, 1]} : vector<2064x256xf32> to vector<129x256xf32>
    %concatenate3A_1148 = tpu.concatenate %slice3A_1147, %slice3A_1033 in 1 : vector<129x256xf32>, vector<129x192xf32> -> vector<129x448xf32>
    %slice3A_1149 = vector.extract_strided_slice %add3A_1081 {offsets = [1677, 0], sizes = [129, 256], strides = [1, 1]} : vector<2064x256xf32> to vector<129x256xf32>
    %concatenate3A_1150 = tpu.concatenate %slice3A_1149, %slice3A_1038 in 1 : vector<129x256xf32>, vector<129x192xf32> -> vector<129x448xf32>
    %slice3A_1151 = vector.extract_strided_slice %add3A_1081 {offsets = [1806, 0], sizes = [129, 256], strides = [1, 1]} : vector<2064x256xf32> to vector<129x256xf32>
    %concatenate3A_1152 = tpu.concatenate %slice3A_1151, %slice3A_1043 in 1 : vector<129x256xf32>, vector<129x192xf32> -> vector<129x448xf32>
    %slice3A_1153 = vector.extract_strided_slice %add3A_1081 {offsets = [1935, 0], sizes = [129, 256], strides = [1, 1]} : vector<2064x256xf32> to vector<129x256xf32>
    %concatenate3A_1154 = tpu.concatenate %slice3A_1153, %slice3A_1048 in 1 : vector<129x256xf32>, vector<129x192xf32> -> vector<129x448xf32>
    %slice3A_1155 = vector.extract_strided_slice %add3A_1122 {offsets = [0, 0], sizes = [129, 16], strides = [1, 1]} : vector<129x256xf32> to vector<129x16xf32>
    %dot_general3A_1156 = arith.constant dense<0.000000e+00> : vector<129x448xf32>
    %dot_general3A_1157 = tpu.matmul %slice3A_1155, %get3A_133, %dot_general3A_1156 {dimension_numbers = #tpu.dot_dimension_numbers<[1], [0], [0], [1], [0, 0, 1, 1], [], []>, transpose_lhs_hint = false} : vector<129x16xf32>, vector<16x448xf32>, vector<129x448xf32> -> vector<129x448xf32>
    %mul3A_1158 = arith.mulf %concatenate3A_1124, %dot_general3A_1157 : vector<129x448xf32>
    %slice3A_1159 = vector.extract_strided_slice %add3A_1122 {offsets = [0, 16], sizes = [129, 16], strides = [1, 1]} : vector<129x256xf32> to vector<129x16xf32>
    %dot_general3A_1160 = arith.constant dense<0.000000e+00> : vector<129x448xf32>
    %dot_general3A_1161 = tpu.matmul %slice3A_1159, %get3A_133, %dot_general3A_1160 {dimension_numbers = #tpu.dot_dimension_numbers<[1], [0], [0], [1], [0, 0, 1, 1], [], []>, transpose_lhs_hint = false} : vector<129x16xf32>, vector<16x448xf32>, vector<129x448xf32> -> vector<129x448xf32>
    %mul3A_1162 = arith.mulf %concatenate3A_1126, %dot_general3A_1161 : vector<129x448xf32>
    %add3A_1163 = arith.addf %mul3A_1158, %mul3A_1162 : vector<129x448xf32>
    %slice3A_1164 = vector.extract_strided_slice %add3A_1122 {offsets = [0, 32], sizes = [129, 16], strides = [1, 1]} : vector<129x256xf32> to vector<129x16xf32>
    %dot_general3A_1165 = arith.constant dense<0.000000e+00> : vector<129x448xf32>
    %dot_general3A_1166 = tpu.matmul %slice3A_1164, %get3A_133, %dot_general3A_1165 {dimension_numbers = #tpu.dot_dimension_numbers<[1], [0], [0], [1], [0, 0, 1, 1], [], []>, transpose_lhs_hint = false} : vector<129x16xf32>, vector<16x448xf32>, vector<129x448xf32> -> vector<129x448xf32>
    %mul3A_1167 = arith.mulf %concatenate3A_1128, %dot_general3A_1166 : vector<129x448xf32>
    %add3A_1168 = arith.addf %add3A_1163, %mul3A_1167 : vector<129x448xf32>
    %slice3A_1169 = vector.extract_strided_slice %add3A_1122 {offsets = [0, 48], sizes = [129, 16], strides = [1, 1]} : vector<129x256xf32> to vector<129x16xf32>
    %dot_general3A_1170 = arith.constant dense<0.000000e+00> : vector<129x448xf32>
    %dot_general3A_1171 = tpu.matmul %slice3A_1169, %get3A_133, %dot_general3A_1170 {dimension_numbers = #tpu.dot_dimension_numbers<[1], [0], [0], [1], [0, 0, 1, 1], [], []>, transpose_lhs_hint = false} : vector<129x16xf32>, vector<16x448xf32>, vector<129x448xf32> -> vector<129x448xf32>
    %mul3A_1172 = arith.mulf %concatenate3A_1130, %dot_general3A_1171 : vector<129x448xf32>
    %add3A_1173 = arith.addf %add3A_1168, %mul3A_1172 : vector<129x448xf32>
    %slice3A_1174 = vector.extract_strided_slice %add3A_1122 {offsets = [0, 64], sizes = [129, 16], strides = [1, 1]} : vector<129x256xf32> to vector<129x16xf32>
    %dot_general3A_1175 = arith.constant dense<0.000000e+00> : vector<129x448xf32>
    %dot_general3A_1176 = tpu.matmul %slice3A_1174, %get3A_133, %dot_general3A_1175 {dimension_numbers = #tpu.dot_dimension_numbers<[1], [0], [0], [1], [0, 0, 1, 1], [], []>, transpose_lhs_hint = false} : vector<129x16xf32>, vector<16x448xf32>, vector<129x448xf32> -> vector<129x448xf32>
    %mul3A_1177 = arith.mulf %concatenate3A_1132, %dot_general3A_1176 : vector<129x448xf32>
    %add3A_1178 = arith.addf %add3A_1173, %mul3A_1177 : vector<129x448xf32>
    %slice3A_1179 = vector.extract_strided_slice %add3A_1122 {offsets = [0, 80], sizes = [129, 16], strides = [1, 1]} : vector<129x256xf32> to vector<129x16xf32>
    %dot_general3A_1180 = arith.constant dense<0.000000e+00> : vector<129x448xf32>
    %dot_general3A_1181 = tpu.matmul %slice3A_1179, %get3A_133, %dot_general3A_1180 {dimension_numbers = #tpu.dot_dimension_numbers<[1], [0], [0], [1], [0, 0, 1, 1], [], []>, transpose_lhs_hint = false} : vector<129x16xf32>, vector<16x448xf32>, vector<129x448xf32> -> vector<129x448xf32>
    %mul3A_1182 = arith.mulf %concatenate3A_1134, %dot_general3A_1181 : vector<129x448xf32>
    %add3A_1183 = arith.addf %add3A_1178, %mul3A_1182 : vector<129x448xf32>
    %slice3A_1184 = vector.extract_strided_slice %add3A_1122 {offsets = [0, 96], sizes = [129, 16], strides = [1, 1]} : vector<129x256xf32> to vector<129x16xf32>
    %dot_general3A_1185 = arith.constant dense<0.000000e+00> : vector<129x448xf32>
    %dot_general3A_1186 = tpu.matmul %slice3A_1184, %get3A_133, %dot_general3A_1185 {dimension_numbers = #tpu.dot_dimension_numbers<[1], [0], [0], [1], [0, 0, 1, 1], [], []>, transpose_lhs_hint = false} : vector<129x16xf32>, vector<16x448xf32>, vector<129x448xf32> -> vector<129x448xf32>
    %mul3A_1187 = arith.mulf %concatenate3A_1136, %dot_general3A_1186 : vector<129x448xf32>
    %add3A_1188 = arith.addf %add3A_1183, %mul3A_1187 : vector<129x448xf32>
    %slice3A_1189 = vector.extract_strided_slice %add3A_1122 {offsets = [0, 112], sizes = [129, 16], strides = [1, 1]} : vector<129x256xf32> to vector<129x16xf32>
    %dot_general3A_1190 = arith.constant dense<0.000000e+00> : vector<129x448xf32>
    %dot_general3A_1191 = tpu.matmul %slice3A_1189, %get3A_133, %dot_general3A_1190 {dimension_numbers = #tpu.dot_dimension_numbers<[1], [0], [0], [1], [0, 0, 1, 1], [], []>, transpose_lhs_hint = false} : vector<129x16xf32>, vector<16x448xf32>, vector<129x448xf32> -> vector<129x448xf32>
    %mul3A_1192 = arith.mulf %concatenate3A_1138, %dot_general3A_1191 : vector<129x448xf32>
    %add3A_1193 = arith.addf %add3A_1188, %mul3A_1192 : vector<129x448xf32>
    %slice3A_1194 = vector.extract_strided_slice %add3A_1122 {offsets = [0, 128], sizes = [129, 16], strides = [1, 1]} : vector<129x256xf32> to vector<129x16xf32>
    %dot_general3A_1195 = arith.constant dense<0.000000e+00> : vector<129x448xf32>
    %dot_general3A_1196 = tpu.matmul %slice3A_1194, %get3A_133, %dot_general3A_1195 {dimension_numbers = #tpu.dot_dimension_numbers<[1], [0], [0], [1], [0, 0, 1, 1], [], []>, transpose_lhs_hint = false} : vector<129x16xf32>, vector<16x448xf32>, vector<129x448xf32> -> vector<129x448xf32>
    %mul3A_1197 = arith.mulf %concatenate3A_1140, %dot_general3A_1196 : vector<129x448xf32>
    %add3A_1198 = arith.addf %add3A_1193, %mul3A_1197 : vector<129x448xf32>
    %slice3A_1199 = vector.extract_strided_slice %add3A_1122 {offsets = [0, 144], sizes = [129, 16], strides = [1, 1]} : vector<129x256xf32> to vector<129x16xf32>
    %dot_general3A_1200 = arith.constant dense<0.000000e+00> : vector<129x448xf32>
    %dot_general3A_1201 = tpu.matmul %slice3A_1199, %get3A_133, %dot_general3A_1200 {dimension_numbers = #tpu.dot_dimension_numbers<[1], [0], [0], [1], [0, 0, 1, 1], [], []>, transpose_lhs_hint = false} : vector<129x16xf32>, vector<16x448xf32>, vector<129x448xf32> -> vector<129x448xf32>
    %mul3A_1202 = arith.mulf %concatenate3A_1142, %dot_general3A_1201 : vector<129x448xf32>
    %add3A_1203 = arith.addf %add3A_1198, %mul3A_1202 : vector<129x448xf32>
    %slice3A_1204 = vector.extract_strided_slice %add3A_1122 {offsets = [0, 160], sizes = [129, 16], strides = [1, 1]} : vector<129x256xf32> to vector<129x16xf32>
    %dot_general3A_1205 = arith.constant dense<0.000000e+00> : vector<129x448xf32>
    %dot_general3A_1206 = tpu.matmul %slice3A_1204, %get3A_133, %dot_general3A_1205 {dimension_numbers = #tpu.dot_dimension_numbers<[1], [0], [0], [1], [0, 0, 1, 1], [], []>, transpose_lhs_hint = false} : vector<129x16xf32>, vector<16x448xf32>, vector<129x448xf32> -> vector<129x448xf32>
    %mul3A_1207 = arith.mulf %concatenate3A_1144, %dot_general3A_1206 : vector<129x448xf32>
    %add3A_1208 = arith.addf %add3A_1203, %mul3A_1207 : vector<129x448xf32>
    %slice3A_1209 = vector.extract_strided_slice %add3A_1122 {offsets = [0, 176], sizes = [129, 16], strides = [1, 1]} : vector<129x256xf32> to vector<129x16xf32>
    %dot_general3A_1210 = arith.constant dense<0.000000e+00> : vector<129x448xf32>
    %dot_general3A_1211 = tpu.matmul %slice3A_1209, %get3A_133, %dot_general3A_1210 {dimension_numbers = #tpu.dot_dimension_numbers<[1], [0], [0], [1], [0, 0, 1, 1], [], []>, transpose_lhs_hint = false} : vector<129x16xf32>, vector<16x448xf32>, vector<129x448xf32> -> vector<129x448xf32>
    %mul3A_1212 = arith.mulf %concatenate3A_1146, %dot_general3A_1211 : vector<129x448xf32>
    %add3A_1213 = arith.addf %add3A_1208, %mul3A_1212 : vector<129x448xf32>
    %slice3A_1214 = vector.extract_strided_slice %add3A_1122 {offsets = [0, 192], sizes = [129, 16], strides = [1, 1]} : vector<129x256xf32> to vector<129x16xf32>
    %dot_general3A_1215 = arith.constant dense<0.000000e+00> : vector<129x448xf32>
    %dot_general3A_1216 = tpu.matmul %slice3A_1214, %get3A_133, %dot_general3A_1215 {dimension_numbers = #tpu.dot_dimension_numbers<[1], [0], [0], [1], [0, 0, 1, 1], [], []>, transpose_lhs_hint = false} : vector<129x16xf32>, vector<16x448xf32>, vector<129x448xf32> -> vector<129x448xf32>
    %mul3A_1217 = arith.mulf %concatenate3A_1148, %dot_general3A_1216 : vector<129x448xf32>
    %add3A_1218 = arith.addf %add3A_1213, %mul3A_1217 : vector<129x448xf32>
    %slice3A_1219 = vector.extract_strided_slice %add3A_1122 {offsets = [0, 208], sizes = [129, 16], strides = [1, 1]} : vector<129x256xf32> to vector<129x16xf32>
    %dot_general3A_1220 = arith.constant dense<0.000000e+00> : vector<129x448xf32>
    %dot_general3A_1221 = tpu.matmul %slice3A_1219, %get3A_133, %dot_general3A_1220 {dimension_numbers = #tpu.dot_dimension_numbers<[1], [0], [0], [1], [0, 0, 1, 1], [], []>, transpose_lhs_hint = false} : vector<129x16xf32>, vector<16x448xf32>, vector<129x448xf32> -> vector<129x448xf32>
    %mul3A_1222 = arith.mulf %concatenate3A_1150, %dot_general3A_1221 : vector<129x448xf32>
    %add3A_1223 = arith.addf %add3A_1218, %mul3A_1222 : vector<129x448xf32>
    %slice3A_1224 = vector.extract_strided_slice %add3A_1122 {offsets = [0, 224], sizes = [129, 16], strides = [1, 1]} : vector<129x256xf32> to vector<129x16xf32>
    %dot_general3A_1225 = arith.constant dense<0.000000e+00> : vector<129x448xf32>
    %dot_general3A_1226 = tpu.matmul %slice3A_1224, %get3A_133, %dot_general3A_1225 {dimension_numbers = #tpu.dot_dimension_numbers<[1], [0], [0], [1], [0, 0, 1, 1], [], []>, transpose_lhs_hint = false} : vector<129x16xf32>, vector<16x448xf32>, vector<129x448xf32> -> vector<129x448xf32>
    %mul3A_1227 = arith.mulf %concatenate3A_1152, %dot_general3A_1226 : vector<129x448xf32>
    %add3A_1228 = arith.addf %add3A_1223, %mul3A_1227 : vector<129x448xf32>
    %slice3A_1229 = vector.extract_strided_slice %add3A_1122 {offsets = [0, 240], sizes = [129, 16], strides = [1, 1]} : vector<129x256xf32> to vector<129x16xf32>
    %dot_general3A_1230 = arith.constant dense<0.000000e+00> : vector<129x448xf32>
    %dot_general3A_1231 = tpu.matmul %slice3A_1229, %get3A_133, %dot_general3A_1230 {dimension_numbers = #tpu.dot_dimension_numbers<[1], [0], [0], [1], [0, 0, 1, 1], [], []>, transpose_lhs_hint = false} : vector<129x16xf32>, vector<16x448xf32>, vector<129x448xf32> -> vector<129x448xf32>
    %mul3A_1232 = arith.mulf %concatenate3A_1154, %dot_general3A_1231 : vector<129x448xf32>
    %add3A_1233 = arith.addf %add3A_1228, %mul3A_1232 : vector<129x448xf32>
    %add3A_1234 = vector.broadcast %get3A_136 : vector<1x448xf32> to vector<129x448xf32>
    %add3A_1235 = arith.addf %add3A_1233, %add3A_1234 : vector<129x448xf32>
    %dot_general3A_1236 = arith.constant dense<0.000000e+00> : vector<129x384xf32>
    %dot_general3A_1237 = tpu.matmul %add3A_1235, %get3A_139, %dot_general3A_1236 {dimension_numbers = #tpu.dot_dimension_numbers<[1], [0], [0], [1], [0, 0, 1, 1], [], []>, transpose_lhs_hint = false} : vector<129x448xf32>, vector<448x384xf32>, vector<129x384xf32> -> vector<129x384xf32>
    %add3A_1238 = vector.broadcast %get3A_142 : vector<1x384xf32> to vector<129x384xf32>
    %add3A_1239 = arith.addf %dot_general3A_1237, %add3A_1238 : vector<129x384xf32>
    %max3A_1240 = arith.constant 0.000000e+00 : f32
    %max3A_1241 = vector.broadcast %max3A_1240 : f32 to vector<129x384xf32>
    %max3A_1242 = arith.maximumf %add3A_1239, %max3A_1241 : vector<129x384xf32>
    %reduce_sum3A_1243 = arith.constant dense<0.000000e+00> : vector<384xf32>
    %reduce_sum3A_1244 = vector.multi_reduction <add>, %max3A_1242, %reduce_sum3A_1243 [0] : vector<129x384xf32> to vector<384xf32>
    %broadcast_in_dim3A_1245 = vector.shape_cast %reduce_sum3A_1244 : vector<384xf32> to vector<1x384xf32>
    %div3A = arith.constant 1.290000e+02 : f32
    %div3A_1246 = vector.broadcast %div3A : f32 to vector<1x384xf32>
    %div3A_1247 = arith.divf %broadcast_in_dim3A_1245, %div3A_1246 : vector<1x384xf32>
    %swap3A = arith.constant 0 : index
    %swap3A_1248 = arith.constant 0 : index
    %swap3A_1249 = arith.constant 0 : index
    %swap3A_1250 = vector.load %arg52[%swap3A, %swap3A_1248, %swap3A_1249] : memref<1x1x384xf32, #tpu.memory_space<vmem>>, vector<1x1x384xf32>
    %swap3A_1251 = vector.shape_cast %swap3A_1250 : vector<1x1x384xf32> to vector<1x384xf32>
    %swap3A_1252 = vector.shape_cast %div3A_1247 : vector<1x384xf32> to vector<1x1x384xf32>
    tpu.vector_store %arg52[%swap3A, %swap3A_1248, %swap3A_1249], %swap3A_1252 {strides = array<i32>} : memref<1x1x384xf32, #tpu.memory_space<vmem>>, vector<1x1x384xf32>,
    return
  }
  func.func @transform_0(%arg0: i32) -> (i32, i32, i32) {
    %c0_i32 = arith.constant 0 : i32
    %c0_i32_0 = arith.constant 0 : i32
    %c0_i32_1 = arith.constant 0 : i32
    return %arg0, %c0_i32, %c0_i32_0 : i32, i32, i32
  }
  func.func @transform_1(%arg0: i32) -> (i32, i32, i32) {
    %c0_i32 = arith.constant 0 : i32
    %c0_i32_0 = arith.constant 0 : i32
    %c0_i32_1 = arith.constant 0 : i32
    return %arg0, %c0_i32, %c0_i32_0 : i32, i32, i32
  }
  func.func @transform_2(%arg0: i32) -> (i32, i32, i32) {
    %c0_i32 = arith.constant 0 : i32
    %c0_i32_0 = arith.constant 0 : i32
    %c0_i32_1 = arith.constant 0 : i32
    return %arg0, %c0_i32, %c0_i32_0 : i32, i32, i32
  }
  func.func @transform_3(%arg0: i32) -> (i32, i32) {
    %c0_i32 = arith.constant 0 : i32
    %c0_i32_0 = arith.constant 0 : i32
    %c0_i32_1 = arith.constant 0 : i32
    return %c0_i32, %c0_i32_0 : i32, i32
  }
  func.func @transform_4(%arg0: i32) -> (i32, i32) {
    %c0_i32 = arith.constant 0 : i32
    %c0_i32_0 = arith.constant 0 : i32
    %c0_i32_1 = arith.constant 0 : i32
    return %c0_i32, %c0_i32_0 : i32, i32
  }
  func.func @transform_5(%arg0: i32) -> (i32, i32) {
    %c0_i32 = arith.constant 0 : i32
    %c0_i32_0 = arith.constant 0 : i32
    %c0_i32_1 = arith.constant 0 : i32
    return %c0_i32, %c0_i32_0 : i32, i32
  }
  func.func @transform_6(%arg0: i32) -> (i32, i32) {
    %c0_i32 = arith.constant 0 : i32
    %c0_i32_0 = arith.constant 0 : i32
    %c0_i32_1 = arith.constant 0 : i32
    return %c0_i32, %c0_i32_0 : i32, i32
  }
  func.func @transform_7(%arg0: i32) -> (i32, i32) {
    %c0_i32 = arith.constant 0 : i32
    %c0_i32_0 = arith.constant 0 : i32
    %c0_i32_1 = arith.constant 0 : i32
    return %c0_i32, %c0_i32_0 : i32, i32
  }
  func.func @transform_8(%arg0: i32) -> (i32, i32) {
    %c0_i32 = arith.constant 0 : i32
    %c0_i32_0 = arith.constant 0 : i32
    %c0_i32_1 = arith.constant 0 : i32
    return %c0_i32, %c0_i32_0 : i32, i32
  }
  func.func @transform_9(%arg0: i32) -> (i32, i32) {
    %c0_i32 = arith.constant 0 : i32
    %c0_i32_0 = arith.constant 0 : i32
    %c0_i32_1 = arith.constant 0 : i32
    return %c0_i32, %c0_i32_0 : i32, i32
  }
  func.func @transform_10(%arg0: i32) -> (i32, i32) {
    %c0_i32 = arith.constant 0 : i32
    %c0_i32_0 = arith.constant 0 : i32
    %c0_i32_1 = arith.constant 0 : i32
    return %c0_i32, %c0_i32_0 : i32, i32
  }
  func.func @transform_11(%arg0: i32) -> (i32, i32) {
    %c0_i32 = arith.constant 0 : i32
    %c0_i32_0 = arith.constant 0 : i32
    %c0_i32_1 = arith.constant 0 : i32
    return %c0_i32, %c0_i32_0 : i32, i32
  }
  func.func @transform_12(%arg0: i32) -> (i32, i32) {
    %c0_i32 = arith.constant 0 : i32
    %c0_i32_0 = arith.constant 0 : i32
    %c0_i32_1 = arith.constant 0 : i32
    return %c0_i32, %c0_i32_0 : i32, i32
  }
  func.func @transform_13(%arg0: i32) -> (i32, i32) {
    %c0_i32 = arith.constant 0 : i32
    %c0_i32_0 = arith.constant 0 : i32
    %c0_i32_1 = arith.constant 0 : i32
    return %c0_i32, %c0_i32_0 : i32, i32
  }
  func.func @transform_14(%arg0: i32) -> (i32, i32) {
    %c0_i32 = arith.constant 0 : i32
    %c0_i32_0 = arith.constant 0 : i32
    %c0_i32_1 = arith.constant 0 : i32
    return %c0_i32, %c0_i32_0 : i32, i32
  }
  func.func @transform_15(%arg0: i32) -> (i32, i32) {
    %c0_i32 = arith.constant 0 : i32
    %c0_i32_0 = arith.constant 0 : i32
    %c0_i32_1 = arith.constant 0 : i32
    return %c0_i32, %c0_i32_0 : i32, i32
  }
  func.func @transform_16(%arg0: i32) -> (i32, i32) {
    %c0_i32 = arith.constant 0 : i32
    %c0_i32_0 = arith.constant 0 : i32
    %c0_i32_1 = arith.constant 0 : i32
    return %c0_i32, %c0_i32_0 : i32, i32
  }
  func.func @transform_17(%arg0: i32) -> (i32, i32) {
    %c0_i32 = arith.constant 0 : i32
    %c0_i32_0 = arith.constant 0 : i32
    %c0_i32_1 = arith.constant 0 : i32
    return %c0_i32, %c0_i32_0 : i32, i32
  }
  func.func @transform_18(%arg0: i32) -> (i32, i32) {
    %c0_i32 = arith.constant 0 : i32
    %c0_i32_0 = arith.constant 0 : i32
    %c0_i32_1 = arith.constant 0 : i32
    return %c0_i32, %c0_i32_0 : i32, i32
  }
  func.func @transform_19(%arg0: i32) -> (i32, i32) {
    %c0_i32 = arith.constant 0 : i32
    %c0_i32_0 = arith.constant 0 : i32
    %c0_i32_1 = arith.constant 0 : i32
    return %c0_i32, %c0_i32_0 : i32, i32
  }
  func.func @transform_20(%arg0: i32) -> (i32, i32) {
    %c0_i32 = arith.constant 0 : i32
    %c0_i32_0 = arith.constant 0 : i32
    %c0_i32_1 = arith.constant 0 : i32
    return %c0_i32, %c0_i32_0 : i32, i32
  }
  func.func @transform_21(%arg0: i32) -> (i32, i32) {
    %c0_i32 = arith.constant 0 : i32
    %c0_i32_0 = arith.constant 0 : i32
    %c0_i32_1 = arith.constant 0 : i32
    return %c0_i32, %c0_i32_0 : i32, i32
  }
  func.func @transform_22(%arg0: i32) -> (i32, i32) {
    %c0_i32 = arith.constant 0 : i32
    %c0_i32_0 = arith.constant 0 : i32
    %c0_i32_1 = arith.constant 0 : i32
    return %c0_i32, %c0_i32_0 : i32, i32
  }
  func.func @transform_23(%arg0: i32) -> (i32, i32) {
    %c0_i32 = arith.constant 0 : i32
    %c0_i32_0 = arith.constant 0 : i32
    %c0_i32_1 = arith.constant 0 : i32
    return %c0_i32, %c0_i32_0 : i32, i32
  }
  func.func @transform_24(%arg0: i32) -> (i32, i32) {
    %c0_i32 = arith.constant 0 : i32
    %c0_i32_0 = arith.constant 0 : i32
    %c0_i32_1 = arith.constant 0 : i32
    return %c0_i32, %c0_i32_0 : i32, i32
  }
  func.func @transform_25(%arg0: i32) -> (i32, i32) {
    %c0_i32 = arith.constant 0 : i32
    %c0_i32_0 = arith.constant 0 : i32
    %c0_i32_1 = arith.constant 0 : i32
    return %c0_i32, %c0_i32_0 : i32, i32
  }
  func.func @transform_26(%arg0: i32) -> (i32, i32) {
    %c0_i32 = arith.constant 0 : i32
    %c0_i32_0 = arith.constant 0 : i32
    %c0_i32_1 = arith.constant 0 : i32
    return %c0_i32, %c0_i32_0 : i32, i32
  }
  func.func @transform_27(%arg0: i32) -> (i32, i32) {
    %c0_i32 = arith.constant 0 : i32
    %c0_i32_0 = arith.constant 0 : i32
    %c0_i32_1 = arith.constant 0 : i32
    return %c0_i32, %c0_i32_0 : i32, i32
  }
  func.func @transform_28(%arg0: i32) -> (i32, i32) {
    %c0_i32 = arith.constant 0 : i32
    %c0_i32_0 = arith.constant 0 : i32
    %c0_i32_1 = arith.constant 0 : i32
    return %c0_i32, %c0_i32_0 : i32, i32
  }
  func.func @transform_29(%arg0: i32) -> (i32, i32) {
    %c0_i32 = arith.constant 0 : i32
    %c0_i32_0 = arith.constant 0 : i32
    %c0_i32_1 = arith.constant 0 : i32
    return %c0_i32, %c0_i32_0 : i32, i32
  }
  func.func @transform_30(%arg0: i32) -> (i32, i32) {
    %c0_i32 = arith.constant 0 : i32
    %c0_i32_0 = arith.constant 0 : i32
    %c0_i32_1 = arith.constant 0 : i32
    return %c0_i32, %c0_i32_0 : i32, i32
  }
  func.func @transform_31(%arg0: i32) -> (i32, i32) {
    %c0_i32 = arith.constant 0 : i32
    %c0_i32_0 = arith.constant 0 : i32
    %c0_i32_1 = arith.constant 0 : i32
    return %c0_i32, %c0_i32_0 : i32, i32
  }
  func.func @transform_32(%arg0: i32) -> (i32, i32) {
    %c0_i32 = arith.constant 0 : i32
    %c0_i32_0 = arith.constant 0 : i32
    %c0_i32_1 = arith.constant 0 : i32
    return %c0_i32, %c0_i32_0 : i32, i32
  }
  func.func @transform_33(%arg0: i32) -> (i32, i32) {
    %c0_i32 = arith.constant 0 : i32
    %c0_i32_0 = arith.constant 0 : i32
    %c0_i32_1 = arith.constant 0 : i32
    return %c0_i32, %c0_i32_0 : i32, i32
  }
  func.func @transform_34(%arg0: i32) -> (i32, i32) {
    %c0_i32 = arith.constant 0 : i32
    %c0_i32_0 = arith.constant 0 : i32
    %c0_i32_1 = arith.constant 0 : i32
    return %c0_i32, %c0_i32_0 : i32, i32
  }
  func.func @transform_35(%arg0: i32) -> (i32, i32) {
    %c0_i32 = arith.constant 0 : i32
    %c0_i32_0 = arith.constant 0 : i32
    %c0_i32_1 = arith.constant 0 : i32
    return %c0_i32, %c0_i32_0 : i32, i32
  }
  func.func @transform_36(%arg0: i32) -> (i32, i32) {
    %c0_i32 = arith.constant 0 : i32
    %c0_i32_0 = arith.constant 0 : i32
    %c0_i32_1 = arith.constant 0 : i32
    return %c0_i32, %c0_i32_0 : i32, i32
  }
  func.func @transform_37(%arg0: i32) -> (i32, i32) {
    %c0_i32 = arith.constant 0 : i32
    %c0_i32_0 = arith.constant 0 : i32
    %c0_i32_1 = arith.constant 0 : i32
    return %c0_i32, %c0_i32_0 : i32, i32
  }
  func.func @transform_38(%arg0: i32) -> (i32, i32) {
    %c0_i32 = arith.constant 0 : i32
    %c0_i32_0 = arith.constant 0 : i32
    %c0_i32_1 = arith.constant 0 : i32
    return %c0_i32, %c0_i32_0 : i32, i32
  }
  func.func @transform_39(%arg0: i32) -> (i32, i32) {
    %c0_i32 = arith.constant 0 : i32
    %c0_i32_0 = arith.constant 0 : i32
    %c0_i32_1 = arith.constant 0 : i32
    return %c0_i32, %c0_i32_0 : i32, i32
  }
  func.func @transform_40(%arg0: i32) -> (i32, i32) {
    %c0_i32 = arith.constant 0 : i32
    %c0_i32_0 = arith.constant 0 : i32
    %c0_i32_1 = arith.constant 0 : i32
    return %c0_i32, %c0_i32_0 : i32, i32
  }
  func.func @transform_41(%arg0: i32) -> (i32, i32) {
    %c0_i32 = arith.constant 0 : i32
    %c0_i32_0 = arith.constant 0 : i32
    %c0_i32_1 = arith.constant 0 : i32
    return %c0_i32, %c0_i32_0 : i32, i32
  }
  func.func @transform_42(%arg0: i32) -> (i32, i32) {
    %c0_i32 = arith.constant 0 : i32
    %c0_i32_0 = arith.constant 0 : i32
    %c0_i32_1 = arith.constant 0 : i32
    return %c0_i32, %c0_i32_0 : i32, i32
  }
  func.func @transform_43(%arg0: i32) -> (i32, i32) {
    %c0_i32 = arith.constant 0 : i32
    %c0_i32_0 = arith.constant 0 : i32
    %c0_i32_1 = arith.constant 0 : i32
    return %c0_i32, %c0_i32_0 : i32, i32
  }
  func.func @transform_44(%arg0: i32) -> (i32, i32) {
    %c0_i32 = arith.constant 0 : i32
    %c0_i32_0 = arith.constant 0 : i32
    %c0_i32_1 = arith.constant 0 : i32
    return %c0_i32, %c0_i32_0 : i32, i32
  }
  func.func @transform_45(%arg0: i32) -> (i32, i32) {
    %c0_i32 = arith.constant 0 : i32
    %c0_i32_0 = arith.constant 0 : i32
    %c0_i32_1 = arith.constant 0 : i32
    return %c0_i32, %c0_i32_0 : i32, i32
  }
  func.func @transform_46(%arg0: i32) -> (i32, i32) {
    %c0_i32 = arith.constant 0 : i32
    %c0_i32_0 = arith.constant 0 : i32
    %c0_i32_1 = arith.constant 0 : i32
    return %c0_i32, %c0_i32_0 : i32, i32
  }
  func.func @transform_47(%arg0: i32) -> (i32, i32) {
    %c0_i32 = arith.constant 0 : i32
    %c0_i32_0 = arith.constant 0 : i32
    %c0_i32_1 = arith.constant 0 : i32
    return %c0_i32, %c0_i32_0 : i32, i32
  }
  func.func @transform_48(%arg0: i32) -> (i32, i32) {
    %c0_i32 = arith.constant 0 : i32
    %c0_i32_0 = arith.constant 0 : i32
    %c0_i32_1 = arith.constant 0 : i32
    return %c0_i32, %c0_i32_0 : i32, i32
  }
  func.func @transform_49(%arg0: i32) -> (i32, i32) {
    %c0_i32 = arith.constant 0 : i32
    %c0_i32_0 = arith.constant 0 : i32
    %c0_i32_1 = arith.constant 0 : i32
    return %c0_i32, %c0_i32_0 : i32, i32
  }
  func.func @transform_50(%arg0: i32) -> (i32, i32) {
    %c0_i32 = arith.constant 0 : i32
    %c0_i32_0 = arith.constant 0 : i32
    %c0_i32_1 = arith.constant 0 : i32
    return %c0_i32, %c0_i32_0 : i32, i32
  }
  func.func @transform_51(%arg0: i32) -> (i32, i32, i32) {
    %c0_i32 = arith.constant 0 : i32
    %c0_i32_0 = arith.constant 0 : i32
    %c0_i32_1 = arith.constant 0 : i32
    return %arg0, %c0_i32, %c0_i32_0 : i32, i32, i32
  }
}

module attributes {stable_mosaic.version = 14 : i64} {
  func.func @_head_body(%arg0: memref<32x384xf32, #tpu.memory_space<vmem>>, %arg1: memref<384x256xf32, #tpu.memory_space<vmem>>, %arg2: memref<1x256xf32, #tpu.memory_space<vmem>>, %arg3: memref<256x128xf32, #tpu.memory_space<vmem>>, %arg4: memref<1x128xf32, #tpu.memory_space<vmem>>, %arg5: memref<128x10xf32, #tpu.memory_space<vmem>>, %arg6: memref<1x10xf32, #tpu.memory_space<vmem>>, %arg7: memref<32x10xf32, #tpu.memory_space<vmem>>) attributes {dimension_semantics = [], scalar_prefetch = 0 : i64, scratch_operands = 0 : i64, tpu.core_type = #tpu.core_type<tc>} {
    %get3A = arith.constant 0 : index
    %get3A_0 = arith.constant 0 : index
    %get3A_1 = vector.load %arg0[%get3A, %get3A_0] : memref<32x384xf32, #tpu.memory_space<vmem>>, vector<32x384xf32>
    %get3A_2 = arith.constant 0 : index
    %get3A_3 = arith.constant 0 : index
    %get3A_4 = vector.load %arg1[%get3A_2, %get3A_3] : memref<384x256xf32, #tpu.memory_space<vmem>>, vector<384x256xf32>
    %dot_general3A = arith.constant dense<0.000000e+00> : vector<32x256xf32>
    %dot_general3A_5 = tpu.matmul %get3A_1, %get3A_4, %dot_general3A {dimension_numbers = #tpu.dot_dimension_numbers<[1], [0], [0], [1], [0, 0, 1, 1], [], []>, transpose_lhs_hint = false} : vector<32x384xf32>, vector<384x256xf32>, vector<32x256xf32> -> vector<32x256xf32>
    %get3A_6 = arith.constant 0 : index
    %get3A_7 = arith.constant 0 : index
    %get3A_8 = vector.load %arg2[%get3A_6, %get3A_7] : memref<1x256xf32, #tpu.memory_space<vmem>>, vector<1x256xf32>
    %add3A = vector.broadcast %get3A_8 : vector<1x256xf32> to vector<32x256xf32>
    %add3A_9 = arith.addf %dot_general3A_5, %add3A : vector<32x256xf32>
    %max3A = arith.constant 0.000000e+00 : f32
    %max3A_10 = vector.broadcast %max3A : f32 to vector<32x256xf32>
    %max3A_11 = arith.maximumf %add3A_9, %max3A_10 : vector<32x256xf32>
    %get3A_12 = arith.constant 0 : index
    %get3A_13 = arith.constant 0 : index
    %get3A_14 = vector.load %arg3[%get3A_12, %get3A_13] : memref<256x128xf32, #tpu.memory_space<vmem>>, vector<256x128xf32>
    %dot_general3A_15 = arith.constant dense<0.000000e+00> : vector<32x128xf32>
    %dot_general3A_16 = tpu.matmul %max3A_11, %get3A_14, %dot_general3A_15 {dimension_numbers = #tpu.dot_dimension_numbers<[1], [0], [0], [1], [0, 0, 1, 1], [], []>, transpose_lhs_hint = false} : vector<32x256xf32>, vector<256x128xf32>, vector<32x128xf32> -> vector<32x128xf32>
    %get3A_17 = arith.constant 0 : index
    %get3A_18 = arith.constant 0 : index
    %get3A_19 = vector.load %arg4[%get3A_17, %get3A_18] : memref<1x128xf32, #tpu.memory_space<vmem>>, vector<1x128xf32>
    %add3A_20 = vector.broadcast %get3A_19 : vector<1x128xf32> to vector<32x128xf32>
    %add3A_21 = arith.addf %dot_general3A_16, %add3A_20 : vector<32x128xf32>
    %max3A_22 = arith.constant 0.000000e+00 : f32
    %max3A_23 = vector.broadcast %max3A_22 : f32 to vector<32x128xf32>
    %max3A_24 = arith.maximumf %add3A_21, %max3A_23 : vector<32x128xf32>
    %get3A_25 = arith.constant 0 : index
    %get3A_26 = arith.constant 0 : index
    %get3A_27 = vector.load %arg5[%get3A_25, %get3A_26] : memref<128x10xf32, #tpu.memory_space<vmem>>, vector<128x10xf32>
    %dot_general3A_28 = arith.constant dense<0.000000e+00> : vector<32x10xf32>
    %dot_general3A_29 = tpu.matmul %max3A_24, %get3A_27, %dot_general3A_28 {dimension_numbers = #tpu.dot_dimension_numbers<[1], [0], [0], [1], [0, 0, 1, 1], [], []>, transpose_lhs_hint = false} : vector<32x128xf32>, vector<128x10xf32>, vector<32x10xf32> -> vector<32x10xf32>
    %get3A_30 = arith.constant 0 : index
    %get3A_31 = arith.constant 0 : index
    %get3A_32 = vector.load %arg6[%get3A_30, %get3A_31] : memref<1x10xf32, #tpu.memory_space<vmem>>, vector<1x10xf32>
    %add3A_33 = vector.broadcast %get3A_32 : vector<1x10xf32> to vector<32x10xf32>
    %add3A_34 = arith.addf %dot_general3A_29, %add3A_33 : vector<32x10xf32>
    %reduce_max3A = arith.constant dense<0xFF800000> : vector<32xf32>
    %reduce_max3A_35 = vector.multi_reduction <maximumf>, %add3A_34, %reduce_max3A [1] : vector<32x10xf32> to vector<32xf32>
    %broadcast_in_dim3A = vector.shape_cast %reduce_max3A_35 : vector<32xf32> to vector<32x1xf32>
    %sub3A = vector.broadcast %broadcast_in_dim3A : vector<32x1xf32> to vector<32x10xf32>
    %sub3A_36 = arith.subf %add3A_34, %sub3A : vector<32x10xf32>
    %exp3A = math.exp %sub3A_36 : vector<32x10xf32>
    %reduce_sum3A = arith.constant dense<0.000000e+00> : vector<32xf32>
    %reduce_sum3A_37 = vector.multi_reduction <add>, %exp3A, %reduce_sum3A [1] : vector<32x10xf32> to vector<32xf32>
    %broadcast_in_dim3A_38 = vector.shape_cast %reduce_sum3A_37 : vector<32xf32> to vector<32x1xf32>
    %log3A = math.log %broadcast_in_dim3A_38 : vector<32x1xf32>
    %sub3A_39 = vector.broadcast %log3A : vector<32x1xf32> to vector<32x10xf32>
    %sub3A_40 = arith.subf %sub3A_36, %sub3A_39 : vector<32x10xf32>
    %swap3A = arith.constant 0 : index
    %swap3A_41 = arith.constant 0 : index
    %swap3A_42 = vector.load %arg7[%swap3A, %swap3A_41] : memref<32x10xf32, #tpu.memory_space<vmem>>, vector<32x10xf32>
    tpu.vector_store %arg7[%swap3A, %swap3A_41], %sub3A_40 {strides = array<i32>} : memref<32x10xf32, #tpu.memory_space<vmem>>, vector<32x10xf32>,
    return
  }
}

</mosaic_0001>

<sc_bundles>
// kernel: kernel.12.cloned.1.call-start
scs
__scs_entry_jumppad:
0x0: {  	(pc) =	sbr.rel $0x88, $3  }
0x1: {  	(tag) =	ssettag $0x0;
	lr =	simm.s32 $0x1  }
0x2: {  	[smem:$0x3F3A] =	sst lr;
	_ =	strace $0xD0000000  }
0x3: {  	_ = 	snop  }
0x4: {  	_ = 	snop  }
0x5: {  	_ = 	snop  }
0x6: {  	_ = 	snop  }
0x7: {  	_ = 	snop  }
__scs_overlays_trampoline_lowered:
0x8: {  	[smem:$0x3F49] =	sst s0  }
0x9: {  	[smem:$0x3F4A] =	sst s1  }
0xa: {  	[smem:$0x3F4B] =	sst s2  }
0xb: {  	[smem:$0x3F4C] =	sst s3  }
0xc: {  	[smem:$0x3F4D] =	sst s4  }
0xd: {  	[smem:$0x3F4E] =	sst s5  }
0xe: {  	[smem:$0x3F4F] =	sst s6  }
0xf: {  	[smem:$0x3F50] =	sst s7  }
0x10: {  	[smem:$0x3F51] =	sst s8  }
0x11: {  	[smem:$0x3F52] =	sst s9;
	s0 =	simm.s32 @!p0 $0x0  }
0x12: {  	s1 =	sld [smem:$0x3F38];
	s0 =	simm.s32 @p0 $0x1  }
0x13: {  	[smem:$0x3F53] =	sst s0;
	s0 =	simm.s32 @!p1 $0x0  }
0x14: {  	s2 =	sld [smem:$0x3F37];
	s0 =	simm.s32 @p1 $0x1  }
0x15: {  	[smem:$0x3F54] =	sst s0;
	s0 =	simm.s32 @!p2 $0x0  }
0x16: {  	s3 =	sld [smem:$0x3FDB];
	s0 =	simm.s32 @p2 $0x1  }
0x17: {  	s4 =	simm.s32 $0x1BF5;
	[smem:$0x3F56] =	sst s0  }
0x18: {  	s0 =	sld [smem:$0x3F39];
	_ =	swait.ge [sflag:s4], $0x0  }
0x19: {  	s7 =	sld [smem:$0x3F3A]  }
0x1a: {  	s8 =	sadd.s32 $0xFFFFE003, lr  }
0x1b: {  	s9 =	sadd.s32 $0xFFFFFEF7, lr;
	s5 =	simm.s32 $0xFFFFFFFF;
	p2 =	slt.u32 s8, $0xFFFFF086  }
0x1c: {  	p1 =	slt.u32 s9, $0xF7A;
	s5 =	simm.s32 @!p2 $0x0  }
0x1d: {  	s5 =	simm.s32 @p1 $0x1;
	p0 =	seq.s32 s7, s2  }
0x1e: {  	s7 =	smul.u32 @!p0 $0xF7A, s2;
	p2 =	seq.s32 @!p0 s5, $0x0  }
0x1f: {  	s9 =	smul.u32 $0xF7A, s1;
	s8 =	simm.s32 @!p0 $0x1BF5;
	p2 =	por !p2, p0  }
0x20: {  	[sflag:s8] =	ssyncset.s32 @!p0 $0xFFFFF086;
	s6 =	sadd.s32 @!p0 s3, s7;
	s7 =	simm.s32 @!p0 $0x108  }
0x21: {  	s3 =	sadd.s32 s3, s9;
	s6 =	sadd.s32 @!p0 $0x88, s6;
	s7 =	simm.s32 @p2 $0x1082  }
0x22: {  	[simem:s7], [sflag:s8] =	dma.local @!p0 [hbm:s6], $0xF7A  }
0x23: {  	s9 =	sor.u32 $0xD0000000, s2;
	s6 =	simm.s32 $0x108;
	_ =	swait.ge @!p0 [sflag:s8], $0x0  }
0x24: {  	s3 =	sadd.s32 $0x88, s3;
	s6 =	simm.s32 @!p1 $0x1082;
	[sflag:s4] =	ssyncset.s32 $0xFFFFF086  }
0x25: {  	[simem:s6], [sflag:s4] =	dma.local [hbm:s3], $0xF7A  }
0x26: {  	[smem:$0x3F3A] =	sst s1;
	(tag) =	ssettag s2;
	_ =	strace s9  }
0x27: {  	s1 =	sld [smem:$0x3F4A]  }
0x28: {  	s2 =	sld [smem:$0x3F4B]  }
0x29: {  	s4 =	sld [smem:$0x3F4D]  }
0x2a: {  	p0 =	seq.s32 s5, $0x0;
	s5 =	sld [smem:$0x3F4E]  }
0x2b: {  	s6 =	sld [smem:$0x3F4F]  }
0x2c: {  	s7 =	sld [smem:$0x3F50]  }
0x2d: {  	s3 =	simm.s32 $0x108;
	s8 =	sld [smem:$0x3F51]  }
0x2e: {  	s3 =	simm.s32 @!p0 $0x1082;
	s9 =	sld [smem:$0x3F52]  }
0x2f: {  	lr =	sadd.s32 s0, s3;
	s0 =	sld [smem:$0x3F49]  }
0x30: {  	s3 =	sld [smem:$0x3F4C]  }
0x31: {  	[smem:$0x3F55] =	sst s10  }
0x32: {  	s10 =	sld [smem:$0x3F53];
	_ =	sdelay $0x3  }
0x33: {  	p0 =	seq.s32 s10, $0x1;
	s10 =	sld [smem:$0x3F55];
	_ =	sdelay $0x3  }
0x34: {  	[smem:$0x3F55] =	sst s10  }
0x35: {  	s10 =	sld [smem:$0x3F54];
	_ =	sdelay $0x3  }
0x36: {  	p1 =	seq.s32 s10, $0x1;
	s10 =	sld [smem:$0x3F55];
	_ =	sdelay $0x3  }
0x37: {  	[smem:$0x3F55] =	sst s10  }
0x38: {  	s10 =	sld [smem:$0x3F56]  }
0x39: {  	_ = 	snop;
	(pc) =	sbr.ind lr, $3  }
0x3a: {  	_ = 	snop  }
0x3b: {  	_ = 	snop  }
0x3c: {  	p2 =	seq.s32 s10, $0x1;
	s10 =	sld [smem:$0x3F55]  }
0x3d: {  	_ =	shalt  }
0x3e: {  	_ =	shalt  }
0x3f: {  	_ =	shalt  }
0x40: {  	_ =	shalt  }
0x41: {  	_ =	shalt  }
0x42: {  	_ =	shalt  }
0x43: {  	_ =	shalt  }
0x44: {  	_ =	shalt  }
0x45: {  	_ =	shalt  }
0x46: {  	_ =	shalt  }
0x47: {  	_ =	shalt  }
0x48: {  	_ =	shalt  }
0x49: {  	_ =	shalt  }
0x4a: {  	_ =	shalt  }
0x4b: {  	_ =	shalt  }
0x4c: {  	_ =	shalt  }
0x4d: {  	_ =	shalt  }
0x4e: {  	_ =	shalt  }
0x4f: {  	_ =	shalt  }
0x50: {  	_ =	shalt  }
0x51: {  	_ =	shalt  }
0x52: {  	_ =	shalt  }
0x53: {  	_ =	shalt  }
0x54: {  	_ =	shalt  }
0x55: {  	_ =	shalt  }
0x56: {  	_ =	shalt  }
0x57: {  	_ =	shalt  }
0x58: {  	_ =	shalt  }
0x59: {  	_ =	shalt  }
0x5a: {  	_ =	shalt  }
0x5b: {  	_ =	shalt  }
0x5c: {  	_ =	shalt  }
0x5d: {  	_ =	shalt  }
0x5e: {  	_ =	shalt  }
0x5f: {  	_ =	shalt  }
0x60: {  	_ =	shalt  }
0x61: {  	_ =	shalt  }
0x62: {  	_ =	shalt  }
0x63: {  	_ =	shalt  }
0x64: {  	_ =	shalt  }
0x65: {  	_ =	shalt  }
0x66: {  	_ =	shalt  }
0x67: {  	_ =	shalt  }
0x68: {  	_ =	shalt  }
0x69: {  	_ =	shalt  }
0x6a: {  	_ =	shalt  }
0x6b: {  	_ =	shalt  }
0x6c: {  	_ =	shalt  }
0x6d: {  	_ =	shalt  }
0x6e: {  	_ =	shalt  }
0x6f: {  	_ =	shalt  }
0x70: {  	_ =	shalt  }
0x71: {  	_ =	shalt  }
0x72: {  	_ =	shalt  }
0x73: {  	_ =	shalt  }
0x74: {  	_ =	shalt  }
0x75: {  	_ =	shalt  }
0x76: {  	_ =	shalt  }
0x77: {  	_ =	shalt  }
0x78: {  	_ =	shalt  }
0x79: {  	_ =	shalt  }
0x7a: {  	_ =	shalt  }
0x7b: {  	_ =	shalt  }
0x7c: {  	_ =	shalt  }
0x7d: {  	_ =	shalt  }
0x7e: {  	_ =	shalt  }
0x7f: {  	_ =	shalt  }
0x80: {  	_ =	shalt  }
0x81: {  	_ =	shalt  }
0x82: {  	_ =	shalt  }
0x83: {  	_ =	shalt  }
0x84: {  	_ =	shalt  }
0x85: {  	_ =	shalt  }
0x86: {  	_ =	shalt  }
0x87: {  	_ =	shalt  }
.Lfunc_end0:
.L_simem_size_0:
called_computation.1_lowered:
.L_overlay_start_0:
0x88: {  	s2 =	sld [smem:$0x3FD9]  }
0x89: {  	s3 =	sld [smem:$0x3FFE];
	_ =	sdelay $0x1  }
0x8a: {  	s1 =	srdreg.scid  }
0x8b: {  	s0 =	sand.u32 $0x1, s1  }
0x8c: {  	s16 =	sshll.u32 s0, $0xA;
	s2 =	sadd.s32 s3, s2  }
0x8d: {  	s2 =	sadd.s32 s2, s16  }
0x8e: {  	[smem:$0x3F61] =	sst s2  }
0x8f: {  	_ = 	snop  }
0x90: {  	(tm) =	ssettm $0x1  }
0x91: {  	s17 =	sld [smem:$0x3FFB];
	_ =	sdelay $0x3  }
0x92: {  	_ =	strace s17  }
0x93: {  	s2 =	sld [smem:$0x3FFC];
	_ =	sdelay $0x3  }
0x94: {  	_ =	strace s2  }
0x95: {  	s2 =	sld [smem:$0x3FFD];
	_ =	sdelay $0x3  }
0x96: {  	_ =	strace s2  }
0x97: {  	_ =	strace $0x8FFFFFFF  }
0x98: {  	s18 =	sld [smem:$0x3FDB];
	_ =	sdelay $0x1  }
0x99: {  	s19 =	simm.s32 $_scs_section_size  }
0x9a: {  	s4 =	simm.s32 $_size__tile_overlayer_lowered;
	s5 =	simm.s32 $_tile_overlayer_lowered  }
0x9b: {  	s22 =	simm.s32 $0x1BFF;
	s21 =	sshll.u32 s5, $0x1;
	s2 =	sadd.s32 s19, s18  }
0x9c: {  	s6 =	simm.s32 $0x0;
	s20 =	sshll.u32 s4, $0x1;
	s4 =	sadd.s32 s21, s2  }
0x9d: {  	[timem:s6], [sflag:s22] =	dma.local [hbm:s4], s20  }
0x9e: {  	_ =	swait.ge [sflag:s22], s20  }
0x9f: {  	s3 =	ssub.s32 $0x0, s20;
	[sflag:s22] =	ssyncset.done $0x0  }
0xa0: {  	[sflag:s22] =	ssyncadd.s32 s3;
	_ =	sdelay $0x1  }
0xa1: {  	s23 =	simm.s32 $0x1B8B  }
0xa2: {  	_ =	swait.ge [sflag:s23], $0x1  }
0xa3: {  	[sflag:s23] =	ssyncset.done $0x0  }
0xa4: {  	s25 =	simm.s32 $0x1B8E;
	s24 =	sld [smem:$0x3FFE];
	[sflag:s23] =	ssyncadd.s32 $0xFFFFFFFF  }
0xa5: {  	s26 =	simm.s32 $execute0_lowered;
	[smem:$0x3FD2] =	sst s25  }
0xa6: {  	s4 =	sshll.u32 s26, $0x1;
	_ =	strace $0x80000049;
	[dreg:$0x1] =	wrdreg $0xFFFFFFFF  }
0xa7: {  	s28 =	simm.s32 $_size_execute0_lowered;
	s2 =	sadd.s32 s2, s4;
	[dreg:$0x0] =	wrdreg $0x0  }
0xa8: {  	s4 =	sshll.u32 s28, $0x1;
	[dreg:$0x2] =	wrdreg s2  }
0xa9: {  	[dreg:$0x3] =	wrdreg s4  }
0xaa: {  	[dreg:$0x4] =	wrdreg $0xC0  }
0xab: {  	_ =	task [dreg:s6], $0x5FFFF  }
0xac: {  	[dreg:$0x1] =	wrdreg $0xFFFFFFFF  }
0xad: {  	[dreg:$0x0] =	wrdreg $0x60  }
0xae: {  	[dreg:$0x2] =	wrdreg s24  }
0xaf: {  	[dreg:$0x3] =	wrdreg $0x9  }
0xb0: {  	_ =	task.clear_ibuf [dreg:s6], $0x4FFFF;
	_ =	strace $0x90000049  }
0xb1: {  	s29 =	simm.s32 $0x9;
	_ =	strace $0x8000004B  }
0xb2: {  	_ =	swait.ge [sflag:s29], $0x1  }
0xb3: {  	[sflag:s29] =	ssyncadd.s32 $0xFFFFFFFF  }
0xb4: {  	_ =	strace $0x9000004B  }
0xb5: {  	_ =	sfence  }
0xb6: {  	s30 =	sld [smem:$0x0];
	_ =	sdelay $0x2  }
0xb7: {  	s31 =	sshll.u32 s1, $0xD;
	s1 =	sshrl.u32 s1, $0x2  }
0xb8: {  	s3 =	sand.u32 $0x4000, s31;
	s1 =	sadd.s32 s1, s30  }
0xb9: {  	s0 =	sor.u32 s3, s0;
	s1 =	sshll.u32 s1, $0x11  }
0xba: {  	s0 =	sor.u32 s1, s0  }
0xbb: {  	s0 =	sadd.s32 $0x8F2B, s0  }
0xbc: {  	[sflag:s0] =	ssyncadd.remote.s32 $0x1  }
0xbd: {  	_ =	sfence.sel $0xFFFF  }
0xbe: {  	[dreg:$0x0] =	wrdreg $0xFFFFFFFF;
	(pc) =	sbr.abs _section_cstart, $3  }
0xbf: {  	[dreg:$0x1] =	wrdreg $0xFFFFFFFF  }
0xc0: {  	_ =	task.clear_ibuf [dreg:s6], $0x2FFFF;
	_ =	strace $0x9FFFFFFF  }
0xc1: {  	(tm) =	ssettm $0x7FFFFFFF  }
tec
execute0_lowered:
.L_overlay_start_1:
0x0: {  	(tag) =	ssettag $0x1  }
0x1: {  	v0 =	vimm.s32 $0xEFCDAB89;
	v1 =	vimm.s32 $0x67452301  }
0x2: {  	v2 =	vimm.s32 $0xDCFE98BA;
	v3 =	vimm.s32 $0x54761032;
	v4 =	vimm.s32 $0xBA98FEDC  }
0x3: {  	s0 =	srdreg.scid;
	v5 =	vimm.s32 $0x32107654;
	v6 =	vimm.s32 $0xFEDCBA98;
	v7 =	vimm.s32 $0x76543210  }
0x4: {  	v0 =	vunpack.c.l.s4.s8 v0;
	v1 =	vunpack.c.l.s4.s8 v1;
	v2 =	vunpack.c.l.s4.s8 v2;
	s3 =	sand.u32 $0x1, s0  }
0x5: {  	s4 =	rddreg [dreg:$0x0];
	s0 =	stileid.u32;
	v3 =	vunpack.c.l.s4.s8 v3;
	v4 =	vunpack.c.l.s4.s8 v4;
	v5 =	vunpack.c.l.s4.s8 v5;
	s1 =	sshll.u32 s3, $0x4  }
0x6: {  	s2 =	simm.s32 $0x0;
	s9 =	simm.s32 $0x600;
	v6 =	vunpack.c.l.s4.s8 v6;
	v7 =	vunpack.c.l.s4.s8 v7;
	v0 =	vunpack.c.0.s8.s32 v0;
	s5 =	sor.u32 s0, s1  }
0x7: {  	s10 =	simm.s32 $0x0;
	[smem:$0x7FF] =	sst s2;
	v1 =	vunpack.c.0.s8.s32 v1;
	v2 =	vunpack.c.0.s8.s32 v2;
	v3 =	vunpack.c.0.s8.s32 v3;
	s6 =	smul.u32 $0x480, s5  }
0x8: {  	s3 =	ssub.s32 $0x2, s3;
	s1 =	rddreg [dreg:$0x1];
	v4 =	vunpack.c.0.s8.s32 v4;
	v5 =	vunpack.c.0.s8.s32 v5;
	v6 =	vunpack.c.0.s8.s32 v6;
	s5 =	smul.u32 $0x11, s5  }
0x9: {  	_ =	strace $0x8000004A;
	s31 =	sshrl.u32 s3, $0x1;
	v7 =	vunpack.c.0.s8.s32 v7;
	v0 =	vcombine.low v1, v0;
	s6 =	sshrl.u32 s6, $0x3  }
0xa: {  	s8 =	ssub.s32 s3, s31;
	v1 =	vcombine.low v3, v2;
	v2 =	vcombine.low v5, v4;
	v8 =	vand.u32 $0xF, v6;
	s7 =	sadd.s32 s5, s4;
	s6 =	sadd.s32 s6, s4  }
0xb: {  	v3 =	vlaneseq.u32;
	v7 =	vcombine.low v8, v7;
	s3 =	sadd.s32 $0x8EC00, s6;
	s4 =	sadd.s32 $0x8EC30, s6;
	s5 =	sadd.s32 $0x8EC60, s6  }
0xc: {  	v4 =	vand.u32 $0xF, v0;
	v5 =	vand.u32 $0xF, v1;
	v6 =	vand.u32 $0xF, v2;
	s6 =	sadd.s32 $0x8FE00, s7;
	s7 =	smax.u32 s8, $0x1;
	s8 =	simm.s32 $0x1  }
.LBB2_1:
0xd: {  	[tilespmem:s2], [sflag:$0x1] =	stream.linear.gather [hbm4b:s3+s2], $0x180, $0x38;
	[tilespmem:$0x688] =	vst v63  }
0xe: {  	_ =	swait.ge [sflag:s8], $0x180  }
0xf: {  	[sflag:s8] =	ssyncset.done $0x0  }
0x10: {  	s11 =	simm.s32 $0x180;
	[sflag:s8] =	ssyncadd.s32 $0xFFFFFE80  }
0x11: {  	[tilespmem:s11], [sflag:$0x1] =	stream.linear.gather [hbm4b:s4+s2], $0x180, $0x38;
	[tilespmem:$0x688] =	vst v63  }
0x12: {  	_ =	swait.ge [sflag:s8], $0x180  }
0x13: {  	[sflag:s8] =	ssyncset.done $0x0  }
0x14: {  	s12 =	simm.s32 $0x300;
	[sflag:s8] =	ssyncadd.s32 $0xFFFFFE80  }
0x15: {  	[tilespmem:s12], [sflag:$0x1] =	stream.linear.gather [hbm4b:s5+s2], $0x180, $0x38;
	[tilespmem:$0x688] =	vst v63  }
0x16: {  	_ =	swait.ge [sflag:s8], $0x180  }
0x17: {  	[sflag:s8] =	ssyncset.done $0x0  }
0x18: {  	[sflag:s8] =	ssyncadd.s32 $0xFFFFFE80  }
0x19: {  	v13 =	vld [tilespmem:s2+$0x0]  }
0x1a: {  	v10 =	vld [tilespmem:s11+$0x0]  }
0x1b: {  	v11 =	vld [tilespmem:s12+$0x0];
	_ =	sdelay $0x1  }
0x1c: {  	v8 =	vimm.f32 $-3.000000010e+38  }
0x1d: {  	s13 =	simm.s32 $0x10;
	v14 =	vmov s2;
	s14 =	simm.s32 $0x10;
	v12 =	vimm.f32 $-3.000000010e+38;
	v9 =	vimm.f32 $-3.000000010e+38  }
.LBB2_2:
0x1e: {  	v15 =	vld [tilespmem:s14+$0x0];
	vm0 =	veq.s32 v14, v3;
	s11 =	sadd.s32 $0x10, s11;
	s15 =	smov.u32 s13;
	p0 =	sne.s32 s13, $0x170  }
.Ltmp0:
0x1f: {  	s12 =	sadd.s32 $0x10, s12;
	v13 =	vnsel vm0, $0xFF61B1E6, v13;
	v14 =	vnsel vm0, $0xFF61B1E6, v10;
	v10 =	vld [tilespmem:s11+$0x0];
	v16 =	vnsel vm0, $0xFF61B1E6, v11;
	(pc) =	sbr.rel @p0 .LBB2_2-.Ltmp0, $2  }
0x20: {  	s13 =	sadd.s32 $0x10, s13;
	v11 =	vld [tilespmem:s12+$0x0];
	v8 =	vmax.f32 v8, v13;
	v12 =	vmax.f32 v12, v14;
	v9 =	vmax.f32 v9, v16;
	_ =	sdelay $0x2  }
0x21: {  	s14 =	sadd.s32 $0x10, s14;
	v14 =	vmov s15;
	v13 =	vmov v15  }
0x22: {  	vm0 =	veq.s32 v14, v3  }
0x23: {  	v13 =	vnsel vm0, $0xFF61B1E6, v13;
	v10 =	vnsel vm0, $0xFF61B1E6, v10  }
0x24: {  	v8 =	vmax.f32 v8, v13;
	v10 =	vmax.f32 v12, v10  }
0x25: {  	v11 =	vnsel vm0, $0xFF61B1E6, v11;
	v12 =	vperm.xlane v8, v4;
	v13 =	vperm.xlane v10, v4  }
0x26: {  	v9 =	vmax.f32 v9, v11  }
0x27: {  	v11 =	vperm.xlane v9, v4;
	v8 =	vmax.f32 v8, v12;
	v10 =	vmax.f32 v10, v13  }
0x28: {  	v12 =	vperm.xlane v8, v5;
	v13 =	vperm.xlane v10, v5  }
0x29: {  	v9 =	vmax.f32 v9, v11  }
0x2a: {  	s11 =	simm.s32 $0x0;
	v11 =	vperm.xlane v9, v5;
	v8 =	vmax.f32 v8, v12;
	v10 =	vmax.f32 v10, v13  }
0x2b: {  	v14 =	vld [tilespmem:s11+$0x0];
	v12 =	vperm.xlane v8, v6;
	v13 =	vperm.xlane v10, v6  }
0x2c: {  	v9 =	vmax.f32 v9, v11;
	v11 =	vld [tilespmem:s11+$0x180]  }
0x2d: {  	v8 =	vmax.f32 v8, v12;
	v10 =	vmax.f32 v10, v13;
	v12 =	vperm.xlane v9, v6  }
0x2e: {  	v16 =	vld [tilespmem:s11+$0x300];
	v13 =	vperm.xlane v8, v7;
	v15 =	vperm.xlane v10, v7  }
0x2f: {  	v12 =	vmax.f32 v9, v12  }
0x30: {  	s12 =	simm.s32 $0x10;
	v8 =	vmax.f32 v8, v13;
	v9 =	vmax.f32 v10, v15;
	v10 =	vperm.xlane v12, v7  }
0x31: {  	v13 =	vsub.f32 v14, v8;
	v14 =	vsub.f32 v11, v9;
	v11 =	vld [tilespmem:s12+$0x0]  }
0x32: {  	v10 =	vmax.f32 v12, v10;
	v12 =	vld [tilespmem:s12+$0x180]  }
0x33: {  	v15 =	vsub.f32 v16, v10;
	v16 =	vmul.f32 v13, v13;
	v14 =	vmul.f32 v14, v14  }
0x34: {  	v13 =	vld [tilespmem:s12+$0x300]  }
0x35: {  	s13 =	simm.s32 $0x80;
	v14 =	vadd.f32 v14, v16;
	v15 =	vmul.f32 v15, v15  }
.LBB2_4:
0x36: {  	s14 =	sshra.s32 s13, $0x2;
	v16 =	vsub.f32 v11, v8;
	p0 =	sne.s32 s13, $0x5C0  }
.Ltmp1:
0x37: {  	s13 =	sadd.s32 $0x40, s13;
	v11 =	vld [tilespmem:s14+$0x0];
	v17 =	vsub.f32 v12, v9;
	v14 =	vadd.f32 v15, v14;
	(pc) =	sbr.rel @p0 .LBB2_4-.Ltmp1, $4  }
0x38: {  	v12 =	vld [tilespmem:s14+$0x180]  }
0x39: {  	v16 =	vmul.f32 v16, v16;
	v15 =	vsub.f32 v13, v10;
	v17 =	vmul.f32 v17, v17;
	[tilespmem:s11+$0x480] =	vst v14;
	s11 =	smov.u32 s12;
	s12 =	smov.u32 s14  }
0x3a: {  	v13 =	vld [tilespmem:s12+$0x300]  }
0x3b: {  	v14 =	vadd.f32 v17, v16;
	v15 =	vmul.f32 v15, v15  }
0x3c: {  	_ = 	snop  }
0x3d: {  	v8 =	vsub.f32 v11, v8;
	v9 =	vsub.f32 v12, v9;
	_ =	sdelay $0x1  }
0x3e: {  	v8 =	vmul.f32 v8, v8;
	v10 =	vsub.f32 v13, v10;
	v9 =	vmul.f32 v9, v9;
	_ =	sdelay $0x1  }
0x3f: {  	v8 =	vadd.f32 v9, v8;
	v62 =	vmul.f32 v10, v10  }
0x40: {  	v63 =	vadd.f32 v15, v14  }
0x41: {  	v8 =	vadd.f32 v62, v8  }
0x42: {  	[tilespmem:s11+$0x480] =	vst v63  }
0x43: {  	[tilespmem:s12+$0x480] =	vst v8  }
0x44: {  	v8 =	vld [tilespmem:$0x600];
	_ =	sdelay $0x3  }
0x45: {  	vm0 =	veq.s32 v3, $0x0  }
0x46: {  	v8 =	vsel vm0, $0x0, v8  }
0x47: {  	s11 =	simm.s32 $0x1;
	[tilespmem:$0x600] =	vst v8  }
.LBB2_6:
0x48: {  	v8 =	vld [tilespmem:$0x480]  }
0x49: {  	v9 =	vld [tilespmem:$0x490]  }
0x4a: {  	v10 =	vld [tilespmem:$0x4A0]  }
0x4b: {  	v11 =	vld [tilespmem:$0x4B0]  }
0x4c: {  	v12 =	vld [tilespmem:$0x4C0]  }
0x4d: {  	v13 =	vld [tilespmem:$0x4D0];
	v8 =	vmax.f32 v8, $-3.000000010e+38  }
0x4e: {  	v8 =	vmax.f32 v8, v9;
	v9 =	vld [tilespmem:$0x4E0]  }
0x4f: {  	v8 =	vmax.f32 v8, v10;
	v10 =	vld [tilespmem:$0x4F0]  }
0x50: {  	v8 =	vmax.f32 v8, v11;
	v11 =	vld [tilespmem:$0x500]  }
0x51: {  	v58 =	vld [tilespmem:$0x510];
	v8 =	vmax.f32 v8, v12  }
0x52: {  	v59 =	vld [tilespmem:$0x520];
	v8 =	vmax.f32 v8, v13  }
0x53: {  	v8 =	vmax.f32 v8, v9;
	v9 =	vld [tilespmem:$0x530]  }
0x54: {  	v8 =	vmax.f32 v8, v10;
	v10 =	vld [tilespmem:$0x540]  }
0x55: {  	v8 =	vmax.f32 v8, v11;
	v11 =	vld [tilespmem:$0x550]  }
0x56: {  	v60 =	vld [tilespmem:$0x560];
	v8 =	vmax.f32 v8, v58  }
0x57: {  	v61 =	vld [tilespmem:$0x570];
	v8 =	vmax.f32 v8, v59  }
0x58: {  	v8 =	vmax.f32 v8, v9;
	v9 =	vld [tilespmem:$0x580]  }
0x59: {  	v8 =	vmax.f32 v8, v10;
	v10 =	vld [tilespmem:$0x590]  }
0x5a: {  	v8 =	vmax.f32 v8, v11;
	v11 =	vld [tilespmem:$0x5A0]  }
0x5b: {  	v62 =	vld [tilespmem:$0x5B0];
	v8 =	vmax.f32 v8, v60  }
0x5c: {  	v63 =	vld [tilespmem:$0x5C0];
	v8 =	vmax.f32 v8, v61  }
0x5d: {  	v8 =	vmax.f32 v8, v9;
	v9 =	vld [tilespmem:$0x5D0]  }
0x5e: {  	v8 =	vmax.f32 v8, v10;
	v10 =	vld [tilespmem:$0x5E0]  }
0x5f: {  	v8 =	vmax.f32 v8, v11;
	v11 =	vld [tilespmem:$0x5F0]  }
0x60: {  	v8 =	vmax.f32 v8, v62  }
0x61: {  	v8 =	vmax.f32 v8, v63  }
0x62: {  	v8 =	vmax.f32 v8, v9  }
0x63: {  	v8 =	vmax.f32 v8, v10  }
0x64: {  	v8 =	vmax.f32 v8, v11  }
0x65: {  	v9 =	vperm.xlane v8, v0;
	_ =	sdelay $0x1  }
0x66: {  	v8 =	vmax.f32 v8, v9  }
0x67: {  	v9 =	vperm.xlane v8, v1;
	_ =	sdelay $0x1  }
0x68: {  	v8 =	vmax.f32 v8, v9  }
0x69: {  	s12 =	simm.s32 $0x480;
	v9 =	vperm.xlane v8, v2  }
0x6a: {  	v10 =	vld [tilespmem:s12+$0x0]  }
0x6b: {  	v8 =	vmax.f32 v8, v9  }
0x6c: {  	v9 =	vperm.xlane v8, v7;
	_ =	sdelay $0x1  }
0x6d: {  	s13 =	simm.s32 $0x0;
	v9 =	vmax.f32 v8, v9  }
0x6e: {  	s12 =	simm.s32 $0x10;
	v8 =	vimm.s32 $0x180;
	vm0 =	veq.f32 v10, v9;
	v10 =	vor.u32 s13, v3;
	s13 =	simm.s32 $0x490  }
.LBB2_7:
0x6f: {  	v11 =	vld [tilespmem:s13+$0x0];
	p0 =	sne.s32 s12, $0x170;
	v10 =	vnsel vm0, $0x180, v10;
	s14 =	smov.u32 s12;
	s12 =	sadd.s32 $0x10, s12  }
.Ltmp2:
0x70: {  	vm0 =	vlt.s32 v8, v10;
	(pc) =	sbr.rel @p0 .LBB2_7-.Ltmp2, $2  }
0x71: {  	v8 =	vsel vm0, v8, v10;
	_ =	sdelay $0x2  }
0x72: {  	s13 =	sadd.s32 $0x10, s13;
	v10 =	vor.u32 s14, v3;
	vm0 =	veq.f32 v11, v9  }
0x73: {  	v9 =	vnsel vm0, $0x180, v10  }
0x74: {  	vm0 =	vlt.s32 v8, v9  }
0x75: {  	v8 =	vsel vm0, v8, v9  }
0x76: {  	v9 =	vperm.xlane v8, v0;
	_ =	sdelay $0x1  }
0x77: {  	vm0 =	vlt.s32 v8, v9  }
0x78: {  	v8 =	vsel vm0, v8, v9  }
0x79: {  	v9 =	vperm.xlane v8, v1;
	_ =	sdelay $0x1  }
0x7a: {  	vm0 =	vlt.s32 v8, v9  }
0x7b: {  	v8 =	vsel vm0, v8, v9  }
0x7c: {  	v9 =	vperm.xlane v8, v2;
	_ =	sdelay $0x1  }
0x7d: {  	s12 =	sand.u32 $0xF0, s11;
	vm0 =	vlt.s32 v8, v9  }
0x7e: {  	v8 =	vsel vm0, v8, v9;
	v9 =	vld [tilespmem:s12+$0x600]  }
0x7f: {  	v10 =	vperm.xlane v8, v7  }
0x80: {  	s13 =	sand.u32 $0xF, s11  }
0x81: {  	v11 =	vmov s13;
	vm0 =	vlt.s32 v8, v10  }
0x82: {  	vm15 =	veq.s32 v11, v3;
	v8 =	vsel vm0, v8, v10  }
0x83: {  	v9 =	vsel vm15, v8, v9  }
0x84: {  	s15 =	simm.s32 $0x0;
	[tilespmem:s12+$0x600] =	vst v9  }
0x85: {  	s12 =	simm.s32 $0x180;
	v14 =	vld [tilespmem:s15+$0x0]  }
0x86: {  	s13 =	simm.s32 $0x300;
	v11 =	vld [tilespmem:s12+$0x0]  }
0x87: {  	v12 =	vld [tilespmem:s13+$0x0];
	_ =	sdelay $0x1  }
0x88: {  	v13 =	vimm.f32 $-3.000000010e+38  }
0x89: {  	s14 =	simm.s32 $0x10;
	v15 =	vor.u32 s15, v3;
	v10 =	vimm.f32 $-3.000000010e+38;
	v9 =	vimm.f32 $-3.000000010e+38;
	s15 =	simm.s32 $0x10  }
.LBB2_9:
0x8a: {  	v16 =	vld [tilespmem:s15+$0x0];
	vm0 =	veq.s32 v15, v8;
	s12 =	sadd.s32 $0x10, s12;
	s16 =	smov.u32 s14;
	p0 =	sne.s32 s14, $0x170  }
.Ltmp3:
0x8b: {  	s13 =	sadd.s32 $0x10, s13;
	v14 =	vnsel vm0, $0xFF61B1E6, v14;
	v15 =	vnsel vm0, $0xFF61B1E6, v11;
	v11 =	vld [tilespmem:s12+$0x0];
	v17 =	vnsel vm0, $0xFF61B1E6, v12;
	(pc) =	sbr.rel @p0 .LBB2_9-.Ltmp3, $2  }
0x8c: {  	s14 =	sadd.s32 $0x10, s14;
	v12 =	vld [tilespmem:s13+$0x0];
	v9 =	vmax.f32 v9, v14;
	v13 =	vmax.f32 v13, v15;
	v10 =	vmax.f32 v10, v17;
	_ =	sdelay $0x2  }
0x8d: {  	s15 =	sadd.s32 $0x10, s15;
	v15 =	vor.u32 s16, v3;
	v14 =	vmov v16  }
0x8e: {  	vm0 =	veq.s32 v15, v8  }
0x8f: {  	v8 =	vnsel vm0, $0xFF61B1E6, v14;
	v11 =	vnsel vm0, $0xFF61B1E6, v11  }
0x90: {  	v8 =	vmax.f32 v9, v8;
	v9 =	vmax.f32 v13, v11  }
0x91: {  	v11 =	vnsel vm0, $0xFF61B1E6, v12;
	v12 =	vperm.xlane v8, v4;
	v13 =	vperm.xlane v9, v4  }
0x92: {  	v10 =	vmax.f32 v10, v11  }
0x93: {  	v11 =	vperm.xlane v10, v4;
	v8 =	vmax.f32 v8, v12;
	v9 =	vmax.f32 v9, v13  }
0x94: {  	v12 =	vperm.xlane v8, v5;
	v13 =	vperm.xlane v9, v5  }
0x95: {  	v10 =	vmax.f32 v10, v11  }
0x96: {  	s12 =	simm.s32 $0x0;
	v11 =	vperm.xlane v10, v5;
	v8 =	vmax.f32 v8, v12;
	v9 =	vmax.f32 v9, v13  }
0x97: {  	v14 =	vld [tilespmem:s12+$0x0];
	v12 =	vperm.xlane v8, v6;
	v13 =	vperm.xlane v9, v6  }
0x98: {  	v10 =	vmax.f32 v10, v11;
	v11 =	vld [tilespmem:s12+$0x180]  }
0x99: {  	v8 =	vmax.f32 v8, v12;
	v9 =	vmax.f32 v9, v13;
	v12 =	vperm.xlane v10, v6  }
0x9a: {  	v16 =	vld [tilespmem:s12+$0x300];
	v13 =	vperm.xlane v8, v7;
	v15 =	vperm.xlane v9, v7  }
0x9b: {  	v10 =	vmax.f32 v10, v12  }
0x9c: {  	v8 =	vmax.f32 v8, v13;
	v9 =	vmax.f32 v9, v15;
	v12 =	vperm.xlane v10, v7  }
0x9d: {  	v13 =	vsub.f32 v14, v8;
	v11 =	vsub.f32 v11, v9  }
0x9e: {  	v10 =	vmax.f32 v10, v12  }
0x9f: {  	s13 =	simm.s32 $0x10;
	v12 =	vsub.f32 v16, v10;
	v13 =	vmul.f32 v13, v13;
	v11 =	vmul.f32 v11, v11  }
0xa0: {  	v15 =	vld [tilespmem:s13+$0x180]  }
0xa1: {  	v14 =	vld [tilespmem:s13+$0x0];
	v11 =	vadd.f32 v11, v13;
	v12 =	vmul.f32 v12, v12  }
0xa2: {  	v16 =	vld [tilespmem:s12+$0x480]  }
0xa3: {  	v17 =	vadd.f32 v12, v11;
	v12 =	vld [tilespmem:s13+$0x300];
	_ =	sdelay $0x2  }
0xa4: {  	s14 =	simm.s32 $0x20;
	v13 =	vsub.f32 v14, v8;
	v14 =	vsub.f32 v15, v9  }
0xa5: {  	s15 =	simm.s32 $0xC0;
	v11 =	vld [tilespmem:s14+$0x0];
	v15 =	vmin.f32 v16, v17  }
.LBB2_11:
0xa6: {  	p0 =	sne.s32 s15, $0x5C0;
	v16 =	vld [tilespmem:s14+$0x180];
	v17 =	vsub.f32 v12, v10;
	v13 =	vmul.f32 v13, v13;
	v14 =	vmul.f32 v14, v14;
	[tilespmem:s12+$0x480] =	vst v15;
	s12 =	smov.u32 s13;
	s13 =	smov.u32 s14  }
0xa7: {  	v15 =	vld [tilespmem:s12+$0x480]  }
.Ltmp4:
0xa8: {  	v12 =	vld [tilespmem:s13+$0x300];
	v13 =	vadd.f32 v14, v13;
	v14 =	vmul.f32 v17, v17;
	(pc) =	sbr.rel @p0 .LBB2_11-.Ltmp4, $4  }
0xa9: {  	_ = 	snop  }
0xaa: {  	v17 =	vadd.f32 v14, v13  }
0xab: {  	s14 =	sshra.s32 s15, $0x2;
	v13 =	vsub.f32 v11, v8;
	v14 =	vsub.f32 v16, v9  }
0xac: {  	s15 =	sadd.s32 $0x40, s15;
	v11 =	vld [tilespmem:s14+$0x0];
	v15 =	vmin.f32 v15, v17  }
0xad: {  	v16 =	vld [tilespmem:s14+$0x180];
	v12 =	vsub.f32 v12, v10;
	v13 =	vmul.f32 v13, v13;
	v14 =	vmul.f32 v14, v14;
	[tilespmem:s12+$0x480] =	vst v15  }
0xae: {  	v15 =	vld [tilespmem:s13+$0x480]  }
0xaf: {  	v17 =	vld [tilespmem:s14+$0x300];
	v13 =	vadd.f32 v14, v13;
	v12 =	vmul.f32 v12, v12;
	_ =	sdelay $0x1  }
0xb0: {  	v12 =	vadd.f32 v12, v13  }
0xb1: {  	v8 =	vsub.f32 v11, v8;
	v9 =	vsub.f32 v16, v9  }
0xb2: {  	v61 =	vmin.f32 v15, v12  }
0xb3: {  	v62 =	vsub.f32 v17, v10;
	v8 =	vmul.f32 v8, v8;
	v9 =	vmul.f32 v9, v9;
	[tilespmem:s13+$0x480] =	vst v61  }
0xb4: {  	s11 =	sadd.s32 $0x1, s11;
	v11 =	vld [tilespmem:s14+$0x480]  }
0xb5: {  	p0 =	sne.s32 s11, $0x81;
	v63 =	vmul.f32 v62, v62;
	v8 =	vadd.f32 v9, v8  }
.Ltmp5:
0xb6: {  	_ = 	snop;
	(pc) =	sbr.rel @p0 .LBB2_6-.Ltmp5, $3  }
0xb7: {  	v8 =	vadd.f32 v63, v8;
	_ =	sdelay $0x1  }
0xb8: {  	v8 =	vmin.f32 v11, v8  }
0xb9: {  	[tilespmem:s14+$0x480] =	vst v8  }
0xba: {  	s10 =	sadd.s32 $0x1, s10  }
0xbb: {  	p0 =	sne.s32 s10, s7  }
.Ltmp6:
0xbc: {  	_ = 	snop;
	(pc) =	sbr.rel @p0 .LBB2_1-.Ltmp6, $4  }
0xbd: {  	[hbm4b:s6+s2] =	stream.linear.scatter [tilespmem:s9], [sflag:$0x1], $0x88, $0x38;
	[tilespmem:$0x688] =	vst v63  }
0xbe: {  	_ =	swait.ge [sflag:s8], $0x88  }
0xbf: {  	[sflag:s8] =	ssyncset.done $0x0  }
0xc0: {  	[sflag:s8] =	ssyncadd.s32 $0xFFFFFF78  }
0xc1: {  	_ =	sfence.sel $0x180000  }
0xc2: {  	[bflag:$0x0] =	sbarrier.arrive $0xFFFF  }
0xc3: {  	p0 =	sne.s32 s0, $0x0;
	_ =	strace $0x9000004A  }
0xc4: {  	s0 =	sadd.s32 @!p0 $0x100000, s1;
	[bflag:$0x2] =	sbarrier.arrive $0xFFFF  }
0xc5: {  	[sflag:s0] =	ssyncadd.tile.s32 @!p0 $0x1;
	_ =	shalt  }
.Lfunc_end2:
_tile_overlayer_lowered:
.L_overlay_start_2:
0xc6: {  	(tag) =	ssettag $0x2  }
0xc7: {  	s0 =	rddreg [dreg:$0x0];
	s2 =	stileid.u32  }
0xc8: {  	s1 =	rddreg [dreg:$0x1];
	p0 =	sne.s32 s2, $0x0  }
0xc9: {  	s3 =	rddreg [dreg:$0x2];
	[bflag:$0x3] =	sbarrier.arrive $0xFFFF;
	s2 =	simm.s32 @!p0 $0x1C01  }
0xca: {  	[timem:s3], [sflag:s2] =	dma.local @!p0 [hbm:s0], s1  }
0xcb: {  	s0 =	simm.s32 @!p0 $0x1  }
0xcc: {  	_ =	swait.ge @!p0 [sflag:s0], s1  }
0xcd: {  	s1 =	ssub.s32 @!p0 $0x0, s1;
	[sflag:s0] =	ssyncset.done @!p0 $0x0  }
0xce: {  	[sflag:s0] =	ssyncadd.s32 @!p0 s1  }
0xcf: {  	[bflag:$0x3] =	sbarrier.arrive $0xFFFF  }
0xd0: {  	_ =	shalt  }

// kernel: kernel.9.cloned.1.call-start
scs
__scs_entry_jumppad:
0x0: {  	(pc) =	sbr.rel $0x88, $3  }
0x1: {  	(tag) =	ssettag $0x0;
	lr =	simm.s32 $0x1  }
0x2: {  	[smem:$0x3F3A] =	sst lr;
	_ =	strace $0xD0000000  }
0x3: {  	_ = 	snop  }
0x4: {  	_ = 	snop  }
0x5: {  	_ = 	snop  }
0x6: {  	_ = 	snop  }
0x7: {  	_ = 	snop  }
__scs_overlays_trampoline_lowered:
0x8: {  	[smem:$0x3F49] =	sst s0  }
0x9: {  	[smem:$0x3F4A] =	sst s1  }
0xa: {  	[smem:$0x3F4B] =	sst s2  }
0xb: {  	[smem:$0x3F4C] =	sst s3  }
0xc: {  	[smem:$0x3F4D] =	sst s4  }
0xd: {  	[smem:$0x3F4E] =	sst s5  }
0xe: {  	[smem:$0x3F4F] =	sst s6  }
0xf: {  	[smem:$0x3F50] =	sst s7  }
0x10: {  	[smem:$0x3F51] =	sst s8  }
0x11: {  	[smem:$0x3F52] =	sst s9;
	s0 =	simm.s32 @!p0 $0x0  }
0x12: {  	s1 =	sld [smem:$0x3F38];
	s0 =	simm.s32 @p0 $0x1  }
0x13: {  	[smem:$0x3F53] =	sst s0;
	s0 =	simm.s32 @!p1 $0x0  }
0x14: {  	s2 =	sld [smem:$0x3F37];
	s0 =	simm.s32 @p1 $0x1  }
0x15: {  	[smem:$0x3F54] =	sst s0;
	s0 =	simm.s32 @!p2 $0x0  }
0x16: {  	s3 =	sld [smem:$0x3FDB];
	s0 =	simm.s32 @p2 $0x1  }
0x17: {  	s4 =	simm.s32 $0x1BF5;
	[smem:$0x3F56] =	sst s0  }
0x18: {  	s0 =	sld [smem:$0x3F39];
	_ =	swait.ge [sflag:s4], $0x0  }
0x19: {  	s7 =	sld [smem:$0x3F3A]  }
0x1a: {  	s8 =	sadd.s32 $0xFFFFE003, lr  }
0x1b: {  	s9 =	sadd.s32 $0xFFFFFEF7, lr;
	s5 =	simm.s32 $0xFFFFFFFF;
	p2 =	slt.u32 s8, $0xFFFFF086  }
0x1c: {  	p1 =	slt.u32 s9, $0xF7A;
	s5 =	simm.s32 @!p2 $0x0  }
0x1d: {  	s5 =	simm.s32 @p1 $0x1;
	p0 =	seq.s32 s7, s2  }
0x1e: {  	s7 =	smul.u32 @!p0 $0xF7A, s2;
	p2 =	seq.s32 @!p0 s5, $0x0  }
0x1f: {  	s9 =	smul.u32 $0xF7A, s1;
	s8 =	simm.s32 @!p0 $0x1BF5;
	p2 =	por !p2, p0  }
0x20: {  	[sflag:s8] =	ssyncset.s32 @!p0 $0xFFFFF086;
	s6 =	sadd.s32 @!p0 s3, s7;
	s7 =	simm.s32 @!p0 $0x108  }
0x21: {  	s3 =	sadd.s32 s3, s9;
	s6 =	sadd.s32 @!p0 $0x88, s6;
	s7 =	simm.s32 @p2 $0x1082  }
0x22: {  	[simem:s7], [sflag:s8] =	dma.local @!p0 [hbm:s6], $0xF7A  }
0x23: {  	s9 =	sor.u32 $0xD0000000, s2;
	s6 =	simm.s32 $0x108;
	_ =	swait.ge @!p0 [sflag:s8], $0x0  }
0x24: {  	s3 =	sadd.s32 $0x88, s3;
	s6 =	simm.s32 @!p1 $0x1082;
	[sflag:s4] =	ssyncset.s32 $0xFFFFF086  }
0x25: {  	[simem:s6], [sflag:s4] =	dma.local [hbm:s3], $0xF7A  }
0x26: {  	[smem:$0x3F3A] =	sst s1;
	(tag) =	ssettag s2;
	_ =	strace s9  }
0x27: {  	s1 =	sld [smem:$0x3F4A]  }
0x28: {  	s2 =	sld [smem:$0x3F4B]  }
0x29: {  	s4 =	sld [smem:$0x3F4D]  }
0x2a: {  	p0 =	seq.s32 s5, $0x0;
	s5 =	sld [smem:$0x3F4E]  }
0x2b: {  	s6 =	sld [smem:$0x3F4F]  }
0x2c: {  	s7 =	sld [smem:$0x3F50]  }
0x2d: {  	s3 =	simm.s32 $0x108;
	s8 =	sld [smem:$0x3F51]  }
0x2e: {  	s3 =	simm.s32 @!p0 $0x1082;
	s9 =	sld [smem:$0x3F52]  }
0x2f: {  	lr =	sadd.s32 s0, s3;
	s0 =	sld [smem:$0x3F49]  }
0x30: {  	s3 =	sld [smem:$0x3F4C]  }
0x31: {  	[smem:$0x3F55] =	sst s10  }
0x32: {  	s10 =	sld [smem:$0x3F53];
	_ =	sdelay $0x3  }
0x33: {  	p0 =	seq.s32 s10, $0x1;
	s10 =	sld [smem:$0x3F55];
	_ =	sdelay $0x3  }
0x34: {  	[smem:$0x3F55] =	sst s10  }
0x35: {  	s10 =	sld [smem:$0x3F54];
	_ =	sdelay $0x3  }
0x36: {  	p1 =	seq.s32 s10, $0x1;
	s10 =	sld [smem:$0x3F55];
	_ =	sdelay $0x3  }
0x37: {  	[smem:$0x3F55] =	sst s10  }
0x38: {  	s10 =	sld [smem:$0x3F56]  }
0x39: {  	_ = 	snop;
	(pc) =	sbr.ind lr, $3  }
0x3a: {  	_ = 	snop  }
0x3b: {  	_ = 	snop  }
0x3c: {  	p2 =	seq.s32 s10, $0x1;
	s10 =	sld [smem:$0x3F55]  }
0x3d: {  	_ =	shalt  }
0x3e: {  	_ =	shalt  }
0x3f: {  	_ =	shalt  }
0x40: {  	_ =	shalt  }
0x41: {  	_ =	shalt  }
0x42: {  	_ =	shalt  }
0x43: {  	_ =	shalt  }
0x44: {  	_ =	shalt  }
0x45: {  	_ =	shalt  }
0x46: {  	_ =	shalt  }
0x47: {  	_ =	shalt  }
0x48: {  	_ =	shalt  }
0x49: {  	_ =	shalt  }
0x4a: {  	_ =	shalt  }
0x4b: {  	_ =	shalt  }
0x4c: {  	_ =	shalt  }
0x4d: {  	_ =	shalt  }
0x4e: {  	_ =	shalt  }
0x4f: {  	_ =	shalt  }
0x50: {  	_ =	shalt  }
0x51: {  	_ =	shalt  }
0x52: {  	_ =	shalt  }
0x53: {  	_ =	shalt  }
0x54: {  	_ =	shalt  }
0x55: {  	_ =	shalt  }
0x56: {  	_ =	shalt  }
0x57: {  	_ =	shalt  }
0x58: {  	_ =	shalt  }
0x59: {  	_ =	shalt  }
0x5a: {  	_ =	shalt  }
0x5b: {  	_ =	shalt  }
0x5c: {  	_ =	shalt  }
0x5d: {  	_ =	shalt  }
0x5e: {  	_ =	shalt  }
0x5f: {  	_ =	shalt  }
0x60: {  	_ =	shalt  }
0x61: {  	_ =	shalt  }
0x62: {  	_ =	shalt  }
0x63: {  	_ =	shalt  }
0x64: {  	_ =	shalt  }
0x65: {  	_ =	shalt  }
0x66: {  	_ =	shalt  }
0x67: {  	_ =	shalt  }
0x68: {  	_ =	shalt  }
0x69: {  	_ =	shalt  }
0x6a: {  	_ =	shalt  }
0x6b: {  	_ =	shalt  }
0x6c: {  	_ =	shalt  }
0x6d: {  	_ =	shalt  }
0x6e: {  	_ =	shalt  }
0x6f: {  	_ =	shalt  }
0x70: {  	_ =	shalt  }
0x71: {  	_ =	shalt  }
0x72: {  	_ =	shalt  }
0x73: {  	_ =	shalt  }
0x74: {  	_ =	shalt  }
0x75: {  	_ =	shalt  }
0x76: {  	_ =	shalt  }
0x77: {  	_ =	shalt  }
0x78: {  	_ =	shalt  }
0x79: {  	_ =	shalt  }
0x7a: {  	_ =	shalt  }
0x7b: {  	_ =	shalt  }
0x7c: {  	_ =	shalt  }
0x7d: {  	_ =	shalt  }
0x7e: {  	_ =	shalt  }
0x7f: {  	_ =	shalt  }
0x80: {  	_ =	shalt  }
0x81: {  	_ =	shalt  }
0x82: {  	_ =	shalt  }
0x83: {  	_ =	shalt  }
0x84: {  	_ =	shalt  }
0x85: {  	_ =	shalt  }
0x86: {  	_ =	shalt  }
0x87: {  	_ =	shalt  }
.Lfunc_end0:
.L_simem_size_0:
called_computation_lowered:
.L_overlay_start_0:
0x88: {  	s2 =	sld [smem:$0x3FD9]  }
0x89: {  	s3 =	sld [smem:$0x3FFE];
	_ =	sdelay $0x1  }
0x8a: {  	s1 =	srdreg.scid  }
0x8b: {  	s0 =	sand.u32 $0x1, s1  }
0x8c: {  	s16 =	sshll.u32 s0, $0xA;
	s2 =	sadd.s32 s3, s2  }
0x8d: {  	s2 =	sadd.s32 s2, s16  }
0x8e: {  	[smem:$0x3F61] =	sst s2  }
0x8f: {  	_ = 	snop  }
0x90: {  	(tm) =	ssettm $0x1  }
0x91: {  	s17 =	sld [smem:$0x3FFB];
	_ =	sdelay $0x3  }
0x92: {  	_ =	strace s17  }
0x93: {  	s2 =	sld [smem:$0x3FFC];
	_ =	sdelay $0x3  }
0x94: {  	_ =	strace s2  }
0x95: {  	s2 =	sld [smem:$0x3FFD];
	_ =	sdelay $0x3  }
0x96: {  	_ =	strace s2  }
0x97: {  	_ =	strace $0x8FFFFFFF  }
0x98: {  	s18 =	sld [smem:$0x3FDB];
	_ =	sdelay $0x1  }
0x99: {  	s19 =	simm.s32 $_scs_section_size  }
0x9a: {  	s4 =	simm.s32 $_size__tile_overlayer_lowered;
	s5 =	simm.s32 $_tile_overlayer_lowered  }
0x9b: {  	s22 =	simm.s32 $0x1BFF;
	s21 =	sshll.u32 s5, $0x1;
	s2 =	sadd.s32 s19, s18  }
0x9c: {  	s6 =	simm.s32 $0x0;
	s20 =	sshll.u32 s4, $0x1;
	s4 =	sadd.s32 s21, s2  }
0x9d: {  	[timem:s6], [sflag:s22] =	dma.local [hbm:s4], s20  }
0x9e: {  	_ =	swait.ge [sflag:s22], s20  }
0x9f: {  	s3 =	ssub.s32 $0x0, s20;
	[sflag:s22] =	ssyncset.done $0x0  }
0xa0: {  	[sflag:s22] =	ssyncadd.s32 s3;
	_ =	sdelay $0x1  }
0xa1: {  	s23 =	simm.s32 $0x1B8B  }
0xa2: {  	_ =	swait.ge [sflag:s23], $0x1  }
0xa3: {  	[sflag:s23] =	ssyncset.done $0x0  }
0xa4: {  	s25 =	simm.s32 $0x1B8E;
	s24 =	sld [smem:$0x3FFE];
	[sflag:s23] =	ssyncadd.s32 $0xFFFFFFFF  }
0xa5: {  	s26 =	simm.s32 $execute0_lowered;
	[smem:$0x3FD2] =	sst s25  }
0xa6: {  	s4 =	sshll.u32 s26, $0x1;
	_ =	strace $0x80000046;
	[dreg:$0x1] =	wrdreg $0xFFFFFFFF  }
0xa7: {  	s28 =	simm.s32 $_size_execute0_lowered;
	s2 =	sadd.s32 s2, s4;
	[dreg:$0x0] =	wrdreg $0x0  }
0xa8: {  	s4 =	sshll.u32 s28, $0x1;
	[dreg:$0x2] =	wrdreg s2  }
0xa9: {  	[dreg:$0x3] =	wrdreg s4  }
0xaa: {  	[dreg:$0x4] =	wrdreg $0xC0  }
0xab: {  	_ =	task [dreg:s6], $0x5FFFF  }
0xac: {  	[dreg:$0x1] =	wrdreg $0xFFFFFFFF  }
0xad: {  	[dreg:$0x0] =	wrdreg $0x60  }
0xae: {  	[dreg:$0x2] =	wrdreg s24  }
0xaf: {  	[dreg:$0x3] =	wrdreg $0x9  }
0xb0: {  	_ =	task.clear_ibuf [dreg:s6], $0x4FFFF;
	_ =	strace $0x90000046  }
0xb1: {  	s29 =	simm.s32 $0x9;
	_ =	strace $0x80000048  }
0xb2: {  	_ =	swait.ge [sflag:s29], $0x1  }
0xb3: {  	[sflag:s29] =	ssyncadd.s32 $0xFFFFFFFF  }
0xb4: {  	_ =	strace $0x90000048  }
0xb5: {  	_ =	sfence  }
0xb6: {  	s30 =	sld [smem:$0x0];
	_ =	sdelay $0x2  }
0xb7: {  	s31 =	sshll.u32 s1, $0xD;
	s1 =	sshrl.u32 s1, $0x2  }
0xb8: {  	s3 =	sand.u32 $0x4000, s31;
	s1 =	sadd.s32 s1, s30  }
0xb9: {  	s0 =	sor.u32 s3, s0;
	s1 =	sshll.u32 s1, $0x11  }
0xba: {  	s0 =	sor.u32 s1, s0  }
0xbb: {  	s0 =	sadd.s32 $0x8F2B, s0  }
0xbc: {  	[sflag:s0] =	ssyncadd.remote.s32 $0x1  }
0xbd: {  	_ =	sfence.sel $0xFFFF  }
0xbe: {  	[dreg:$0x0] =	wrdreg $0xFFFFFFFF;
	(pc) =	sbr.abs _section_cstart, $3  }
0xbf: {  	[dreg:$0x1] =	wrdreg $0xFFFFFFFF  }
0xc0: {  	_ =	task.clear_ibuf [dreg:s6], $0x2FFFF;
	_ =	strace $0x9FFFFFFF  }
0xc1: {  	(tm) =	ssettm $0x7FFFFFFF  }
tec
execute0_lowered:
.L_overlay_start_1:
0x0: {  	(tag) =	ssettag $0x1  }
0x1: {  	v0 =	vimm.s32 $0xEFCDAB89;
	v1 =	vimm.s32 $0x67452301  }
0x2: {  	v2 =	vimm.s32 $0xDCFE98BA;
	v3 =	vimm.s32 $0x54761032;
	v4 =	vimm.s32 $0xBA98FEDC  }
0x3: {  	s0 =	srdreg.scid;
	v5 =	vimm.s32 $0x32107654;
	v6 =	vimm.s32 $0xFEDCBA98;
	v7 =	vimm.s32 $0x76543210  }
0x4: {  	v0 =	vunpack.c.l.s4.s8 v0;
	v1 =	vunpack.c.l.s4.s8 v1;
	v2 =	vunpack.c.l.s4.s8 v2;
	s3 =	sand.u32 $0x1, s0  }
0x5: {  	s4 =	rddreg [dreg:$0x0];
	s0 =	stileid.u32;
	v3 =	vunpack.c.l.s4.s8 v3;
	v4 =	vunpack.c.l.s4.s8 v4;
	v5 =	vunpack.c.l.s4.s8 v5;
	s1 =	sshll.u32 s3, $0x4  }
0x6: {  	s2 =	simm.s32 $0x0;
	s9 =	simm.s32 $0x1000;
	v6 =	vunpack.c.l.s4.s8 v6;
	v7 =	vunpack.c.l.s4.s8 v7;
	v0 =	vunpack.c.0.s8.s32 v0;
	s5 =	sor.u32 s0, s1  }
0x7: {  	s10 =	simm.s32 $0x0;
	[smem:$0x7FF] =	sst s2;
	v1 =	vunpack.c.0.s8.s32 v1;
	v2 =	vunpack.c.0.s8.s32 v2;
	v3 =	vunpack.c.0.s8.s32 v3;
	s6 =	smul.u32 $0xC00, s5  }
0x8: {  	s3 =	ssub.s32 $0x2, s3;
	s1 =	rddreg [dreg:$0x1];
	v4 =	vunpack.c.0.s8.s32 v4;
	v5 =	vunpack.c.0.s8.s32 v5;
	v6 =	vunpack.c.0.s8.s32 v6;
	s5 =	smul.u32 $0x30, s5  }
0x9: {  	_ =	strace $0x80000047;
	s31 =	sshrl.u32 s3, $0x1;
	v7 =	vunpack.c.0.s8.s32 v7;
	v0 =	vcombine.low v1, v0;
	s6 =	sshrl.u32 s6, $0x3  }
0xa: {  	s8 =	ssub.s32 s3, s31;
	v1 =	vcombine.low v3, v2;
	v2 =	vcombine.low v5, v4;
	v8 =	vand.u32 $0xF, v6;
	s7 =	sadd.s32 s5, s4;
	s6 =	sadd.s32 s6, s4  }
0xb: {  	v3 =	vlaneseq.u32;
	v7 =	vcombine.low v8, v7;
	s3 =	sadd.s32 $0x8EC00, s6;
	s4 =	sadd.s32 $0x8EC80, s6;
	s5 =	sadd.s32 $0x8ED00, s6  }
0xc: {  	v4 =	vand.u32 $0xF, v0;
	v5 =	vand.u32 $0xF, v1;
	v6 =	vand.u32 $0xF, v2;
	s6 =	sadd.s32 $0x91C00, s7;
	s7 =	smax.u32 s8, $0x1;
	s8 =	simm.s32 $0x1  }
.LBB2_1:
0xd: {  	[tilespmem:s2], [sflag:$0x1] =	stream.linear.gather [hbm4b:s3+s2], $0x400, $0x38;
	[tilespmem:$0x1180] =	vst v63  }
0xe: {  	_ =	swait.ge [sflag:s8], $0x400  }
0xf: {  	[sflag:s8] =	ssyncset.done $0x0  }
0x10: {  	s11 =	simm.s32 $0x400;
	[sflag:s8] =	ssyncadd.s32 $0xFFFFFC00  }
0x11: {  	[tilespmem:s11], [sflag:$0x1] =	stream.linear.gather [hbm4b:s4+s2], $0x400, $0x38;
	[tilespmem:$0x1180] =	vst v63  }
0x12: {  	_ =	swait.ge [sflag:s8], $0x400  }
0x13: {  	[sflag:s8] =	ssyncset.done $0x0  }
0x14: {  	s12 =	simm.s32 $0x800;
	[sflag:s8] =	ssyncadd.s32 $0xFFFFFC00  }
0x15: {  	[tilespmem:s12], [sflag:$0x1] =	stream.linear.gather [hbm4b:s5+s2], $0x400, $0x38;
	[tilespmem:$0x1180] =	vst v63  }
0x16: {  	_ =	swait.ge [sflag:s8], $0x400  }
0x17: {  	[sflag:s8] =	ssyncset.done $0x0  }
0x18: {  	[sflag:s8] =	ssyncadd.s32 $0xFFFFFC00  }
0x19: {  	v13 =	vld [tilespmem:s2+$0x0]  }
0x1a: {  	v10 =	vld [tilespmem:s11+$0x0]  }
0x1b: {  	v11 =	vld [tilespmem:s12+$0x0];
	_ =	sdelay $0x1  }
0x1c: {  	v8 =	vimm.f32 $-3.000000010e+38  }
0x1d: {  	s13 =	simm.s32 $0x10;
	v14 =	vmov s2;
	s14 =	simm.s32 $0x10;
	v12 =	vimm.f32 $-3.000000010e+38;
	v9 =	vimm.f32 $-3.000000010e+38  }
.LBB2_2:
0x1e: {  	v15 =	vld [tilespmem:s14+$0x0];
	vm0 =	veq.s32 v14, v3;
	s11 =	sadd.s32 $0x10, s11;
	s15 =	smov.u32 s13;
	p0 =	sne.s32 s13, $0x3F0  }
.Ltmp0:
0x1f: {  	s12 =	sadd.s32 $0x10, s12;
	v13 =	vnsel vm0, $0xFF61B1E6, v13;
	v14 =	vnsel vm0, $0xFF61B1E6, v10;
	v10 =	vld [tilespmem:s11+$0x0];
	v16 =	vnsel vm0, $0xFF61B1E6, v11;
	(pc) =	sbr.rel @p0 .LBB2_2-.Ltmp0, $2  }
0x20: {  	s13 =	sadd.s32 $0x10, s13;
	v11 =	vld [tilespmem:s12+$0x0];
	v8 =	vmax.f32 v8, v13;
	v12 =	vmax.f32 v12, v14;
	v9 =	vmax.f32 v9, v16;
	_ =	sdelay $0x2  }
0x21: {  	s14 =	sadd.s32 $0x10, s14;
	v14 =	vmov s15;
	v13 =	vmov v15  }
0x22: {  	vm0 =	veq.s32 v14, v3  }
0x23: {  	v13 =	vnsel vm0, $0xFF61B1E6, v13;
	v10 =	vnsel vm0, $0xFF61B1E6, v10  }
0x24: {  	v8 =	vmax.f32 v8, v13;
	v10 =	vmax.f32 v12, v10  }
0x25: {  	v11 =	vnsel vm0, $0xFF61B1E6, v11;
	v12 =	vperm.xlane v8, v4;
	v13 =	vperm.xlane v10, v4  }
0x26: {  	v9 =	vmax.f32 v9, v11  }
0x27: {  	v11 =	vperm.xlane v9, v4;
	v8 =	vmax.f32 v8, v12;
	v10 =	vmax.f32 v10, v13  }
0x28: {  	v12 =	vperm.xlane v8, v5;
	v13 =	vperm.xlane v10, v5  }
0x29: {  	v9 =	vmax.f32 v9, v11  }
0x2a: {  	s11 =	simm.s32 $0x0;
	v11 =	vperm.xlane v9, v5;
	v8 =	vmax.f32 v8, v12;
	v10 =	vmax.f32 v10, v13  }
0x2b: {  	v14 =	vld [tilespmem:s11+$0x0];
	v12 =	vperm.xlane v8, v6;
	v13 =	vperm.xlane v10, v6  }
0x2c: {  	v9 =	vmax.f32 v9, v11;
	v11 =	vld [tilespmem:s11+$0x400]  }
0x2d: {  	v8 =	vmax.f32 v8, v12;
	v10 =	vmax.f32 v10, v13;
	v12 =	vperm.xlane v9, v6  }
0x2e: {  	v16 =	vld [tilespmem:s11+$0x800];
	v13 =	vperm.xlane v8, v7;
	v15 =	vperm.xlane v10, v7  }
0x2f: {  	v12 =	vmax.f32 v9, v12  }
0x30: {  	s12 =	simm.s32 $0x10;
	v8 =	vmax.f32 v8, v13;
	v9 =	vmax.f32 v10, v15;
	v10 =	vperm.xlane v12, v7  }
0x31: {  	v13 =	vsub.f32 v14, v8;
	v14 =	vsub.f32 v11, v9;
	v11 =	vld [tilespmem:s12+$0x0]  }
0x32: {  	v10 =	vmax.f32 v12, v10;
	v12 =	vld [tilespmem:s12+$0x400]  }
0x33: {  	v15 =	vsub.f32 v16, v10;
	v16 =	vmul.f32 v13, v13;
	v14 =	vmul.f32 v14, v14  }
0x34: {  	v13 =	vld [tilespmem:s12+$0x800]  }
0x35: {  	s13 =	simm.s32 $0x80;
	v14 =	vadd.f32 v14, v16;
	v15 =	vmul.f32 v15, v15  }
.LBB2_4:
0x36: {  	s14 =	sshra.s32 s13, $0x2;
	v16 =	vsub.f32 v11, v8;
	p0 =	sne.s32 s13, $0xFC0  }
.Ltmp1:
0x37: {  	s13 =	sadd.s32 $0x40, s13;
	v11 =	vld [tilespmem:s14+$0x0];
	v17 =	vsub.f32 v12, v9;
	v14 =	vadd.f32 v15, v14;
	(pc) =	sbr.rel @p0 .LBB2_4-.Ltmp1, $4  }
0x38: {  	v12 =	vld [tilespmem:s14+$0x400]  }
0x39: {  	v16 =	vmul.f32 v16, v16;
	v15 =	vsub.f32 v13, v10;
	v17 =	vmul.f32 v17, v17;
	[tilespmem:s11+$0xC00] =	vst v14;
	s11 =	smov.u32 s12;
	s12 =	smov.u32 s14  }
0x3a: {  	v13 =	vld [tilespmem:s12+$0x800]  }
0x3b: {  	v14 =	vadd.f32 v17, v16;
	v15 =	vmul.f32 v15, v15  }
0x3c: {  	_ = 	snop  }
0x3d: {  	v8 =	vsub.f32 v11, v8;
	v9 =	vsub.f32 v12, v9;
	_ =	sdelay $0x1  }
0x3e: {  	v8 =	vmul.f32 v8, v8;
	v10 =	vsub.f32 v13, v10;
	v9 =	vmul.f32 v9, v9;
	_ =	sdelay $0x1  }
0x3f: {  	v8 =	vadd.f32 v9, v8;
	v62 =	vmul.f32 v10, v10  }
0x40: {  	v63 =	vadd.f32 v15, v14  }
0x41: {  	v8 =	vadd.f32 v62, v8  }
0x42: {  	[tilespmem:s11+$0xC00] =	vst v63  }
0x43: {  	[tilespmem:s12+$0xC00] =	vst v8  }
0x44: {  	v8 =	vld [tilespmem:$0x1000];
	_ =	sdelay $0x3  }
0x45: {  	vm0 =	veq.s32 v3, $0x0  }
0x46: {  	v8 =	vsel vm0, $0x0, v8  }
0x47: {  	s11 =	simm.s32 $0x1;
	[tilespmem:$0x1000] =	vst v8  }
.LBB2_6:
0x48: {  	s13 =	simm.s32 $0x0  }
0x49: {  	v8 =	vimm.f32 $-3.000000010e+38;
	s12 =	simm.s32 $0x40;
	v9 =	vld [tilespmem:s13+$0xC00]  }
.LBB2_7:
0x4a: {  	p0 =	sne.s32 s12, $0xFC0  }
.Ltmp2:
0x4b: {  	_ = 	snop;
	(pc) =	sbr.rel @p0 .LBB2_7-.Ltmp2, $3  }
0x4c: {  	_ =	sdelay $0x1  }
0x4d: {  	s13 =	sshra.s32 s12, $0x2;
	s12 =	sadd.s32 $0x40, s12;
	v8 =	vmax.f32 v8, v9  }
0x4e: {  	v9 =	vld [tilespmem:s13+$0xC00]  }
0x4f: {  	_ =	sdelay $0x3  }
0x50: {  	v8 =	vmax.f32 v8, v9  }
0x51: {  	v9 =	vperm.xlane v8, v0;
	_ =	sdelay $0x1  }
0x52: {  	v8 =	vmax.f32 v8, v9  }
0x53: {  	v9 =	vperm.xlane v8, v1;
	_ =	sdelay $0x1  }
0x54: {  	v8 =	vmax.f32 v8, v9  }
0x55: {  	s12 =	simm.s32 $0xC00;
	v9 =	vperm.xlane v8, v2  }
0x56: {  	v10 =	vld [tilespmem:s12+$0x0]  }
0x57: {  	v8 =	vmax.f32 v8, v9  }
0x58: {  	v9 =	vperm.xlane v8, v7;
	_ =	sdelay $0x1  }
0x59: {  	s13 =	simm.s32 $0x0;
	v9 =	vmax.f32 v8, v9  }
0x5a: {  	s12 =	simm.s32 $0x10;
	v8 =	vimm.s32 $0x400;
	vm0 =	veq.f32 v10, v9;
	v10 =	vor.u32 s13, v3;
	s13 =	simm.s32 $0xC10  }
.LBB2_9:
0x5b: {  	v11 =	vld [tilespmem:s13+$0x0];
	p0 =	sne.s32 s12, $0x3F0;
	v10 =	vnsel vm0, $0x400, v10;
	s14 =	smov.u32 s12;
	s12 =	sadd.s32 $0x10, s12  }
.Ltmp3:
0x5c: {  	vm0 =	vlt.s32 v8, v10;
	(pc) =	sbr.rel @p0 .LBB2_9-.Ltmp3, $2  }
0x5d: {  	v8 =	vsel vm0, v8, v10;
	_ =	sdelay $0x2  }
0x5e: {  	s13 =	sadd.s32 $0x10, s13;
	v10 =	vor.u32 s14, v3;
	vm0 =	veq.f32 v11, v9  }
0x5f: {  	v9 =	vnsel vm0, $0x400, v10  }
0x60: {  	vm0 =	vlt.s32 v8, v9  }
0x61: {  	v8 =	vsel vm0, v8, v9  }
0x62: {  	v9 =	vperm.xlane v8, v0;
	_ =	sdelay $0x1  }
0x63: {  	vm0 =	vlt.s32 v8, v9  }
0x64: {  	v8 =	vsel vm0, v8, v9  }
0x65: {  	v9 =	vperm.xlane v8, v1;
	_ =	sdelay $0x1  }
0x66: {  	vm0 =	vlt.s32 v8, v9  }
0x67: {  	v8 =	vsel vm0, v8, v9  }
0x68: {  	v9 =	vperm.xlane v8, v2;
	_ =	sdelay $0x1  }
0x69: {  	s12 =	sand.u32 $0x1F0, s11;
	vm0 =	vlt.s32 v8, v9  }
0x6a: {  	v8 =	vsel vm0, v8, v9;
	v9 =	vld [tilespmem:s12+$0x1000]  }
0x6b: {  	v10 =	vperm.xlane v8, v7  }
0x6c: {  	s13 =	sand.u32 $0xF, s11  }
0x6d: {  	v11 =	vmov s13;
	vm0 =	vlt.s32 v8, v10  }
0x6e: {  	vm15 =	veq.s32 v11, v3;
	v8 =	vsel vm0, v8, v10  }
0x6f: {  	v9 =	vsel vm15, v8, v9  }
0x70: {  	s15 =	simm.s32 $0x0;
	[tilespmem:s12+$0x1000] =	vst v9  }
0x71: {  	s12 =	simm.s32 $0x400;
	v14 =	vld [tilespmem:s15+$0x0]  }
0x72: {  	s13 =	simm.s32 $0x800;
	v11 =	vld [tilespmem:s12+$0x0]  }
0x73: {  	v12 =	vld [tilespmem:s13+$0x0];
	_ =	sdelay $0x1  }
0x74: {  	v13 =	vimm.f32 $-3.000000010e+38  }
0x75: {  	s14 =	simm.s32 $0x10;
	v15 =	vor.u32 s15, v3;
	v10 =	vimm.f32 $-3.000000010e+38;
	v9 =	vimm.f32 $-3.000000010e+38;
	s15 =	simm.s32 $0x10  }
.LBB2_11:
0x76: {  	v16 =	vld [tilespmem:s15+$0x0];
	vm0 =	veq.s32 v15, v8;
	s12 =	sadd.s32 $0x10, s12;
	s16 =	smov.u32 s14;
	p0 =	sne.s32 s14, $0x3F0  }
.Ltmp4:
0x77: {  	s13 =	sadd.s32 $0x10, s13;
	v14 =	vnsel vm0, $0xFF61B1E6, v14;
	v15 =	vnsel vm0, $0xFF61B1E6, v11;
	v11 =	vld [tilespmem:s12+$0x0];
	v17 =	vnsel vm0, $0xFF61B1E6, v12;
	(pc) =	sbr.rel @p0 .LBB2_11-.Ltmp4, $2  }
0x78: {  	s14 =	sadd.s32 $0x10, s14;
	v12 =	vld [tilespmem:s13+$0x0];
	v9 =	vmax.f32 v9, v14;
	v13 =	vmax.f32 v13, v15;
	v10 =	vmax.f32 v10, v17;
	_ =	sdelay $0x2  }
0x79: {  	s15 =	sadd.s32 $0x10, s15;
	v15 =	vor.u32 s16, v3;
	v14 =	vmov v16  }
0x7a: {  	vm0 =	veq.s32 v15, v8  }
0x7b: {  	v8 =	vnsel vm0, $0xFF61B1E6, v14;
	v11 =	vnsel vm0, $0xFF61B1E6, v11  }
0x7c: {  	v8 =	vmax.f32 v9, v8;
	v9 =	vmax.f32 v13, v11  }
0x7d: {  	v11 =	vnsel vm0, $0xFF61B1E6, v12;
	v12 =	vperm.xlane v8, v4;
	v13 =	vperm.xlane v9, v4  }
0x7e: {  	v10 =	vmax.f32 v10, v11  }
0x7f: {  	v11 =	vperm.xlane v10, v4;
	v8 =	vmax.f32 v8, v12;
	v9 =	vmax.f32 v9, v13  }
0x80: {  	v12 =	vperm.xlane v8, v5;
	v13 =	vperm.xlane v9, v5  }
0x81: {  	v10 =	vmax.f32 v10, v11  }
0x82: {  	s12 =	simm.s32 $0x0;
	v11 =	vperm.xlane v10, v5;
	v8 =	vmax.f32 v8, v12;
	v9 =	vmax.f32 v9, v13  }
0x83: {  	v14 =	vld [tilespmem:s12+$0x0];
	v12 =	vperm.xlane v8, v6;
	v13 =	vperm.xlane v9, v6  }
0x84: {  	v10 =	vmax.f32 v10, v11;
	v11 =	vld [tilespmem:s12+$0x400]  }
0x85: {  	v8 =	vmax.f32 v8, v12;
	v9 =	vmax.f32 v9, v13;
	v12 =	vperm.xlane v10, v6  }
0x86: {  	v16 =	vld [tilespmem:s12+$0x800];
	v13 =	vperm.xlane v8, v7;
	v15 =	vperm.xlane v9, v7  }
0x87: {  	v10 =	vmax.f32 v10, v12  }
0x88: {  	v8 =	vmax.f32 v8, v13;
	v9 =	vmax.f32 v9, v15;
	v12 =	vperm.xlane v10, v7  }
0x89: {  	v13 =	vsub.f32 v14, v8;
	v11 =	vsub.f32 v11, v9  }
0x8a: {  	v10 =	vmax.f32 v10, v12  }
0x8b: {  	s13 =	simm.s32 $0x10;
	v12 =	vsub.f32 v16, v10;
	v13 =	vmul.f32 v13, v13;
	v11 =	vmul.f32 v11, v11  }
0x8c: {  	v15 =	vld [tilespmem:s13+$0x400]  }
0x8d: {  	v14 =	vld [tilespmem:s13+$0x0];
	v11 =	vadd.f32 v11, v13;
	v12 =	vmul.f32 v12, v12  }
0x8e: {  	v16 =	vld [tilespmem:s12+$0xC00]  }
0x8f: {  	v17 =	vadd.f32 v12, v11;
	v12 =	vld [tilespmem:s13+$0x800];
	_ =	sdelay $0x2  }
0x90: {  	s14 =	simm.s32 $0x20;
	v13 =	vsub.f32 v14, v8;
	v14 =	vsub.f32 v15, v9  }
0x91: {  	s15 =	simm.s32 $0xC0;
	v11 =	vld [tilespmem:s14+$0x0];
	v15 =	vmin.f32 v16, v17  }
.LBB2_13:
0x92: {  	p0 =	sne.s32 s15, $0xFC0;
	v16 =	vld [tilespmem:s14+$0x400];
	v17 =	vsub.f32 v12, v10;
	v13 =	vmul.f32 v13, v13;
	v14 =	vmul.f32 v14, v14;
	[tilespmem:s12+$0xC00] =	vst v15;
	s12 =	smov.u32 s13;
	s13 =	smov.u32 s14  }
0x93: {  	v15 =	vld [tilespmem:s12+$0xC00]  }
.Ltmp5:
0x94: {  	v12 =	vld [tilespmem:s13+$0x800];
	v13 =	vadd.f32 v14, v13;
	v14 =	vmul.f32 v17, v17;
	(pc) =	sbr.rel @p0 .LBB2_13-.Ltmp5, $4  }
0x95: {  	_ = 	snop  }
0x96: {  	v17 =	vadd.f32 v14, v13  }
0x97: {  	s14 =	sshra.s32 s15, $0x2;
	v13 =	vsub.f32 v11, v8;
	v14 =	vsub.f32 v16, v9  }
0x98: {  	s15 =	sadd.s32 $0x40, s15;
	v11 =	vld [tilespmem:s14+$0x0];
	v15 =	vmin.f32 v15, v17  }
0x99: {  	v16 =	vld [tilespmem:s14+$0x400];
	v12 =	vsub.f32 v12, v10;
	v13 =	vmul.f32 v13, v13;
	v14 =	vmul.f32 v14, v14;
	[tilespmem:s12+$0xC00] =	vst v15  }
0x9a: {  	v15 =	vld [tilespmem:s13+$0xC00]  }
0x9b: {  	v17 =	vld [tilespmem:s14+$0x800];
	v13 =	vadd.f32 v14, v13;
	v12 =	vmul.f32 v12, v12;
	_ =	sdelay $0x1  }
0x9c: {  	v12 =	vadd.f32 v12, v13  }
0x9d: {  	v8 =	vsub.f32 v11, v8;
	v9 =	vsub.f32 v16, v9  }
0x9e: {  	v61 =	vmin.f32 v15, v12  }
0x9f: {  	v62 =	vsub.f32 v17, v10;
	v8 =	vmul.f32 v8, v8;
	v9 =	vmul.f32 v9, v9;
	[tilespmem:s13+$0xC00] =	vst v61  }
0xa0: {  	s11 =	sadd.s32 $0x1, s11;
	v11 =	vld [tilespmem:s14+$0xC00]  }
0xa1: {  	p0 =	sne.s32 s11, $0x180;
	v63 =	vmul.f32 v62, v62;
	v8 =	vadd.f32 v9, v8  }
.Ltmp6:
0xa2: {  	_ = 	snop;
	(pc) =	sbr.rel @p0 .LBB2_6-.Ltmp6, $3  }
0xa3: {  	v8 =	vadd.f32 v63, v8;
	_ =	sdelay $0x1  }
0xa4: {  	v8 =	vmin.f32 v11, v8  }
0xa5: {  	[tilespmem:s14+$0xC00] =	vst v8  }
0xa6: {  	s10 =	sadd.s32 $0x1, s10  }
0xa7: {  	p0 =	sne.s32 s10, s7  }
.Ltmp7:
0xa8: {  	_ = 	snop;
	(pc) =	sbr.rel @p0 .LBB2_1-.Ltmp7, $4  }
0xa9: {  	[hbm4b:s6+s2] =	stream.linear.scatter [tilespmem:s9], [sflag:$0x1], $0x180, $0x38;
	[tilespmem:$0x1180] =	vst v63  }
0xaa: {  	_ =	swait.ge [sflag:s8], $0x180  }
0xab: {  	[sflag:s8] =	ssyncset.done $0x0  }
0xac: {  	[sflag:s8] =	ssyncadd.s32 $0xFFFFFE80  }
0xad: {  	_ =	sfence.sel $0x180000  }
0xae: {  	[bflag:$0x0] =	sbarrier.arrive $0xFFFF  }
0xaf: {  	p0 =	sne.s32 s0, $0x0;
	_ =	strace $0x90000047  }
0xb0: {  	s0 =	sadd.s32 @!p0 $0x100000, s1;
	[bflag:$0x2] =	sbarrier.arrive $0xFFFF  }
0xb1: {  	[sflag:s0] =	ssyncadd.tile.s32 @!p0 $0x1;
	_ =	shalt  }
.Lfunc_end2:
_tile_overlayer_lowered:
.L_overlay_start_2:
0xb2: {  	(tag) =	ssettag $0x2  }
0xb3: {  	s0 =	rddreg [dreg:$0x0];
	s2 =	stileid.u32  }
0xb4: {  	s1 =	rddreg [dreg:$0x1];
	p0 =	sne.s32 s2, $0x0  }
0xb5: {  	s3 =	rddreg [dreg:$0x2];
	[bflag:$0x3] =	sbarrier.arrive $0xFFFF;
	s2 =	simm.s32 @!p0 $0x1C01  }
0xb6: {  	[timem:s3], [sflag:s2] =	dma.local @!p0 [hbm:s0], s1  }
0xb7: {  	s0 =	simm.s32 @!p0 $0x1  }
0xb8: {  	_ =	swait.ge @!p0 [sflag:s0], s1  }
0xb9: {  	s1 =	ssub.s32 @!p0 $0x0, s1;
	[sflag:s0] =	ssyncset.done @!p0 $0x0  }
0xba: {  	[sflag:s0] =	ssyncadd.s32 @!p0 s1  }
0xbb: {  	[bflag:$0x3] =	sbarrier.arrive $0xFFFF  }
0xbc: {  	_ =	shalt  }

</sc_bundles>
